<compile_context>
chip_gen: v7x
topology: tpu7x:2x2x1
jax: 0.10.2.dev20260603
libtpu: 0.0.44.dev20260713+nightly
codegen_flags: <defaults>
</compile_context>

<pallas_src>
import functools

import jax
import jax.numpy as jnp
from jax import lax
from jax.experimental import pallas as pl
from jax.experimental.pallas import tpu as pltpu
from jax.experimental.pallas import tpu_sc as plsc

N = 320000
D = 128
NUM_SEGMENTS = 10000
L = 16
NW = 32
SPW = 320
S_TAIL = NUM_SEGMENTS - (NW - 1) * SPW
CH = 256
WB = 128
WR = WB * L
NB = N // L
DG = D // L


def _worker_id():
    return lax.axis_index("c") * 16 + lax.axis_index("s")


def _pool_min_kernel(feats_hbm, batch_hbm, out_hbm, acc,
                     fbuf0, fbuf1, bbuf0, bbuf1, sbuf0, sbuf1,
                     sem0, sem1, ssem0, ssem1):
    wid = _worker_id()
    s0 = wid * SPW

    inf16 = jnp.full((L,), jnp.inf, jnp.float32)

    def init_body(r, _):
        for j in range(DG):
            acc[r, pl.ds(j * L, L)] = inf16
        return 0

    lax.fori_loop(0, SPW, init_body, 0)

    def lower_bound2(t0, t1):
        def fetch(mid0, mid1):
            d0 = pltpu.async_copy(
                batch_hbm.at[pl.ds(mid0 * L, L)], sbuf0.at[pl.ds(0, L)],
                ssem0)
            d1 = pltpu.async_copy(
                batch_hbm.at[pl.ds(mid1 * L, L)], sbuf1.at[pl.ds(0, L)],
                ssem1)
            d0.wait()
            d1.wait()

        def upd(lo, hi, mid, sbuf, t):
            cnt = jnp.sum((sbuf[pl.ds(0, L)] < t).astype(jnp.int32))
            found = cnt < L
            lo2 = jnp.where(found, lo, mid + 1)
            hi2 = jnp.where(found, mid, hi)
            return jnp.minimum(lo2, NB - 1), hi2

        def step(_, st):
            lo0, hi0, lo1, hi1 = st
            mid0 = (lo0 + hi0) // 2
            mid1 = (lo1 + hi1) // 2
            fetch(mid0, mid1)
            lo0, hi0 = upd(lo0, hi0, mid0, sbuf0, t0)
            lo1, hi1 = upd(lo1, hi1, mid1, sbuf1, t1)
            return (lo0, hi0, lo1, hi1)

        z = jnp.int32(0)
        e = jnp.int32(NB - 1)
        lo0, _, lo1, _ = lax.fori_loop(0, 15, step, (z, e, z, e))
        fetch(lo0, lo1)
        cnt0 = jnp.sum((sbuf0[pl.ds(0, L)] < t0).astype(jnp.int32))
        cnt1 = jnp.sum((sbuf1[pl.ds(0, L)] < t1).astype(jnp.int32))
        return lo0 * L + cnt0, lo1 * L + cnt1

    def window_count(sbuf, t):
        acc_v = jnp.zeros((L,), jnp.int32)
        for kb in range(WB):
            acc_v = acc_v + (sbuf[pl.ds(kb * L, L)] < t).astype(jnp.int32)
        return jnp.sum(acc_v)

    def window_start(t):
        g = t * (N // NUM_SEGMENTS) // L - WB // 2
        return jnp.clip(g, 0, NB - WB)

    ws0 = window_start(s0)
    ws1 = window_start(s0 + SPW)
    d0 = pltpu.async_copy(batch_hbm.at[pl.ds(ws0 * L, WR)], sbuf0, ssem0)
    d1 = pltpu.async_copy(batch_hbm.at[pl.ds(ws1 * L, WR)], sbuf1, ssem1)
    d0.wait()
    d1.wait()
    c0 = window_count(sbuf0, s0)
    c1 = window_count(sbuf1, s0 + SPW)
    ok0 = ((c0 > 0) & (c0 < WR)) | ((c0 == 0) & (ws0 == 0)) | \
        ((c0 == WR) & (ws0 == NB - WB))
    ok1 = ((c1 > 0) & (c1 < WR)) | ((c1 == 0) & (ws1 == 0)) | \
        ((c1 == WR) & (ws1 == NB - WB))

    r0, r1 = lax.cond(ok0 & ok1,
                      lambda: (ws0 * L + c0, ws1 * L + c1),
                      lambda: lower_bound2(s0, s0 + SPW))
    c_lo = r0 // CH
    c_hi = (r1 + CH - 1) // CH

    fbufs = (fbuf0, fbuf1)
    bbufs = (bbuf0, bbuf1)
    sems = (sem0, sem1)

    def start(c, b):
        pltpu.async_copy(feats_hbm.at[pl.ds(c * CH, CH), :], fbufs[b], sems[b])
        pltpu.async_copy(batch_hbm.at[pl.ds(c * CH, CH)], bbufs[b], sems[b])

    def wait(c, b):
        pltpu.make_async_copy(
            feats_hbm.at[pl.ds(c * CH, CH), :], fbufs[b], sems[b]).wait()
        pltpu.make_async_copy(
            batch_hbm.at[pl.ds(c * CH, CH)], bbufs[b], sems[b]).wait()

    lanes = lax.iota(jnp.int32, L)

    def process(c, b, accs_prev):
        i_lo = jnp.maximum(r0 - c * CH, 0)
        i_hi = jnp.minimum(r1 - c * CH, CH)
        fb = fbufs[b]
        bb = bbufs[b]

        def block_body(kb, rc):
            blo = jnp.maximum(i_lo - kb * L, 0)
            bhi = jnp.minimum(i_hi - kb * L, L)
            blk = bb[pl.ds(kb * L, L)]

            def run_body(pc):
                pos, prev, accs = pc
                seg = jnp.max(jnp.where(lanes == pos, blk, -1)) - s0
                m = (blk != seg + s0) & (lanes >= pos)
                nxt = jnp.minimum(jnp.min(jnp.where(m, lanes, L)), bhi)
                changed = seg != prev

                @pl.when(changed)
                def _():
                    for j in range(DG):
                        acc[prev, pl.ds(j * L, L)] = accs[j]

                base = tuple(jnp.where(changed, inf16, accs[j])
                             for j in range(DG))

                def row_fn(r, a):
                    return tuple(
                        jnp.minimum(a[j], fb[kb * L + r, pl.ds(j * L, L)])
                        for j in range(DG))

                new = lax.fori_loop(pos, nxt, row_fn, base)
                return (nxt, seg, new)

            accs0_, prev0 = rc
            _, prev, accs = lax.while_loop(
                lambda pc: pc[0] < bhi, run_body, (blo, prev0, accs0_))
            return (accs, prev)

        kb_lo = i_lo // L
        kb_hi = (i_hi + L - 1) // L
        return lax.fori_loop(kb_lo, kb_hi, block_body, accs_prev)

    @pl.when(c_lo < c_hi)
    def _():
        start(c_lo, 0)

    def pair_body(p, accs_prev):
        for b in (0, 1):
            c = c_lo + 2 * p + b

            @pl.when(c + 1 < c_hi)
            def _():
                start(c + 1, 1 - b)

            def do(ap, c=c, b=b):
                wait(c, b)
                return process(c, b, ap)

            accs_prev = lax.cond(c < c_hi, do, lambda ap: ap, accs_prev)
        return accs_prev

    accs0 = tuple(inf16 for _ in range(DG))
    npairs = (c_hi - c_lo + 1) // 2
    accs, prev = lax.fori_loop(0, npairs, pair_body, (accs0, jnp.int32(0)))

    for j in range(DG):
        acc[prev, pl.ds(j * L, L)] = accs[j]

    @pl.when(wid < NW - 1)
    def _():
        pltpu.sync_copy(acc, out_hbm.at[pl.ds(s0, SPW), :])

    @pl.when(wid == NW - 1)
    def _():
        pltpu.sync_copy(acc.at[pl.ds(0, S_TAIL), :],
                        out_hbm.at[pl.ds(s0, S_TAIL), :])


def _build(mesh=None, interpret=False):
    if mesh is None:
        mesh = plsc.VectorSubcoreMesh(core_axis_name="c",
                                      subcore_axis_name="s",
                                      num_cores=2, num_subcores=16)
    return functools.partial(
        pl.kernel,
        out_type=jax.ShapeDtypeStruct((NUM_SEGMENTS, D), jnp.float32),
        mesh=mesh,
        compiler_params=pltpu.CompilerParams(needs_layout_passes=False),
        scratch_types=[
            pltpu.VMEM((SPW, D), jnp.float32),
            pltpu.VMEM((CH, D), jnp.float32),
            pltpu.VMEM((CH, D), jnp.float32),
            pltpu.VMEM((CH,), jnp.int32),
            pltpu.VMEM((CH,), jnp.int32),
            pltpu.VMEM((WR,), jnp.int32),
            pltpu.VMEM((WR,), jnp.int32),
            pltpu.SemaphoreType.DMA,
            pltpu.SemaphoreType.DMA,
            pltpu.SemaphoreType.DMA,
            pltpu.SemaphoreType.DMA,
        ],
        interpret=interpret,
    )(_pool_min_kernel)


@jax.jit
def kernel(feats, batch):
    return _build()(feats, batch)

# --- scband reference (transcript-rebuilt; emitter-appended) ---
"""Pipeline reference for scband-pool-min-71665824301164 (READ-ONLY COPY).

The authoritative reference and input builder live on the scoring server;
editing this copy changes nothing except your own understanding.
"""

import jax, jax.numpy as jnp
import numpy as np

N = 320000
D = 128
NUM_SEGMENTS = 10000

def setup_inputs(seed: int = 0) -> dict:
    key = jax.random.key(seed)
    k1, k2 = jax.random.split(key)
    feats = jax.random.normal(k1, (N, D), dtype=jnp.float32)
    batch = jnp.sort(jax.random.randint(k2, (N,), 0, NUM_SEGMENTS, dtype=jnp.int32))
    return {"feats": feats, "batch": batch}

def reference(feats, batch):
    # PoolMin.forward: maxed_nodes, _ = scatter_min(feats, batch, dim=0)
    # scatter_min over dim 0 with segment ids == segment-wise minimum.
    out = jax.ops.segment_min(feats, batch, num_segments=NUM_SEGMENTS, indices_are_sorted=True)
    return out

if __name__ == "__main__":
    import jax
    _d = setup_inputs()
    print(jax.jit(kernel)(*tuple(_d.values())))

</pallas_src>

<mosaic_0001>
#map = affine_map<(d0, d1) -> (0, 0)>
#map1 = affine_map<(d0, d1) -> (0)>
module attributes {stable_mosaic.version = 14 : i64} {
  func.func @_pool_min_kernel(%arg0: i32, %arg1: i32, %arg2: memref<320000x128xf32, #tpu.memory_space<hbm>>, %arg3: memref<320000xi32, #tpu.memory_space<hbm>>, %arg4: memref<10000x128xf32, #tpu.memory_space<hbm>>, %arg5: memref<320x128xf32, #tpu.memory_space<vmem>>, %arg6: memref<256x128xf32, #tpu.memory_space<vmem>>, %arg7: memref<256x128xf32, #tpu.memory_space<vmem>>, %arg8: memref<256xi32, #tpu.memory_space<vmem>>, %arg9: memref<256xi32, #tpu.memory_space<vmem>>, %arg10: memref<2048xi32, #tpu.memory_space<vmem>>, %arg11: memref<2048xi32, #tpu.memory_space<vmem>>, %arg12: memref<!tpu.dma_semaphore, #tpu.memory_space<semaphore_mem>>, %arg13: memref<!tpu.dma_semaphore, #tpu.memory_space<semaphore_mem>>, %arg14: memref<!tpu.dma_semaphore, #tpu.memory_space<semaphore_mem>>, %arg15: memref<!tpu.dma_semaphore, #tpu.memory_space<semaphore_mem>>) attributes {dimension_semantics = [#tpu.dimension_semantics<core_parallel>, #tpu.dimension_semantics<subcore_parallel>], iteration_bounds = array<i64: 2, 16>, scalar_prefetch = 0 : i64, scratch_operands = 11 : i64, tpu.core_type = #tpu.core_type<sc_vector_subcore>, window_params = [{transform_indices = #map}, {transform_indices = #map1}, {transform_indices = #map}]} {
    %mul3A = arith.constant 16 : i32
    %mul3A_0 = arith.muli %arg0, %mul3A : i32
    %add3A = arith.addi %mul3A_0, %arg1 : i32
    %mul3A_1 = arith.constant 320 : i32
    %mul3A_2 = arith.muli %add3A, %mul3A_1 : i32
    %broadcast_in_dim3A = arith.constant 0x7F800000 : f32
    %broadcast_in_dim3A_3 = vector.broadcast %broadcast_in_dim3A : f32 to vector<16xf32>
    %scan3A = arith.constant 0 : i32
    %scan3A_4 = arith.constant 0 : i32
    %scan3A_5 = arith.constant 320 : i32
    %scan3A_6 = arith.addi %scan3A_4, %scan3A_5 : i32
    %scan3A_7 = arith.constant 1 : i32
    %scan3A_8 = scf.for %scan3A_1784 = %scan3A_4 to %scan3A_6 step %scan3A_7 iter_args(%scan3A_1785 = %scan3A) -> (i32)  : i32 {
      %swap3A_1786 = arith.index_cast %scan3A_1784 : i32 to index
      %swap3A_1787 = arith.constant 0 : index
      %swap3A_1788 = tpu.vector_load %arg5[%swap3A_1786, %swap3A_1787] {strides = array<i32>} : memref<320x128xf32, #tpu.memory_space<vmem>>, vector<16xf32>,
      tpu.vector_store %arg5[%swap3A_1786, %swap3A_1787], %broadcast_in_dim3A_3 {strides = array<i32>} : memref<320x128xf32, #tpu.memory_space<vmem>>, vector<16xf32>,
      %swap3A_1789 = arith.index_cast %scan3A_1784 : i32 to index
      %swap3A_1790 = arith.constant 16 : index
      %swap3A_1791 = tpu.vector_load %arg5[%swap3A_1789, %swap3A_1790] {strides = array<i32>} : memref<320x128xf32, #tpu.memory_space<vmem>>, vector<16xf32>,
      tpu.vector_store %arg5[%swap3A_1789, %swap3A_1790], %broadcast_in_dim3A_3 {strides = array<i32>} : memref<320x128xf32, #tpu.memory_space<vmem>>, vector<16xf32>,
      %swap3A_1792 = arith.index_cast %scan3A_1784 : i32 to index
      %swap3A_1793 = arith.constant 32 : index
      %swap3A_1794 = tpu.vector_load %arg5[%swap3A_1792, %swap3A_1793] {strides = array<i32>} : memref<320x128xf32, #tpu.memory_space<vmem>>, vector<16xf32>,
      tpu.vector_store %arg5[%swap3A_1792, %swap3A_1793], %broadcast_in_dim3A_3 {strides = array<i32>} : memref<320x128xf32, #tpu.memory_space<vmem>>, vector<16xf32>,
      %swap3A_1795 = arith.index_cast %scan3A_1784 : i32 to index
      %swap3A_1796 = arith.constant 48 : index
      %swap3A_1797 = tpu.vector_load %arg5[%swap3A_1795, %swap3A_1796] {strides = array<i32>} : memref<320x128xf32, #tpu.memory_space<vmem>>, vector<16xf32>,
      tpu.vector_store %arg5[%swap3A_1795, %swap3A_1796], %broadcast_in_dim3A_3 {strides = array<i32>} : memref<320x128xf32, #tpu.memory_space<vmem>>, vector<16xf32>,
      %swap3A_1798 = arith.index_cast %scan3A_1784 : i32 to index
      %swap3A_1799 = arith.constant 64 : index
      %swap3A_1800 = tpu.vector_load %arg5[%swap3A_1798, %swap3A_1799] {strides = array<i32>} : memref<320x128xf32, #tpu.memory_space<vmem>>, vector<16xf32>,
      tpu.vector_store %arg5[%swap3A_1798, %swap3A_1799], %broadcast_in_dim3A_3 {strides = array<i32>} : memref<320x128xf32, #tpu.memory_space<vmem>>, vector<16xf32>,
      %swap3A_1801 = arith.index_cast %scan3A_1784 : i32 to index
      %swap3A_1802 = arith.constant 80 : index
      %swap3A_1803 = tpu.vector_load %arg5[%swap3A_1801, %swap3A_1802] {strides = array<i32>} : memref<320x128xf32, #tpu.memory_space<vmem>>, vector<16xf32>,
      tpu.vector_store %arg5[%swap3A_1801, %swap3A_1802], %broadcast_in_dim3A_3 {strides = array<i32>} : memref<320x128xf32, #tpu.memory_space<vmem>>, vector<16xf32>,
      %swap3A_1804 = arith.index_cast %scan3A_1784 : i32 to index
      %swap3A_1805 = arith.constant 96 : index
      %swap3A_1806 = tpu.vector_load %arg5[%swap3A_1804, %swap3A_1805] {strides = array<i32>} : memref<320x128xf32, #tpu.memory_space<vmem>>, vector<16xf32>,
      tpu.vector_store %arg5[%swap3A_1804, %swap3A_1805], %broadcast_in_dim3A_3 {strides = array<i32>} : memref<320x128xf32, #tpu.memory_space<vmem>>, vector<16xf32>,
      %swap3A_1807 = arith.index_cast %scan3A_1784 : i32 to index
      %swap3A_1808 = arith.constant 112 : index
      %swap3A_1809 = tpu.vector_load %arg5[%swap3A_1807, %swap3A_1808] {strides = array<i32>} : memref<320x128xf32, #tpu.memory_space<vmem>>, vector<16xf32>,
      tpu.vector_store %arg5[%swap3A_1807, %swap3A_1808], %broadcast_in_dim3A_3 {strides = array<i32>} : memref<320x128xf32, #tpu.memory_space<vmem>>, vector<16xf32>,
      %scan3A_1810 = arith.constant 0 : i32
      scf.yield %scan3A_1810 : i32
    }
    %scan3A_9 = arith.constant 320 : i32
    %mul3A_10 = arith.constant 32 : i32
    %mul3A_11 = arith.muli %mul3A_2, %mul3A_10 : i32
    %jit3A = arith.constant 16 : i32
    %div3A = arith.divsi %mul3A_11, %jit3A : i32
    %sign3A = arith.constant 0 : i32
    %sign3A_12 = arith.cmpi sgt, %mul3A_11, %sign3A : i32
    %sign3A_13 = arith.extui %sign3A_12 : i1 to i32
    %sign3A_14 = arith.constant 0 : i32
    %sign3A_15 = arith.cmpi slt, %mul3A_11, %sign3A_14 : i32
    %sign3A_16 = arith.extui %sign3A_15 : i1 to i32
    %sign3A_17 = arith.subi %sign3A_13, %sign3A_16 : i32
    %sign3A_18 = arith.constant 0 : i32
    %sign3A_19 = arith.cmpi sgt, %jit3A, %sign3A_18 : i32
    %sign3A_20 = arith.extui %sign3A_19 : i1 to i32
    %sign3A_21 = arith.constant 0 : i32
    %sign3A_22 = arith.cmpi slt, %jit3A, %sign3A_21 : i32
    %sign3A_23 = arith.extui %sign3A_22 : i1 to i32
    %sign3A_24 = arith.subi %sign3A_20, %sign3A_23 : i32
    %ne3A = arith.cmpi ne, %sign3A_17, %sign3A_24 : i32
    %rem3A = arith.remsi %mul3A_11, %jit3A : i32
    %ne3A_25 = arith.constant 0 : i32
    %ne3A_26 = arith.cmpi ne, %rem3A, %ne3A_25 : i32
    %and3A = arith.andi %ne3A, %ne3A_26 : i1
    %sub3A = arith.constant 1 : i32
    %sub3A_27 = arith.subi %div3A, %sub3A : i32
    %select_n3A = arith.select %and3A, %sub3A_27, %div3A : i32
    %sub3A_28 = arith.constant 64 : i32
    %sub3A_29 = arith.subi %select_n3A, %sub3A_28 : i32
    %jit3A_30 = arith.constant 0 : i32
    %jit3A_31 = arith.constant 19872 : i32
    %max3A = arith.maxsi %jit3A_30, %sub3A_29 : i32
    %min3A = arith.minsi %jit3A_31, %max3A : i32
    %add3A_32 = arith.constant 320 : i32
    %add3A_33 = arith.addi %mul3A_2, %add3A_32 : i32
    %mul3A_34 = arith.constant 32 : i32
    %mul3A_35 = arith.muli %add3A_33, %mul3A_34 : i32
    %jit3A_36 = arith.constant 16 : i32
    %div3A_37 = arith.divsi %mul3A_35, %jit3A_36 : i32
    %sign3A_38 = arith.constant 0 : i32
    %sign3A_39 = arith.cmpi sgt, %mul3A_35, %sign3A_38 : i32
    %sign3A_40 = arith.extui %sign3A_39 : i1 to i32
    %sign3A_41 = arith.constant 0 : i32
    %sign3A_42 = arith.cmpi slt, %mul3A_35, %sign3A_41 : i32
    %sign3A_43 = arith.extui %sign3A_42 : i1 to i32
    %sign3A_44 = arith.subi %sign3A_40, %sign3A_43 : i32
    %sign3A_45 = arith.constant 0 : i32
    %sign3A_46 = arith.cmpi sgt, %jit3A_36, %sign3A_45 : i32
    %sign3A_47 = arith.extui %sign3A_46 : i1 to i32
    %sign3A_48 = arith.constant 0 : i32
    %sign3A_49 = arith.cmpi slt, %jit3A_36, %sign3A_48 : i32
    %sign3A_50 = arith.extui %sign3A_49 : i1 to i32
    %sign3A_51 = arith.subi %sign3A_47, %sign3A_50 : i32
    %ne3A_52 = arith.cmpi ne, %sign3A_44, %sign3A_51 : i32
    %rem3A_53 = arith.remsi %mul3A_35, %jit3A_36 : i32
    %ne3A_54 = arith.constant 0 : i32
    %ne3A_55 = arith.cmpi ne, %rem3A_53, %ne3A_54 : i32
    %and3A_56 = arith.andi %ne3A_52, %ne3A_55 : i1
    %sub3A_57 = arith.constant 1 : i32
    %sub3A_58 = arith.subi %div3A_37, %sub3A_57 : i32
    %select_n3A_59 = arith.select %and3A_56, %sub3A_58, %div3A_37 : i32
    %sub3A_60 = arith.constant 64 : i32
    %sub3A_61 = arith.subi %select_n3A_59, %sub3A_60 : i32
    %jit3A_62 = arith.constant 0 : i32
    %jit3A_63 = arith.constant 19872 : i32
    %max3A_64 = arith.maxsi %jit3A_62, %sub3A_61 : i32
    %min3A_65 = arith.minsi %jit3A_63, %max3A_64 : i32
    %mul3A_66 = arith.constant 16 : i32
    %mul3A_67 = arith.muli %min3A, %mul3A_66 : i32
    %dma_start3A = tpu.memref_slice %arg3[%mul3A_67] : memref<320000xi32, #tpu.memory_space<hbm>> -> memref<2048xi32, #tpu.memory_space<hbm>>
    %dma_start3A_68 = tpu.memref_slice %arg3[%mul3A_67] : memref<320000xi32, #tpu.memory_space<hbm>> -> memref<2048xi32, #tpu.memory_space<hbm>>
    tpu.enqueue_dma source(%dma_start3A_68 : memref<2048xi32, #tpu.memory_space<hbm>>) target(%arg10 : memref<2048xi32, #tpu.memory_space<vmem>>) target_semaphore(%arg14 : memref<!tpu.dma_semaphore, #tpu.memory_space<semaphore_mem>>)
    %mul3A_69 = arith.constant 16 : i32
    %mul3A_70 = arith.muli %min3A_65, %mul3A_69 : i32
    %dma_start3A_71 = tpu.memref_slice %arg3[%mul3A_70] : memref<320000xi32, #tpu.memory_space<hbm>> -> memref<2048xi32, #tpu.memory_space<hbm>>
    %dma_start3A_72 = tpu.memref_slice %arg3[%mul3A_70] : memref<320000xi32, #tpu.memory_space<hbm>> -> memref<2048xi32, #tpu.memory_space<hbm>>
    tpu.enqueue_dma source(%dma_start3A_72 : memref<2048xi32, #tpu.memory_space<hbm>>) target(%arg11 : memref<2048xi32, #tpu.memory_space<vmem>>) target_semaphore(%arg15 : memref<!tpu.dma_semaphore, #tpu.memory_space<semaphore_mem>>)
    %dma_wait3A = tpu.memref_slice %arg3[%mul3A_67] : memref<320000xi32, #tpu.memory_space<hbm>> -> memref<2048xi32, #tpu.memory_space<hbm>>
    %dma_wait3A_73 = tpu.memref_slice %arg3[%mul3A_67] : memref<320000xi32, #tpu.memory_space<hbm>> -> memref<2048xi32, #tpu.memory_space<hbm>>
    tpu.wait_dma2 semaphore(%arg14 : memref<!tpu.dma_semaphore, #tpu.memory_space<semaphore_mem>>) src(%dma_wait3A_73 : memref<2048xi32, #tpu.memory_space<hbm>>) dst(%arg10 : memref<2048xi32, #tpu.memory_space<vmem>>)
    %dma_wait3A_74 = tpu.memref_slice %arg3[%mul3A_70] : memref<320000xi32, #tpu.memory_space<hbm>> -> memref<2048xi32, #tpu.memory_space<hbm>>
    %dma_wait3A_75 = tpu.memref_slice %arg3[%mul3A_70] : memref<320000xi32, #tpu.memory_space<hbm>> -> memref<2048xi32, #tpu.memory_space<hbm>>
    tpu.wait_dma2 semaphore(%arg15 : memref<!tpu.dma_semaphore, #tpu.memory_space<semaphore_mem>>) src(%dma_wait3A_75 : memref<2048xi32, #tpu.memory_space<hbm>>) dst(%arg11 : memref<2048xi32, #tpu.memory_space<vmem>>)
    %broadcast_in_dim3A_76 = arith.constant 0 : i32
    %broadcast_in_dim3A_77 = vector.broadcast %broadcast_in_dim3A_76 : i32 to vector<16xi32>
    %get3A = arith.constant 0 : index
    %get3A_78 = tpu.vector_load %arg10[%get3A] {strides = array<i32>} : memref<2048xi32, #tpu.memory_space<vmem>>, vector<16xi32>,
    %lt3A = vector.broadcast %mul3A_2 : i32 to vector<16xi32>
    %lt3A_79 = arith.cmpi slt, %get3A_78, %lt3A : vector<16xi32>
    %convert_element_type3A = arith.extui %lt3A_79 : vector<16xi1> to vector<16xi32>
    %add3A_80 = arith.addi %broadcast_in_dim3A_77, %convert_element_type3A : vector<16xi32>
    %get3A_81 = arith.constant 16 : index
    %get3A_82 = tpu.vector_load %arg10[%get3A_81] {strides = array<i32>} : memref<2048xi32, #tpu.memory_space<vmem>>, vector<16xi32>,
    %lt3A_83 = vector.broadcast %mul3A_2 : i32 to vector<16xi32>
    %lt3A_84 = arith.cmpi slt, %get3A_82, %lt3A_83 : vector<16xi32>
    %convert_element_type3A_85 = arith.extui %lt3A_84 : vector<16xi1> to vector<16xi32>
    %add3A_86 = arith.addi %add3A_80, %convert_element_type3A_85 : vector<16xi32>
    %get3A_87 = arith.constant 32 : index
    %get3A_88 = tpu.vector_load %arg10[%get3A_87] {strides = array<i32>} : memref<2048xi32, #tpu.memory_space<vmem>>, vector<16xi32>,
    %lt3A_89 = vector.broadcast %mul3A_2 : i32 to vector<16xi32>
    %lt3A_90 = arith.cmpi slt, %get3A_88, %lt3A_89 : vector<16xi32>
    %convert_element_type3A_91 = arith.extui %lt3A_90 : vector<16xi1> to vector<16xi32>
    %add3A_92 = arith.addi %add3A_86, %convert_element_type3A_91 : vector<16xi32>
    %get3A_93 = arith.constant 48 : index
    %get3A_94 = tpu.vector_load %arg10[%get3A_93] {strides = array<i32>} : memref<2048xi32, #tpu.memory_space<vmem>>, vector<16xi32>,
    %lt3A_95 = vector.broadcast %mul3A_2 : i32 to vector<16xi32>
    %lt3A_96 = arith.cmpi slt, %get3A_94, %lt3A_95 : vector<16xi32>
    %convert_element_type3A_97 = arith.extui %lt3A_96 : vector<16xi1> to vector<16xi32>
    %add3A_98 = arith.addi %add3A_92, %convert_element_type3A_97 : vector<16xi32>
    %get3A_99 = arith.constant 64 : index
    %get3A_100 = tpu.vector_load %arg10[%get3A_99] {strides = array<i32>} : memref<2048xi32, #tpu.memory_space<vmem>>, vector<16xi32>,
    %lt3A_101 = vector.broadcast %mul3A_2 : i32 to vector<16xi32>
    %lt3A_102 = arith.cmpi slt, %get3A_100, %lt3A_101 : vector<16xi32>
    %convert_element_type3A_103 = arith.extui %lt3A_102 : vector<16xi1> to vector<16xi32>
    %add3A_104 = arith.addi %add3A_98, %convert_element_type3A_103 : vector<16xi32>
    %get3A_105 = arith.constant 80 : index
    %get3A_106 = tpu.vector_load %arg10[%get3A_105] {strides = array<i32>} : memref<2048xi32, #tpu.memory_space<vmem>>, vector<16xi32>,
    %lt3A_107 = vector.broadcast %mul3A_2 : i32 to vector<16xi32>
    %lt3A_108 = arith.cmpi slt, %get3A_106, %lt3A_107 : vector<16xi32>
    %convert_element_type3A_109 = arith.extui %lt3A_108 : vector<16xi1> to vector<16xi32>
    %add3A_110 = arith.addi %add3A_104, %convert_element_type3A_109 : vector<16xi32>
    %get3A_111 = arith.constant 96 : index
    %get3A_112 = tpu.vector_load %arg10[%get3A_111] {strides = array<i32>} : memref<2048xi32, #tpu.memory_space<vmem>>, vector<16xi32>,
    %lt3A_113 = vector.broadcast %mul3A_2 : i32 to vector<16xi32>
    %lt3A_114 = arith.cmpi slt, %get3A_112, %lt3A_113 : vector<16xi32>
    %convert_element_type3A_115 = arith.extui %lt3A_114 : vector<16xi1> to vector<16xi32>
    %add3A_116 = arith.addi %add3A_110, %convert_element_type3A_115 : vector<16xi32>
    %get3A_117 = arith.constant 112 : index
    %get3A_118 = tpu.vector_load %arg10[%get3A_117] {strides = array<i32>} : memref<2048xi32, #tpu.memory_space<vmem>>, vector<16xi32>,
    %lt3A_119 = vector.broadcast %mul3A_2 : i32 to vector<16xi32>
    %lt3A_120 = arith.cmpi slt, %get3A_118, %lt3A_119 : vector<16xi32>
    %convert_element_type3A_121 = arith.extui %lt3A_120 : vector<16xi1> to vector<16xi32>
    %add3A_122 = arith.addi %add3A_116, %convert_element_type3A_121 : vector<16xi32>
    %get3A_123 = arith.constant 128 : index
    %get3A_124 = tpu.vector_load %arg10[%get3A_123] {strides = array<i32>} : memref<2048xi32, #tpu.memory_space<vmem>>, vector<16xi32>,
    %lt3A_125 = vector.broadcast %mul3A_2 : i32 to vector<16xi32>
    %lt3A_126 = arith.cmpi slt, %get3A_124, %lt3A_125 : vector<16xi32>
    %convert_element_type3A_127 = arith.extui %lt3A_126 : vector<16xi1> to vector<16xi32>
    %add3A_128 = arith.addi %add3A_122, %convert_element_type3A_127 : vector<16xi32>
    %get3A_129 = arith.constant 144 : index
    %get3A_130 = tpu.vector_load %arg10[%get3A_129] {strides = array<i32>} : memref<2048xi32, #tpu.memory_space<vmem>>, vector<16xi32>,
    %lt3A_131 = vector.broadcast %mul3A_2 : i32 to vector<16xi32>
    %lt3A_132 = arith.cmpi slt, %get3A_130, %lt3A_131 : vector<16xi32>
    %convert_element_type3A_133 = arith.extui %lt3A_132 : vector<16xi1> to vector<16xi32>
    %add3A_134 = arith.addi %add3A_128, %convert_element_type3A_133 : vector<16xi32>
    %get3A_135 = arith.constant 160 : index
    %get3A_136 = tpu.vector_load %arg10[%get3A_135] {strides = array<i32>} : memref<2048xi32, #tpu.memory_space<vmem>>, vector<16xi32>,
    %lt3A_137 = vector.broadcast %mul3A_2 : i32 to vector<16xi32>
    %lt3A_138 = arith.cmpi slt, %get3A_136, %lt3A_137 : vector<16xi32>
    %convert_element_type3A_139 = arith.extui %lt3A_138 : vector<16xi1> to vector<16xi32>
    %add3A_140 = arith.addi %add3A_134, %convert_element_type3A_139 : vector<16xi32>
    %get3A_141 = arith.constant 176 : index
    %get3A_142 = tpu.vector_load %arg10[%get3A_141] {strides = array<i32>} : memref<2048xi32, #tpu.memory_space<vmem>>, vector<16xi32>,
    %lt3A_143 = vector.broadcast %mul3A_2 : i32 to vector<16xi32>
    %lt3A_144 = arith.cmpi slt, %get3A_142, %lt3A_143 : vector<16xi32>
    %convert_element_type3A_145 = arith.extui %lt3A_144 : vector<16xi1> to vector<16xi32>
    %add3A_146 = arith.addi %add3A_140, %convert_element_type3A_145 : vector<16xi32>
    %get3A_147 = arith.constant 192 : index
    %get3A_148 = tpu.vector_load %arg10[%get3A_147] {strides = array<i32>} : memref<2048xi32, #tpu.memory_space<vmem>>, vector<16xi32>,
    %lt3A_149 = vector.broadcast %mul3A_2 : i32 to vector<16xi32>
    %lt3A_150 = arith.cmpi slt, %get3A_148, %lt3A_149 : vector<16xi32>
    %convert_element_type3A_151 = arith.extui %lt3A_150 : vector<16xi1> to vector<16xi32>
    %add3A_152 = arith.addi %add3A_146, %convert_element_type3A_151 : vector<16xi32>
    %get3A_153 = arith.constant 208 : index
    %get3A_154 = tpu.vector_load %arg10[%get3A_153] {strides = array<i32>} : memref<2048xi32, #tpu.memory_space<vmem>>, vector<16xi32>,
    %lt3A_155 = vector.broadcast %mul3A_2 : i32 to vector<16xi32>
    %lt3A_156 = arith.cmpi slt, %get3A_154, %lt3A_155 : vector<16xi32>
    %convert_element_type3A_157 = arith.extui %lt3A_156 : vector<16xi1> to vector<16xi32>
    %add3A_158 = arith.addi %add3A_152, %convert_element_type3A_157 : vector<16xi32>
    %get3A_159 = arith.constant 224 : index
    %get3A_160 = tpu.vector_load %arg10[%get3A_159] {strides = array<i32>} : memref<2048xi32, #tpu.memory_space<vmem>>, vector<16xi32>,
    %lt3A_161 = vector.broadcast %mul3A_2 : i32 to vector<16xi32>
    %lt3A_162 = arith.cmpi slt, %get3A_160, %lt3A_161 : vector<16xi32>
    %convert_element_type3A_163 = arith.extui %lt3A_162 : vector<16xi1> to vector<16xi32>
    %add3A_164 = arith.addi %add3A_158, %convert_element_type3A_163 : vector<16xi32>
    %get3A_165 = arith.constant 240 : index
    %get3A_166 = tpu.vector_load %arg10[%get3A_165] {strides = array<i32>} : memref<2048xi32, #tpu.memory_space<vmem>>, vector<16xi32>,
    %lt3A_167 = vector.broadcast %mul3A_2 : i32 to vector<16xi32>
    %lt3A_168 = arith.cmpi slt, %get3A_166, %lt3A_167 : vector<16xi32>
    %convert_element_type3A_169 = arith.extui %lt3A_168 : vector<16xi1> to vector<16xi32>
    %add3A_170 = arith.addi %add3A_164, %convert_element_type3A_169 : vector<16xi32>
    %get3A_171 = arith.constant 256 : index
    %get3A_172 = tpu.vector_load %arg10[%get3A_171] {strides = array<i32>} : memref<2048xi32, #tpu.memory_space<vmem>>, vector<16xi32>,
    %lt3A_173 = vector.broadcast %mul3A_2 : i32 to vector<16xi32>
    %lt3A_174 = arith.cmpi slt, %get3A_172, %lt3A_173 : vector<16xi32>
    %convert_element_type3A_175 = arith.extui %lt3A_174 : vector<16xi1> to vector<16xi32>
    %add3A_176 = arith.addi %add3A_170, %convert_element_type3A_175 : vector<16xi32>
    %get3A_177 = arith.constant 272 : index
    %get3A_178 = tpu.vector_load %arg10[%get3A_177] {strides = array<i32>} : memref<2048xi32, #tpu.memory_space<vmem>>, vector<16xi32>,
    %lt3A_179 = vector.broadcast %mul3A_2 : i32 to vector<16xi32>
    %lt3A_180 = arith.cmpi slt, %get3A_178, %lt3A_179 : vector<16xi32>
    %convert_element_type3A_181 = arith.extui %lt3A_180 : vector<16xi1> to vector<16xi32>
    %add3A_182 = arith.addi %add3A_176, %convert_element_type3A_181 : vector<16xi32>
    %get3A_183 = arith.constant 288 : index
    %get3A_184 = tpu.vector_load %arg10[%get3A_183] {strides = array<i32>} : memref<2048xi32, #tpu.memory_space<vmem>>, vector<16xi32>,
    %lt3A_185 = vector.broadcast %mul3A_2 : i32 to vector<16xi32>
    %lt3A_186 = arith.cmpi slt, %get3A_184, %lt3A_185 : vector<16xi32>
    %convert_element_type3A_187 = arith.extui %lt3A_186 : vector<16xi1> to vector<16xi32>
    %add3A_188 = arith.addi %add3A_182, %convert_element_type3A_187 : vector<16xi32>
    %get3A_189 = arith.constant 304 : index
    %get3A_190 = tpu.vector_load %arg10[%get3A_189] {strides = array<i32>} : memref<2048xi32, #tpu.memory_space<vmem>>, vector<16xi32>,
    %lt3A_191 = vector.broadcast %mul3A_2 : i32 to vector<16xi32>
    %lt3A_192 = arith.cmpi slt, %get3A_190, %lt3A_191 : vector<16xi32>
    %convert_element_type3A_193 = arith.extui %lt3A_192 : vector<16xi1> to vector<16xi32>
    %add3A_194 = arith.addi %add3A_188, %convert_element_type3A_193 : vector<16xi32>
    %get3A_195 = arith.constant 320 : index
    %get3A_196 = tpu.vector_load %arg10[%get3A_195] {strides = array<i32>} : memref<2048xi32, #tpu.memory_space<vmem>>, vector<16xi32>,
    %lt3A_197 = vector.broadcast %mul3A_2 : i32 to vector<16xi32>
    %lt3A_198 = arith.cmpi slt, %get3A_196, %lt3A_197 : vector<16xi32>
    %convert_element_type3A_199 = arith.extui %lt3A_198 : vector<16xi1> to vector<16xi32>
    %add3A_200 = arith.addi %add3A_194, %convert_element_type3A_199 : vector<16xi32>
    %get3A_201 = arith.constant 336 : index
    %get3A_202 = tpu.vector_load %arg10[%get3A_201] {strides = array<i32>} : memref<2048xi32, #tpu.memory_space<vmem>>, vector<16xi32>,
    %lt3A_203 = vector.broadcast %mul3A_2 : i32 to vector<16xi32>
    %lt3A_204 = arith.cmpi slt, %get3A_202, %lt3A_203 : vector<16xi32>
    %convert_element_type3A_205 = arith.extui %lt3A_204 : vector<16xi1> to vector<16xi32>
    %add3A_206 = arith.addi %add3A_200, %convert_element_type3A_205 : vector<16xi32>
    %get3A_207 = arith.constant 352 : index
    %get3A_208 = tpu.vector_load %arg10[%get3A_207] {strides = array<i32>} : memref<2048xi32, #tpu.memory_space<vmem>>, vector<16xi32>,
    %lt3A_209 = vector.broadcast %mul3A_2 : i32 to vector<16xi32>
    %lt3A_210 = arith.cmpi slt, %get3A_208, %lt3A_209 : vector<16xi32>
    %convert_element_type3A_211 = arith.extui %lt3A_210 : vector<16xi1> to vector<16xi32>
    %add3A_212 = arith.addi %add3A_206, %convert_element_type3A_211 : vector<16xi32>
    %get3A_213 = arith.constant 368 : index
    %get3A_214 = tpu.vector_load %arg10[%get3A_213] {strides = array<i32>} : memref<2048xi32, #tpu.memory_space<vmem>>, vector<16xi32>,
    %lt3A_215 = vector.broadcast %mul3A_2 : i32 to vector<16xi32>
    %lt3A_216 = arith.cmpi slt, %get3A_214, %lt3A_215 : vector<16xi32>
    %convert_element_type3A_217 = arith.extui %lt3A_216 : vector<16xi1> to vector<16xi32>
    %add3A_218 = arith.addi %add3A_212, %convert_element_type3A_217 : vector<16xi32>
    %get3A_219 = arith.constant 384 : index
    %get3A_220 = tpu.vector_load %arg10[%get3A_219] {strides = array<i32>} : memref<2048xi32, #tpu.memory_space<vmem>>, vector<16xi32>,
    %lt3A_221 = vector.broadcast %mul3A_2 : i32 to vector<16xi32>
    %lt3A_222 = arith.cmpi slt, %get3A_220, %lt3A_221 : vector<16xi32>
    %convert_element_type3A_223 = arith.extui %lt3A_222 : vector<16xi1> to vector<16xi32>
    %add3A_224 = arith.addi %add3A_218, %convert_element_type3A_223 : vector<16xi32>
    %get3A_225 = arith.constant 400 : index
    %get3A_226 = tpu.vector_load %arg10[%get3A_225] {strides = array<i32>} : memref<2048xi32, #tpu.memory_space<vmem>>, vector<16xi32>,
    %lt3A_227 = vector.broadcast %mul3A_2 : i32 to vector<16xi32>
    %lt3A_228 = arith.cmpi slt, %get3A_226, %lt3A_227 : vector<16xi32>
    %convert_element_type3A_229 = arith.extui %lt3A_228 : vector<16xi1> to vector<16xi32>
    %add3A_230 = arith.addi %add3A_224, %convert_element_type3A_229 : vector<16xi32>
    %get3A_231 = arith.constant 416 : index
    %get3A_232 = tpu.vector_load %arg10[%get3A_231] {strides = array<i32>} : memref<2048xi32, #tpu.memory_space<vmem>>, vector<16xi32>,
    %lt3A_233 = vector.broadcast %mul3A_2 : i32 to vector<16xi32>
    %lt3A_234 = arith.cmpi slt, %get3A_232, %lt3A_233 : vector<16xi32>
    %convert_element_type3A_235 = arith.extui %lt3A_234 : vector<16xi1> to vector<16xi32>
    %add3A_236 = arith.addi %add3A_230, %convert_element_type3A_235 : vector<16xi32>
    %get3A_237 = arith.constant 432 : index
    %get3A_238 = tpu.vector_load %arg10[%get3A_237] {strides = array<i32>} : memref<2048xi32, #tpu.memory_space<vmem>>, vector<16xi32>,
    %lt3A_239 = vector.broadcast %mul3A_2 : i32 to vector<16xi32>
    %lt3A_240 = arith.cmpi slt, %get3A_238, %lt3A_239 : vector<16xi32>
    %convert_element_type3A_241 = arith.extui %lt3A_240 : vector<16xi1> to vector<16xi32>
    %add3A_242 = arith.addi %add3A_236, %convert_element_type3A_241 : vector<16xi32>
    %get3A_243 = arith.constant 448 : index
    %get3A_244 = tpu.vector_load %arg10[%get3A_243] {strides = array<i32>} : memref<2048xi32, #tpu.memory_space<vmem>>, vector<16xi32>,
    %lt3A_245 = vector.broadcast %mul3A_2 : i32 to vector<16xi32>
    %lt3A_246 = arith.cmpi slt, %get3A_244, %lt3A_245 : vector<16xi32>
    %convert_element_type3A_247 = arith.extui %lt3A_246 : vector<16xi1> to vector<16xi32>
    %add3A_248 = arith.addi %add3A_242, %convert_element_type3A_247 : vector<16xi32>
    %get3A_249 = arith.constant 464 : index
    %get3A_250 = tpu.vector_load %arg10[%get3A_249] {strides = array<i32>} : memref<2048xi32, #tpu.memory_space<vmem>>, vector<16xi32>,
    %lt3A_251 = vector.broadcast %mul3A_2 : i32 to vector<16xi32>
    %lt3A_252 = arith.cmpi slt, %get3A_250, %lt3A_251 : vector<16xi32>
    %convert_element_type3A_253 = arith.extui %lt3A_252 : vector<16xi1> to vector<16xi32>
    %add3A_254 = arith.addi %add3A_248, %convert_element_type3A_253 : vector<16xi32>
    %get3A_255 = arith.constant 480 : index
    %get3A_256 = tpu.vector_load %arg10[%get3A_255] {strides = array<i32>} : memref<2048xi32, #tpu.memory_space<vmem>>, vector<16xi32>,
    %lt3A_257 = vector.broadcast %mul3A_2 : i32 to vector<16xi32>
    %lt3A_258 = arith.cmpi slt, %get3A_256, %lt3A_257 : vector<16xi32>
    %convert_element_type3A_259 = arith.extui %lt3A_258 : vector<16xi1> to vector<16xi32>
    %add3A_260 = arith.addi %add3A_254, %convert_element_type3A_259 : vector<16xi32>
    %get3A_261 = arith.constant 496 : index
    %get3A_262 = tpu.vector_load %arg10[%get3A_261] {strides = array<i32>} : memref<2048xi32, #tpu.memory_space<vmem>>, vector<16xi32>,
    %lt3A_263 = vector.broadcast %mul3A_2 : i32 to vector<16xi32>
    %lt3A_264 = arith.cmpi slt, %get3A_262, %lt3A_263 : vector<16xi32>
    %convert_element_type3A_265 = arith.extui %lt3A_264 : vector<16xi1> to vector<16xi32>
    %add3A_266 = arith.addi %add3A_260, %convert_element_type3A_265 : vector<16xi32>
    %get3A_267 = arith.constant 512 : index
    %get3A_268 = tpu.vector_load %arg10[%get3A_267] {strides = array<i32>} : memref<2048xi32, #tpu.memory_space<vmem>>, vector<16xi32>,
    %lt3A_269 = vector.broadcast %mul3A_2 : i32 to vector<16xi32>
    %lt3A_270 = arith.cmpi slt, %get3A_268, %lt3A_269 : vector<16xi32>
    %convert_element_type3A_271 = arith.extui %lt3A_270 : vector<16xi1> to vector<16xi32>
    %add3A_272 = arith.addi %add3A_266, %convert_element_type3A_271 : vector<16xi32>
    %get3A_273 = arith.constant 528 : index
    %get3A_274 = tpu.vector_load %arg10[%get3A_273] {strides = array<i32>} : memref<2048xi32, #tpu.memory_space<vmem>>, vector<16xi32>,
    %lt3A_275 = vector.broadcast %mul3A_2 : i32 to vector<16xi32>
    %lt3A_276 = arith.cmpi slt, %get3A_274, %lt3A_275 : vector<16xi32>
    %convert_element_type3A_277 = arith.extui %lt3A_276 : vector<16xi1> to vector<16xi32>
    %add3A_278 = arith.addi %add3A_272, %convert_element_type3A_277 : vector<16xi32>
    %get3A_279 = arith.constant 544 : index
    %get3A_280 = tpu.vector_load %arg10[%get3A_279] {strides = array<i32>} : memref<2048xi32, #tpu.memory_space<vmem>>, vector<16xi32>,
    %lt3A_281 = vector.broadcast %mul3A_2 : i32 to vector<16xi32>
    %lt3A_282 = arith.cmpi slt, %get3A_280, %lt3A_281 : vector<16xi32>
    %convert_element_type3A_283 = arith.extui %lt3A_282 : vector<16xi1> to vector<16xi32>
    %add3A_284 = arith.addi %add3A_278, %convert_element_type3A_283 : vector<16xi32>
    %get3A_285 = arith.constant 560 : index
    %get3A_286 = tpu.vector_load %arg10[%get3A_285] {strides = array<i32>} : memref<2048xi32, #tpu.memory_space<vmem>>, vector<16xi32>,
    %lt3A_287 = vector.broadcast %mul3A_2 : i32 to vector<16xi32>
    %lt3A_288 = arith.cmpi slt, %get3A_286, %lt3A_287 : vector<16xi32>
    %convert_element_type3A_289 = arith.extui %lt3A_288 : vector<16xi1> to vector<16xi32>
    %add3A_290 = arith.addi %add3A_284, %convert_element_type3A_289 : vector<16xi32>
    %get3A_291 = arith.constant 576 : index
    %get3A_292 = tpu.vector_load %arg10[%get3A_291] {strides = array<i32>} : memref<2048xi32, #tpu.memory_space<vmem>>, vector<16xi32>,
    %lt3A_293 = vector.broadcast %mul3A_2 : i32 to vector<16xi32>
    %lt3A_294 = arith.cmpi slt, %get3A_292, %lt3A_293 : vector<16xi32>
    %convert_element_type3A_295 = arith.extui %lt3A_294 : vector<16xi1> to vector<16xi32>
    %add3A_296 = arith.addi %add3A_290, %convert_element_type3A_295 : vector<16xi32>
    %get3A_297 = arith.constant 592 : index
    %get3A_298 = tpu.vector_load %arg10[%get3A_297] {strides = array<i32>} : memref<2048xi32, #tpu.memory_space<vmem>>, vector<16xi32>,
    %lt3A_299 = vector.broadcast %mul3A_2 : i32 to vector<16xi32>
    %lt3A_300 = arith.cmpi slt, %get3A_298, %lt3A_299 : vector<16xi32>
    %convert_element_type3A_301 = arith.extui %lt3A_300 : vector<16xi1> to vector<16xi32>
    %add3A_302 = arith.addi %add3A_296, %convert_element_type3A_301 : vector<16xi32>
    %get3A_303 = arith.constant 608 : index
    %get3A_304 = tpu.vector_load %arg10[%get3A_303] {strides = array<i32>} : memref<2048xi32, #tpu.memory_space<vmem>>, vector<16xi32>,
    %lt3A_305 = vector.broadcast %mul3A_2 : i32 to vector<16xi32>
    %lt3A_306 = arith.cmpi slt, %get3A_304, %lt3A_305 : vector<16xi32>
    %convert_element_type3A_307 = arith.extui %lt3A_306 : vector<16xi1> to vector<16xi32>
    %add3A_308 = arith.addi %add3A_302, %convert_element_type3A_307 : vector<16xi32>
    %get3A_309 = arith.constant 624 : index
    %get3A_310 = tpu.vector_load %arg10[%get3A_309] {strides = array<i32>} : memref<2048xi32, #tpu.memory_space<vmem>>, vector<16xi32>,
    %lt3A_311 = vector.broadcast %mul3A_2 : i32 to vector<16xi32>
    %lt3A_312 = arith.cmpi slt, %get3A_310, %lt3A_311 : vector<16xi32>
    %convert_element_type3A_313 = arith.extui %lt3A_312 : vector<16xi1> to vector<16xi32>
    %add3A_314 = arith.addi %add3A_308, %convert_element_type3A_313 : vector<16xi32>
    %get3A_315 = arith.constant 640 : index
    %get3A_316 = tpu.vector_load %arg10[%get3A_315] {strides = array<i32>} : memref<2048xi32, #tpu.memory_space<vmem>>, vector<16xi32>,
    %lt3A_317 = vector.broadcast %mul3A_2 : i32 to vector<16xi32>
    %lt3A_318 = arith.cmpi slt, %get3A_316, %lt3A_317 : vector<16xi32>
    %convert_element_type3A_319 = arith.extui %lt3A_318 : vector<16xi1> to vector<16xi32>
    %add3A_320 = arith.addi %add3A_314, %convert_element_type3A_319 : vector<16xi32>
    %get3A_321 = arith.constant 656 : index
    %get3A_322 = tpu.vector_load %arg10[%get3A_321] {strides = array<i32>} : memref<2048xi32, #tpu.memory_space<vmem>>, vector<16xi32>,
    %lt3A_323 = vector.broadcast %mul3A_2 : i32 to vector<16xi32>
    %lt3A_324 = arith.cmpi slt, %get3A_322, %lt3A_323 : vector<16xi32>
    %convert_element_type3A_325 = arith.extui %lt3A_324 : vector<16xi1> to vector<16xi32>
    %add3A_326 = arith.addi %add3A_320, %convert_element_type3A_325 : vector<16xi32>
    %get3A_327 = arith.constant 672 : index
    %get3A_328 = tpu.vector_load %arg10[%get3A_327] {strides = array<i32>} : memref<2048xi32, #tpu.memory_space<vmem>>, vector<16xi32>,
    %lt3A_329 = vector.broadcast %mul3A_2 : i32 to vector<16xi32>
    %lt3A_330 = arith.cmpi slt, %get3A_328, %lt3A_329 : vector<16xi32>
    %convert_element_type3A_331 = arith.extui %lt3A_330 : vector<16xi1> to vector<16xi32>
    %add3A_332 = arith.addi %add3A_326, %convert_element_type3A_331 : vector<16xi32>
    %get3A_333 = arith.constant 688 : index
    %get3A_334 = tpu.vector_load %arg10[%get3A_333] {strides = array<i32>} : memref<2048xi32, #tpu.memory_space<vmem>>, vector<16xi32>,
    %lt3A_335 = vector.broadcast %mul3A_2 : i32 to vector<16xi32>
    %lt3A_336 = arith.cmpi slt, %get3A_334, %lt3A_335 : vector<16xi32>
    %convert_element_type3A_337 = arith.extui %lt3A_336 : vector<16xi1> to vector<16xi32>
    %add3A_338 = arith.addi %add3A_332, %convert_element_type3A_337 : vector<16xi32>
    %get3A_339 = arith.constant 704 : index
    %get3A_340 = tpu.vector_load %arg10[%get3A_339] {strides = array<i32>} : memref<2048xi32, #tpu.memory_space<vmem>>, vector<16xi32>,
    %lt3A_341 = vector.broadcast %mul3A_2 : i32 to vector<16xi32>
    %lt3A_342 = arith.cmpi slt, %get3A_340, %lt3A_341 : vector<16xi32>
    %convert_element_type3A_343 = arith.extui %lt3A_342 : vector<16xi1> to vector<16xi32>
    %add3A_344 = arith.addi %add3A_338, %convert_element_type3A_343 : vector<16xi32>
    %get3A_345 = arith.constant 720 : index
    %get3A_346 = tpu.vector_load %arg10[%get3A_345] {strides = array<i32>} : memref<2048xi32, #tpu.memory_space<vmem>>, vector<16xi32>,
    %lt3A_347 = vector.broadcast %mul3A_2 : i32 to vector<16xi32>
    %lt3A_348 = arith.cmpi slt, %get3A_346, %lt3A_347 : vector<16xi32>
    %convert_element_type3A_349 = arith.extui %lt3A_348 : vector<16xi1> to vector<16xi32>
    %add3A_350 = arith.addi %add3A_344, %convert_element_type3A_349 : vector<16xi32>
    %get3A_351 = arith.constant 736 : index
    %get3A_352 = tpu.vector_load %arg10[%get3A_351] {strides = array<i32>} : memref<2048xi32, #tpu.memory_space<vmem>>, vector<16xi32>,
    %lt3A_353 = vector.broadcast %mul3A_2 : i32 to vector<16xi32>
    %lt3A_354 = arith.cmpi slt, %get3A_352, %lt3A_353 : vector<16xi32>
    %convert_element_type3A_355 = arith.extui %lt3A_354 : vector<16xi1> to vector<16xi32>
    %add3A_356 = arith.addi %add3A_350, %convert_element_type3A_355 : vector<16xi32>
    %get3A_357 = arith.constant 752 : index
    %get3A_358 = tpu.vector_load %arg10[%get3A_357] {strides = array<i32>} : memref<2048xi32, #tpu.memory_space<vmem>>, vector<16xi32>,
    %lt3A_359 = vector.broadcast %mul3A_2 : i32 to vector<16xi32>
    %lt3A_360 = arith.cmpi slt, %get3A_358, %lt3A_359 : vector<16xi32>
    %convert_element_type3A_361 = arith.extui %lt3A_360 : vector<16xi1> to vector<16xi32>
    %add3A_362 = arith.addi %add3A_356, %convert_element_type3A_361 : vector<16xi32>
    %get3A_363 = arith.constant 768 : index
    %get3A_364 = tpu.vector_load %arg10[%get3A_363] {strides = array<i32>} : memref<2048xi32, #tpu.memory_space<vmem>>, vector<16xi32>,
    %lt3A_365 = vector.broadcast %mul3A_2 : i32 to vector<16xi32>
    %lt3A_366 = arith.cmpi slt, %get3A_364, %lt3A_365 : vector<16xi32>
    %convert_element_type3A_367 = arith.extui %lt3A_366 : vector<16xi1> to vector<16xi32>
    %add3A_368 = arith.addi %add3A_362, %convert_element_type3A_367 : vector<16xi32>
    %get3A_369 = arith.constant 784 : index
    %get3A_370 = tpu.vector_load %arg10[%get3A_369] {strides = array<i32>} : memref<2048xi32, #tpu.memory_space<vmem>>, vector<16xi32>,
    %lt3A_371 = vector.broadcast %mul3A_2 : i32 to vector<16xi32>
    %lt3A_372 = arith.cmpi slt, %get3A_370, %lt3A_371 : vector<16xi32>
    %convert_element_type3A_373 = arith.extui %lt3A_372 : vector<16xi1> to vector<16xi32>
    %add3A_374 = arith.addi %add3A_368, %convert_element_type3A_373 : vector<16xi32>
    %get3A_375 = arith.constant 800 : index
    %get3A_376 = tpu.vector_load %arg10[%get3A_375] {strides = array<i32>} : memref<2048xi32, #tpu.memory_space<vmem>>, vector<16xi32>,
    %lt3A_377 = vector.broadcast %mul3A_2 : i32 to vector<16xi32>
    %lt3A_378 = arith.cmpi slt, %get3A_376, %lt3A_377 : vector<16xi32>
    %convert_element_type3A_379 = arith.extui %lt3A_378 : vector<16xi1> to vector<16xi32>
    %add3A_380 = arith.addi %add3A_374, %convert_element_type3A_379 : vector<16xi32>
    %get3A_381 = arith.constant 816 : index
    %get3A_382 = tpu.vector_load %arg10[%get3A_381] {strides = array<i32>} : memref<2048xi32, #tpu.memory_space<vmem>>, vector<16xi32>,
    %lt3A_383 = vector.broadcast %mul3A_2 : i32 to vector<16xi32>
    %lt3A_384 = arith.cmpi slt, %get3A_382, %lt3A_383 : vector<16xi32>
    %convert_element_type3A_385 = arith.extui %lt3A_384 : vector<16xi1> to vector<16xi32>
    %add3A_386 = arith.addi %add3A_380, %convert_element_type3A_385 : vector<16xi32>
    %get3A_387 = arith.constant 832 : index
    %get3A_388 = tpu.vector_load %arg10[%get3A_387] {strides = array<i32>} : memref<2048xi32, #tpu.memory_space<vmem>>, vector<16xi32>,
    %lt3A_389 = vector.broadcast %mul3A_2 : i32 to vector<16xi32>
    %lt3A_390 = arith.cmpi slt, %get3A_388, %lt3A_389 : vector<16xi32>
    %convert_element_type3A_391 = arith.extui %lt3A_390 : vector<16xi1> to vector<16xi32>
    %add3A_392 = arith.addi %add3A_386, %convert_element_type3A_391 : vector<16xi32>
    %get3A_393 = arith.constant 848 : index
    %get3A_394 = tpu.vector_load %arg10[%get3A_393] {strides = array<i32>} : memref<2048xi32, #tpu.memory_space<vmem>>, vector<16xi32>,
    %lt3A_395 = vector.broadcast %mul3A_2 : i32 to vector<16xi32>
    %lt3A_396 = arith.cmpi slt, %get3A_394, %lt3A_395 : vector<16xi32>
    %convert_element_type3A_397 = arith.extui %lt3A_396 : vector<16xi1> to vector<16xi32>
    %add3A_398 = arith.addi %add3A_392, %convert_element_type3A_397 : vector<16xi32>
    %get3A_399 = arith.constant 864 : index
    %get3A_400 = tpu.vector_load %arg10[%get3A_399] {strides = array<i32>} : memref<2048xi32, #tpu.memory_space<vmem>>, vector<16xi32>,
    %lt3A_401 = vector.broadcast %mul3A_2 : i32 to vector<16xi32>
    %lt3A_402 = arith.cmpi slt, %get3A_400, %lt3A_401 : vector<16xi32>
    %convert_element_type3A_403 = arith.extui %lt3A_402 : vector<16xi1> to vector<16xi32>
    %add3A_404 = arith.addi %add3A_398, %convert_element_type3A_403 : vector<16xi32>
    %get3A_405 = arith.constant 880 : index
    %get3A_406 = tpu.vector_load %arg10[%get3A_405] {strides = array<i32>} : memref<2048xi32, #tpu.memory_space<vmem>>, vector<16xi32>,
    %lt3A_407 = vector.broadcast %mul3A_2 : i32 to vector<16xi32>
    %lt3A_408 = arith.cmpi slt, %get3A_406, %lt3A_407 : vector<16xi32>
    %convert_element_type3A_409 = arith.extui %lt3A_408 : vector<16xi1> to vector<16xi32>
    %add3A_410 = arith.addi %add3A_404, %convert_element_type3A_409 : vector<16xi32>
    %get3A_411 = arith.constant 896 : index
    %get3A_412 = tpu.vector_load %arg10[%get3A_411] {strides = array<i32>} : memref<2048xi32, #tpu.memory_space<vmem>>, vector<16xi32>,
    %lt3A_413 = vector.broadcast %mul3A_2 : i32 to vector<16xi32>
    %lt3A_414 = arith.cmpi slt, %get3A_412, %lt3A_413 : vector<16xi32>
    %convert_element_type3A_415 = arith.extui %lt3A_414 : vector<16xi1> to vector<16xi32>
    %add3A_416 = arith.addi %add3A_410, %convert_element_type3A_415 : vector<16xi32>
    %get3A_417 = arith.constant 912 : index
    %get3A_418 = tpu.vector_load %arg10[%get3A_417] {strides = array<i32>} : memref<2048xi32, #tpu.memory_space<vmem>>, vector<16xi32>,
    %lt3A_419 = vector.broadcast %mul3A_2 : i32 to vector<16xi32>
    %lt3A_420 = arith.cmpi slt, %get3A_418, %lt3A_419 : vector<16xi32>
    %convert_element_type3A_421 = arith.extui %lt3A_420 : vector<16xi1> to vector<16xi32>
    %add3A_422 = arith.addi %add3A_416, %convert_element_type3A_421 : vector<16xi32>
    %get3A_423 = arith.constant 928 : index
    %get3A_424 = tpu.vector_load %arg10[%get3A_423] {strides = array<i32>} : memref<2048xi32, #tpu.memory_space<vmem>>, vector<16xi32>,
    %lt3A_425 = vector.broadcast %mul3A_2 : i32 to vector<16xi32>
    %lt3A_426 = arith.cmpi slt, %get3A_424, %lt3A_425 : vector<16xi32>
    %convert_element_type3A_427 = arith.extui %lt3A_426 : vector<16xi1> to vector<16xi32>
    %add3A_428 = arith.addi %add3A_422, %convert_element_type3A_427 : vector<16xi32>
    %get3A_429 = arith.constant 944 : index
    %get3A_430 = tpu.vector_load %arg10[%get3A_429] {strides = array<i32>} : memref<2048xi32, #tpu.memory_space<vmem>>, vector<16xi32>,
    %lt3A_431 = vector.broadcast %mul3A_2 : i32 to vector<16xi32>
    %lt3A_432 = arith.cmpi slt, %get3A_430, %lt3A_431 : vector<16xi32>
    %convert_element_type3A_433 = arith.extui %lt3A_432 : vector<16xi1> to vector<16xi32>
    %add3A_434 = arith.addi %add3A_428, %convert_element_type3A_433 : vector<16xi32>
    %get3A_435 = arith.constant 960 : index
    %get3A_436 = tpu.vector_load %arg10[%get3A_435] {strides = array<i32>} : memref<2048xi32, #tpu.memory_space<vmem>>, vector<16xi32>,
    %lt3A_437 = vector.broadcast %mul3A_2 : i32 to vector<16xi32>
    %lt3A_438 = arith.cmpi slt, %get3A_436, %lt3A_437 : vector<16xi32>
    %convert_element_type3A_439 = arith.extui %lt3A_438 : vector<16xi1> to vector<16xi32>
    %add3A_440 = arith.addi %add3A_434, %convert_element_type3A_439 : vector<16xi32>
    %get3A_441 = arith.constant 976 : index
    %get3A_442 = tpu.vector_load %arg10[%get3A_441] {strides = array<i32>} : memref<2048xi32, #tpu.memory_space<vmem>>, vector<16xi32>,
    %lt3A_443 = vector.broadcast %mul3A_2 : i32 to vector<16xi32>
    %lt3A_444 = arith.cmpi slt, %get3A_442, %lt3A_443 : vector<16xi32>
    %convert_element_type3A_445 = arith.extui %lt3A_444 : vector<16xi1> to vector<16xi32>
    %add3A_446 = arith.addi %add3A_440, %convert_element_type3A_445 : vector<16xi32>
    %get3A_447 = arith.constant 992 : index
    %get3A_448 = tpu.vector_load %arg10[%get3A_447] {strides = array<i32>} : memref<2048xi32, #tpu.memory_space<vmem>>, vector<16xi32>,
    %lt3A_449 = vector.broadcast %mul3A_2 : i32 to vector<16xi32>
    %lt3A_450 = arith.cmpi slt, %get3A_448, %lt3A_449 : vector<16xi32>
    %convert_element_type3A_451 = arith.extui %lt3A_450 : vector<16xi1> to vector<16xi32>
    %add3A_452 = arith.addi %add3A_446, %convert_element_type3A_451 : vector<16xi32>
    %get3A_453 = arith.constant 1008 : index
    %get3A_454 = tpu.vector_load %arg10[%get3A_453] {strides = array<i32>} : memref<2048xi32, #tpu.memory_space<vmem>>, vector<16xi32>,
    %lt3A_455 = vector.broadcast %mul3A_2 : i32 to vector<16xi32>
    %lt3A_456 = arith.cmpi slt, %get3A_454, %lt3A_455 : vector<16xi32>
    %convert_element_type3A_457 = arith.extui %lt3A_456 : vector<16xi1> to vector<16xi32>
    %add3A_458 = arith.addi %add3A_452, %convert_element_type3A_457 : vector<16xi32>
    %get3A_459 = arith.constant 1024 : index
    %get3A_460 = tpu.vector_load %arg10[%get3A_459] {strides = array<i32>} : memref<2048xi32, #tpu.memory_space<vmem>>, vector<16xi32>,
    %lt3A_461 = vector.broadcast %mul3A_2 : i32 to vector<16xi32>
    %lt3A_462 = arith.cmpi slt, %get3A_460, %lt3A_461 : vector<16xi32>
    %convert_element_type3A_463 = arith.extui %lt3A_462 : vector<16xi1> to vector<16xi32>
    %add3A_464 = arith.addi %add3A_458, %convert_element_type3A_463 : vector<16xi32>
    %get3A_465 = arith.constant 1040 : index
    %get3A_466 = tpu.vector_load %arg10[%get3A_465] {strides = array<i32>} : memref<2048xi32, #tpu.memory_space<vmem>>, vector<16xi32>,
    %lt3A_467 = vector.broadcast %mul3A_2 : i32 to vector<16xi32>
    %lt3A_468 = arith.cmpi slt, %get3A_466, %lt3A_467 : vector<16xi32>
    %convert_element_type3A_469 = arith.extui %lt3A_468 : vector<16xi1> to vector<16xi32>
    %add3A_470 = arith.addi %add3A_464, %convert_element_type3A_469 : vector<16xi32>
    %get3A_471 = arith.constant 1056 : index
    %get3A_472 = tpu.vector_load %arg10[%get3A_471] {strides = array<i32>} : memref<2048xi32, #tpu.memory_space<vmem>>, vector<16xi32>,
    %lt3A_473 = vector.broadcast %mul3A_2 : i32 to vector<16xi32>
    %lt3A_474 = arith.cmpi slt, %get3A_472, %lt3A_473 : vector<16xi32>
    %convert_element_type3A_475 = arith.extui %lt3A_474 : vector<16xi1> to vector<16xi32>
    %add3A_476 = arith.addi %add3A_470, %convert_element_type3A_475 : vector<16xi32>
    %get3A_477 = arith.constant 1072 : index
    %get3A_478 = tpu.vector_load %arg10[%get3A_477] {strides = array<i32>} : memref<2048xi32, #tpu.memory_space<vmem>>, vector<16xi32>,
    %lt3A_479 = vector.broadcast %mul3A_2 : i32 to vector<16xi32>
    %lt3A_480 = arith.cmpi slt, %get3A_478, %lt3A_479 : vector<16xi32>
    %convert_element_type3A_481 = arith.extui %lt3A_480 : vector<16xi1> to vector<16xi32>
    %add3A_482 = arith.addi %add3A_476, %convert_element_type3A_481 : vector<16xi32>
    %get3A_483 = arith.constant 1088 : index
    %get3A_484 = tpu.vector_load %arg10[%get3A_483] {strides = array<i32>} : memref<2048xi32, #tpu.memory_space<vmem>>, vector<16xi32>,
    %lt3A_485 = vector.broadcast %mul3A_2 : i32 to vector<16xi32>
    %lt3A_486 = arith.cmpi slt, %get3A_484, %lt3A_485 : vector<16xi32>
    %convert_element_type3A_487 = arith.extui %lt3A_486 : vector<16xi1> to vector<16xi32>
    %add3A_488 = arith.addi %add3A_482, %convert_element_type3A_487 : vector<16xi32>
    %get3A_489 = arith.constant 1104 : index
    %get3A_490 = tpu.vector_load %arg10[%get3A_489] {strides = array<i32>} : memref<2048xi32, #tpu.memory_space<vmem>>, vector<16xi32>,
    %lt3A_491 = vector.broadcast %mul3A_2 : i32 to vector<16xi32>
    %lt3A_492 = arith.cmpi slt, %get3A_490, %lt3A_491 : vector<16xi32>
    %convert_element_type3A_493 = arith.extui %lt3A_492 : vector<16xi1> to vector<16xi32>
    %add3A_494 = arith.addi %add3A_488, %convert_element_type3A_493 : vector<16xi32>
    %get3A_495 = arith.constant 1120 : index
    %get3A_496 = tpu.vector_load %arg10[%get3A_495] {strides = array<i32>} : memref<2048xi32, #tpu.memory_space<vmem>>, vector<16xi32>,
    %lt3A_497 = vector.broadcast %mul3A_2 : i32 to vector<16xi32>
    %lt3A_498 = arith.cmpi slt, %get3A_496, %lt3A_497 : vector<16xi32>
    %convert_element_type3A_499 = arith.extui %lt3A_498 : vector<16xi1> to vector<16xi32>
    %add3A_500 = arith.addi %add3A_494, %convert_element_type3A_499 : vector<16xi32>
    %get3A_501 = arith.constant 1136 : index
    %get3A_502 = tpu.vector_load %arg10[%get3A_501] {strides = array<i32>} : memref<2048xi32, #tpu.memory_space<vmem>>, vector<16xi32>,
    %lt3A_503 = vector.broadcast %mul3A_2 : i32 to vector<16xi32>
    %lt3A_504 = arith.cmpi slt, %get3A_502, %lt3A_503 : vector<16xi32>
    %convert_element_type3A_505 = arith.extui %lt3A_504 : vector<16xi1> to vector<16xi32>
    %add3A_506 = arith.addi %add3A_500, %convert_element_type3A_505 : vector<16xi32>
    %get3A_507 = arith.constant 1152 : index
    %get3A_508 = tpu.vector_load %arg10[%get3A_507] {strides = array<i32>} : memref<2048xi32, #tpu.memory_space<vmem>>, vector<16xi32>,
    %lt3A_509 = vector.broadcast %mul3A_2 : i32 to vector<16xi32>
    %lt3A_510 = arith.cmpi slt, %get3A_508, %lt3A_509 : vector<16xi32>
    %convert_element_type3A_511 = arith.extui %lt3A_510 : vector<16xi1> to vector<16xi32>
    %add3A_512 = arith.addi %add3A_506, %convert_element_type3A_511 : vector<16xi32>
    %get3A_513 = arith.constant 1168 : index
    %get3A_514 = tpu.vector_load %arg10[%get3A_513] {strides = array<i32>} : memref<2048xi32, #tpu.memory_space<vmem>>, vector<16xi32>,
    %lt3A_515 = vector.broadcast %mul3A_2 : i32 to vector<16xi32>
    %lt3A_516 = arith.cmpi slt, %get3A_514, %lt3A_515 : vector<16xi32>
    %convert_element_type3A_517 = arith.extui %lt3A_516 : vector<16xi1> to vector<16xi32>
    %add3A_518 = arith.addi %add3A_512, %convert_element_type3A_517 : vector<16xi32>
    %get3A_519 = arith.constant 1184 : index
    %get3A_520 = tpu.vector_load %arg10[%get3A_519] {strides = array<i32>} : memref<2048xi32, #tpu.memory_space<vmem>>, vector<16xi32>,
    %lt3A_521 = vector.broadcast %mul3A_2 : i32 to vector<16xi32>
    %lt3A_522 = arith.cmpi slt, %get3A_520, %lt3A_521 : vector<16xi32>
    %convert_element_type3A_523 = arith.extui %lt3A_522 : vector<16xi1> to vector<16xi32>
    %add3A_524 = arith.addi %add3A_518, %convert_element_type3A_523 : vector<16xi32>
    %get3A_525 = arith.constant 1200 : index
    %get3A_526 = tpu.vector_load %arg10[%get3A_525] {strides = array<i32>} : memref<2048xi32, #tpu.memory_space<vmem>>, vector<16xi32>,
    %lt3A_527 = vector.broadcast %mul3A_2 : i32 to vector<16xi32>
    %lt3A_528 = arith.cmpi slt, %get3A_526, %lt3A_527 : vector<16xi32>
    %convert_element_type3A_529 = arith.extui %lt3A_528 : vector<16xi1> to vector<16xi32>
    %add3A_530 = arith.addi %add3A_524, %convert_element_type3A_529 : vector<16xi32>
    %get3A_531 = arith.constant 1216 : index
    %get3A_532 = tpu.vector_load %arg10[%get3A_531] {strides = array<i32>} : memref<2048xi32, #tpu.memory_space<vmem>>, vector<16xi32>,
    %lt3A_533 = vector.broadcast %mul3A_2 : i32 to vector<16xi32>
    %lt3A_534 = arith.cmpi slt, %get3A_532, %lt3A_533 : vector<16xi32>
    %convert_element_type3A_535 = arith.extui %lt3A_534 : vector<16xi1> to vector<16xi32>
    %add3A_536 = arith.addi %add3A_530, %convert_element_type3A_535 : vector<16xi32>
    %get3A_537 = arith.constant 1232 : index
    %get3A_538 = tpu.vector_load %arg10[%get3A_537] {strides = array<i32>} : memref<2048xi32, #tpu.memory_space<vmem>>, vector<16xi32>,
    %lt3A_539 = vector.broadcast %mul3A_2 : i32 to vector<16xi32>
    %lt3A_540 = arith.cmpi slt, %get3A_538, %lt3A_539 : vector<16xi32>
    %convert_element_type3A_541 = arith.extui %lt3A_540 : vector<16xi1> to vector<16xi32>
    %add3A_542 = arith.addi %add3A_536, %convert_element_type3A_541 : vector<16xi32>
    %get3A_543 = arith.constant 1248 : index
    %get3A_544 = tpu.vector_load %arg10[%get3A_543] {strides = array<i32>} : memref<2048xi32, #tpu.memory_space<vmem>>, vector<16xi32>,
    %lt3A_545 = vector.broadcast %mul3A_2 : i32 to vector<16xi32>
    %lt3A_546 = arith.cmpi slt, %get3A_544, %lt3A_545 : vector<16xi32>
    %convert_element_type3A_547 = arith.extui %lt3A_546 : vector<16xi1> to vector<16xi32>
    %add3A_548 = arith.addi %add3A_542, %convert_element_type3A_547 : vector<16xi32>
    %get3A_549 = arith.constant 1264 : index
    %get3A_550 = tpu.vector_load %arg10[%get3A_549] {strides = array<i32>} : memref<2048xi32, #tpu.memory_space<vmem>>, vector<16xi32>,
    %lt3A_551 = vector.broadcast %mul3A_2 : i32 to vector<16xi32>
    %lt3A_552 = arith.cmpi slt, %get3A_550, %lt3A_551 : vector<16xi32>
    %convert_element_type3A_553 = arith.extui %lt3A_552 : vector<16xi1> to vector<16xi32>
    %add3A_554 = arith.addi %add3A_548, %convert_element_type3A_553 : vector<16xi32>
    %get3A_555 = arith.constant 1280 : index
    %get3A_556 = tpu.vector_load %arg10[%get3A_555] {strides = array<i32>} : memref<2048xi32, #tpu.memory_space<vmem>>, vector<16xi32>,
    %lt3A_557 = vector.broadcast %mul3A_2 : i32 to vector<16xi32>
    %lt3A_558 = arith.cmpi slt, %get3A_556, %lt3A_557 : vector<16xi32>
    %convert_element_type3A_559 = arith.extui %lt3A_558 : vector<16xi1> to vector<16xi32>
    %add3A_560 = arith.addi %add3A_554, %convert_element_type3A_559 : vector<16xi32>
    %get3A_561 = arith.constant 1296 : index
    %get3A_562 = tpu.vector_load %arg10[%get3A_561] {strides = array<i32>} : memref<2048xi32, #tpu.memory_space<vmem>>, vector<16xi32>,
    %lt3A_563 = vector.broadcast %mul3A_2 : i32 to vector<16xi32>
    %lt3A_564 = arith.cmpi slt, %get3A_562, %lt3A_563 : vector<16xi32>
    %convert_element_type3A_565 = arith.extui %lt3A_564 : vector<16xi1> to vector<16xi32>
    %add3A_566 = arith.addi %add3A_560, %convert_element_type3A_565 : vector<16xi32>
    %get3A_567 = arith.constant 1312 : index
    %get3A_568 = tpu.vector_load %arg10[%get3A_567] {strides = array<i32>} : memref<2048xi32, #tpu.memory_space<vmem>>, vector<16xi32>,
    %lt3A_569 = vector.broadcast %mul3A_2 : i32 to vector<16xi32>
    %lt3A_570 = arith.cmpi slt, %get3A_568, %lt3A_569 : vector<16xi32>
    %convert_element_type3A_571 = arith.extui %lt3A_570 : vector<16xi1> to vector<16xi32>
    %add3A_572 = arith.addi %add3A_566, %convert_element_type3A_571 : vector<16xi32>
    %get3A_573 = arith.constant 1328 : index
    %get3A_574 = tpu.vector_load %arg10[%get3A_573] {strides = array<i32>} : memref<2048xi32, #tpu.memory_space<vmem>>, vector<16xi32>,
    %lt3A_575 = vector.broadcast %mul3A_2 : i32 to vector<16xi32>
    %lt3A_576 = arith.cmpi slt, %get3A_574, %lt3A_575 : vector<16xi32>
    %convert_element_type3A_577 = arith.extui %lt3A_576 : vector<16xi1> to vector<16xi32>
    %add3A_578 = arith.addi %add3A_572, %convert_element_type3A_577 : vector<16xi32>
    %get3A_579 = arith.constant 1344 : index
    %get3A_580 = tpu.vector_load %arg10[%get3A_579] {strides = array<i32>} : memref<2048xi32, #tpu.memory_space<vmem>>, vector<16xi32>,
    %lt3A_581 = vector.broadcast %mul3A_2 : i32 to vector<16xi32>
    %lt3A_582 = arith.cmpi slt, %get3A_580, %lt3A_581 : vector<16xi32>
    %convert_element_type3A_583 = arith.extui %lt3A_582 : vector<16xi1> to vector<16xi32>
    %add3A_584 = arith.addi %add3A_578, %convert_element_type3A_583 : vector<16xi32>
    %get3A_585 = arith.constant 1360 : index
    %get3A_586 = tpu.vector_load %arg10[%get3A_585] {strides = array<i32>} : memref<2048xi32, #tpu.memory_space<vmem>>, vector<16xi32>,
    %lt3A_587 = vector.broadcast %mul3A_2 : i32 to vector<16xi32>
    %lt3A_588 = arith.cmpi slt, %get3A_586, %lt3A_587 : vector<16xi32>
    %convert_element_type3A_589 = arith.extui %lt3A_588 : vector<16xi1> to vector<16xi32>
    %add3A_590 = arith.addi %add3A_584, %convert_element_type3A_589 : vector<16xi32>
    %get3A_591 = arith.constant 1376 : index
    %get3A_592 = tpu.vector_load %arg10[%get3A_591] {strides = array<i32>} : memref<2048xi32, #tpu.memory_space<vmem>>, vector<16xi32>,
    %lt3A_593 = vector.broadcast %mul3A_2 : i32 to vector<16xi32>
    %lt3A_594 = arith.cmpi slt, %get3A_592, %lt3A_593 : vector<16xi32>
    %convert_element_type3A_595 = arith.extui %lt3A_594 : vector<16xi1> to vector<16xi32>
    %add3A_596 = arith.addi %add3A_590, %convert_element_type3A_595 : vector<16xi32>
    %get3A_597 = arith.constant 1392 : index
    %get3A_598 = tpu.vector_load %arg10[%get3A_597] {strides = array<i32>} : memref<2048xi32, #tpu.memory_space<vmem>>, vector<16xi32>,
    %lt3A_599 = vector.broadcast %mul3A_2 : i32 to vector<16xi32>
    %lt3A_600 = arith.cmpi slt, %get3A_598, %lt3A_599 : vector<16xi32>
    %convert_element_type3A_601 = arith.extui %lt3A_600 : vector<16xi1> to vector<16xi32>
    %add3A_602 = arith.addi %add3A_596, %convert_element_type3A_601 : vector<16xi32>
    %get3A_603 = arith.constant 1408 : index
    %get3A_604 = tpu.vector_load %arg10[%get3A_603] {strides = array<i32>} : memref<2048xi32, #tpu.memory_space<vmem>>, vector<16xi32>,
    %lt3A_605 = vector.broadcast %mul3A_2 : i32 to vector<16xi32>
    %lt3A_606 = arith.cmpi slt, %get3A_604, %lt3A_605 : vector<16xi32>
    %convert_element_type3A_607 = arith.extui %lt3A_606 : vector<16xi1> to vector<16xi32>
    %add3A_608 = arith.addi %add3A_602, %convert_element_type3A_607 : vector<16xi32>
    %get3A_609 = arith.constant 1424 : index
    %get3A_610 = tpu.vector_load %arg10[%get3A_609] {strides = array<i32>} : memref<2048xi32, #tpu.memory_space<vmem>>, vector<16xi32>,
    %lt3A_611 = vector.broadcast %mul3A_2 : i32 to vector<16xi32>
    %lt3A_612 = arith.cmpi slt, %get3A_610, %lt3A_611 : vector<16xi32>
    %convert_element_type3A_613 = arith.extui %lt3A_612 : vector<16xi1> to vector<16xi32>
    %add3A_614 = arith.addi %add3A_608, %convert_element_type3A_613 : vector<16xi32>
    %get3A_615 = arith.constant 1440 : index
    %get3A_616 = tpu.vector_load %arg10[%get3A_615] {strides = array<i32>} : memref<2048xi32, #tpu.memory_space<vmem>>, vector<16xi32>,
    %lt3A_617 = vector.broadcast %mul3A_2 : i32 to vector<16xi32>
    %lt3A_618 = arith.cmpi slt, %get3A_616, %lt3A_617 : vector<16xi32>
    %convert_element_type3A_619 = arith.extui %lt3A_618 : vector<16xi1> to vector<16xi32>
    %add3A_620 = arith.addi %add3A_614, %convert_element_type3A_619 : vector<16xi32>
    %get3A_621 = arith.constant 1456 : index
    %get3A_622 = tpu.vector_load %arg10[%get3A_621] {strides = array<i32>} : memref<2048xi32, #tpu.memory_space<vmem>>, vector<16xi32>,
    %lt3A_623 = vector.broadcast %mul3A_2 : i32 to vector<16xi32>
    %lt3A_624 = arith.cmpi slt, %get3A_622, %lt3A_623 : vector<16xi32>
    %convert_element_type3A_625 = arith.extui %lt3A_624 : vector<16xi1> to vector<16xi32>
    %add3A_626 = arith.addi %add3A_620, %convert_element_type3A_625 : vector<16xi32>
    %get3A_627 = arith.constant 1472 : index
    %get3A_628 = tpu.vector_load %arg10[%get3A_627] {strides = array<i32>} : memref<2048xi32, #tpu.memory_space<vmem>>, vector<16xi32>,
    %lt3A_629 = vector.broadcast %mul3A_2 : i32 to vector<16xi32>
    %lt3A_630 = arith.cmpi slt, %get3A_628, %lt3A_629 : vector<16xi32>
    %convert_element_type3A_631 = arith.extui %lt3A_630 : vector<16xi1> to vector<16xi32>
    %add3A_632 = arith.addi %add3A_626, %convert_element_type3A_631 : vector<16xi32>
    %get3A_633 = arith.constant 1488 : index
    %get3A_634 = tpu.vector_load %arg10[%get3A_633] {strides = array<i32>} : memref<2048xi32, #tpu.memory_space<vmem>>, vector<16xi32>,
    %lt3A_635 = vector.broadcast %mul3A_2 : i32 to vector<16xi32>
    %lt3A_636 = arith.cmpi slt, %get3A_634, %lt3A_635 : vector<16xi32>
    %convert_element_type3A_637 = arith.extui %lt3A_636 : vector<16xi1> to vector<16xi32>
    %add3A_638 = arith.addi %add3A_632, %convert_element_type3A_637 : vector<16xi32>
    %get3A_639 = arith.constant 1504 : index
    %get3A_640 = tpu.vector_load %arg10[%get3A_639] {strides = array<i32>} : memref<2048xi32, #tpu.memory_space<vmem>>, vector<16xi32>,
    %lt3A_641 = vector.broadcast %mul3A_2 : i32 to vector<16xi32>
    %lt3A_642 = arith.cmpi slt, %get3A_640, %lt3A_641 : vector<16xi32>
    %convert_element_type3A_643 = arith.extui %lt3A_642 : vector<16xi1> to vector<16xi32>
    %add3A_644 = arith.addi %add3A_638, %convert_element_type3A_643 : vector<16xi32>
    %get3A_645 = arith.constant 1520 : index
    %get3A_646 = tpu.vector_load %arg10[%get3A_645] {strides = array<i32>} : memref<2048xi32, #tpu.memory_space<vmem>>, vector<16xi32>,
    %lt3A_647 = vector.broadcast %mul3A_2 : i32 to vector<16xi32>
    %lt3A_648 = arith.cmpi slt, %get3A_646, %lt3A_647 : vector<16xi32>
    %convert_element_type3A_649 = arith.extui %lt3A_648 : vector<16xi1> to vector<16xi32>
    %add3A_650 = arith.addi %add3A_644, %convert_element_type3A_649 : vector<16xi32>
    %get3A_651 = arith.constant 1536 : index
    %get3A_652 = tpu.vector_load %arg10[%get3A_651] {strides = array<i32>} : memref<2048xi32, #tpu.memory_space<vmem>>, vector<16xi32>,
    %lt3A_653 = vector.broadcast %mul3A_2 : i32 to vector<16xi32>
    %lt3A_654 = arith.cmpi slt, %get3A_652, %lt3A_653 : vector<16xi32>
    %convert_element_type3A_655 = arith.extui %lt3A_654 : vector<16xi1> to vector<16xi32>
    %add3A_656 = arith.addi %add3A_650, %convert_element_type3A_655 : vector<16xi32>
    %get3A_657 = arith.constant 1552 : index
    %get3A_658 = tpu.vector_load %arg10[%get3A_657] {strides = array<i32>} : memref<2048xi32, #tpu.memory_space<vmem>>, vector<16xi32>,
    %lt3A_659 = vector.broadcast %mul3A_2 : i32 to vector<16xi32>
    %lt3A_660 = arith.cmpi slt, %get3A_658, %lt3A_659 : vector<16xi32>
    %convert_element_type3A_661 = arith.extui %lt3A_660 : vector<16xi1> to vector<16xi32>
    %add3A_662 = arith.addi %add3A_656, %convert_element_type3A_661 : vector<16xi32>
    %get3A_663 = arith.constant 1568 : index
    %get3A_664 = tpu.vector_load %arg10[%get3A_663] {strides = array<i32>} : memref<2048xi32, #tpu.memory_space<vmem>>, vector<16xi32>,
    %lt3A_665 = vector.broadcast %mul3A_2 : i32 to vector<16xi32>
    %lt3A_666 = arith.cmpi slt, %get3A_664, %lt3A_665 : vector<16xi32>
    %convert_element_type3A_667 = arith.extui %lt3A_666 : vector<16xi1> to vector<16xi32>
    %add3A_668 = arith.addi %add3A_662, %convert_element_type3A_667 : vector<16xi32>
    %get3A_669 = arith.constant 1584 : index
    %get3A_670 = tpu.vector_load %arg10[%get3A_669] {strides = array<i32>} : memref<2048xi32, #tpu.memory_space<vmem>>, vector<16xi32>,
    %lt3A_671 = vector.broadcast %mul3A_2 : i32 to vector<16xi32>
    %lt3A_672 = arith.cmpi slt, %get3A_670, %lt3A_671 : vector<16xi32>
    %convert_element_type3A_673 = arith.extui %lt3A_672 : vector<16xi1> to vector<16xi32>
    %add3A_674 = arith.addi %add3A_668, %convert_element_type3A_673 : vector<16xi32>
    %get3A_675 = arith.constant 1600 : index
    %get3A_676 = tpu.vector_load %arg10[%get3A_675] {strides = array<i32>} : memref<2048xi32, #tpu.memory_space<vmem>>, vector<16xi32>,
    %lt3A_677 = vector.broadcast %mul3A_2 : i32 to vector<16xi32>
    %lt3A_678 = arith.cmpi slt, %get3A_676, %lt3A_677 : vector<16xi32>
    %convert_element_type3A_679 = arith.extui %lt3A_678 : vector<16xi1> to vector<16xi32>
    %add3A_680 = arith.addi %add3A_674, %convert_element_type3A_679 : vector<16xi32>
    %get3A_681 = arith.constant 1616 : index
    %get3A_682 = tpu.vector_load %arg10[%get3A_681] {strides = array<i32>} : memref<2048xi32, #tpu.memory_space<vmem>>, vector<16xi32>,
    %lt3A_683 = vector.broadcast %mul3A_2 : i32 to vector<16xi32>
    %lt3A_684 = arith.cmpi slt, %get3A_682, %lt3A_683 : vector<16xi32>
    %convert_element_type3A_685 = arith.extui %lt3A_684 : vector<16xi1> to vector<16xi32>
    %add3A_686 = arith.addi %add3A_680, %convert_element_type3A_685 : vector<16xi32>
    %get3A_687 = arith.constant 1632 : index
    %get3A_688 = tpu.vector_load %arg10[%get3A_687] {strides = array<i32>} : memref<2048xi32, #tpu.memory_space<vmem>>, vector<16xi32>,
    %lt3A_689 = vector.broadcast %mul3A_2 : i32 to vector<16xi32>
    %lt3A_690 = arith.cmpi slt, %get3A_688, %lt3A_689 : vector<16xi32>
    %convert_element_type3A_691 = arith.extui %lt3A_690 : vector<16xi1> to vector<16xi32>
    %add3A_692 = arith.addi %add3A_686, %convert_element_type3A_691 : vector<16xi32>
    %get3A_693 = arith.constant 1648 : index
    %get3A_694 = tpu.vector_load %arg10[%get3A_693] {strides = array<i32>} : memref<2048xi32, #tpu.memory_space<vmem>>, vector<16xi32>,
    %lt3A_695 = vector.broadcast %mul3A_2 : i32 to vector<16xi32>
    %lt3A_696 = arith.cmpi slt, %get3A_694, %lt3A_695 : vector<16xi32>
    %convert_element_type3A_697 = arith.extui %lt3A_696 : vector<16xi1> to vector<16xi32>
    %add3A_698 = arith.addi %add3A_692, %convert_element_type3A_697 : vector<16xi32>
    %get3A_699 = arith.constant 1664 : index
    %get3A_700 = tpu.vector_load %arg10[%get3A_699] {strides = array<i32>} : memref<2048xi32, #tpu.memory_space<vmem>>, vector<16xi32>,
    %lt3A_701 = vector.broadcast %mul3A_2 : i32 to vector<16xi32>
    %lt3A_702 = arith.cmpi slt, %get3A_700, %lt3A_701 : vector<16xi32>
    %convert_element_type3A_703 = arith.extui %lt3A_702 : vector<16xi1> to vector<16xi32>
    %add3A_704 = arith.addi %add3A_698, %convert_element_type3A_703 : vector<16xi32>
    %get3A_705 = arith.constant 1680 : index
    %get3A_706 = tpu.vector_load %arg10[%get3A_705] {strides = array<i32>} : memref<2048xi32, #tpu.memory_space<vmem>>, vector<16xi32>,
    %lt3A_707 = vector.broadcast %mul3A_2 : i32 to vector<16xi32>
    %lt3A_708 = arith.cmpi slt, %get3A_706, %lt3A_707 : vector<16xi32>
    %convert_element_type3A_709 = arith.extui %lt3A_708 : vector<16xi1> to vector<16xi32>
    %add3A_710 = arith.addi %add3A_704, %convert_element_type3A_709 : vector<16xi32>
    %get3A_711 = arith.constant 1696 : index
    %get3A_712 = tpu.vector_load %arg10[%get3A_711] {strides = array<i32>} : memref<2048xi32, #tpu.memory_space<vmem>>, vector<16xi32>,
    %lt3A_713 = vector.broadcast %mul3A_2 : i32 to vector<16xi32>
    %lt3A_714 = arith.cmpi slt, %get3A_712, %lt3A_713 : vector<16xi32>
    %convert_element_type3A_715 = arith.extui %lt3A_714 : vector<16xi1> to vector<16xi32>
    %add3A_716 = arith.addi %add3A_710, %convert_element_type3A_715 : vector<16xi32>
    %get3A_717 = arith.constant 1712 : index
    %get3A_718 = tpu.vector_load %arg10[%get3A_717] {strides = array<i32>} : memref<2048xi32, #tpu.memory_space<vmem>>, vector<16xi32>,
    %lt3A_719 = vector.broadcast %mul3A_2 : i32 to vector<16xi32>
    %lt3A_720 = arith.cmpi slt, %get3A_718, %lt3A_719 : vector<16xi32>
    %convert_element_type3A_721 = arith.extui %lt3A_720 : vector<16xi1> to vector<16xi32>
    %add3A_722 = arith.addi %add3A_716, %convert_element_type3A_721 : vector<16xi32>
    %get3A_723 = arith.constant 1728 : index
    %get3A_724 = tpu.vector_load %arg10[%get3A_723] {strides = array<i32>} : memref<2048xi32, #tpu.memory_space<vmem>>, vector<16xi32>,
    %lt3A_725 = vector.broadcast %mul3A_2 : i32 to vector<16xi32>
    %lt3A_726 = arith.cmpi slt, %get3A_724, %lt3A_725 : vector<16xi32>
    %convert_element_type3A_727 = arith.extui %lt3A_726 : vector<16xi1> to vector<16xi32>
    %add3A_728 = arith.addi %add3A_722, %convert_element_type3A_727 : vector<16xi32>
    %get3A_729 = arith.constant 1744 : index
    %get3A_730 = tpu.vector_load %arg10[%get3A_729] {strides = array<i32>} : memref<2048xi32, #tpu.memory_space<vmem>>, vector<16xi32>,
    %lt3A_731 = vector.broadcast %mul3A_2 : i32 to vector<16xi32>
    %lt3A_732 = arith.cmpi slt, %get3A_730, %lt3A_731 : vector<16xi32>
    %convert_element_type3A_733 = arith.extui %lt3A_732 : vector<16xi1> to vector<16xi32>
    %add3A_734 = arith.addi %add3A_728, %convert_element_type3A_733 : vector<16xi32>
    %get3A_735 = arith.constant 1760 : index
    %get3A_736 = tpu.vector_load %arg10[%get3A_735] {strides = array<i32>} : memref<2048xi32, #tpu.memory_space<vmem>>, vector<16xi32>,
    %lt3A_737 = vector.broadcast %mul3A_2 : i32 to vector<16xi32>
    %lt3A_738 = arith.cmpi slt, %get3A_736, %lt3A_737 : vector<16xi32>
    %convert_element_type3A_739 = arith.extui %lt3A_738 : vector<16xi1> to vector<16xi32>
    %add3A_740 = arith.addi %add3A_734, %convert_element_type3A_739 : vector<16xi32>
    %get3A_741 = arith.constant 1776 : index
    %get3A_742 = tpu.vector_load %arg10[%get3A_741] {strides = array<i32>} : memref<2048xi32, #tpu.memory_space<vmem>>, vector<16xi32>,
    %lt3A_743 = vector.broadcast %mul3A_2 : i32 to vector<16xi32>
    %lt3A_744 = arith.cmpi slt, %get3A_742, %lt3A_743 : vector<16xi32>
    %convert_element_type3A_745 = arith.extui %lt3A_744 : vector<16xi1> to vector<16xi32>
    %add3A_746 = arith.addi %add3A_740, %convert_element_type3A_745 : vector<16xi32>
    %get3A_747 = arith.constant 1792 : index
    %get3A_748 = tpu.vector_load %arg10[%get3A_747] {strides = array<i32>} : memref<2048xi32, #tpu.memory_space<vmem>>, vector<16xi32>,
    %lt3A_749 = vector.broadcast %mul3A_2 : i32 to vector<16xi32>
    %lt3A_750 = arith.cmpi slt, %get3A_748, %lt3A_749 : vector<16xi32>
    %convert_element_type3A_751 = arith.extui %lt3A_750 : vector<16xi1> to vector<16xi32>
    %add3A_752 = arith.addi %add3A_746, %convert_element_type3A_751 : vector<16xi32>
    %get3A_753 = arith.constant 1808 : index
    %get3A_754 = tpu.vector_load %arg10[%get3A_753] {strides = array<i32>} : memref<2048xi32, #tpu.memory_space<vmem>>, vector<16xi32>,
    %lt3A_755 = vector.broadcast %mul3A_2 : i32 to vector<16xi32>
    %lt3A_756 = arith.cmpi slt, %get3A_754, %lt3A_755 : vector<16xi32>
    %convert_element_type3A_757 = arith.extui %lt3A_756 : vector<16xi1> to vector<16xi32>
    %add3A_758 = arith.addi %add3A_752, %convert_element_type3A_757 : vector<16xi32>
    %get3A_759 = arith.constant 1824 : index
    %get3A_760 = tpu.vector_load %arg10[%get3A_759] {strides = array<i32>} : memref<2048xi32, #tpu.memory_space<vmem>>, vector<16xi32>,
    %lt3A_761 = vector.broadcast %mul3A_2 : i32 to vector<16xi32>
    %lt3A_762 = arith.cmpi slt, %get3A_760, %lt3A_761 : vector<16xi32>
    %convert_element_type3A_763 = arith.extui %lt3A_762 : vector<16xi1> to vector<16xi32>
    %add3A_764 = arith.addi %add3A_758, %convert_element_type3A_763 : vector<16xi32>
    %get3A_765 = arith.constant 1840 : index
    %get3A_766 = tpu.vector_load %arg10[%get3A_765] {strides = array<i32>} : memref<2048xi32, #tpu.memory_space<vmem>>, vector<16xi32>,
    %lt3A_767 = vector.broadcast %mul3A_2 : i32 to vector<16xi32>
    %lt3A_768 = arith.cmpi slt, %get3A_766, %lt3A_767 : vector<16xi32>
    %convert_element_type3A_769 = arith.extui %lt3A_768 : vector<16xi1> to vector<16xi32>
    %add3A_770 = arith.addi %add3A_764, %convert_element_type3A_769 : vector<16xi32>
    %get3A_771 = arith.constant 1856 : index
    %get3A_772 = tpu.vector_load %arg10[%get3A_771] {strides = array<i32>} : memref<2048xi32, #tpu.memory_space<vmem>>, vector<16xi32>,
    %lt3A_773 = vector.broadcast %mul3A_2 : i32 to vector<16xi32>
    %lt3A_774 = arith.cmpi slt, %get3A_772, %lt3A_773 : vector<16xi32>
    %convert_element_type3A_775 = arith.extui %lt3A_774 : vector<16xi1> to vector<16xi32>
    %add3A_776 = arith.addi %add3A_770, %convert_element_type3A_775 : vector<16xi32>
    %get3A_777 = arith.constant 1872 : index
    %get3A_778 = tpu.vector_load %arg10[%get3A_777] {strides = array<i32>} : memref<2048xi32, #tpu.memory_space<vmem>>, vector<16xi32>,
    %lt3A_779 = vector.broadcast %mul3A_2 : i32 to vector<16xi32>
    %lt3A_780 = arith.cmpi slt, %get3A_778, %lt3A_779 : vector<16xi32>
    %convert_element_type3A_781 = arith.extui %lt3A_780 : vector<16xi1> to vector<16xi32>
    %add3A_782 = arith.addi %add3A_776, %convert_element_type3A_781 : vector<16xi32>
    %get3A_783 = arith.constant 1888 : index
    %get3A_784 = tpu.vector_load %arg10[%get3A_783] {strides = array<i32>} : memref<2048xi32, #tpu.memory_space<vmem>>, vector<16xi32>,
    %lt3A_785 = vector.broadcast %mul3A_2 : i32 to vector<16xi32>
    %lt3A_786 = arith.cmpi slt, %get3A_784, %lt3A_785 : vector<16xi32>
    %convert_element_type3A_787 = arith.extui %lt3A_786 : vector<16xi1> to vector<16xi32>
    %add3A_788 = arith.addi %add3A_782, %convert_element_type3A_787 : vector<16xi32>
    %get3A_789 = arith.constant 1904 : index
    %get3A_790 = tpu.vector_load %arg10[%get3A_789] {strides = array<i32>} : memref<2048xi32, #tpu.memory_space<vmem>>, vector<16xi32>,
    %lt3A_791 = vector.broadcast %mul3A_2 : i32 to vector<16xi32>
    %lt3A_792 = arith.cmpi slt, %get3A_790, %lt3A_791 : vector<16xi32>
    %convert_element_type3A_793 = arith.extui %lt3A_792 : vector<16xi1> to vector<16xi32>
    %add3A_794 = arith.addi %add3A_788, %convert_element_type3A_793 : vector<16xi32>
    %get3A_795 = arith.constant 1920 : index
    %get3A_796 = tpu.vector_load %arg10[%get3A_795] {strides = array<i32>} : memref<2048xi32, #tpu.memory_space<vmem>>, vector<16xi32>,
    %lt3A_797 = vector.broadcast %mul3A_2 : i32 to vector<16xi32>
    %lt3A_798 = arith.cmpi slt, %get3A_796, %lt3A_797 : vector<16xi32>
    %convert_element_type3A_799 = arith.extui %lt3A_798 : vector<16xi1> to vector<16xi32>
    %add3A_800 = arith.addi %add3A_794, %convert_element_type3A_799 : vector<16xi32>
    %get3A_801 = arith.constant 1936 : index
    %get3A_802 = tpu.vector_load %arg10[%get3A_801] {strides = array<i32>} : memref<2048xi32, #tpu.memory_space<vmem>>, vector<16xi32>,
    %lt3A_803 = vector.broadcast %mul3A_2 : i32 to vector<16xi32>
    %lt3A_804 = arith.cmpi slt, %get3A_802, %lt3A_803 : vector<16xi32>
    %convert_element_type3A_805 = arith.extui %lt3A_804 : vector<16xi1> to vector<16xi32>
    %add3A_806 = arith.addi %add3A_800, %convert_element_type3A_805 : vector<16xi32>
    %get3A_807 = arith.constant 1952 : index
    %get3A_808 = tpu.vector_load %arg10[%get3A_807] {strides = array<i32>} : memref<2048xi32, #tpu.memory_space<vmem>>, vector<16xi32>,
    %lt3A_809 = vector.broadcast %mul3A_2 : i32 to vector<16xi32>
    %lt3A_810 = arith.cmpi slt, %get3A_808, %lt3A_809 : vector<16xi32>
    %convert_element_type3A_811 = arith.extui %lt3A_810 : vector<16xi1> to vector<16xi32>
    %add3A_812 = arith.addi %add3A_806, %convert_element_type3A_811 : vector<16xi32>
    %get3A_813 = arith.constant 1968 : index
    %get3A_814 = tpu.vector_load %arg10[%get3A_813] {strides = array<i32>} : memref<2048xi32, #tpu.memory_space<vmem>>, vector<16xi32>,
    %lt3A_815 = vector.broadcast %mul3A_2 : i32 to vector<16xi32>
    %lt3A_816 = arith.cmpi slt, %get3A_814, %lt3A_815 : vector<16xi32>
    %convert_element_type3A_817 = arith.extui %lt3A_816 : vector<16xi1> to vector<16xi32>
    %add3A_818 = arith.addi %add3A_812, %convert_element_type3A_817 : vector<16xi32>
    %get3A_819 = arith.constant 1984 : index
    %get3A_820 = tpu.vector_load %arg10[%get3A_819] {strides = array<i32>} : memref<2048xi32, #tpu.memory_space<vmem>>, vector<16xi32>,
    %lt3A_821 = vector.broadcast %mul3A_2 : i32 to vector<16xi32>
    %lt3A_822 = arith.cmpi slt, %get3A_820, %lt3A_821 : vector<16xi32>
    %convert_element_type3A_823 = arith.extui %lt3A_822 : vector<16xi1> to vector<16xi32>
    %add3A_824 = arith.addi %add3A_818, %convert_element_type3A_823 : vector<16xi32>
    %get3A_825 = arith.constant 2000 : index
    %get3A_826 = tpu.vector_load %arg10[%get3A_825] {strides = array<i32>} : memref<2048xi32, #tpu.memory_space<vmem>>, vector<16xi32>,
    %lt3A_827 = vector.broadcast %mul3A_2 : i32 to vector<16xi32>
    %lt3A_828 = arith.cmpi slt, %get3A_826, %lt3A_827 : vector<16xi32>
    %convert_element_type3A_829 = arith.extui %lt3A_828 : vector<16xi1> to vector<16xi32>
    %add3A_830 = arith.addi %add3A_824, %convert_element_type3A_829 : vector<16xi32>
    %get3A_831 = arith.constant 2016 : index
    %get3A_832 = tpu.vector_load %arg10[%get3A_831] {strides = array<i32>} : memref<2048xi32, #tpu.memory_space<vmem>>, vector<16xi32>,
    %lt3A_833 = vector.broadcast %mul3A_2 : i32 to vector<16xi32>
    %lt3A_834 = arith.cmpi slt, %get3A_832, %lt3A_833 : vector<16xi32>
    %convert_element_type3A_835 = arith.extui %lt3A_834 : vector<16xi1> to vector<16xi32>
    %add3A_836 = arith.addi %add3A_830, %convert_element_type3A_835 : vector<16xi32>
    %get3A_837 = arith.constant 2032 : index
    %get3A_838 = tpu.vector_load %arg10[%get3A_837] {strides = array<i32>} : memref<2048xi32, #tpu.memory_space<vmem>>, vector<16xi32>,
    %lt3A_839 = vector.broadcast %mul3A_2 : i32 to vector<16xi32>
    %lt3A_840 = arith.cmpi slt, %get3A_838, %lt3A_839 : vector<16xi32>
    %convert_element_type3A_841 = arith.extui %lt3A_840 : vector<16xi1> to vector<16xi32>
    %add3A_842 = arith.addi %add3A_836, %convert_element_type3A_841 : vector<16xi32>
    %reduce_sum3A = arith.constant true
    %reduce_sum3A_843 = vector.broadcast %reduce_sum3A : i1 to vector<16xi1>
    %reduce_sum3A_844 = tpu.scan <sum>, %add3A_842 masked %reduce_sum3A_843 : vector<16xi32>, vector<16xi1> -> vector<16xi32>
    %reduce_sum3A_845 = vector.extract %reduce_sum3A_844[15] : i32 from vector<16xi32>
    %add3A_846 = arith.constant 320 : i32
    %add3A_847 = arith.addi %mul3A_2, %add3A_846 : i32
    %broadcast_in_dim3A_848 = arith.constant 0 : i32
    %broadcast_in_dim3A_849 = vector.broadcast %broadcast_in_dim3A_848 : i32 to vector<16xi32>
    %get3A_850 = arith.constant 0 : index
    %get3A_851 = tpu.vector_load %arg11[%get3A_850] {strides = array<i32>} : memref<2048xi32, #tpu.memory_space<vmem>>, vector<16xi32>,
    %lt3A_852 = vector.broadcast %add3A_847 : i32 to vector<16xi32>
    %lt3A_853 = arith.cmpi slt, %get3A_851, %lt3A_852 : vector<16xi32>
    %convert_element_type3A_854 = arith.extui %lt3A_853 : vector<16xi1> to vector<16xi32>
    %add3A_855 = arith.addi %broadcast_in_dim3A_849, %convert_element_type3A_854 : vector<16xi32>
    %get3A_856 = arith.constant 16 : index
    %get3A_857 = tpu.vector_load %arg11[%get3A_856] {strides = array<i32>} : memref<2048xi32, #tpu.memory_space<vmem>>, vector<16xi32>,
    %lt3A_858 = vector.broadcast %add3A_847 : i32 to vector<16xi32>
    %lt3A_859 = arith.cmpi slt, %get3A_857, %lt3A_858 : vector<16xi32>
    %convert_element_type3A_860 = arith.extui %lt3A_859 : vector<16xi1> to vector<16xi32>
    %add3A_861 = arith.addi %add3A_855, %convert_element_type3A_860 : vector<16xi32>
    %get3A_862 = arith.constant 32 : index
    %get3A_863 = tpu.vector_load %arg11[%get3A_862] {strides = array<i32>} : memref<2048xi32, #tpu.memory_space<vmem>>, vector<16xi32>,
    %lt3A_864 = vector.broadcast %add3A_847 : i32 to vector<16xi32>
    %lt3A_865 = arith.cmpi slt, %get3A_863, %lt3A_864 : vector<16xi32>
    %convert_element_type3A_866 = arith.extui %lt3A_865 : vector<16xi1> to vector<16xi32>
    %add3A_867 = arith.addi %add3A_861, %convert_element_type3A_866 : vector<16xi32>
    %get3A_868 = arith.constant 48 : index
    %get3A_869 = tpu.vector_load %arg11[%get3A_868] {strides = array<i32>} : memref<2048xi32, #tpu.memory_space<vmem>>, vector<16xi32>,
    %lt3A_870 = vector.broadcast %add3A_847 : i32 to vector<16xi32>
    %lt3A_871 = arith.cmpi slt, %get3A_869, %lt3A_870 : vector<16xi32>
    %convert_element_type3A_872 = arith.extui %lt3A_871 : vector<16xi1> to vector<16xi32>
    %add3A_873 = arith.addi %add3A_867, %convert_element_type3A_872 : vector<16xi32>
    %get3A_874 = arith.constant 64 : index
    %get3A_875 = tpu.vector_load %arg11[%get3A_874] {strides = array<i32>} : memref<2048xi32, #tpu.memory_space<vmem>>, vector<16xi32>,
    %lt3A_876 = vector.broadcast %add3A_847 : i32 to vector<16xi32>
    %lt3A_877 = arith.cmpi slt, %get3A_875, %lt3A_876 : vector<16xi32>
    %convert_element_type3A_878 = arith.extui %lt3A_877 : vector<16xi1> to vector<16xi32>
    %add3A_879 = arith.addi %add3A_873, %convert_element_type3A_878 : vector<16xi32>
    %get3A_880 = arith.constant 80 : index
    %get3A_881 = tpu.vector_load %arg11[%get3A_880] {strides = array<i32>} : memref<2048xi32, #tpu.memory_space<vmem>>, vector<16xi32>,
    %lt3A_882 = vector.broadcast %add3A_847 : i32 to vector<16xi32>
    %lt3A_883 = arith.cmpi slt, %get3A_881, %lt3A_882 : vector<16xi32>
    %convert_element_type3A_884 = arith.extui %lt3A_883 : vector<16xi1> to vector<16xi32>
    %add3A_885 = arith.addi %add3A_879, %convert_element_type3A_884 : vector<16xi32>
    %get3A_886 = arith.constant 96 : index
    %get3A_887 = tpu.vector_load %arg11[%get3A_886] {strides = array<i32>} : memref<2048xi32, #tpu.memory_space<vmem>>, vector<16xi32>,
    %lt3A_888 = vector.broadcast %add3A_847 : i32 to vector<16xi32>
    %lt3A_889 = arith.cmpi slt, %get3A_887, %lt3A_888 : vector<16xi32>
    %convert_element_type3A_890 = arith.extui %lt3A_889 : vector<16xi1> to vector<16xi32>
    %add3A_891 = arith.addi %add3A_885, %convert_element_type3A_890 : vector<16xi32>
    %get3A_892 = arith.constant 112 : index
    %get3A_893 = tpu.vector_load %arg11[%get3A_892] {strides = array<i32>} : memref<2048xi32, #tpu.memory_space<vmem>>, vector<16xi32>,
    %lt3A_894 = vector.broadcast %add3A_847 : i32 to vector<16xi32>
    %lt3A_895 = arith.cmpi slt, %get3A_893, %lt3A_894 : vector<16xi32>
    %convert_element_type3A_896 = arith.extui %lt3A_895 : vector<16xi1> to vector<16xi32>
    %add3A_897 = arith.addi %add3A_891, %convert_element_type3A_896 : vector<16xi32>
    %get3A_898 = arith.constant 128 : index
    %get3A_899 = tpu.vector_load %arg11[%get3A_898] {strides = array<i32>} : memref<2048xi32, #tpu.memory_space<vmem>>, vector<16xi32>,
    %lt3A_900 = vector.broadcast %add3A_847 : i32 to vector<16xi32>
    %lt3A_901 = arith.cmpi slt, %get3A_899, %lt3A_900 : vector<16xi32>
    %convert_element_type3A_902 = arith.extui %lt3A_901 : vector<16xi1> to vector<16xi32>
    %add3A_903 = arith.addi %add3A_897, %convert_element_type3A_902 : vector<16xi32>
    %get3A_904 = arith.constant 144 : index
    %get3A_905 = tpu.vector_load %arg11[%get3A_904] {strides = array<i32>} : memref<2048xi32, #tpu.memory_space<vmem>>, vector<16xi32>,
    %lt3A_906 = vector.broadcast %add3A_847 : i32 to vector<16xi32>
    %lt3A_907 = arith.cmpi slt, %get3A_905, %lt3A_906 : vector<16xi32>
    %convert_element_type3A_908 = arith.extui %lt3A_907 : vector<16xi1> to vector<16xi32>
    %add3A_909 = arith.addi %add3A_903, %convert_element_type3A_908 : vector<16xi32>
    %get3A_910 = arith.constant 160 : index
    %get3A_911 = tpu.vector_load %arg11[%get3A_910] {strides = array<i32>} : memref<2048xi32, #tpu.memory_space<vmem>>, vector<16xi32>,
    %lt3A_912 = vector.broadcast %add3A_847 : i32 to vector<16xi32>
    %lt3A_913 = arith.cmpi slt, %get3A_911, %lt3A_912 : vector<16xi32>
    %convert_element_type3A_914 = arith.extui %lt3A_913 : vector<16xi1> to vector<16xi32>
    %add3A_915 = arith.addi %add3A_909, %convert_element_type3A_914 : vector<16xi32>
    %get3A_916 = arith.constant 176 : index
    %get3A_917 = tpu.vector_load %arg11[%get3A_916] {strides = array<i32>} : memref<2048xi32, #tpu.memory_space<vmem>>, vector<16xi32>,
    %lt3A_918 = vector.broadcast %add3A_847 : i32 to vector<16xi32>
    %lt3A_919 = arith.cmpi slt, %get3A_917, %lt3A_918 : vector<16xi32>
    %convert_element_type3A_920 = arith.extui %lt3A_919 : vector<16xi1> to vector<16xi32>
    %add3A_921 = arith.addi %add3A_915, %convert_element_type3A_920 : vector<16xi32>
    %get3A_922 = arith.constant 192 : index
    %get3A_923 = tpu.vector_load %arg11[%get3A_922] {strides = array<i32>} : memref<2048xi32, #tpu.memory_space<vmem>>, vector<16xi32>,
    %lt3A_924 = vector.broadcast %add3A_847 : i32 to vector<16xi32>
    %lt3A_925 = arith.cmpi slt, %get3A_923, %lt3A_924 : vector<16xi32>
    %convert_element_type3A_926 = arith.extui %lt3A_925 : vector<16xi1> to vector<16xi32>
    %add3A_927 = arith.addi %add3A_921, %convert_element_type3A_926 : vector<16xi32>
    %get3A_928 = arith.constant 208 : index
    %get3A_929 = tpu.vector_load %arg11[%get3A_928] {strides = array<i32>} : memref<2048xi32, #tpu.memory_space<vmem>>, vector<16xi32>,
    %lt3A_930 = vector.broadcast %add3A_847 : i32 to vector<16xi32>
    %lt3A_931 = arith.cmpi slt, %get3A_929, %lt3A_930 : vector<16xi32>
    %convert_element_type3A_932 = arith.extui %lt3A_931 : vector<16xi1> to vector<16xi32>
    %add3A_933 = arith.addi %add3A_927, %convert_element_type3A_932 : vector<16xi32>
    %get3A_934 = arith.constant 224 : index
    %get3A_935 = tpu.vector_load %arg11[%get3A_934] {strides = array<i32>} : memref<2048xi32, #tpu.memory_space<vmem>>, vector<16xi32>,
    %lt3A_936 = vector.broadcast %add3A_847 : i32 to vector<16xi32>
    %lt3A_937 = arith.cmpi slt, %get3A_935, %lt3A_936 : vector<16xi32>
    %convert_element_type3A_938 = arith.extui %lt3A_937 : vector<16xi1> to vector<16xi32>
    %add3A_939 = arith.addi %add3A_933, %convert_element_type3A_938 : vector<16xi32>
    %get3A_940 = arith.constant 240 : index
    %get3A_941 = tpu.vector_load %arg11[%get3A_940] {strides = array<i32>} : memref<2048xi32, #tpu.memory_space<vmem>>, vector<16xi32>,
    %lt3A_942 = vector.broadcast %add3A_847 : i32 to vector<16xi32>
    %lt3A_943 = arith.cmpi slt, %get3A_941, %lt3A_942 : vector<16xi32>
    %convert_element_type3A_944 = arith.extui %lt3A_943 : vector<16xi1> to vector<16xi32>
    %add3A_945 = arith.addi %add3A_939, %convert_element_type3A_944 : vector<16xi32>
    %get3A_946 = arith.constant 256 : index
    %get3A_947 = tpu.vector_load %arg11[%get3A_946] {strides = array<i32>} : memref<2048xi32, #tpu.memory_space<vmem>>, vector<16xi32>,
    %lt3A_948 = vector.broadcast %add3A_847 : i32 to vector<16xi32>
    %lt3A_949 = arith.cmpi slt, %get3A_947, %lt3A_948 : vector<16xi32>
    %convert_element_type3A_950 = arith.extui %lt3A_949 : vector<16xi1> to vector<16xi32>
    %add3A_951 = arith.addi %add3A_945, %convert_element_type3A_950 : vector<16xi32>
    %get3A_952 = arith.constant 272 : index
    %get3A_953 = tpu.vector_load %arg11[%get3A_952] {strides = array<i32>} : memref<2048xi32, #tpu.memory_space<vmem>>, vector<16xi32>,
    %lt3A_954 = vector.broadcast %add3A_847 : i32 to vector<16xi32>
    %lt3A_955 = arith.cmpi slt, %get3A_953, %lt3A_954 : vector<16xi32>
    %convert_element_type3A_956 = arith.extui %lt3A_955 : vector<16xi1> to vector<16xi32>
    %add3A_957 = arith.addi %add3A_951, %convert_element_type3A_956 : vector<16xi32>
    %get3A_958 = arith.constant 288 : index
    %get3A_959 = tpu.vector_load %arg11[%get3A_958] {strides = array<i32>} : memref<2048xi32, #tpu.memory_space<vmem>>, vector<16xi32>,
    %lt3A_960 = vector.broadcast %add3A_847 : i32 to vector<16xi32>
    %lt3A_961 = arith.cmpi slt, %get3A_959, %lt3A_960 : vector<16xi32>
    %convert_element_type3A_962 = arith.extui %lt3A_961 : vector<16xi1> to vector<16xi32>
    %add3A_963 = arith.addi %add3A_957, %convert_element_type3A_962 : vector<16xi32>
    %get3A_964 = arith.constant 304 : index
    %get3A_965 = tpu.vector_load %arg11[%get3A_964] {strides = array<i32>} : memref<2048xi32, #tpu.memory_space<vmem>>, vector<16xi32>,
    %lt3A_966 = vector.broadcast %add3A_847 : i32 to vector<16xi32>
    %lt3A_967 = arith.cmpi slt, %get3A_965, %lt3A_966 : vector<16xi32>
    %convert_element_type3A_968 = arith.extui %lt3A_967 : vector<16xi1> to vector<16xi32>
    %add3A_969 = arith.addi %add3A_963, %convert_element_type3A_968 : vector<16xi32>
    %get3A_970 = arith.constant 320 : index
    %get3A_971 = tpu.vector_load %arg11[%get3A_970] {strides = array<i32>} : memref<2048xi32, #tpu.memory_space<vmem>>, vector<16xi32>,
    %lt3A_972 = vector.broadcast %add3A_847 : i32 to vector<16xi32>
    %lt3A_973 = arith.cmpi slt, %get3A_971, %lt3A_972 : vector<16xi32>
    %convert_element_type3A_974 = arith.extui %lt3A_973 : vector<16xi1> to vector<16xi32>
    %add3A_975 = arith.addi %add3A_969, %convert_element_type3A_974 : vector<16xi32>
    %get3A_976 = arith.constant 336 : index
    %get3A_977 = tpu.vector_load %arg11[%get3A_976] {strides = array<i32>} : memref<2048xi32, #tpu.memory_space<vmem>>, vector<16xi32>,
    %lt3A_978 = vector.broadcast %add3A_847 : i32 to vector<16xi32>
    %lt3A_979 = arith.cmpi slt, %get3A_977, %lt3A_978 : vector<16xi32>
    %convert_element_type3A_980 = arith.extui %lt3A_979 : vector<16xi1> to vector<16xi32>
    %add3A_981 = arith.addi %add3A_975, %convert_element_type3A_980 : vector<16xi32>
    %get3A_982 = arith.constant 352 : index
    %get3A_983 = tpu.vector_load %arg11[%get3A_982] {strides = array<i32>} : memref<2048xi32, #tpu.memory_space<vmem>>, vector<16xi32>,
    %lt3A_984 = vector.broadcast %add3A_847 : i32 to vector<16xi32>
    %lt3A_985 = arith.cmpi slt, %get3A_983, %lt3A_984 : vector<16xi32>
    %convert_element_type3A_986 = arith.extui %lt3A_985 : vector<16xi1> to vector<16xi32>
    %add3A_987 = arith.addi %add3A_981, %convert_element_type3A_986 : vector<16xi32>
    %get3A_988 = arith.constant 368 : index
    %get3A_989 = tpu.vector_load %arg11[%get3A_988] {strides = array<i32>} : memref<2048xi32, #tpu.memory_space<vmem>>, vector<16xi32>,
    %lt3A_990 = vector.broadcast %add3A_847 : i32 to vector<16xi32>
    %lt3A_991 = arith.cmpi slt, %get3A_989, %lt3A_990 : vector<16xi32>
    %convert_element_type3A_992 = arith.extui %lt3A_991 : vector<16xi1> to vector<16xi32>
    %add3A_993 = arith.addi %add3A_987, %convert_element_type3A_992 : vector<16xi32>
    %get3A_994 = arith.constant 384 : index
    %get3A_995 = tpu.vector_load %arg11[%get3A_994] {strides = array<i32>} : memref<2048xi32, #tpu.memory_space<vmem>>, vector<16xi32>,
    %lt3A_996 = vector.broadcast %add3A_847 : i32 to vector<16xi32>
    %lt3A_997 = arith.cmpi slt, %get3A_995, %lt3A_996 : vector<16xi32>
    %convert_element_type3A_998 = arith.extui %lt3A_997 : vector<16xi1> to vector<16xi32>
    %add3A_999 = arith.addi %add3A_993, %convert_element_type3A_998 : vector<16xi32>
    %get3A_1000 = arith.constant 400 : index
    %get3A_1001 = tpu.vector_load %arg11[%get3A_1000] {strides = array<i32>} : memref<2048xi32, #tpu.memory_space<vmem>>, vector<16xi32>,
    %lt3A_1002 = vector.broadcast %add3A_847 : i32 to vector<16xi32>
    %lt3A_1003 = arith.cmpi slt, %get3A_1001, %lt3A_1002 : vector<16xi32>
    %convert_element_type3A_1004 = arith.extui %lt3A_1003 : vector<16xi1> to vector<16xi32>
    %add3A_1005 = arith.addi %add3A_999, %convert_element_type3A_1004 : vector<16xi32>
    %get3A_1006 = arith.constant 416 : index
    %get3A_1007 = tpu.vector_load %arg11[%get3A_1006] {strides = array<i32>} : memref<2048xi32, #tpu.memory_space<vmem>>, vector<16xi32>,
    %lt3A_1008 = vector.broadcast %add3A_847 : i32 to vector<16xi32>
    %lt3A_1009 = arith.cmpi slt, %get3A_1007, %lt3A_1008 : vector<16xi32>
    %convert_element_type3A_1010 = arith.extui %lt3A_1009 : vector<16xi1> to vector<16xi32>
    %add3A_1011 = arith.addi %add3A_1005, %convert_element_type3A_1010 : vector<16xi32>
    %get3A_1012 = arith.constant 432 : index
    %get3A_1013 = tpu.vector_load %arg11[%get3A_1012] {strides = array<i32>} : memref<2048xi32, #tpu.memory_space<vmem>>, vector<16xi32>,
    %lt3A_1014 = vector.broadcast %add3A_847 : i32 to vector<16xi32>
    %lt3A_1015 = arith.cmpi slt, %get3A_1013, %lt3A_1014 : vector<16xi32>
    %convert_element_type3A_1016 = arith.extui %lt3A_1015 : vector<16xi1> to vector<16xi32>
    %add3A_1017 = arith.addi %add3A_1011, %convert_element_type3A_1016 : vector<16xi32>
    %get3A_1018 = arith.constant 448 : index
    %get3A_1019 = tpu.vector_load %arg11[%get3A_1018] {strides = array<i32>} : memref<2048xi32, #tpu.memory_space<vmem>>, vector<16xi32>,
    %lt3A_1020 = vector.broadcast %add3A_847 : i32 to vector<16xi32>
    %lt3A_1021 = arith.cmpi slt, %get3A_1019, %lt3A_1020 : vector<16xi32>
    %convert_element_type3A_1022 = arith.extui %lt3A_1021 : vector<16xi1> to vector<16xi32>
    %add3A_1023 = arith.addi %add3A_1017, %convert_element_type3A_1022 : vector<16xi32>
    %get3A_1024 = arith.constant 464 : index
    %get3A_1025 = tpu.vector_load %arg11[%get3A_1024] {strides = array<i32>} : memref<2048xi32, #tpu.memory_space<vmem>>, vector<16xi32>,
    %lt3A_1026 = vector.broadcast %add3A_847 : i32 to vector<16xi32>
    %lt3A_1027 = arith.cmpi slt, %get3A_1025, %lt3A_1026 : vector<16xi32>
    %convert_element_type3A_1028 = arith.extui %lt3A_1027 : vector<16xi1> to vector<16xi32>
    %add3A_1029 = arith.addi %add3A_1023, %convert_element_type3A_1028 : vector<16xi32>
    %get3A_1030 = arith.constant 480 : index
    %get3A_1031 = tpu.vector_load %arg11[%get3A_1030] {strides = array<i32>} : memref<2048xi32, #tpu.memory_space<vmem>>, vector<16xi32>,
    %lt3A_1032 = vector.broadcast %add3A_847 : i32 to vector<16xi32>
    %lt3A_1033 = arith.cmpi slt, %get3A_1031, %lt3A_1032 : vector<16xi32>
    %convert_element_type3A_1034 = arith.extui %lt3A_1033 : vector<16xi1> to vector<16xi32>
    %add3A_1035 = arith.addi %add3A_1029, %convert_element_type3A_1034 : vector<16xi32>
    %get3A_1036 = arith.constant 496 : index
    %get3A_1037 = tpu.vector_load %arg11[%get3A_1036] {strides = array<i32>} : memref<2048xi32, #tpu.memory_space<vmem>>, vector<16xi32>,
    %lt3A_1038 = vector.broadcast %add3A_847 : i32 to vector<16xi32>
    %lt3A_1039 = arith.cmpi slt, %get3A_1037, %lt3A_1038 : vector<16xi32>
    %convert_element_type3A_1040 = arith.extui %lt3A_1039 : vector<16xi1> to vector<16xi32>
    %add3A_1041 = arith.addi %add3A_1035, %convert_element_type3A_1040 : vector<16xi32>
    %get3A_1042 = arith.constant 512 : index
    %get3A_1043 = tpu.vector_load %arg11[%get3A_1042] {strides = array<i32>} : memref<2048xi32, #tpu.memory_space<vmem>>, vector<16xi32>,
    %lt3A_1044 = vector.broadcast %add3A_847 : i32 to vector<16xi32>
    %lt3A_1045 = arith.cmpi slt, %get3A_1043, %lt3A_1044 : vector<16xi32>
    %convert_element_type3A_1046 = arith.extui %lt3A_1045 : vector<16xi1> to vector<16xi32>
    %add3A_1047 = arith.addi %add3A_1041, %convert_element_type3A_1046 : vector<16xi32>
    %get3A_1048 = arith.constant 528 : index
    %get3A_1049 = tpu.vector_load %arg11[%get3A_1048] {strides = array<i32>} : memref<2048xi32, #tpu.memory_space<vmem>>, vector<16xi32>,
    %lt3A_1050 = vector.broadcast %add3A_847 : i32 to vector<16xi32>
    %lt3A_1051 = arith.cmpi slt, %get3A_1049, %lt3A_1050 : vector<16xi32>
    %convert_element_type3A_1052 = arith.extui %lt3A_1051 : vector<16xi1> to vector<16xi32>
    %add3A_1053 = arith.addi %add3A_1047, %convert_element_type3A_1052 : vector<16xi32>
    %get3A_1054 = arith.constant 544 : index
    %get3A_1055 = tpu.vector_load %arg11[%get3A_1054] {strides = array<i32>} : memref<2048xi32, #tpu.memory_space<vmem>>, vector<16xi32>,
    %lt3A_1056 = vector.broadcast %add3A_847 : i32 to vector<16xi32>
    %lt3A_1057 = arith.cmpi slt, %get3A_1055, %lt3A_1056 : vector<16xi32>
    %convert_element_type3A_1058 = arith.extui %lt3A_1057 : vector<16xi1> to vector<16xi32>
    %add3A_1059 = arith.addi %add3A_1053, %convert_element_type3A_1058 : vector<16xi32>
    %get3A_1060 = arith.constant 560 : index
    %get3A_1061 = tpu.vector_load %arg11[%get3A_1060] {strides = array<i32>} : memref<2048xi32, #tpu.memory_space<vmem>>, vector<16xi32>,
    %lt3A_1062 = vector.broadcast %add3A_847 : i32 to vector<16xi32>
    %lt3A_1063 = arith.cmpi slt, %get3A_1061, %lt3A_1062 : vector<16xi32>
    %convert_element_type3A_1064 = arith.extui %lt3A_1063 : vector<16xi1> to vector<16xi32>
    %add3A_1065 = arith.addi %add3A_1059, %convert_element_type3A_1064 : vector<16xi32>
    %get3A_1066 = arith.constant 576 : index
    %get3A_1067 = tpu.vector_load %arg11[%get3A_1066] {strides = array<i32>} : memref<2048xi32, #tpu.memory_space<vmem>>, vector<16xi32>,
    %lt3A_1068 = vector.broadcast %add3A_847 : i32 to vector<16xi32>
    %lt3A_1069 = arith.cmpi slt, %get3A_1067, %lt3A_1068 : vector<16xi32>
    %convert_element_type3A_1070 = arith.extui %lt3A_1069 : vector<16xi1> to vector<16xi32>
    %add3A_1071 = arith.addi %add3A_1065, %convert_element_type3A_1070 : vector<16xi32>
    %get3A_1072 = arith.constant 592 : index
    %get3A_1073 = tpu.vector_load %arg11[%get3A_1072] {strides = array<i32>} : memref<2048xi32, #tpu.memory_space<vmem>>, vector<16xi32>,
    %lt3A_1074 = vector.broadcast %add3A_847 : i32 to vector<16xi32>
    %lt3A_1075 = arith.cmpi slt, %get3A_1073, %lt3A_1074 : vector<16xi32>
    %convert_element_type3A_1076 = arith.extui %lt3A_1075 : vector<16xi1> to vector<16xi32>
    %add3A_1077 = arith.addi %add3A_1071, %convert_element_type3A_1076 : vector<16xi32>
    %get3A_1078 = arith.constant 608 : index
    %get3A_1079 = tpu.vector_load %arg11[%get3A_1078] {strides = array<i32>} : memref<2048xi32, #tpu.memory_space<vmem>>, vector<16xi32>,
    %lt3A_1080 = vector.broadcast %add3A_847 : i32 to vector<16xi32>
    %lt3A_1081 = arith.cmpi slt, %get3A_1079, %lt3A_1080 : vector<16xi32>
    %convert_element_type3A_1082 = arith.extui %lt3A_1081 : vector<16xi1> to vector<16xi32>
    %add3A_1083 = arith.addi %add3A_1077, %convert_element_type3A_1082 : vector<16xi32>
    %get3A_1084 = arith.constant 624 : index
    %get3A_1085 = tpu.vector_load %arg11[%get3A_1084] {strides = array<i32>} : memref<2048xi32, #tpu.memory_space<vmem>>, vector<16xi32>,
    %lt3A_1086 = vector.broadcast %add3A_847 : i32 to vector<16xi32>
    %lt3A_1087 = arith.cmpi slt, %get3A_1085, %lt3A_1086 : vector<16xi32>
    %convert_element_type3A_1088 = arith.extui %lt3A_1087 : vector<16xi1> to vector<16xi32>
    %add3A_1089 = arith.addi %add3A_1083, %convert_element_type3A_1088 : vector<16xi32>
    %get3A_1090 = arith.constant 640 : index
    %get3A_1091 = tpu.vector_load %arg11[%get3A_1090] {strides = array<i32>} : memref<2048xi32, #tpu.memory_space<vmem>>, vector<16xi32>,
    %lt3A_1092 = vector.broadcast %add3A_847 : i32 to vector<16xi32>
    %lt3A_1093 = arith.cmpi slt, %get3A_1091, %lt3A_1092 : vector<16xi32>
    %convert_element_type3A_1094 = arith.extui %lt3A_1093 : vector<16xi1> to vector<16xi32>
    %add3A_1095 = arith.addi %add3A_1089, %convert_element_type3A_1094 : vector<16xi32>
    %get3A_1096 = arith.constant 656 : index
    %get3A_1097 = tpu.vector_load %arg11[%get3A_1096] {strides = array<i32>} : memref<2048xi32, #tpu.memory_space<vmem>>, vector<16xi32>,
    %lt3A_1098 = vector.broadcast %add3A_847 : i32 to vector<16xi32>
    %lt3A_1099 = arith.cmpi slt, %get3A_1097, %lt3A_1098 : vector<16xi32>
    %convert_element_type3A_1100 = arith.extui %lt3A_1099 : vector<16xi1> to vector<16xi32>
    %add3A_1101 = arith.addi %add3A_1095, %convert_element_type3A_1100 : vector<16xi32>
    %get3A_1102 = arith.constant 672 : index
    %get3A_1103 = tpu.vector_load %arg11[%get3A_1102] {strides = array<i32>} : memref<2048xi32, #tpu.memory_space<vmem>>, vector<16xi32>,
    %lt3A_1104 = vector.broadcast %add3A_847 : i32 to vector<16xi32>
    %lt3A_1105 = arith.cmpi slt, %get3A_1103, %lt3A_1104 : vector<16xi32>
    %convert_element_type3A_1106 = arith.extui %lt3A_1105 : vector<16xi1> to vector<16xi32>
    %add3A_1107 = arith.addi %add3A_1101, %convert_element_type3A_1106 : vector<16xi32>
    %get3A_1108 = arith.constant 688 : index
    %get3A_1109 = tpu.vector_load %arg11[%get3A_1108] {strides = array<i32>} : memref<2048xi32, #tpu.memory_space<vmem>>, vector<16xi32>,
    %lt3A_1110 = vector.broadcast %add3A_847 : i32 to vector<16xi32>
    %lt3A_1111 = arith.cmpi slt, %get3A_1109, %lt3A_1110 : vector<16xi32>
    %convert_element_type3A_1112 = arith.extui %lt3A_1111 : vector<16xi1> to vector<16xi32>
    %add3A_1113 = arith.addi %add3A_1107, %convert_element_type3A_1112 : vector<16xi32>
    %get3A_1114 = arith.constant 704 : index
    %get3A_1115 = tpu.vector_load %arg11[%get3A_1114] {strides = array<i32>} : memref<2048xi32, #tpu.memory_space<vmem>>, vector<16xi32>,
    %lt3A_1116 = vector.broadcast %add3A_847 : i32 to vector<16xi32>
    %lt3A_1117 = arith.cmpi slt, %get3A_1115, %lt3A_1116 : vector<16xi32>
    %convert_element_type3A_1118 = arith.extui %lt3A_1117 : vector<16xi1> to vector<16xi32>
    %add3A_1119 = arith.addi %add3A_1113, %convert_element_type3A_1118 : vector<16xi32>
    %get3A_1120 = arith.constant 720 : index
    %get3A_1121 = tpu.vector_load %arg11[%get3A_1120] {strides = array<i32>} : memref<2048xi32, #tpu.memory_space<vmem>>, vector<16xi32>,
    %lt3A_1122 = vector.broadcast %add3A_847 : i32 to vector<16xi32>
    %lt3A_1123 = arith.cmpi slt, %get3A_1121, %lt3A_1122 : vector<16xi32>
    %convert_element_type3A_1124 = arith.extui %lt3A_1123 : vector<16xi1> to vector<16xi32>
    %add3A_1125 = arith.addi %add3A_1119, %convert_element_type3A_1124 : vector<16xi32>
    %get3A_1126 = arith.constant 736 : index
    %get3A_1127 = tpu.vector_load %arg11[%get3A_1126] {strides = array<i32>} : memref<2048xi32, #tpu.memory_space<vmem>>, vector<16xi32>,
    %lt3A_1128 = vector.broadcast %add3A_847 : i32 to vector<16xi32>
    %lt3A_1129 = arith.cmpi slt, %get3A_1127, %lt3A_1128 : vector<16xi32>
    %convert_element_type3A_1130 = arith.extui %lt3A_1129 : vector<16xi1> to vector<16xi32>
    %add3A_1131 = arith.addi %add3A_1125, %convert_element_type3A_1130 : vector<16xi32>
    %get3A_1132 = arith.constant 752 : index
    %get3A_1133 = tpu.vector_load %arg11[%get3A_1132] {strides = array<i32>} : memref<2048xi32, #tpu.memory_space<vmem>>, vector<16xi32>,
    %lt3A_1134 = vector.broadcast %add3A_847 : i32 to vector<16xi32>
    %lt3A_1135 = arith.cmpi slt, %get3A_1133, %lt3A_1134 : vector<16xi32>
    %convert_element_type3A_1136 = arith.extui %lt3A_1135 : vector<16xi1> to vector<16xi32>
    %add3A_1137 = arith.addi %add3A_1131, %convert_element_type3A_1136 : vector<16xi32>
    %get3A_1138 = arith.constant 768 : index
    %get3A_1139 = tpu.vector_load %arg11[%get3A_1138] {strides = array<i32>} : memref<2048xi32, #tpu.memory_space<vmem>>, vector<16xi32>,
    %lt3A_1140 = vector.broadcast %add3A_847 : i32 to vector<16xi32>
    %lt3A_1141 = arith.cmpi slt, %get3A_1139, %lt3A_1140 : vector<16xi32>
    %convert_element_type3A_1142 = arith.extui %lt3A_1141 : vector<16xi1> to vector<16xi32>
    %add3A_1143 = arith.addi %add3A_1137, %convert_element_type3A_1142 : vector<16xi32>
    %get3A_1144 = arith.constant 784 : index
    %get3A_1145 = tpu.vector_load %arg11[%get3A_1144] {strides = array<i32>} : memref<2048xi32, #tpu.memory_space<vmem>>, vector<16xi32>,
    %lt3A_1146 = vector.broadcast %add3A_847 : i32 to vector<16xi32>
    %lt3A_1147 = arith.cmpi slt, %get3A_1145, %lt3A_1146 : vector<16xi32>
    %convert_element_type3A_1148 = arith.extui %lt3A_1147 : vector<16xi1> to vector<16xi32>
    %add3A_1149 = arith.addi %add3A_1143, %convert_element_type3A_1148 : vector<16xi32>
    %get3A_1150 = arith.constant 800 : index
    %get3A_1151 = tpu.vector_load %arg11[%get3A_1150] {strides = array<i32>} : memref<2048xi32, #tpu.memory_space<vmem>>, vector<16xi32>,
    %lt3A_1152 = vector.broadcast %add3A_847 : i32 to vector<16xi32>
    %lt3A_1153 = arith.cmpi slt, %get3A_1151, %lt3A_1152 : vector<16xi32>
    %convert_element_type3A_1154 = arith.extui %lt3A_1153 : vector<16xi1> to vector<16xi32>
    %add3A_1155 = arith.addi %add3A_1149, %convert_element_type3A_1154 : vector<16xi32>
    %get3A_1156 = arith.constant 816 : index
    %get3A_1157 = tpu.vector_load %arg11[%get3A_1156] {strides = array<i32>} : memref<2048xi32, #tpu.memory_space<vmem>>, vector<16xi32>,
    %lt3A_1158 = vector.broadcast %add3A_847 : i32 to vector<16xi32>
    %lt3A_1159 = arith.cmpi slt, %get3A_1157, %lt3A_1158 : vector<16xi32>
    %convert_element_type3A_1160 = arith.extui %lt3A_1159 : vector<16xi1> to vector<16xi32>
    %add3A_1161 = arith.addi %add3A_1155, %convert_element_type3A_1160 : vector<16xi32>
    %get3A_1162 = arith.constant 832 : index
    %get3A_1163 = tpu.vector_load %arg11[%get3A_1162] {strides = array<i32>} : memref<2048xi32, #tpu.memory_space<vmem>>, vector<16xi32>,
    %lt3A_1164 = vector.broadcast %add3A_847 : i32 to vector<16xi32>
    %lt3A_1165 = arith.cmpi slt, %get3A_1163, %lt3A_1164 : vector<16xi32>
    %convert_element_type3A_1166 = arith.extui %lt3A_1165 : vector<16xi1> to vector<16xi32>
    %add3A_1167 = arith.addi %add3A_1161, %convert_element_type3A_1166 : vector<16xi32>
    %get3A_1168 = arith.constant 848 : index
    %get3A_1169 = tpu.vector_load %arg11[%get3A_1168] {strides = array<i32>} : memref<2048xi32, #tpu.memory_space<vmem>>, vector<16xi32>,
    %lt3A_1170 = vector.broadcast %add3A_847 : i32 to vector<16xi32>
    %lt3A_1171 = arith.cmpi slt, %get3A_1169, %lt3A_1170 : vector<16xi32>
    %convert_element_type3A_1172 = arith.extui %lt3A_1171 : vector<16xi1> to vector<16xi32>
    %add3A_1173 = arith.addi %add3A_1167, %convert_element_type3A_1172 : vector<16xi32>
    %get3A_1174 = arith.constant 864 : index
    %get3A_1175 = tpu.vector_load %arg11[%get3A_1174] {strides = array<i32>} : memref<2048xi32, #tpu.memory_space<vmem>>, vector<16xi32>,
    %lt3A_1176 = vector.broadcast %add3A_847 : i32 to vector<16xi32>
    %lt3A_1177 = arith.cmpi slt, %get3A_1175, %lt3A_1176 : vector<16xi32>
    %convert_element_type3A_1178 = arith.extui %lt3A_1177 : vector<16xi1> to vector<16xi32>
    %add3A_1179 = arith.addi %add3A_1173, %convert_element_type3A_1178 : vector<16xi32>
    %get3A_1180 = arith.constant 880 : index
    %get3A_1181 = tpu.vector_load %arg11[%get3A_1180] {strides = array<i32>} : memref<2048xi32, #tpu.memory_space<vmem>>, vector<16xi32>,
    %lt3A_1182 = vector.broadcast %add3A_847 : i32 to vector<16xi32>
    %lt3A_1183 = arith.cmpi slt, %get3A_1181, %lt3A_1182 : vector<16xi32>
    %convert_element_type3A_1184 = arith.extui %lt3A_1183 : vector<16xi1> to vector<16xi32>
    %add3A_1185 = arith.addi %add3A_1179, %convert_element_type3A_1184 : vector<16xi32>
    %get3A_1186 = arith.constant 896 : index
    %get3A_1187 = tpu.vector_load %arg11[%get3A_1186] {strides = array<i32>} : memref<2048xi32, #tpu.memory_space<vmem>>, vector<16xi32>,
    %lt3A_1188 = vector.broadcast %add3A_847 : i32 to vector<16xi32>
    %lt3A_1189 = arith.cmpi slt, %get3A_1187, %lt3A_1188 : vector<16xi32>
    %convert_element_type3A_1190 = arith.extui %lt3A_1189 : vector<16xi1> to vector<16xi32>
    %add3A_1191 = arith.addi %add3A_1185, %convert_element_type3A_1190 : vector<16xi32>
    %get3A_1192 = arith.constant 912 : index
    %get3A_1193 = tpu.vector_load %arg11[%get3A_1192] {strides = array<i32>} : memref<2048xi32, #tpu.memory_space<vmem>>, vector<16xi32>,
    %lt3A_1194 = vector.broadcast %add3A_847 : i32 to vector<16xi32>
    %lt3A_1195 = arith.cmpi slt, %get3A_1193, %lt3A_1194 : vector<16xi32>
    %convert_element_type3A_1196 = arith.extui %lt3A_1195 : vector<16xi1> to vector<16xi32>
    %add3A_1197 = arith.addi %add3A_1191, %convert_element_type3A_1196 : vector<16xi32>
    %get3A_1198 = arith.constant 928 : index
    %get3A_1199 = tpu.vector_load %arg11[%get3A_1198] {strides = array<i32>} : memref<2048xi32, #tpu.memory_space<vmem>>, vector<16xi32>,
    %lt3A_1200 = vector.broadcast %add3A_847 : i32 to vector<16xi32>
    %lt3A_1201 = arith.cmpi slt, %get3A_1199, %lt3A_1200 : vector<16xi32>
    %convert_element_type3A_1202 = arith.extui %lt3A_1201 : vector<16xi1> to vector<16xi32>
    %add3A_1203 = arith.addi %add3A_1197, %convert_element_type3A_1202 : vector<16xi32>
    %get3A_1204 = arith.constant 944 : index
    %get3A_1205 = tpu.vector_load %arg11[%get3A_1204] {strides = array<i32>} : memref<2048xi32, #tpu.memory_space<vmem>>, vector<16xi32>,
    %lt3A_1206 = vector.broadcast %add3A_847 : i32 to vector<16xi32>
    %lt3A_1207 = arith.cmpi slt, %get3A_1205, %lt3A_1206 : vector<16xi32>
    %convert_element_type3A_1208 = arith.extui %lt3A_1207 : vector<16xi1> to vector<16xi32>
    %add3A_1209 = arith.addi %add3A_1203, %convert_element_type3A_1208 : vector<16xi32>
    %get3A_1210 = arith.constant 960 : index
    %get3A_1211 = tpu.vector_load %arg11[%get3A_1210] {strides = array<i32>} : memref<2048xi32, #tpu.memory_space<vmem>>, vector<16xi32>,
    %lt3A_1212 = vector.broadcast %add3A_847 : i32 to vector<16xi32>
    %lt3A_1213 = arith.cmpi slt, %get3A_1211, %lt3A_1212 : vector<16xi32>
    %convert_element_type3A_1214 = arith.extui %lt3A_1213 : vector<16xi1> to vector<16xi32>
    %add3A_1215 = arith.addi %add3A_1209, %convert_element_type3A_1214 : vector<16xi32>
    %get3A_1216 = arith.constant 976 : index
    %get3A_1217 = tpu.vector_load %arg11[%get3A_1216] {strides = array<i32>} : memref<2048xi32, #tpu.memory_space<vmem>>, vector<16xi32>,
    %lt3A_1218 = vector.broadcast %add3A_847 : i32 to vector<16xi32>
    %lt3A_1219 = arith.cmpi slt, %get3A_1217, %lt3A_1218 : vector<16xi32>
    %convert_element_type3A_1220 = arith.extui %lt3A_1219 : vector<16xi1> to vector<16xi32>
    %add3A_1221 = arith.addi %add3A_1215, %convert_element_type3A_1220 : vector<16xi32>
    %get3A_1222 = arith.constant 992 : index
    %get3A_1223 = tpu.vector_load %arg11[%get3A_1222] {strides = array<i32>} : memref<2048xi32, #tpu.memory_space<vmem>>, vector<16xi32>,
    %lt3A_1224 = vector.broadcast %add3A_847 : i32 to vector<16xi32>
    %lt3A_1225 = arith.cmpi slt, %get3A_1223, %lt3A_1224 : vector<16xi32>
    %convert_element_type3A_1226 = arith.extui %lt3A_1225 : vector<16xi1> to vector<16xi32>
    %add3A_1227 = arith.addi %add3A_1221, %convert_element_type3A_1226 : vector<16xi32>
    %get3A_1228 = arith.constant 1008 : index
    %get3A_1229 = tpu.vector_load %arg11[%get3A_1228] {strides = array<i32>} : memref<2048xi32, #tpu.memory_space<vmem>>, vector<16xi32>,
    %lt3A_1230 = vector.broadcast %add3A_847 : i32 to vector<16xi32>
    %lt3A_1231 = arith.cmpi slt, %get3A_1229, %lt3A_1230 : vector<16xi32>
    %convert_element_type3A_1232 = arith.extui %lt3A_1231 : vector<16xi1> to vector<16xi32>
    %add3A_1233 = arith.addi %add3A_1227, %convert_element_type3A_1232 : vector<16xi32>
    %get3A_1234 = arith.constant 1024 : index
    %get3A_1235 = tpu.vector_load %arg11[%get3A_1234] {strides = array<i32>} : memref<2048xi32, #tpu.memory_space<vmem>>, vector<16xi32>,
    %lt3A_1236 = vector.broadcast %add3A_847 : i32 to vector<16xi32>
    %lt3A_1237 = arith.cmpi slt, %get3A_1235, %lt3A_1236 : vector<16xi32>
    %convert_element_type3A_1238 = arith.extui %lt3A_1237 : vector<16xi1> to vector<16xi32>
    %add3A_1239 = arith.addi %add3A_1233, %convert_element_type3A_1238 : vector<16xi32>
    %get3A_1240 = arith.constant 1040 : index
    %get3A_1241 = tpu.vector_load %arg11[%get3A_1240] {strides = array<i32>} : memref<2048xi32, #tpu.memory_space<vmem>>, vector<16xi32>,
    %lt3A_1242 = vector.broadcast %add3A_847 : i32 to vector<16xi32>
    %lt3A_1243 = arith.cmpi slt, %get3A_1241, %lt3A_1242 : vector<16xi32>
    %convert_element_type3A_1244 = arith.extui %lt3A_1243 : vector<16xi1> to vector<16xi32>
    %add3A_1245 = arith.addi %add3A_1239, %convert_element_type3A_1244 : vector<16xi32>
    %get3A_1246 = arith.constant 1056 : index
    %get3A_1247 = tpu.vector_load %arg11[%get3A_1246] {strides = array<i32>} : memref<2048xi32, #tpu.memory_space<vmem>>, vector<16xi32>,
    %lt3A_1248 = vector.broadcast %add3A_847 : i32 to vector<16xi32>
    %lt3A_1249 = arith.cmpi slt, %get3A_1247, %lt3A_1248 : vector<16xi32>
    %convert_element_type3A_1250 = arith.extui %lt3A_1249 : vector<16xi1> to vector<16xi32>
    %add3A_1251 = arith.addi %add3A_1245, %convert_element_type3A_1250 : vector<16xi32>
    %get3A_1252 = arith.constant 1072 : index
    %get3A_1253 = tpu.vector_load %arg11[%get3A_1252] {strides = array<i32>} : memref<2048xi32, #tpu.memory_space<vmem>>, vector<16xi32>,
    %lt3A_1254 = vector.broadcast %add3A_847 : i32 to vector<16xi32>
    %lt3A_1255 = arith.cmpi slt, %get3A_1253, %lt3A_1254 : vector<16xi32>
    %convert_element_type3A_1256 = arith.extui %lt3A_1255 : vector<16xi1> to vector<16xi32>
    %add3A_1257 = arith.addi %add3A_1251, %convert_element_type3A_1256 : vector<16xi32>
    %get3A_1258 = arith.constant 1088 : index
    %get3A_1259 = tpu.vector_load %arg11[%get3A_1258] {strides = array<i32>} : memref<2048xi32, #tpu.memory_space<vmem>>, vector<16xi32>,
    %lt3A_1260 = vector.broadcast %add3A_847 : i32 to vector<16xi32>
    %lt3A_1261 = arith.cmpi slt, %get3A_1259, %lt3A_1260 : vector<16xi32>
    %convert_element_type3A_1262 = arith.extui %lt3A_1261 : vector<16xi1> to vector<16xi32>
    %add3A_1263 = arith.addi %add3A_1257, %convert_element_type3A_1262 : vector<16xi32>
    %get3A_1264 = arith.constant 1104 : index
    %get3A_1265 = tpu.vector_load %arg11[%get3A_1264] {strides = array<i32>} : memref<2048xi32, #tpu.memory_space<vmem>>, vector<16xi32>,
    %lt3A_1266 = vector.broadcast %add3A_847 : i32 to vector<16xi32>
    %lt3A_1267 = arith.cmpi slt, %get3A_1265, %lt3A_1266 : vector<16xi32>
    %convert_element_type3A_1268 = arith.extui %lt3A_1267 : vector<16xi1> to vector<16xi32>
    %add3A_1269 = arith.addi %add3A_1263, %convert_element_type3A_1268 : vector<16xi32>
    %get3A_1270 = arith.constant 1120 : index
    %get3A_1271 = tpu.vector_load %arg11[%get3A_1270] {strides = array<i32>} : memref<2048xi32, #tpu.memory_space<vmem>>, vector<16xi32>,
    %lt3A_1272 = vector.broadcast %add3A_847 : i32 to vector<16xi32>
    %lt3A_1273 = arith.cmpi slt, %get3A_1271, %lt3A_1272 : vector<16xi32>
    %convert_element_type3A_1274 = arith.extui %lt3A_1273 : vector<16xi1> to vector<16xi32>
    %add3A_1275 = arith.addi %add3A_1269, %convert_element_type3A_1274 : vector<16xi32>
    %get3A_1276 = arith.constant 1136 : index
    %get3A_1277 = tpu.vector_load %arg11[%get3A_1276] {strides = array<i32>} : memref<2048xi32, #tpu.memory_space<vmem>>, vector<16xi32>,
    %lt3A_1278 = vector.broadcast %add3A_847 : i32 to vector<16xi32>
    %lt3A_1279 = arith.cmpi slt, %get3A_1277, %lt3A_1278 : vector<16xi32>
    %convert_element_type3A_1280 = arith.extui %lt3A_1279 : vector<16xi1> to vector<16xi32>
    %add3A_1281 = arith.addi %add3A_1275, %convert_element_type3A_1280 : vector<16xi32>
    %get3A_1282 = arith.constant 1152 : index
    %get3A_1283 = tpu.vector_load %arg11[%get3A_1282] {strides = array<i32>} : memref<2048xi32, #tpu.memory_space<vmem>>, vector<16xi32>,
    %lt3A_1284 = vector.broadcast %add3A_847 : i32 to vector<16xi32>
    %lt3A_1285 = arith.cmpi slt, %get3A_1283, %lt3A_1284 : vector<16xi32>
    %convert_element_type3A_1286 = arith.extui %lt3A_1285 : vector<16xi1> to vector<16xi32>
    %add3A_1287 = arith.addi %add3A_1281, %convert_element_type3A_1286 : vector<16xi32>
    %get3A_1288 = arith.constant 1168 : index
    %get3A_1289 = tpu.vector_load %arg11[%get3A_1288] {strides = array<i32>} : memref<2048xi32, #tpu.memory_space<vmem>>, vector<16xi32>,
    %lt3A_1290 = vector.broadcast %add3A_847 : i32 to vector<16xi32>
    %lt3A_1291 = arith.cmpi slt, %get3A_1289, %lt3A_1290 : vector<16xi32>
    %convert_element_type3A_1292 = arith.extui %lt3A_1291 : vector<16xi1> to vector<16xi32>
    %add3A_1293 = arith.addi %add3A_1287, %convert_element_type3A_1292 : vector<16xi32>
    %get3A_1294 = arith.constant 1184 : index
    %get3A_1295 = tpu.vector_load %arg11[%get3A_1294] {strides = array<i32>} : memref<2048xi32, #tpu.memory_space<vmem>>, vector<16xi32>,
    %lt3A_1296 = vector.broadcast %add3A_847 : i32 to vector<16xi32>
    %lt3A_1297 = arith.cmpi slt, %get3A_1295, %lt3A_1296 : vector<16xi32>
    %convert_element_type3A_1298 = arith.extui %lt3A_1297 : vector<16xi1> to vector<16xi32>
    %add3A_1299 = arith.addi %add3A_1293, %convert_element_type3A_1298 : vector<16xi32>
    %get3A_1300 = arith.constant 1200 : index
    %get3A_1301 = tpu.vector_load %arg11[%get3A_1300] {strides = array<i32>} : memref<2048xi32, #tpu.memory_space<vmem>>, vector<16xi32>,
    %lt3A_1302 = vector.broadcast %add3A_847 : i32 to vector<16xi32>
    %lt3A_1303 = arith.cmpi slt, %get3A_1301, %lt3A_1302 : vector<16xi32>
    %convert_element_type3A_1304 = arith.extui %lt3A_1303 : vector<16xi1> to vector<16xi32>
    %add3A_1305 = arith.addi %add3A_1299, %convert_element_type3A_1304 : vector<16xi32>
    %get3A_1306 = arith.constant 1216 : index
    %get3A_1307 = tpu.vector_load %arg11[%get3A_1306] {strides = array<i32>} : memref<2048xi32, #tpu.memory_space<vmem>>, vector<16xi32>,
    %lt3A_1308 = vector.broadcast %add3A_847 : i32 to vector<16xi32>
    %lt3A_1309 = arith.cmpi slt, %get3A_1307, %lt3A_1308 : vector<16xi32>
    %convert_element_type3A_1310 = arith.extui %lt3A_1309 : vector<16xi1> to vector<16xi32>
    %add3A_1311 = arith.addi %add3A_1305, %convert_element_type3A_1310 : vector<16xi32>
    %get3A_1312 = arith.constant 1232 : index
    %get3A_1313 = tpu.vector_load %arg11[%get3A_1312] {strides = array<i32>} : memref<2048xi32, #tpu.memory_space<vmem>>, vector<16xi32>,
    %lt3A_1314 = vector.broadcast %add3A_847 : i32 to vector<16xi32>
    %lt3A_1315 = arith.cmpi slt, %get3A_1313, %lt3A_1314 : vector<16xi32>
    %convert_element_type3A_1316 = arith.extui %lt3A_1315 : vector<16xi1> to vector<16xi32>
    %add3A_1317 = arith.addi %add3A_1311, %convert_element_type3A_1316 : vector<16xi32>
    %get3A_1318 = arith.constant 1248 : index
    %get3A_1319 = tpu.vector_load %arg11[%get3A_1318] {strides = array<i32>} : memref<2048xi32, #tpu.memory_space<vmem>>, vector<16xi32>,
    %lt3A_1320 = vector.broadcast %add3A_847 : i32 to vector<16xi32>
    %lt3A_1321 = arith.cmpi slt, %get3A_1319, %lt3A_1320 : vector<16xi32>
    %convert_element_type3A_1322 = arith.extui %lt3A_1321 : vector<16xi1> to vector<16xi32>
    %add3A_1323 = arith.addi %add3A_1317, %convert_element_type3A_1322 : vector<16xi32>
    %get3A_1324 = arith.constant 1264 : index
    %get3A_1325 = tpu.vector_load %arg11[%get3A_1324] {strides = array<i32>} : memref<2048xi32, #tpu.memory_space<vmem>>, vector<16xi32>,
    %lt3A_1326 = vector.broadcast %add3A_847 : i32 to vector<16xi32>
    %lt3A_1327 = arith.cmpi slt, %get3A_1325, %lt3A_1326 : vector<16xi32>
    %convert_element_type3A_1328 = arith.extui %lt3A_1327 : vector<16xi1> to vector<16xi32>
    %add3A_1329 = arith.addi %add3A_1323, %convert_element_type3A_1328 : vector<16xi32>
    %get3A_1330 = arith.constant 1280 : index
    %get3A_1331 = tpu.vector_load %arg11[%get3A_1330] {strides = array<i32>} : memref<2048xi32, #tpu.memory_space<vmem>>, vector<16xi32>,
    %lt3A_1332 = vector.broadcast %add3A_847 : i32 to vector<16xi32>
    %lt3A_1333 = arith.cmpi slt, %get3A_1331, %lt3A_1332 : vector<16xi32>
    %convert_element_type3A_1334 = arith.extui %lt3A_1333 : vector<16xi1> to vector<16xi32>
    %add3A_1335 = arith.addi %add3A_1329, %convert_element_type3A_1334 : vector<16xi32>
    %get3A_1336 = arith.constant 1296 : index
    %get3A_1337 = tpu.vector_load %arg11[%get3A_1336] {strides = array<i32>} : memref<2048xi32, #tpu.memory_space<vmem>>, vector<16xi32>,
    %lt3A_1338 = vector.broadcast %add3A_847 : i32 to vector<16xi32>
    %lt3A_1339 = arith.cmpi slt, %get3A_1337, %lt3A_1338 : vector<16xi32>
    %convert_element_type3A_1340 = arith.extui %lt3A_1339 : vector<16xi1> to vector<16xi32>
    %add3A_1341 = arith.addi %add3A_1335, %convert_element_type3A_1340 : vector<16xi32>
    %get3A_1342 = arith.constant 1312 : index
    %get3A_1343 = tpu.vector_load %arg11[%get3A_1342] {strides = array<i32>} : memref<2048xi32, #tpu.memory_space<vmem>>, vector<16xi32>,
    %lt3A_1344 = vector.broadcast %add3A_847 : i32 to vector<16xi32>
    %lt3A_1345 = arith.cmpi slt, %get3A_1343, %lt3A_1344 : vector<16xi32>
    %convert_element_type3A_1346 = arith.extui %lt3A_1345 : vector<16xi1> to vector<16xi32>
    %add3A_1347 = arith.addi %add3A_1341, %convert_element_type3A_1346 : vector<16xi32>
    %get3A_1348 = arith.constant 1328 : index
    %get3A_1349 = tpu.vector_load %arg11[%get3A_1348] {strides = array<i32>} : memref<2048xi32, #tpu.memory_space<vmem>>, vector<16xi32>,
    %lt3A_1350 = vector.broadcast %add3A_847 : i32 to vector<16xi32>
    %lt3A_1351 = arith.cmpi slt, %get3A_1349, %lt3A_1350 : vector<16xi32>
    %convert_element_type3A_1352 = arith.extui %lt3A_1351 : vector<16xi1> to vector<16xi32>
    %add3A_1353 = arith.addi %add3A_1347, %convert_element_type3A_1352 : vector<16xi32>
    %get3A_1354 = arith.constant 1344 : index
    %get3A_1355 = tpu.vector_load %arg11[%get3A_1354] {strides = array<i32>} : memref<2048xi32, #tpu.memory_space<vmem>>, vector<16xi32>,
    %lt3A_1356 = vector.broadcast %add3A_847 : i32 to vector<16xi32>
    %lt3A_1357 = arith.cmpi slt, %get3A_1355, %lt3A_1356 : vector<16xi32>
    %convert_element_type3A_1358 = arith.extui %lt3A_1357 : vector<16xi1> to vector<16xi32>
    %add3A_1359 = arith.addi %add3A_1353, %convert_element_type3A_1358 : vector<16xi32>
    %get3A_1360 = arith.constant 1360 : index
    %get3A_1361 = tpu.vector_load %arg11[%get3A_1360] {strides = array<i32>} : memref<2048xi32, #tpu.memory_space<vmem>>, vector<16xi32>,
    %lt3A_1362 = vector.broadcast %add3A_847 : i32 to vector<16xi32>
    %lt3A_1363 = arith.cmpi slt, %get3A_1361, %lt3A_1362 : vector<16xi32>
    %convert_element_type3A_1364 = arith.extui %lt3A_1363 : vector<16xi1> to vector<16xi32>
    %add3A_1365 = arith.addi %add3A_1359, %convert_element_type3A_1364 : vector<16xi32>
    %get3A_1366 = arith.constant 1376 : index
    %get3A_1367 = tpu.vector_load %arg11[%get3A_1366] {strides = array<i32>} : memref<2048xi32, #tpu.memory_space<vmem>>, vector<16xi32>,
    %lt3A_1368 = vector.broadcast %add3A_847 : i32 to vector<16xi32>
    %lt3A_1369 = arith.cmpi slt, %get3A_1367, %lt3A_1368 : vector<16xi32>
    %convert_element_type3A_1370 = arith.extui %lt3A_1369 : vector<16xi1> to vector<16xi32>
    %add3A_1371 = arith.addi %add3A_1365, %convert_element_type3A_1370 : vector<16xi32>
    %get3A_1372 = arith.constant 1392 : index
    %get3A_1373 = tpu.vector_load %arg11[%get3A_1372] {strides = array<i32>} : memref<2048xi32, #tpu.memory_space<vmem>>, vector<16xi32>,
    %lt3A_1374 = vector.broadcast %add3A_847 : i32 to vector<16xi32>
    %lt3A_1375 = arith.cmpi slt, %get3A_1373, %lt3A_1374 : vector<16xi32>
    %convert_element_type3A_1376 = arith.extui %lt3A_1375 : vector<16xi1> to vector<16xi32>
    %add3A_1377 = arith.addi %add3A_1371, %convert_element_type3A_1376 : vector<16xi32>
    %get3A_1378 = arith.constant 1408 : index
    %get3A_1379 = tpu.vector_load %arg11[%get3A_1378] {strides = array<i32>} : memref<2048xi32, #tpu.memory_space<vmem>>, vector<16xi32>,
    %lt3A_1380 = vector.broadcast %add3A_847 : i32 to vector<16xi32>
    %lt3A_1381 = arith.cmpi slt, %get3A_1379, %lt3A_1380 : vector<16xi32>
    %convert_element_type3A_1382 = arith.extui %lt3A_1381 : vector<16xi1> to vector<16xi32>
    %add3A_1383 = arith.addi %add3A_1377, %convert_element_type3A_1382 : vector<16xi32>
    %get3A_1384 = arith.constant 1424 : index
    %get3A_1385 = tpu.vector_load %arg11[%get3A_1384] {strides = array<i32>} : memref<2048xi32, #tpu.memory_space<vmem>>, vector<16xi32>,
    %lt3A_1386 = vector.broadcast %add3A_847 : i32 to vector<16xi32>
    %lt3A_1387 = arith.cmpi slt, %get3A_1385, %lt3A_1386 : vector<16xi32>
    %convert_element_type3A_1388 = arith.extui %lt3A_1387 : vector<16xi1> to vector<16xi32>
    %add3A_1389 = arith.addi %add3A_1383, %convert_element_type3A_1388 : vector<16xi32>
    %get3A_1390 = arith.constant 1440 : index
    %get3A_1391 = tpu.vector_load %arg11[%get3A_1390] {strides = array<i32>} : memref<2048xi32, #tpu.memory_space<vmem>>, vector<16xi32>,
    %lt3A_1392 = vector.broadcast %add3A_847 : i32 to vector<16xi32>
    %lt3A_1393 = arith.cmpi slt, %get3A_1391, %lt3A_1392 : vector<16xi32>
    %convert_element_type3A_1394 = arith.extui %lt3A_1393 : vector<16xi1> to vector<16xi32>
    %add3A_1395 = arith.addi %add3A_1389, %convert_element_type3A_1394 : vector<16xi32>
    %get3A_1396 = arith.constant 1456 : index
    %get3A_1397 = tpu.vector_load %arg11[%get3A_1396] {strides = array<i32>} : memref<2048xi32, #tpu.memory_space<vmem>>, vector<16xi32>,
    %lt3A_1398 = vector.broadcast %add3A_847 : i32 to vector<16xi32>
    %lt3A_1399 = arith.cmpi slt, %get3A_1397, %lt3A_1398 : vector<16xi32>
    %convert_element_type3A_1400 = arith.extui %lt3A_1399 : vector<16xi1> to vector<16xi32>
    %add3A_1401 = arith.addi %add3A_1395, %convert_element_type3A_1400 : vector<16xi32>
    %get3A_1402 = arith.constant 1472 : index
    %get3A_1403 = tpu.vector_load %arg11[%get3A_1402] {strides = array<i32>} : memref<2048xi32, #tpu.memory_space<vmem>>, vector<16xi32>,
    %lt3A_1404 = vector.broadcast %add3A_847 : i32 to vector<16xi32>
    %lt3A_1405 = arith.cmpi slt, %get3A_1403, %lt3A_1404 : vector<16xi32>
    %convert_element_type3A_1406 = arith.extui %lt3A_1405 : vector<16xi1> to vector<16xi32>
    %add3A_1407 = arith.addi %add3A_1401, %convert_element_type3A_1406 : vector<16xi32>
    %get3A_1408 = arith.constant 1488 : index
    %get3A_1409 = tpu.vector_load %arg11[%get3A_1408] {strides = array<i32>} : memref<2048xi32, #tpu.memory_space<vmem>>, vector<16xi32>,
    %lt3A_1410 = vector.broadcast %add3A_847 : i32 to vector<16xi32>
    %lt3A_1411 = arith.cmpi slt, %get3A_1409, %lt3A_1410 : vector<16xi32>
    %convert_element_type3A_1412 = arith.extui %lt3A_1411 : vector<16xi1> to vector<16xi32>
    %add3A_1413 = arith.addi %add3A_1407, %convert_element_type3A_1412 : vector<16xi32>
    %get3A_1414 = arith.constant 1504 : index
    %get3A_1415 = tpu.vector_load %arg11[%get3A_1414] {strides = array<i32>} : memref<2048xi32, #tpu.memory_space<vmem>>, vector<16xi32>,
    %lt3A_1416 = vector.broadcast %add3A_847 : i32 to vector<16xi32>
    %lt3A_1417 = arith.cmpi slt, %get3A_1415, %lt3A_1416 : vector<16xi32>
    %convert_element_type3A_1418 = arith.extui %lt3A_1417 : vector<16xi1> to vector<16xi32>
    %add3A_1419 = arith.addi %add3A_1413, %convert_element_type3A_1418 : vector<16xi32>
    %get3A_1420 = arith.constant 1520 : index
    %get3A_1421 = tpu.vector_load %arg11[%get3A_1420] {strides = array<i32>} : memref<2048xi32, #tpu.memory_space<vmem>>, vector<16xi32>,
    %lt3A_1422 = vector.broadcast %add3A_847 : i32 to vector<16xi32>
    %lt3A_1423 = arith.cmpi slt, %get3A_1421, %lt3A_1422 : vector<16xi32>
    %convert_element_type3A_1424 = arith.extui %lt3A_1423 : vector<16xi1> to vector<16xi32>
    %add3A_1425 = arith.addi %add3A_1419, %convert_element_type3A_1424 : vector<16xi32>
    %get3A_1426 = arith.constant 1536 : index
    %get3A_1427 = tpu.vector_load %arg11[%get3A_1426] {strides = array<i32>} : memref<2048xi32, #tpu.memory_space<vmem>>, vector<16xi32>,
    %lt3A_1428 = vector.broadcast %add3A_847 : i32 to vector<16xi32>
    %lt3A_1429 = arith.cmpi slt, %get3A_1427, %lt3A_1428 : vector<16xi32>
    %convert_element_type3A_1430 = arith.extui %lt3A_1429 : vector<16xi1> to vector<16xi32>
    %add3A_1431 = arith.addi %add3A_1425, %convert_element_type3A_1430 : vector<16xi32>
    %get3A_1432 = arith.constant 1552 : index
    %get3A_1433 = tpu.vector_load %arg11[%get3A_1432] {strides = array<i32>} : memref<2048xi32, #tpu.memory_space<vmem>>, vector<16xi32>,
    %lt3A_1434 = vector.broadcast %add3A_847 : i32 to vector<16xi32>
    %lt3A_1435 = arith.cmpi slt, %get3A_1433, %lt3A_1434 : vector<16xi32>
    %convert_element_type3A_1436 = arith.extui %lt3A_1435 : vector<16xi1> to vector<16xi32>
    %add3A_1437 = arith.addi %add3A_1431, %convert_element_type3A_1436 : vector<16xi32>
    %get3A_1438 = arith.constant 1568 : index
    %get3A_1439 = tpu.vector_load %arg11[%get3A_1438] {strides = array<i32>} : memref<2048xi32, #tpu.memory_space<vmem>>, vector<16xi32>,
    %lt3A_1440 = vector.broadcast %add3A_847 : i32 to vector<16xi32>
    %lt3A_1441 = arith.cmpi slt, %get3A_1439, %lt3A_1440 : vector<16xi32>
    %convert_element_type3A_1442 = arith.extui %lt3A_1441 : vector<16xi1> to vector<16xi32>
    %add3A_1443 = arith.addi %add3A_1437, %convert_element_type3A_1442 : vector<16xi32>
    %get3A_1444 = arith.constant 1584 : index
    %get3A_1445 = tpu.vector_load %arg11[%get3A_1444] {strides = array<i32>} : memref<2048xi32, #tpu.memory_space<vmem>>, vector<16xi32>,
    %lt3A_1446 = vector.broadcast %add3A_847 : i32 to vector<16xi32>
    %lt3A_1447 = arith.cmpi slt, %get3A_1445, %lt3A_1446 : vector<16xi32>
    %convert_element_type3A_1448 = arith.extui %lt3A_1447 : vector<16xi1> to vector<16xi32>
    %add3A_1449 = arith.addi %add3A_1443, %convert_element_type3A_1448 : vector<16xi32>
    %get3A_1450 = arith.constant 1600 : index
    %get3A_1451 = tpu.vector_load %arg11[%get3A_1450] {strides = array<i32>} : memref<2048xi32, #tpu.memory_space<vmem>>, vector<16xi32>,
    %lt3A_1452 = vector.broadcast %add3A_847 : i32 to vector<16xi32>
    %lt3A_1453 = arith.cmpi slt, %get3A_1451, %lt3A_1452 : vector<16xi32>
    %convert_element_type3A_1454 = arith.extui %lt3A_1453 : vector<16xi1> to vector<16xi32>
    %add3A_1455 = arith.addi %add3A_1449, %convert_element_type3A_1454 : vector<16xi32>
    %get3A_1456 = arith.constant 1616 : index
    %get3A_1457 = tpu.vector_load %arg11[%get3A_1456] {strides = array<i32>} : memref<2048xi32, #tpu.memory_space<vmem>>, vector<16xi32>,
    %lt3A_1458 = vector.broadcast %add3A_847 : i32 to vector<16xi32>
    %lt3A_1459 = arith.cmpi slt, %get3A_1457, %lt3A_1458 : vector<16xi32>
    %convert_element_type3A_1460 = arith.extui %lt3A_1459 : vector<16xi1> to vector<16xi32>
    %add3A_1461 = arith.addi %add3A_1455, %convert_element_type3A_1460 : vector<16xi32>
    %get3A_1462 = arith.constant 1632 : index
    %get3A_1463 = tpu.vector_load %arg11[%get3A_1462] {strides = array<i32>} : memref<2048xi32, #tpu.memory_space<vmem>>, vector<16xi32>,
    %lt3A_1464 = vector.broadcast %add3A_847 : i32 to vector<16xi32>
    %lt3A_1465 = arith.cmpi slt, %get3A_1463, %lt3A_1464 : vector<16xi32>
    %convert_element_type3A_1466 = arith.extui %lt3A_1465 : vector<16xi1> to vector<16xi32>
    %add3A_1467 = arith.addi %add3A_1461, %convert_element_type3A_1466 : vector<16xi32>
    %get3A_1468 = arith.constant 1648 : index
    %get3A_1469 = tpu.vector_load %arg11[%get3A_1468] {strides = array<i32>} : memref<2048xi32, #tpu.memory_space<vmem>>, vector<16xi32>,
    %lt3A_1470 = vector.broadcast %add3A_847 : i32 to vector<16xi32>
    %lt3A_1471 = arith.cmpi slt, %get3A_1469, %lt3A_1470 : vector<16xi32>
    %convert_element_type3A_1472 = arith.extui %lt3A_1471 : vector<16xi1> to vector<16xi32>
    %add3A_1473 = arith.addi %add3A_1467, %convert_element_type3A_1472 : vector<16xi32>
    %get3A_1474 = arith.constant 1664 : index
    %get3A_1475 = tpu.vector_load %arg11[%get3A_1474] {strides = array<i32>} : memref<2048xi32, #tpu.memory_space<vmem>>, vector<16xi32>,
    %lt3A_1476 = vector.broadcast %add3A_847 : i32 to vector<16xi32>
    %lt3A_1477 = arith.cmpi slt, %get3A_1475, %lt3A_1476 : vector<16xi32>
    %convert_element_type3A_1478 = arith.extui %lt3A_1477 : vector<16xi1> to vector<16xi32>
    %add3A_1479 = arith.addi %add3A_1473, %convert_element_type3A_1478 : vector<16xi32>
    %get3A_1480 = arith.constant 1680 : index
    %get3A_1481 = tpu.vector_load %arg11[%get3A_1480] {strides = array<i32>} : memref<2048xi32, #tpu.memory_space<vmem>>, vector<16xi32>,
    %lt3A_1482 = vector.broadcast %add3A_847 : i32 to vector<16xi32>
    %lt3A_1483 = arith.cmpi slt, %get3A_1481, %lt3A_1482 : vector<16xi32>
    %convert_element_type3A_1484 = arith.extui %lt3A_1483 : vector<16xi1> to vector<16xi32>
    %add3A_1485 = arith.addi %add3A_1479, %convert_element_type3A_1484 : vector<16xi32>
    %get3A_1486 = arith.constant 1696 : index
    %get3A_1487 = tpu.vector_load %arg11[%get3A_1486] {strides = array<i32>} : memref<2048xi32, #tpu.memory_space<vmem>>, vector<16xi32>,
    %lt3A_1488 = vector.broadcast %add3A_847 : i32 to vector<16xi32>
    %lt3A_1489 = arith.cmpi slt, %get3A_1487, %lt3A_1488 : vector<16xi32>
    %convert_element_type3A_1490 = arith.extui %lt3A_1489 : vector<16xi1> to vector<16xi32>
    %add3A_1491 = arith.addi %add3A_1485, %convert_element_type3A_1490 : vector<16xi32>
    %get3A_1492 = arith.constant 1712 : index
    %get3A_1493 = tpu.vector_load %arg11[%get3A_1492] {strides = array<i32>} : memref<2048xi32, #tpu.memory_space<vmem>>, vector<16xi32>,
    %lt3A_1494 = vector.broadcast %add3A_847 : i32 to vector<16xi32>
    %lt3A_1495 = arith.cmpi slt, %get3A_1493, %lt3A_1494 : vector<16xi32>
    %convert_element_type3A_1496 = arith.extui %lt3A_1495 : vector<16xi1> to vector<16xi32>
    %add3A_1497 = arith.addi %add3A_1491, %convert_element_type3A_1496 : vector<16xi32>
    %get3A_1498 = arith.constant 1728 : index
    %get3A_1499 = tpu.vector_load %arg11[%get3A_1498] {strides = array<i32>} : memref<2048xi32, #tpu.memory_space<vmem>>, vector<16xi32>,
    %lt3A_1500 = vector.broadcast %add3A_847 : i32 to vector<16xi32>
    %lt3A_1501 = arith.cmpi slt, %get3A_1499, %lt3A_1500 : vector<16xi32>
    %convert_element_type3A_1502 = arith.extui %lt3A_1501 : vector<16xi1> to vector<16xi32>
    %add3A_1503 = arith.addi %add3A_1497, %convert_element_type3A_1502 : vector<16xi32>
    %get3A_1504 = arith.constant 1744 : index
    %get3A_1505 = tpu.vector_load %arg11[%get3A_1504] {strides = array<i32>} : memref<2048xi32, #tpu.memory_space<vmem>>, vector<16xi32>,
    %lt3A_1506 = vector.broadcast %add3A_847 : i32 to vector<16xi32>
    %lt3A_1507 = arith.cmpi slt, %get3A_1505, %lt3A_1506 : vector<16xi32>
    %convert_element_type3A_1508 = arith.extui %lt3A_1507 : vector<16xi1> to vector<16xi32>
    %add3A_1509 = arith.addi %add3A_1503, %convert_element_type3A_1508 : vector<16xi32>
    %get3A_1510 = arith.constant 1760 : index
    %get3A_1511 = tpu.vector_load %arg11[%get3A_1510] {strides = array<i32>} : memref<2048xi32, #tpu.memory_space<vmem>>, vector<16xi32>,
    %lt3A_1512 = vector.broadcast %add3A_847 : i32 to vector<16xi32>
    %lt3A_1513 = arith.cmpi slt, %get3A_1511, %lt3A_1512 : vector<16xi32>
    %convert_element_type3A_1514 = arith.extui %lt3A_1513 : vector<16xi1> to vector<16xi32>
    %add3A_1515 = arith.addi %add3A_1509, %convert_element_type3A_1514 : vector<16xi32>
    %get3A_1516 = arith.constant 1776 : index
    %get3A_1517 = tpu.vector_load %arg11[%get3A_1516] {strides = array<i32>} : memref<2048xi32, #tpu.memory_space<vmem>>, vector<16xi32>,
    %lt3A_1518 = vector.broadcast %add3A_847 : i32 to vector<16xi32>
    %lt3A_1519 = arith.cmpi slt, %get3A_1517, %lt3A_1518 : vector<16xi32>
    %convert_element_type3A_1520 = arith.extui %lt3A_1519 : vector<16xi1> to vector<16xi32>
    %add3A_1521 = arith.addi %add3A_1515, %convert_element_type3A_1520 : vector<16xi32>
    %get3A_1522 = arith.constant 1792 : index
    %get3A_1523 = tpu.vector_load %arg11[%get3A_1522] {strides = array<i32>} : memref<2048xi32, #tpu.memory_space<vmem>>, vector<16xi32>,
    %lt3A_1524 = vector.broadcast %add3A_847 : i32 to vector<16xi32>
    %lt3A_1525 = arith.cmpi slt, %get3A_1523, %lt3A_1524 : vector<16xi32>
    %convert_element_type3A_1526 = arith.extui %lt3A_1525 : vector<16xi1> to vector<16xi32>
    %add3A_1527 = arith.addi %add3A_1521, %convert_element_type3A_1526 : vector<16xi32>
    %get3A_1528 = arith.constant 1808 : index
    %get3A_1529 = tpu.vector_load %arg11[%get3A_1528] {strides = array<i32>} : memref<2048xi32, #tpu.memory_space<vmem>>, vector<16xi32>,
    %lt3A_1530 = vector.broadcast %add3A_847 : i32 to vector<16xi32>
    %lt3A_1531 = arith.cmpi slt, %get3A_1529, %lt3A_1530 : vector<16xi32>
    %convert_element_type3A_1532 = arith.extui %lt3A_1531 : vector<16xi1> to vector<16xi32>
    %add3A_1533 = arith.addi %add3A_1527, %convert_element_type3A_1532 : vector<16xi32>
    %get3A_1534 = arith.constant 1824 : index
    %get3A_1535 = tpu.vector_load %arg11[%get3A_1534] {strides = array<i32>} : memref<2048xi32, #tpu.memory_space<vmem>>, vector<16xi32>,
    %lt3A_1536 = vector.broadcast %add3A_847 : i32 to vector<16xi32>
    %lt3A_1537 = arith.cmpi slt, %get3A_1535, %lt3A_1536 : vector<16xi32>
    %convert_element_type3A_1538 = arith.extui %lt3A_1537 : vector<16xi1> to vector<16xi32>
    %add3A_1539 = arith.addi %add3A_1533, %convert_element_type3A_1538 : vector<16xi32>
    %get3A_1540 = arith.constant 1840 : index
    %get3A_1541 = tpu.vector_load %arg11[%get3A_1540] {strides = array<i32>} : memref<2048xi32, #tpu.memory_space<vmem>>, vector<16xi32>,
    %lt3A_1542 = vector.broadcast %add3A_847 : i32 to vector<16xi32>
    %lt3A_1543 = arith.cmpi slt, %get3A_1541, %lt3A_1542 : vector<16xi32>
    %convert_element_type3A_1544 = arith.extui %lt3A_1543 : vector<16xi1> to vector<16xi32>
    %add3A_1545 = arith.addi %add3A_1539, %convert_element_type3A_1544 : vector<16xi32>
    %get3A_1546 = arith.constant 1856 : index
    %get3A_1547 = tpu.vector_load %arg11[%get3A_1546] {strides = array<i32>} : memref<2048xi32, #tpu.memory_space<vmem>>, vector<16xi32>,
    %lt3A_1548 = vector.broadcast %add3A_847 : i32 to vector<16xi32>
    %lt3A_1549 = arith.cmpi slt, %get3A_1547, %lt3A_1548 : vector<16xi32>
    %convert_element_type3A_1550 = arith.extui %lt3A_1549 : vector<16xi1> to vector<16xi32>
    %add3A_1551 = arith.addi %add3A_1545, %convert_element_type3A_1550 : vector<16xi32>
    %get3A_1552 = arith.constant 1872 : index
    %get3A_1553 = tpu.vector_load %arg11[%get3A_1552] {strides = array<i32>} : memref<2048xi32, #tpu.memory_space<vmem>>, vector<16xi32>,
    %lt3A_1554 = vector.broadcast %add3A_847 : i32 to vector<16xi32>
    %lt3A_1555 = arith.cmpi slt, %get3A_1553, %lt3A_1554 : vector<16xi32>
    %convert_element_type3A_1556 = arith.extui %lt3A_1555 : vector<16xi1> to vector<16xi32>
    %add3A_1557 = arith.addi %add3A_1551, %convert_element_type3A_1556 : vector<16xi32>
    %get3A_1558 = arith.constant 1888 : index
    %get3A_1559 = tpu.vector_load %arg11[%get3A_1558] {strides = array<i32>} : memref<2048xi32, #tpu.memory_space<vmem>>, vector<16xi32>,
    %lt3A_1560 = vector.broadcast %add3A_847 : i32 to vector<16xi32>
    %lt3A_1561 = arith.cmpi slt, %get3A_1559, %lt3A_1560 : vector<16xi32>
    %convert_element_type3A_1562 = arith.extui %lt3A_1561 : vector<16xi1> to vector<16xi32>
    %add3A_1563 = arith.addi %add3A_1557, %convert_element_type3A_1562 : vector<16xi32>
    %get3A_1564 = arith.constant 1904 : index
    %get3A_1565 = tpu.vector_load %arg11[%get3A_1564] {strides = array<i32>} : memref<2048xi32, #tpu.memory_space<vmem>>, vector<16xi32>,
    %lt3A_1566 = vector.broadcast %add3A_847 : i32 to vector<16xi32>
    %lt3A_1567 = arith.cmpi slt, %get3A_1565, %lt3A_1566 : vector<16xi32>
    %convert_element_type3A_1568 = arith.extui %lt3A_1567 : vector<16xi1> to vector<16xi32>
    %add3A_1569 = arith.addi %add3A_1563, %convert_element_type3A_1568 : vector<16xi32>
    %get3A_1570 = arith.constant 1920 : index
    %get3A_1571 = tpu.vector_load %arg11[%get3A_1570] {strides = array<i32>} : memref<2048xi32, #tpu.memory_space<vmem>>, vector<16xi32>,
    %lt3A_1572 = vector.broadcast %add3A_847 : i32 to vector<16xi32>
    %lt3A_1573 = arith.cmpi slt, %get3A_1571, %lt3A_1572 : vector<16xi32>
    %convert_element_type3A_1574 = arith.extui %lt3A_1573 : vector<16xi1> to vector<16xi32>
    %add3A_1575 = arith.addi %add3A_1569, %convert_element_type3A_1574 : vector<16xi32>
    %get3A_1576 = arith.constant 1936 : index
    %get3A_1577 = tpu.vector_load %arg11[%get3A_1576] {strides = array<i32>} : memref<2048xi32, #tpu.memory_space<vmem>>, vector<16xi32>,
    %lt3A_1578 = vector.broadcast %add3A_847 : i32 to vector<16xi32>
    %lt3A_1579 = arith.cmpi slt, %get3A_1577, %lt3A_1578 : vector<16xi32>
    %convert_element_type3A_1580 = arith.extui %lt3A_1579 : vector<16xi1> to vector<16xi32>
    %add3A_1581 = arith.addi %add3A_1575, %convert_element_type3A_1580 : vector<16xi32>
    %get3A_1582 = arith.constant 1952 : index
    %get3A_1583 = tpu.vector_load %arg11[%get3A_1582] {strides = array<i32>} : memref<2048xi32, #tpu.memory_space<vmem>>, vector<16xi32>,
    %lt3A_1584 = vector.broadcast %add3A_847 : i32 to vector<16xi32>
    %lt3A_1585 = arith.cmpi slt, %get3A_1583, %lt3A_1584 : vector<16xi32>
    %convert_element_type3A_1586 = arith.extui %lt3A_1585 : vector<16xi1> to vector<16xi32>
    %add3A_1587 = arith.addi %add3A_1581, %convert_element_type3A_1586 : vector<16xi32>
    %get3A_1588 = arith.constant 1968 : index
    %get3A_1589 = tpu.vector_load %arg11[%get3A_1588] {strides = array<i32>} : memref<2048xi32, #tpu.memory_space<vmem>>, vector<16xi32>,
    %lt3A_1590 = vector.broadcast %add3A_847 : i32 to vector<16xi32>
    %lt3A_1591 = arith.cmpi slt, %get3A_1589, %lt3A_1590 : vector<16xi32>
    %convert_element_type3A_1592 = arith.extui %lt3A_1591 : vector<16xi1> to vector<16xi32>
    %add3A_1593 = arith.addi %add3A_1587, %convert_element_type3A_1592 : vector<16xi32>
    %get3A_1594 = arith.constant 1984 : index
    %get3A_1595 = tpu.vector_load %arg11[%get3A_1594] {strides = array<i32>} : memref<2048xi32, #tpu.memory_space<vmem>>, vector<16xi32>,
    %lt3A_1596 = vector.broadcast %add3A_847 : i32 to vector<16xi32>
    %lt3A_1597 = arith.cmpi slt, %get3A_1595, %lt3A_1596 : vector<16xi32>
    %convert_element_type3A_1598 = arith.extui %lt3A_1597 : vector<16xi1> to vector<16xi32>
    %add3A_1599 = arith.addi %add3A_1593, %convert_element_type3A_1598 : vector<16xi32>
    %get3A_1600 = arith.constant 2000 : index
    %get3A_1601 = tpu.vector_load %arg11[%get3A_1600] {strides = array<i32>} : memref<2048xi32, #tpu.memory_space<vmem>>, vector<16xi32>,
    %lt3A_1602 = vector.broadcast %add3A_847 : i32 to vector<16xi32>
    %lt3A_1603 = arith.cmpi slt, %get3A_1601, %lt3A_1602 : vector<16xi32>
    %convert_element_type3A_1604 = arith.extui %lt3A_1603 : vector<16xi1> to vector<16xi32>
    %add3A_1605 = arith.addi %add3A_1599, %convert_element_type3A_1604 : vector<16xi32>
    %get3A_1606 = arith.constant 2016 : index
    %get3A_1607 = tpu.vector_load %arg11[%get3A_1606] {strides = array<i32>} : memref<2048xi32, #tpu.memory_space<vmem>>, vector<16xi32>,
    %lt3A_1608 = vector.broadcast %add3A_847 : i32 to vector<16xi32>
    %lt3A_1609 = arith.cmpi slt, %get3A_1607, %lt3A_1608 : vector<16xi32>
    %convert_element_type3A_1610 = arith.extui %lt3A_1609 : vector<16xi1> to vector<16xi32>
    %add3A_1611 = arith.addi %add3A_1605, %convert_element_type3A_1610 : vector<16xi32>
    %get3A_1612 = arith.constant 2032 : index
    %get3A_1613 = tpu.vector_load %arg11[%get3A_1612] {strides = array<i32>} : memref<2048xi32, #tpu.memory_space<vmem>>, vector<16xi32>,
    %lt3A_1614 = vector.broadcast %add3A_847 : i32 to vector<16xi32>
    %lt3A_1615 = arith.cmpi slt, %get3A_1613, %lt3A_1614 : vector<16xi32>
    %convert_element_type3A_1616 = arith.extui %lt3A_1615 : vector<16xi1> to vector<16xi32>
    %add3A_1617 = arith.addi %add3A_1611, %convert_element_type3A_1616 : vector<16xi32>
    %reduce_sum3A_1618 = arith.constant true
    %reduce_sum3A_1619 = vector.broadcast %reduce_sum3A_1618 : i1 to vector<16xi1>
    %reduce_sum3A_1620 = tpu.scan <sum>, %add3A_1617 masked %reduce_sum3A_1619 : vector<16xi32>, vector<16xi1> -> vector<16xi32>
    %reduce_sum3A_1621 = vector.extract %reduce_sum3A_1620[15] : i32 from vector<16xi32>
    %gt3A = arith.constant 0 : i32
    %gt3A_1622 = arith.cmpi sgt, %reduce_sum3A_845, %gt3A : i32
    %lt3A_1623 = arith.constant 2048 : i32
    %lt3A_1624 = arith.cmpi slt, %reduce_sum3A_845, %lt3A_1623 : i32
    %and3A_1625 = arith.andi %gt3A_1622, %lt3A_1624 : i1
    %eq3A = arith.constant 0 : i32
    %eq3A_1626 = arith.cmpi eq, %reduce_sum3A_845, %eq3A : i32
    %eq3A_1627 = arith.constant 0 : i32
    %eq3A_1628 = arith.cmpi eq, %min3A, %eq3A_1627 : i32
    %and3A_1629 = arith.andi %eq3A_1626, %eq3A_1628 : i1
    %or3A = arith.ori %and3A_1625, %and3A_1629 : i1
    %eq3A_1630 = arith.constant 2048 : i32
    %eq3A_1631 = arith.cmpi eq, %reduce_sum3A_845, %eq3A_1630 : i32
    %eq3A_1632 = arith.constant 19872 : i32
    %eq3A_1633 = arith.cmpi eq, %min3A, %eq3A_1632 : i32
    %and3A_1634 = arith.andi %eq3A_1631, %eq3A_1633 : i1
    %or3A_1635 = arith.ori %or3A, %and3A_1634 : i1
    %gt3A_1636 = arith.constant 0 : i32
    %gt3A_1637 = arith.cmpi sgt, %reduce_sum3A_1621, %gt3A_1636 : i32
    %lt3A_1638 = arith.constant 2048 : i32
    %lt3A_1639 = arith.cmpi slt, %reduce_sum3A_1621, %lt3A_1638 : i32
    %and3A_1640 = arith.andi %gt3A_1637, %lt3A_1639 : i1
    %eq3A_1641 = arith.constant 0 : i32
    %eq3A_1642 = arith.cmpi eq, %reduce_sum3A_1621, %eq3A_1641 : i32
    %eq3A_1643 = arith.constant 0 : i32
    %eq3A_1644 = arith.cmpi eq, %min3A_65, %eq3A_1643 : i32
    %and3A_1645 = arith.andi %eq3A_1642, %eq3A_1644 : i1
    %or3A_1646 = arith.ori %and3A_1640, %and3A_1645 : i1
    %eq3A_1647 = arith.constant 2048 : i32
    %eq3A_1648 = arith.cmpi eq, %reduce_sum3A_1621, %eq3A_1647 : i32
    %eq3A_1649 = arith.constant 19872 : i32
    %eq3A_1650 = arith.cmpi eq, %min3A_65, %eq3A_1649 : i32
    %and3A_1651 = arith.andi %eq3A_1648, %eq3A_1650 : i1
    %or3A_1652 = arith.ori %or3A_1646, %and3A_1651 : i1
    %and3A_1653 = arith.andi %or3A_1635, %or3A_1652 : i1
    %convert_element_type3A_1654 = arith.extui %and3A_1653 : i1 to i32
    %cond3A = arith.constant 0 : i32
    %cond3A_1655 = arith.cmpi ne, %convert_element_type3A_1654, %cond3A : i32
    %cond3A_1656:2 = scf.if %cond3A_1655 -> (i32, i32) {
      %mul3A_1784 = arith.constant 16 : i32
      %mul3A_1785 = arith.muli %min3A, %mul3A_1784 : i32
      %add3A_1786 = arith.addi %mul3A_1785, %reduce_sum3A_845 : i32
      %mul3A_1787 = arith.constant 16 : i32
      %mul3A_1788 = arith.muli %min3A_65, %mul3A_1787 : i32
      %add3A_1789 = arith.addi %mul3A_1788, %reduce_sum3A_1621 : i32
      scf.yield %add3A_1786, %add3A_1789 : i32, i32
    } else {
      %add3A_1784 = arith.constant 320 : i32
      %add3A_1785 = arith.addi %mul3A_2, %add3A_1784 : i32
      %scan3A_1786 = arith.constant 0 : i32
      %scan3A_1787 = arith.constant 19999 : i32
      %scan3A_1788 = arith.constant 0 : i32
      %scan3A_1789 = arith.constant 19999 : i32
      %scan3A_1790 = arith.constant 0 : i32
      %scan3A_1791 = arith.constant 15 : i32
      %scan3A_1792 = arith.addi %scan3A_1790, %scan3A_1791 : i32
      %scan3A_1793 = arith.constant 1 : i32
      %scan3A_1794:4 = scf.for %scan3A_1848 = %scan3A_1790 to %scan3A_1792 step %scan3A_1793 iter_args(%scan3A_1849 = %scan3A_1786, %scan3A_1850 = %scan3A_1787, %scan3A_1851 = %scan3A_1788, %scan3A_1852 = %scan3A_1789) -> (i32, i32, i32, i32)  : i32 {
        %add3A_1853 = arith.addi %scan3A_1849, %scan3A_1850 : i32
        %jit3A_1854 = arith.constant 2 : i32
        %div3A_1855 = arith.divsi %add3A_1853, %jit3A_1854 : i32
        %sign3A_1856 = arith.constant 0 : i32
        %sign3A_1857 = arith.cmpi sgt, %add3A_1853, %sign3A_1856 : i32
        %sign3A_1858 = arith.extui %sign3A_1857 : i1 to i32
        %sign3A_1859 = arith.constant 0 : i32
        %sign3A_1860 = arith.cmpi slt, %add3A_1853, %sign3A_1859 : i32
        %sign3A_1861 = arith.extui %sign3A_1860 : i1 to i32
        %sign3A_1862 = arith.subi %sign3A_1858, %sign3A_1861 : i32
        %sign3A_1863 = arith.constant 0 : i32
        %sign3A_1864 = arith.cmpi sgt, %jit3A_1854, %sign3A_1863 : i32
        %sign3A_1865 = arith.extui %sign3A_1864 : i1 to i32
        %sign3A_1866 = arith.constant 0 : i32
        %sign3A_1867 = arith.cmpi slt, %jit3A_1854, %sign3A_1866 : i32
        %sign3A_1868 = arith.extui %sign3A_1867 : i1 to i32
        %sign3A_1869 = arith.subi %sign3A_1865, %sign3A_1868 : i32
        %ne3A_1870 = arith.cmpi ne, %sign3A_1862, %sign3A_1869 : i32
        %rem3A_1871 = arith.remsi %add3A_1853, %jit3A_1854 : i32
        %ne3A_1872 = arith.constant 0 : i32
        %ne3A_1873 = arith.cmpi ne, %rem3A_1871, %ne3A_1872 : i32
        %and3A_1874 = arith.andi %ne3A_1870, %ne3A_1873 : i1
        %sub3A_1875 = arith.constant 1 : i32
        %sub3A_1876 = arith.subi %div3A_1855, %sub3A_1875 : i32
        %select_n3A_1877 = arith.select %and3A_1874, %sub3A_1876, %div3A_1855 : i32
        %add3A_1878 = arith.addi %scan3A_1851, %scan3A_1852 : i32
        %jit3A_1879 = arith.constant 2 : i32
        %div3A_1880 = arith.divsi %add3A_1878, %jit3A_1879 : i32
        %sign3A_1881 = arith.constant 0 : i32
        %sign3A_1882 = arith.cmpi sgt, %add3A_1878, %sign3A_1881 : i32
        %sign3A_1883 = arith.extui %sign3A_1882 : i1 to i32
        %sign3A_1884 = arith.constant 0 : i32
        %sign3A_1885 = arith.cmpi slt, %add3A_1878, %sign3A_1884 : i32
        %sign3A_1886 = arith.extui %sign3A_1885 : i1 to i32
        %sign3A_1887 = arith.subi %sign3A_1883, %sign3A_1886 : i32
        %sign3A_1888 = arith.constant 0 : i32
        %sign3A_1889 = arith.cmpi sgt, %jit3A_1879, %sign3A_1888 : i32
        %sign3A_1890 = arith.extui %sign3A_1889 : i1 to i32
        %sign3A_1891 = arith.constant 0 : i32
        %sign3A_1892 = arith.cmpi slt, %jit3A_1879, %sign3A_1891 : i32
        %sign3A_1893 = arith.extui %sign3A_1892 : i1 to i32
        %sign3A_1894 = arith.subi %sign3A_1890, %sign3A_1893 : i32
        %ne3A_1895 = arith.cmpi ne, %sign3A_1887, %sign3A_1894 : i32
        %rem3A_1896 = arith.remsi %add3A_1878, %jit3A_1879 : i32
        %ne3A_1897 = arith.constant 0 : i32
        %ne3A_1898 = arith.cmpi ne, %rem3A_1896, %ne3A_1897 : i32
        %and3A_1899 = arith.andi %ne3A_1895, %ne3A_1898 : i1
        %sub3A_1900 = arith.constant 1 : i32
        %sub3A_1901 = arith.subi %div3A_1880, %sub3A_1900 : i32
        %select_n3A_1902 = arith.select %and3A_1899, %sub3A_1901, %div3A_1880 : i32
        %mul3A_1903 = arith.constant 16 : i32
        %mul3A_1904 = arith.muli %select_n3A_1877, %mul3A_1903 : i32
        %dma_start3A_1905 = arith.constant 0 : i32
        %dma_start3A_1906 = tpu.memref_slice %arg10[%dma_start3A_1905] : memref<2048xi32, #tpu.memory_space<vmem>> -> memref<16xi32, #tpu.memory_space<vmem>>
        %dma_start3A_1907 = tpu.memref_slice %arg3[%mul3A_1904] : memref<320000xi32, #tpu.memory_space<hbm>> -> memref<16xi32, #tpu.memory_space<hbm>>
        %dma_start3A_1908 = arith.constant 0 : i32
        %dma_start3A_1909 = tpu.memref_slice %arg10[%dma_start3A_1908] : memref<2048xi32, #tpu.memory_space<vmem>> -> memref<16xi32, #tpu.memory_space<vmem>>
        %dma_start3A_1910 = tpu.memref_slice %arg3[%mul3A_1904] : memref<320000xi32, #tpu.memory_space<hbm>> -> memref<16xi32, #tpu.memory_space<hbm>>
        tpu.enqueue_dma source(%dma_start3A_1910 : memref<16xi32, #tpu.memory_space<hbm>>) target(%dma_start3A_1909 : memref<16xi32, #tpu.memory_space<vmem>>) target_semaphore(%arg14 : memref<!tpu.dma_semaphore, #tpu.memory_space<semaphore_mem>>)
        %mul3A_1911 = arith.constant 16 : i32
        %mul3A_1912 = arith.muli %select_n3A_1902, %mul3A_1911 : i32
        %dma_start3A_1913 = arith.constant 0 : i32
        %dma_start3A_1914 = tpu.memref_slice %arg11[%dma_start3A_1913] : memref<2048xi32, #tpu.memory_space<vmem>> -> memref<16xi32, #tpu.memory_space<vmem>>
        %dma_start3A_1915 = tpu.memref_slice %arg3[%mul3A_1912] : memref<320000xi32, #tpu.memory_space<hbm>> -> memref<16xi32, #tpu.memory_space<hbm>>
        %dma_start3A_1916 = arith.constant 0 : i32
        %dma_start3A_1917 = tpu.memref_slice %arg11[%dma_start3A_1916] : memref<2048xi32, #tpu.memory_space<vmem>> -> memref<16xi32, #tpu.memory_space<vmem>>
        %dma_start3A_1918 = tpu.memref_slice %arg3[%mul3A_1912] : memref<320000xi32, #tpu.memory_space<hbm>> -> memref<16xi32, #tpu.memory_space<hbm>>
        tpu.enqueue_dma source(%dma_start3A_1918 : memref<16xi32, #tpu.memory_space<hbm>>) target(%dma_start3A_1917 : memref<16xi32, #tpu.memory_space<vmem>>) target_semaphore(%arg15 : memref<!tpu.dma_semaphore, #tpu.memory_space<semaphore_mem>>)
        %dma_wait3A_1919 = arith.constant 0 : i32
        %dma_wait3A_1920 = tpu.memref_slice %arg10[%dma_wait3A_1919] : memref<2048xi32, #tpu.memory_space<vmem>> -> memref<16xi32, #tpu.memory_space<vmem>>
        %dma_wait3A_1921 = tpu.memref_slice %arg3[%mul3A_1904] : memref<320000xi32, #tpu.memory_space<hbm>> -> memref<16xi32, #tpu.memory_space<hbm>>
        %dma_wait3A_1922 = arith.constant 0 : i32
        %dma_wait3A_1923 = tpu.memref_slice %arg10[%dma_wait3A_1922] : memref<2048xi32, #tpu.memory_space<vmem>> -> memref<16xi32, #tpu.memory_space<vmem>>
        %dma_wait3A_1924 = tpu.memref_slice %arg3[%mul3A_1904] : memref<320000xi32, #tpu.memory_space<hbm>> -> memref<16xi32, #tpu.memory_space<hbm>>
        tpu.wait_dma2 semaphore(%arg14 : memref<!tpu.dma_semaphore, #tpu.memory_space<semaphore_mem>>) src(%dma_wait3A_1924 : memref<16xi32, #tpu.memory_space<hbm>>) dst(%dma_wait3A_1923 : memref<16xi32, #tpu.memory_space<vmem>>)
        %dma_wait3A_1925 = arith.constant 0 : i32
        %dma_wait3A_1926 = tpu.memref_slice %arg11[%dma_wait3A_1925] : memref<2048xi32, #tpu.memory_space<vmem>> -> memref<16xi32, #tpu.memory_space<vmem>>
        %dma_wait3A_1927 = tpu.memref_slice %arg3[%mul3A_1912] : memref<320000xi32, #tpu.memory_space<hbm>> -> memref<16xi32, #tpu.memory_space<hbm>>
        %dma_wait3A_1928 = arith.constant 0 : i32
        %dma_wait3A_1929 = tpu.memref_slice %arg11[%dma_wait3A_1928] : memref<2048xi32, #tpu.memory_space<vmem>> -> memref<16xi32, #tpu.memory_space<vmem>>
        %dma_wait3A_1930 = tpu.memref_slice %arg3[%mul3A_1912] : memref<320000xi32, #tpu.memory_space<hbm>> -> memref<16xi32, #tpu.memory_space<hbm>>
        tpu.wait_dma2 semaphore(%arg15 : memref<!tpu.dma_semaphore, #tpu.memory_space<semaphore_mem>>) src(%dma_wait3A_1930 : memref<16xi32, #tpu.memory_space<hbm>>) dst(%dma_wait3A_1929 : memref<16xi32, #tpu.memory_space<vmem>>)
        %get3A_1931 = arith.constant 0 : index
        %get3A_1932 = tpu.vector_load %arg10[%get3A_1931] {strides = array<i32>} : memref<2048xi32, #tpu.memory_space<vmem>>, vector<16xi32>,
        %lt3A_1933 = vector.broadcast %mul3A_2 : i32 to vector<16xi32>
        %lt3A_1934 = arith.cmpi slt, %get3A_1932, %lt3A_1933 : vector<16xi32>
        %convert_element_type3A_1935 = arith.extui %lt3A_1934 : vector<16xi1> to vector<16xi32>
        %reduce_sum3A_1936 = arith.constant true
        %reduce_sum3A_1937 = vector.broadcast %reduce_sum3A_1936 : i1 to vector<16xi1>
        %reduce_sum3A_1938 = tpu.scan <sum>, %convert_element_type3A_1935 masked %reduce_sum3A_1937 : vector<16xi32>, vector<16xi1> -> vector<16xi32>
        %reduce_sum3A_1939 = vector.extract %reduce_sum3A_1938[15] : i32 from vector<16xi32>
        %lt3A_1940 = arith.constant 16 : i32
        %lt3A_1941 = arith.cmpi slt, %reduce_sum3A_1939, %lt3A_1940 : i32
        %add3A_1942 = arith.constant 1 : i32
        %add3A_1943 = arith.addi %select_n3A_1877, %add3A_1942 : i32
        %select_n3A_1944 = arith.select %lt3A_1941, %scan3A_1849, %add3A_1943 : i32
        %select_n3A_1945 = arith.select %lt3A_1941, %select_n3A_1877, %scan3A_1850 : i32
        %min3A_1946 = arith.constant 19999 : i32
        %min3A_1947 = arith.minsi %select_n3A_1944, %min3A_1946 : i32
        %get3A_1948 = arith.constant 0 : index
        %get3A_1949 = tpu.vector_load %arg11[%get3A_1948] {strides = array<i32>} : memref<2048xi32, #tpu.memory_space<vmem>>, vector<16xi32>,
        %lt3A_1950 = vector.broadcast %add3A_1785 : i32 to vector<16xi32>
        %lt3A_1951 = arith.cmpi slt, %get3A_1949, %lt3A_1950 : vector<16xi32>
        %convert_element_type3A_1952 = arith.extui %lt3A_1951 : vector<16xi1> to vector<16xi32>
        %reduce_sum3A_1953 = arith.constant true
        %reduce_sum3A_1954 = vector.broadcast %reduce_sum3A_1953 : i1 to vector<16xi1>
        %reduce_sum3A_1955 = tpu.scan <sum>, %convert_element_type3A_1952 masked %reduce_sum3A_1954 : vector<16xi32>, vector<16xi1> -> vector<16xi32>
        %reduce_sum3A_1956 = vector.extract %reduce_sum3A_1955[15] : i32 from vector<16xi32>
        %lt3A_1957 = arith.constant 16 : i32
        %lt3A_1958 = arith.cmpi slt, %reduce_sum3A_1956, %lt3A_1957 : i32
        %add3A_1959 = arith.constant 1 : i32
        %add3A_1960 = arith.addi %select_n3A_1902, %add3A_1959 : i32
        %select_n3A_1961 = arith.select %lt3A_1958, %scan3A_1851, %add3A_1960 : i32
        %select_n3A_1962 = arith.select %lt3A_1958, %select_n3A_1902, %scan3A_1852 : i32
        %min3A_1963 = arith.constant 19999 : i32
        %min3A_1964 = arith.minsi %select_n3A_1961, %min3A_1963 : i32
        scf.yield %min3A_1947, %select_n3A_1945, %min3A_1964, %select_n3A_1962 : i32, i32, i32, i32
      }
      %scan3A_1795 = arith.constant 15 : i32
      %mul3A_1796 = arith.constant 16 : i32
      %mul3A_1797 = arith.muli %scan3A_1794#0, %mul3A_1796 : i32
      %dma_start3A_1798 = arith.constant 0 : i32
      %dma_start3A_1799 = tpu.memref_slice %arg10[%dma_start3A_1798] : memref<2048xi32, #tpu.memory_space<vmem>> -> memref<16xi32, #tpu.memory_space<vmem>>
      %dma_start3A_1800 = tpu.memref_slice %arg3[%mul3A_1797] : memref<320000xi32, #tpu.memory_space<hbm>> -> memref<16xi32, #tpu.memory_space<hbm>>
      %dma_start3A_1801 = arith.constant 0 : i32
      %dma_start3A_1802 = tpu.memref_slice %arg10[%dma_start3A_1801] : memref<2048xi32, #tpu.memory_space<vmem>> -> memref<16xi32, #tpu.memory_space<vmem>>
      %dma_start3A_1803 = tpu.memref_slice %arg3[%mul3A_1797] : memref<320000xi32, #tpu.memory_space<hbm>> -> memref<16xi32, #tpu.memory_space<hbm>>
      tpu.enqueue_dma source(%dma_start3A_1803 : memref<16xi32, #tpu.memory_space<hbm>>) target(%dma_start3A_1802 : memref<16xi32, #tpu.memory_space<vmem>>) target_semaphore(%arg14 : memref<!tpu.dma_semaphore, #tpu.memory_space<semaphore_mem>>)
      %mul3A_1804 = arith.constant 16 : i32
      %mul3A_1805 = arith.muli %scan3A_1794#2, %mul3A_1804 : i32
      %dma_start3A_1806 = arith.constant 0 : i32
      %dma_start3A_1807 = tpu.memref_slice %arg11[%dma_start3A_1806] : memref<2048xi32, #tpu.memory_space<vmem>> -> memref<16xi32, #tpu.memory_space<vmem>>
      %dma_start3A_1808 = tpu.memref_slice %arg3[%mul3A_1805] : memref<320000xi32, #tpu.memory_space<hbm>> -> memref<16xi32, #tpu.memory_space<hbm>>
      %dma_start3A_1809 = arith.constant 0 : i32
      %dma_start3A_1810 = tpu.memref_slice %arg11[%dma_start3A_1809] : memref<2048xi32, #tpu.memory_space<vmem>> -> memref<16xi32, #tpu.memory_space<vmem>>
      %dma_start3A_1811 = tpu.memref_slice %arg3[%mul3A_1805] : memref<320000xi32, #tpu.memory_space<hbm>> -> memref<16xi32, #tpu.memory_space<hbm>>
      tpu.enqueue_dma source(%dma_start3A_1811 : memref<16xi32, #tpu.memory_space<hbm>>) target(%dma_start3A_1810 : memref<16xi32, #tpu.memory_space<vmem>>) target_semaphore(%arg15 : memref<!tpu.dma_semaphore, #tpu.memory_space<semaphore_mem>>)
      %dma_wait3A_1812 = arith.constant 0 : i32
      %dma_wait3A_1813 = tpu.memref_slice %arg10[%dma_wait3A_1812] : memref<2048xi32, #tpu.memory_space<vmem>> -> memref<16xi32, #tpu.memory_space<vmem>>
      %dma_wait3A_1814 = tpu.memref_slice %arg3[%mul3A_1797] : memref<320000xi32, #tpu.memory_space<hbm>> -> memref<16xi32, #tpu.memory_space<hbm>>
      %dma_wait3A_1815 = arith.constant 0 : i32
      %dma_wait3A_1816 = tpu.memref_slice %arg10[%dma_wait3A_1815] : memref<2048xi32, #tpu.memory_space<vmem>> -> memref<16xi32, #tpu.memory_space<vmem>>
      %dma_wait3A_1817 = tpu.memref_slice %arg3[%mul3A_1797] : memref<320000xi32, #tpu.memory_space<hbm>> -> memref<16xi32, #tpu.memory_space<hbm>>
      tpu.wait_dma2 semaphore(%arg14 : memref<!tpu.dma_semaphore, #tpu.memory_space<semaphore_mem>>) src(%dma_wait3A_1817 : memref<16xi32, #tpu.memory_space<hbm>>) dst(%dma_wait3A_1816 : memref<16xi32, #tpu.memory_space<vmem>>)
      %dma_wait3A_1818 = arith.constant 0 : i32
      %dma_wait3A_1819 = tpu.memref_slice %arg11[%dma_wait3A_1818] : memref<2048xi32, #tpu.memory_space<vmem>> -> memref<16xi32, #tpu.memory_space<vmem>>
      %dma_wait3A_1820 = tpu.memref_slice %arg3[%mul3A_1805] : memref<320000xi32, #tpu.memory_space<hbm>> -> memref<16xi32, #tpu.memory_space<hbm>>
      %dma_wait3A_1821 = arith.constant 0 : i32
      %dma_wait3A_1822 = tpu.memref_slice %arg11[%dma_wait3A_1821] : memref<2048xi32, #tpu.memory_space<vmem>> -> memref<16xi32, #tpu.memory_space<vmem>>
      %dma_wait3A_1823 = tpu.memref_slice %arg3[%mul3A_1805] : memref<320000xi32, #tpu.memory_space<hbm>> -> memref<16xi32, #tpu.memory_space<hbm>>
      tpu.wait_dma2 semaphore(%arg15 : memref<!tpu.dma_semaphore, #tpu.memory_space<semaphore_mem>>) src(%dma_wait3A_1823 : memref<16xi32, #tpu.memory_space<hbm>>) dst(%dma_wait3A_1822 : memref<16xi32, #tpu.memory_space<vmem>>)
      %get3A_1824 = arith.constant 0 : index
      %get3A_1825 = tpu.vector_load %arg10[%get3A_1824] {strides = array<i32>} : memref<2048xi32, #tpu.memory_space<vmem>>, vector<16xi32>,
      %lt3A_1826 = vector.broadcast %mul3A_2 : i32 to vector<16xi32>
      %lt3A_1827 = arith.cmpi slt, %get3A_1825, %lt3A_1826 : vector<16xi32>
      %convert_element_type3A_1828 = arith.extui %lt3A_1827 : vector<16xi1> to vector<16xi32>
      %reduce_sum3A_1829 = arith.constant true
      %reduce_sum3A_1830 = vector.broadcast %reduce_sum3A_1829 : i1 to vector<16xi1>
      %reduce_sum3A_1831 = tpu.scan <sum>, %convert_element_type3A_1828 masked %reduce_sum3A_1830 : vector<16xi32>, vector<16xi1> -> vector<16xi32>
      %reduce_sum3A_1832 = vector.extract %reduce_sum3A_1831[15] : i32 from vector<16xi32>
      %get3A_1833 = arith.constant 0 : index
      %get3A_1834 = tpu.vector_load %arg11[%get3A_1833] {strides = array<i32>} : memref<2048xi32, #tpu.memory_space<vmem>>, vector<16xi32>,
      %lt3A_1835 = vector.broadcast %add3A_1785 : i32 to vector<16xi32>
      %lt3A_1836 = arith.cmpi slt, %get3A_1834, %lt3A_1835 : vector<16xi32>
      %convert_element_type3A_1837 = arith.extui %lt3A_1836 : vector<16xi1> to vector<16xi32>
      %reduce_sum3A_1838 = arith.constant true
      %reduce_sum3A_1839 = vector.broadcast %reduce_sum3A_1838 : i1 to vector<16xi1>
      %reduce_sum3A_1840 = tpu.scan <sum>, %convert_element_type3A_1837 masked %reduce_sum3A_1839 : vector<16xi32>, vector<16xi1> -> vector<16xi32>
      %reduce_sum3A_1841 = vector.extract %reduce_sum3A_1840[15] : i32 from vector<16xi32>
      %mul3A_1842 = arith.constant 16 : i32
      %mul3A_1843 = arith.muli %scan3A_1794#0, %mul3A_1842 : i32
      %add3A_1844 = arith.addi %mul3A_1843, %reduce_sum3A_1832 : i32
      %mul3A_1845 = arith.constant 16 : i32
      %mul3A_1846 = arith.muli %scan3A_1794#2, %mul3A_1845 : i32
      %add3A_1847 = arith.addi %mul3A_1846, %reduce_sum3A_1841 : i32
      scf.yield %add3A_1844, %add3A_1847 : i32, i32
    }
    %jit3A_1657 = arith.constant 256 : i32
    %div3A_1658 = arith.divsi %cond3A_1656#0, %jit3A_1657 : i32
    %sign3A_1659 = arith.constant 0 : i32
    %sign3A_1660 = arith.cmpi sgt, %cond3A_1656#0, %sign3A_1659 : i32
    %sign3A_1661 = arith.extui %sign3A_1660 : i1 to i32
    %sign3A_1662 = arith.constant 0 : i32
    %sign3A_1663 = arith.cmpi slt, %cond3A_1656#0, %sign3A_1662 : i32
    %sign3A_1664 = arith.extui %sign3A_1663 : i1 to i32
    %sign3A_1665 = arith.subi %sign3A_1661, %sign3A_1664 : i32
    %sign3A_1666 = arith.constant 0 : i32
    %sign3A_1667 = arith.cmpi sgt, %jit3A_1657, %sign3A_1666 : i32
    %sign3A_1668 = arith.extui %sign3A_1667 : i1 to i32
    %sign3A_1669 = arith.constant 0 : i32
    %sign3A_1670 = arith.cmpi slt, %jit3A_1657, %sign3A_1669 : i32
    %sign3A_1671 = arith.extui %sign3A_1670 : i1 to i32
    %sign3A_1672 = arith.subi %sign3A_1668, %sign3A_1671 : i32
    %ne3A_1673 = arith.cmpi ne, %sign3A_1665, %sign3A_1672 : i32
    %rem3A_1674 = arith.remsi %cond3A_1656#0, %jit3A_1657 : i32
    %ne3A_1675 = arith.constant 0 : i32
    %ne3A_1676 = arith.cmpi ne, %rem3A_1674, %ne3A_1675 : i32
    %and3A_1677 = arith.andi %ne3A_1673, %ne3A_1676 : i1
    %sub3A_1678 = arith.constant 1 : i32
    %sub3A_1679 = arith.subi %div3A_1658, %sub3A_1678 : i32
    %select_n3A_1680 = arith.select %and3A_1677, %sub3A_1679, %div3A_1658 : i32
    %add3A_1681 = arith.constant 256 : i32
    %add3A_1682 = arith.addi %cond3A_1656#1, %add3A_1681 : i32
    %sub3A_1683 = arith.constant 1 : i32
    %sub3A_1684 = arith.subi %add3A_1682, %sub3A_1683 : i32
    %jit3A_1685 = arith.constant 256 : i32
    %div3A_1686 = arith.divsi %sub3A_1684, %jit3A_1685 : i32
    %sign3A_1687 = arith.constant 0 : i32
    %sign3A_1688 = arith.cmpi sgt, %sub3A_1684, %sign3A_1687 : i32
    %sign3A_1689 = arith.extui %sign3A_1688 : i1 to i32
    %sign3A_1690 = arith.constant 0 : i32
    %sign3A_1691 = arith.cmpi slt, %sub3A_1684, %sign3A_1690 : i32
    %sign3A_1692 = arith.extui %sign3A_1691 : i1 to i32
    %sign3A_1693 = arith.subi %sign3A_1689, %sign3A_1692 : i32
    %sign3A_1694 = arith.constant 0 : i32
    %sign3A_1695 = arith.cmpi sgt, %jit3A_1685, %sign3A_1694 : i32
    %sign3A_1696 = arith.extui %sign3A_1695 : i1 to i32
    %sign3A_1697 = arith.constant 0 : i32
    %sign3A_1698 = arith.cmpi slt, %jit3A_1685, %sign3A_1697 : i32
    %sign3A_1699 = arith.extui %sign3A_1698 : i1 to i32
    %sign3A_1700 = arith.subi %sign3A_1696, %sign3A_1699 : i32
    %ne3A_1701 = arith.cmpi ne, %sign3A_1693, %sign3A_1700 : i32
    %rem3A_1702 = arith.remsi %sub3A_1684, %jit3A_1685 : i32
    %ne3A_1703 = arith.constant 0 : i32
    %ne3A_1704 = arith.cmpi ne, %rem3A_1702, %ne3A_1703 : i32
    %and3A_1705 = arith.andi %ne3A_1701, %ne3A_1704 : i1
    %sub3A_1706 = arith.constant 1 : i32
    %sub3A_1707 = arith.subi %div3A_1686, %sub3A_1706 : i32
    %select_n3A_1708 = arith.select %and3A_1705, %sub3A_1707, %div3A_1686 : i32
    %iota3A = tpu.iota {dimensions = array<i32: 0>} : vector<16xi32>
    %lt3A_1709 = arith.cmpi slt, %select_n3A_1680, %select_n3A_1708 : i32
    %convert_element_type3A_1710 = arith.extui %lt3A_1709 : i1 to i32
    %cond3A_1711 = arith.constant 0 : i32
    %cond3A_1712 = arith.cmpi ne, %convert_element_type3A_1710, %cond3A_1711 : i32
    scf.if %cond3A_1712 {
      %mul3A_1784 = arith.constant 256 : i32
      %mul3A_1785 = arith.muli %select_n3A_1680, %mul3A_1784 : i32
      %dma_start3A_1786 = arith.constant 0 : i32
      %dma_start3A_1787 = tpu.memref_slice %arg2[%mul3A_1785, %dma_start3A_1786] : memref<320000x128xf32, #tpu.memory_space<hbm>> -> memref<256x128xf32, #tpu.memory_space<hbm>>
      %dma_start3A_1788 = arith.constant 0 : i32
      %dma_start3A_1789 = tpu.memref_slice %arg2[%mul3A_1785, %dma_start3A_1788] : memref<320000x128xf32, #tpu.memory_space<hbm>> -> memref<256x128xf32, #tpu.memory_space<hbm>>
      tpu.enqueue_dma source(%dma_start3A_1789 : memref<256x128xf32, #tpu.memory_space<hbm>>) target(%arg6 : memref<256x128xf32, #tpu.memory_space<vmem>>) target_semaphore(%arg12 : memref<!tpu.dma_semaphore, #tpu.memory_space<semaphore_mem>>)
      %mul3A_1790 = arith.constant 256 : i32
      %mul3A_1791 = arith.muli %select_n3A_1680, %mul3A_1790 : i32
      %dma_start3A_1792 = tpu.memref_slice %arg3[%mul3A_1791] : memref<320000xi32, #tpu.memory_space<hbm>> -> memref<256xi32, #tpu.memory_space<hbm>>
      %dma_start3A_1793 = tpu.memref_slice %arg3[%mul3A_1791] : memref<320000xi32, #tpu.memory_space<hbm>> -> memref<256xi32, #tpu.memory_space<hbm>>
      tpu.enqueue_dma source(%dma_start3A_1793 : memref<256xi32, #tpu.memory_space<hbm>>) target(%arg8 : memref<256xi32, #tpu.memory_space<vmem>>) target_semaphore(%arg12 : memref<!tpu.dma_semaphore, #tpu.memory_space<semaphore_mem>>)
    } else {
    }
    %sub3A_1713 = arith.subi %select_n3A_1708, %select_n3A_1680 : i32
    %add3A_1714 = arith.constant 1 : i32
    %add3A_1715 = arith.addi %sub3A_1713, %add3A_1714 : i32
    %jit3A_1716 = arith.constant 2 : i32
    %div3A_1717 = arith.divsi %add3A_1715, %jit3A_1716 : i32
    %sign3A_1718 = arith.constant 0 : i32
    %sign3A_1719 = arith.cmpi sgt, %add3A_1715, %sign3A_1718 : i32
    %sign3A_1720 = arith.extui %sign3A_1719 : i1 to i32
    %sign3A_1721 = arith.constant 0 : i32
    %sign3A_1722 = arith.cmpi slt, %add3A_1715, %sign3A_1721 : i32
    %sign3A_1723 = arith.extui %sign3A_1722 : i1 to i32
    %sign3A_1724 = arith.subi %sign3A_1720, %sign3A_1723 : i32
    %sign3A_1725 = arith.constant 0 : i32
    %sign3A_1726 = arith.cmpi sgt, %jit3A_1716, %sign3A_1725 : i32
    %sign3A_1727 = arith.extui %sign3A_1726 : i1 to i32
    %sign3A_1728 = arith.constant 0 : i32
    %sign3A_1729 = arith.cmpi slt, %jit3A_1716, %sign3A_1728 : i32
    %sign3A_1730 = arith.extui %sign3A_1729 : i1 to i32
    %sign3A_1731 = arith.subi %sign3A_1727, %sign3A_1730 : i32
    %ne3A_1732 = arith.cmpi ne, %sign3A_1724, %sign3A_1731 : i32
    %rem3A_1733 = arith.remsi %add3A_1715, %jit3A_1716 : i32
    %ne3A_1734 = arith.constant 0 : i32
    %ne3A_1735 = arith.cmpi ne, %rem3A_1733, %ne3A_1734 : i32
    %and3A_1736 = arith.andi %ne3A_1732, %ne3A_1735 : i1
    %sub3A_1737 = arith.constant 1 : i32
    %sub3A_1738 = arith.subi %div3A_1717, %sub3A_1737 : i32
    %select_n3A_1739 = arith.select %and3A_1736, %sub3A_1738, %div3A_1717 : i32
    %while3A = arith.constant 0 : i32
    %while3A_1740 = arith.constant 0 : i32
    %while3A_1741 = arith.subi %select_n3A_1739, %while3A : i32
    %while3A_1742 = arith.addi %while3A, %while3A_1741 : i32
    %while3A_1743 = arith.constant 1 : i32
    %while3A_1744 = arith.divsi %while3A_1741, %while3A_1743 : i32
    %while3A_1745 = arith.muli %while3A_1744, %while3A_1743 : i32
    %while3A_1746 = arith.addi %while3A, %while3A_1745 : i32
    %while3A_1747 = arith.constant 1 : i32
    %while3A_1748:9 = scf.for %while3A_1784 = %while3A to %while3A_1746 step %while3A_1747 iter_args(%while3A_1785 = %broadcast_in_dim3A_3, %while3A_1786 = %broadcast_in_dim3A_3, %while3A_1787 = %broadcast_in_dim3A_3, %while3A_1788 = %broadcast_in_dim3A_3, %while3A_1789 = %broadcast_in_dim3A_3, %while3A_1790 = %broadcast_in_dim3A_3, %while3A_1791 = %broadcast_in_dim3A_3, %while3A_1792 = %broadcast_in_dim3A_3, %while3A_1793 = %while3A_1740) -> (vector<16xf32>, vector<16xf32>, vector<16xf32>, vector<16xf32>, vector<16xf32>, vector<16xf32>, vector<16xf32>, vector<16xf32>, i32)  : i32 {
      %mul3A_1794 = arith.constant 2 : i32
      %mul3A_1795 = arith.muli %mul3A_1794, %while3A_1784 : i32
      %add3A_1796 = arith.addi %select_n3A_1680, %mul3A_1795 : i32
      %add3A_1797 = arith.constant 0 : i32
      %add3A_1798 = arith.addi %add3A_1796, %add3A_1797 : i32
      %add3A_1799 = arith.constant 1 : i32
      %add3A_1800 = arith.addi %add3A_1798, %add3A_1799 : i32
      %lt3A_1801 = arith.cmpi slt, %add3A_1800, %select_n3A_1708 : i32
      %convert_element_type3A_1802 = arith.extui %lt3A_1801 : i1 to i32
      %cond3A_1803 = arith.constant 0 : i32
      %cond3A_1804 = arith.cmpi ne, %convert_element_type3A_1802, %cond3A_1803 : i32
      scf.if %cond3A_1804 {
        %add3A_1826 = arith.constant 1 : i32
        %add3A_1827 = arith.addi %add3A_1798, %add3A_1826 : i32
        %mul3A_1828 = arith.constant 256 : i32
        %mul3A_1829 = arith.muli %add3A_1827, %mul3A_1828 : i32
        %dma_start3A_1830 = arith.constant 0 : i32
        %dma_start3A_1831 = tpu.memref_slice %arg2[%mul3A_1829, %dma_start3A_1830] : memref<320000x128xf32, #tpu.memory_space<hbm>> -> memref<256x128xf32, #tpu.memory_space<hbm>>
        %dma_start3A_1832 = arith.constant 0 : i32
        %dma_start3A_1833 = tpu.memref_slice %arg2[%mul3A_1829, %dma_start3A_1832] : memref<320000x128xf32, #tpu.memory_space<hbm>> -> memref<256x128xf32, #tpu.memory_space<hbm>>
        tpu.enqueue_dma source(%dma_start3A_1833 : memref<256x128xf32, #tpu.memory_space<hbm>>) target(%arg7 : memref<256x128xf32, #tpu.memory_space<vmem>>) target_semaphore(%arg13 : memref<!tpu.dma_semaphore, #tpu.memory_space<semaphore_mem>>)
        %mul3A_1834 = arith.constant 256 : i32
        %mul3A_1835 = arith.muli %add3A_1827, %mul3A_1834 : i32
        %dma_start3A_1836 = tpu.memref_slice %arg3[%mul3A_1835] : memref<320000xi32, #tpu.memory_space<hbm>> -> memref<256xi32, #tpu.memory_space<hbm>>
        %dma_start3A_1837 = tpu.memref_slice %arg3[%mul3A_1835] : memref<320000xi32, #tpu.memory_space<hbm>> -> memref<256xi32, #tpu.memory_space<hbm>>
        tpu.enqueue_dma source(%dma_start3A_1837 : memref<256xi32, #tpu.memory_space<hbm>>) target(%arg9 : memref<256xi32, #tpu.memory_space<vmem>>) target_semaphore(%arg13 : memref<!tpu.dma_semaphore, #tpu.memory_space<semaphore_mem>>)
      } else {
      }
      %lt3A_1805 = arith.cmpi slt, %add3A_1798, %select_n3A_1708 : i32
      %convert_element_type3A_1806 = arith.extui %lt3A_1805 : i1 to i32
      %cond3A_1807 = arith.constant 0 : i32
      %cond3A_1808 = arith.cmpi ne, %convert_element_type3A_1806, %cond3A_1807 : i32
      %cond3A_1809:9 = scf.if %cond3A_1808 -> (vector<16xf32>, vector<16xf32>, vector<16xf32>, vector<16xf32>, vector<16xf32>, vector<16xf32>, vector<16xf32>, vector<16xf32>, i32) {
        %mul3A_1826 = arith.constant 256 : i32
        %mul3A_1827 = arith.muli %add3A_1798, %mul3A_1826 : i32
        %dma_wait3A_1828 = arith.constant 0 : i32
        %dma_wait3A_1829 = tpu.memref_slice %arg2[%mul3A_1827, %dma_wait3A_1828] : memref<320000x128xf32, #tpu.memory_space<hbm>> -> memref<256x128xf32, #tpu.memory_space<hbm>>
        %dma_wait3A_1830 = arith.constant 0 : i32
        %dma_wait3A_1831 = tpu.memref_slice %arg2[%mul3A_1827, %dma_wait3A_1830] : memref<320000x128xf32, #tpu.memory_space<hbm>> -> memref<256x128xf32, #tpu.memory_space<hbm>>
        tpu.wait_dma2 semaphore(%arg12 : memref<!tpu.dma_semaphore, #tpu.memory_space<semaphore_mem>>) src(%dma_wait3A_1831 : memref<256x128xf32, #tpu.memory_space<hbm>>) dst(%arg6 : memref<256x128xf32, #tpu.memory_space<vmem>>)
        %mul3A_1832 = arith.constant 256 : i32
        %mul3A_1833 = arith.muli %add3A_1798, %mul3A_1832 : i32
        %dma_wait3A_1834 = tpu.memref_slice %arg3[%mul3A_1833] : memref<320000xi32, #tpu.memory_space<hbm>> -> memref<256xi32, #tpu.memory_space<hbm>>
        %dma_wait3A_1835 = tpu.memref_slice %arg3[%mul3A_1833] : memref<320000xi32, #tpu.memory_space<hbm>> -> memref<256xi32, #tpu.memory_space<hbm>>
        tpu.wait_dma2 semaphore(%arg12 : memref<!tpu.dma_semaphore, #tpu.memory_space<semaphore_mem>>) src(%dma_wait3A_1835 : memref<256xi32, #tpu.memory_space<hbm>>) dst(%arg8 : memref<256xi32, #tpu.memory_space<vmem>>)
        %mul3A_1836 = arith.constant 256 : i32
        %mul3A_1837 = arith.muli %add3A_1798, %mul3A_1836 : i32
        %sub3A_1838 = arith.subi %cond3A_1656#0, %mul3A_1837 : i32
        %max3A_1839 = arith.constant 0 : i32
        %max3A_1840 = arith.maxsi %sub3A_1838, %max3A_1839 : i32
        %mul3A_1841 = arith.constant 256 : i32
        %mul3A_1842 = arith.muli %add3A_1798, %mul3A_1841 : i32
        %sub3A_1843 = arith.subi %cond3A_1656#1, %mul3A_1842 : i32
        %min3A_1844 = arith.constant 256 : i32
        %min3A_1845 = arith.minsi %sub3A_1843, %min3A_1844 : i32
        %jit3A_1846 = arith.constant 16 : i32
        %div3A_1847 = arith.divsi %max3A_1840, %jit3A_1846 : i32
        %sign3A_1848 = arith.constant 0 : i32
        %sign3A_1849 = arith.cmpi sgt, %max3A_1840, %sign3A_1848 : i32
        %sign3A_1850 = arith.extui %sign3A_1849 : i1 to i32
        %sign3A_1851 = arith.constant 0 : i32
        %sign3A_1852 = arith.cmpi slt, %max3A_1840, %sign3A_1851 : i32
        %sign3A_1853 = arith.extui %sign3A_1852 : i1 to i32
        %sign3A_1854 = arith.subi %sign3A_1850, %sign3A_1853 : i32
        %sign3A_1855 = arith.constant 0 : i32
        %sign3A_1856 = arith.cmpi sgt, %jit3A_1846, %sign3A_1855 : i32
        %sign3A_1857 = arith.extui %sign3A_1856 : i1 to i32
        %sign3A_1858 = arith.constant 0 : i32
        %sign3A_1859 = arith.cmpi slt, %jit3A_1846, %sign3A_1858 : i32
        %sign3A_1860 = arith.extui %sign3A_1859 : i1 to i32
        %sign3A_1861 = arith.subi %sign3A_1857, %sign3A_1860 : i32
        %ne3A_1862 = arith.cmpi ne, %sign3A_1854, %sign3A_1861 : i32
        %rem3A_1863 = arith.remsi %max3A_1840, %jit3A_1846 : i32
        %ne3A_1864 = arith.constant 0 : i32
        %ne3A_1865 = arith.cmpi ne, %rem3A_1863, %ne3A_1864 : i32
        %and3A_1866 = arith.andi %ne3A_1862, %ne3A_1865 : i1
        %sub3A_1867 = arith.constant 1 : i32
        %sub3A_1868 = arith.subi %div3A_1847, %sub3A_1867 : i32
        %select_n3A_1869 = arith.select %and3A_1866, %sub3A_1868, %div3A_1847 : i32
        %add3A_1870 = arith.constant 16 : i32
        %add3A_1871 = arith.addi %min3A_1845, %add3A_1870 : i32
        %sub3A_1872 = arith.constant 1 : i32
        %sub3A_1873 = arith.subi %add3A_1871, %sub3A_1872 : i32
        %jit3A_1874 = arith.constant 16 : i32
        %div3A_1875 = arith.divsi %sub3A_1873, %jit3A_1874 : i32
        %sign3A_1876 = arith.constant 0 : i32
        %sign3A_1877 = arith.cmpi sgt, %sub3A_1873, %sign3A_1876 : i32
        %sign3A_1878 = arith.extui %sign3A_1877 : i1 to i32
        %sign3A_1879 = arith.constant 0 : i32
        %sign3A_1880 = arith.cmpi slt, %sub3A_1873, %sign3A_1879 : i32
        %sign3A_1881 = arith.extui %sign3A_1880 : i1 to i32
        %sign3A_1882 = arith.subi %sign3A_1878, %sign3A_1881 : i32
        %sign3A_1883 = arith.constant 0 : i32
        %sign3A_1884 = arith.cmpi sgt, %jit3A_1874, %sign3A_1883 : i32
        %sign3A_1885 = arith.extui %sign3A_1884 : i1 to i32
        %sign3A_1886 = arith.constant 0 : i32
        %sign3A_1887 = arith.cmpi slt, %jit3A_1874, %sign3A_1886 : i32
        %sign3A_1888 = arith.extui %sign3A_1887 : i1 to i32
        %sign3A_1889 = arith.subi %sign3A_1885, %sign3A_1888 : i32
        %ne3A_1890 = arith.cmpi ne, %sign3A_1882, %sign3A_1889 : i32
        %rem3A_1891 = arith.remsi %sub3A_1873, %jit3A_1874 : i32
        %ne3A_1892 = arith.constant 0 : i32
        %ne3A_1893 = arith.cmpi ne, %rem3A_1891, %ne3A_1892 : i32
        %and3A_1894 = arith.andi %ne3A_1890, %ne3A_1893 : i1
        %sub3A_1895 = arith.constant 1 : i32
        %sub3A_1896 = arith.subi %div3A_1875, %sub3A_1895 : i32
        %select_n3A_1897 = arith.select %and3A_1894, %sub3A_1896, %div3A_1875 : i32
        %while3A_1898 = arith.subi %select_n3A_1897, %select_n3A_1869 : i32
        %while3A_1899 = arith.addi %select_n3A_1869, %while3A_1898 : i32
        %while3A_1900 = arith.constant 1 : i32
        %while3A_1901 = arith.divsi %while3A_1898, %while3A_1900 : i32
        %while3A_1902 = arith.muli %while3A_1901, %while3A_1900 : i32
        %while3A_1903 = arith.addi %select_n3A_1869, %while3A_1902 : i32
        %while3A_1904 = arith.constant 1 : i32
        %while3A_1905:9 = scf.for %while3A_1908 = %select_n3A_1869 to %while3A_1903 step %while3A_1904 iter_args(%while3A_1909 = %while3A_1785, %while3A_1910 = %while3A_1786, %while3A_1911 = %while3A_1787, %while3A_1912 = %while3A_1788, %while3A_1913 = %while3A_1789, %while3A_1914 = %while3A_1790, %while3A_1915 = %while3A_1791, %while3A_1916 = %while3A_1792, %while3A_1917 = %while3A_1793) -> (vector<16xf32>, vector<16xf32>, vector<16xf32>, vector<16xf32>, vector<16xf32>, vector<16xf32>, vector<16xf32>, vector<16xf32>, i32)  : i32 {
          %mul3A_1918 = arith.constant 16 : i32
          %mul3A_1919 = arith.muli %while3A_1908, %mul3A_1918 : i32
          %sub3A_1920 = arith.subi %max3A_1840, %mul3A_1919 : i32
          %max3A_1921 = arith.constant 0 : i32
          %max3A_1922 = arith.maxsi %sub3A_1920, %max3A_1921 : i32
          %mul3A_1923 = arith.constant 16 : i32
          %mul3A_1924 = arith.muli %while3A_1908, %mul3A_1923 : i32
          %sub3A_1925 = arith.subi %min3A_1845, %mul3A_1924 : i32
          %min3A_1926 = arith.constant 16 : i32
          %min3A_1927 = arith.minsi %sub3A_1925, %min3A_1926 : i32
          %mul3A_1928 = arith.constant 16 : i32
          %mul3A_1929 = arith.muli %while3A_1908, %mul3A_1928 : i32
          %get3A_1930 = arith.index_cast %mul3A_1929 : i32 to index
          %get3A_1931 = tpu.vector_load %arg8[%get3A_1930] {strides = array<i32>} : memref<256xi32, #tpu.memory_space<vmem>>, vector<16xi32>,
          %while3A_1932:10 = scf.while (%while3A_1933 = %max3A_1922, %while3A_1934 = %while3A_1917, %while3A_1935 = %while3A_1909, %while3A_1936 = %while3A_1910, %while3A_1937 = %while3A_1911, %while3A_1938 = %while3A_1912, %while3A_1939 = %while3A_1913, %while3A_1940 = %while3A_1914, %while3A_1941 = %while3A_1915, %while3A_1942 = %while3A_1916) : (i32, i32, vector<16xf32>, vector<16xf32>, vector<16xf32>, vector<16xf32>, vector<16xf32>, vector<16xf32>, vector<16xf32>, vector<16xf32>) -> (i32, i32, vector<16xf32>, vector<16xf32>, vector<16xf32>, vector<16xf32>, vector<16xf32>, vector<16xf32>, vector<16xf32>, vector<16xf32>) {
            %lt3A_1943 = arith.cmpi slt, %while3A_1933, %min3A_1927 : i32
            scf.condition(%lt3A_1943) %while3A_1933, %while3A_1934, %while3A_1935, %while3A_1936, %while3A_1937, %while3A_1938, %while3A_1939, %while3A_1940, %while3A_1941, %while3A_1942 : i32, i32, vector<16xf32>, vector<16xf32>, vector<16xf32>, vector<16xf32>, vector<16xf32>, vector<16xf32>, vector<16xf32>, vector<16xf32>
          } do {
          ^bb0(%while3A_1933: i32, %while3A_1934: i32, %while3A_1935: vector<16xf32>, %while3A_1936: vector<16xf32>, %while3A_1937: vector<16xf32>, %while3A_1938: vector<16xf32>, %while3A_1939: vector<16xf32>, %while3A_1940: vector<16xf32>, %while3A_1941: vector<16xf32>, %while3A_1942: vector<16xf32>):
            %eq3A_1943 = vector.broadcast %while3A_1933 : i32 to vector<16xi32>
            %eq3A_1944 = arith.cmpi eq, %iota3A, %eq3A_1943 : vector<16xi32>
            %jit3A_1945 = arith.constant -1 : i32
            %broadcast_in_dim3A_1946 = vector.broadcast %jit3A_1945 : i32 to vector<16xi32>
            %select_n3A_1947 = arith.select %eq3A_1944, %get3A_1931, %broadcast_in_dim3A_1946 : vector<16xi1>, vector<16xi32>
            %reduce_max3A = arith.constant true
            %reduce_max3A_1948 = vector.broadcast %reduce_max3A : i1 to vector<16xi1>
            %reduce_max3A_1949 = arith.constant -2147483648 : i32
            %reduce_max3A_1950 = vector.broadcast %reduce_max3A_1949 : i32 to vector<16xi32>
            %reduce_max3A_1951 = arith.xori %select_n3A_1947, %reduce_max3A_1950 : vector<16xi32>
            %reduce_max3A_1952 = tpu.scan <max>, %reduce_max3A_1951 masked %reduce_max3A_1948 : vector<16xi32>, vector<16xi1> -> vector<16xi32>
            %reduce_max3A_1953 = arith.xori %reduce_max3A_1952, %reduce_max3A_1950 : vector<16xi32>
            %reduce_max3A_1954 = vector.extract %reduce_max3A_1953[15] : i32 from vector<16xi32>
            %sub3A_1955 = arith.subi %reduce_max3A_1954, %mul3A_2 : i32
            %add3A_1956 = arith.addi %sub3A_1955, %mul3A_2 : i32
            %ne3A_1957 = vector.broadcast %add3A_1956 : i32 to vector<16xi32>
            %ne3A_1958 = arith.cmpi ne, %get3A_1931, %ne3A_1957 : vector<16xi32>
            %ge3A = vector.broadcast %while3A_1933 : i32 to vector<16xi32>
            %ge3A_1959 = arith.cmpi sge, %iota3A, %ge3A : vector<16xi32>
            %and3A_1960 = arith.andi %ne3A_1958, %ge3A_1959 : vector<16xi1>
            %jit3A_1961 = arith.constant 16 : i32
            %broadcast_in_dim3A_1962 = vector.broadcast %jit3A_1961 : i32 to vector<16xi32>
            %select_n3A_1963 = arith.select %and3A_1960, %iota3A, %broadcast_in_dim3A_1962 : vector<16xi1>, vector<16xi32>
            %reduce_min3A = arith.constant true
            %reduce_min3A_1964 = vector.broadcast %reduce_min3A : i1 to vector<16xi1>
            %reduce_min3A_1965 = arith.constant -2147483648 : i32
            %reduce_min3A_1966 = vector.broadcast %reduce_min3A_1965 : i32 to vector<16xi32>
            %reduce_min3A_1967 = arith.xori %select_n3A_1963, %reduce_min3A_1966 : vector<16xi32>
            %reduce_min3A_1968 = tpu.scan <min>, %reduce_min3A_1967 masked %reduce_min3A_1964 : vector<16xi32>, vector<16xi1> -> vector<16xi32>
            %reduce_min3A_1969 = arith.xori %reduce_min3A_1968, %reduce_min3A_1966 : vector<16xi32>
            %reduce_min3A_1970 = vector.extract %reduce_min3A_1969[15] : i32 from vector<16xi32>
            %min3A_1971 = arith.minsi %reduce_min3A_1970, %min3A_1927 : i32
            %ne3A_1972 = arith.cmpi ne, %sub3A_1955, %while3A_1934 : i32
            %convert_element_type3A_1973 = arith.extui %ne3A_1972 : i1 to i32
            %cond3A_1974 = arith.constant 0 : i32
            %cond3A_1975 = arith.cmpi ne, %convert_element_type3A_1973, %cond3A_1974 : i32
            scf.if %cond3A_1975 {
              %swap3A_1994 = arith.index_cast %while3A_1934 : i32 to index
              %swap3A_1995 = arith.constant 0 : index
              %swap3A_1996 = tpu.vector_load %arg5[%swap3A_1994, %swap3A_1995] {strides = array<i32>} : memref<320x128xf32, #tpu.memory_space<vmem>>, vector<16xf32>,
              tpu.vector_store %arg5[%swap3A_1994, %swap3A_1995], %while3A_1935 {strides = array<i32>} : memref<320x128xf32, #tpu.memory_space<vmem>>, vector<16xf32>,
              %swap3A_1997 = arith.index_cast %while3A_1934 : i32 to index
              %swap3A_1998 = arith.constant 16 : index
              %swap3A_1999 = tpu.vector_load %arg5[%swap3A_1997, %swap3A_1998] {strides = array<i32>} : memref<320x128xf32, #tpu.memory_space<vmem>>, vector<16xf32>,
              tpu.vector_store %arg5[%swap3A_1997, %swap3A_1998], %while3A_1936 {strides = array<i32>} : memref<320x128xf32, #tpu.memory_space<vmem>>, vector<16xf32>,
              %swap3A_2000 = arith.index_cast %while3A_1934 : i32 to index
              %swap3A_2001 = arith.constant 32 : index
              %swap3A_2002 = tpu.vector_load %arg5[%swap3A_2000, %swap3A_2001] {strides = array<i32>} : memref<320x128xf32, #tpu.memory_space<vmem>>, vector<16xf32>,
              tpu.vector_store %arg5[%swap3A_2000, %swap3A_2001], %while3A_1937 {strides = array<i32>} : memref<320x128xf32, #tpu.memory_space<vmem>>, vector<16xf32>,
              %swap3A_2003 = arith.index_cast %while3A_1934 : i32 to index
              %swap3A_2004 = arith.constant 48 : index
              %swap3A_2005 = tpu.vector_load %arg5[%swap3A_2003, %swap3A_2004] {strides = array<i32>} : memref<320x128xf32, #tpu.memory_space<vmem>>, vector<16xf32>,
              tpu.vector_store %arg5[%swap3A_2003, %swap3A_2004], %while3A_1938 {strides = array<i32>} : memref<320x128xf32, #tpu.memory_space<vmem>>, vector<16xf32>,
              %swap3A_2006 = arith.index_cast %while3A_1934 : i32 to index
              %swap3A_2007 = arith.constant 64 : index
              %swap3A_2008 = tpu.vector_load %arg5[%swap3A_2006, %swap3A_2007] {strides = array<i32>} : memref<320x128xf32, #tpu.memory_space<vmem>>, vector<16xf32>,
              tpu.vector_store %arg5[%swap3A_2006, %swap3A_2007], %while3A_1939 {strides = array<i32>} : memref<320x128xf32, #tpu.memory_space<vmem>>, vector<16xf32>,
              %swap3A_2009 = arith.index_cast %while3A_1934 : i32 to index
              %swap3A_2010 = arith.constant 80 : index
              %swap3A_2011 = tpu.vector_load %arg5[%swap3A_2009, %swap3A_2010] {strides = array<i32>} : memref<320x128xf32, #tpu.memory_space<vmem>>, vector<16xf32>,
              tpu.vector_store %arg5[%swap3A_2009, %swap3A_2010], %while3A_1940 {strides = array<i32>} : memref<320x128xf32, #tpu.memory_space<vmem>>, vector<16xf32>,
              %swap3A_2012 = arith.index_cast %while3A_1934 : i32 to index
              %swap3A_2013 = arith.constant 96 : index
              %swap3A_2014 = tpu.vector_load %arg5[%swap3A_2012, %swap3A_2013] {strides = array<i32>} : memref<320x128xf32, #tpu.memory_space<vmem>>, vector<16xf32>,
              tpu.vector_store %arg5[%swap3A_2012, %swap3A_2013], %while3A_1941 {strides = array<i32>} : memref<320x128xf32, #tpu.memory_space<vmem>>, vector<16xf32>,
              %swap3A_2015 = arith.index_cast %while3A_1934 : i32 to index
              %swap3A_2016 = arith.constant 112 : index
              %swap3A_2017 = tpu.vector_load %arg5[%swap3A_2015, %swap3A_2016] {strides = array<i32>} : memref<320x128xf32, #tpu.memory_space<vmem>>, vector<16xf32>,
              tpu.vector_store %arg5[%swap3A_2015, %swap3A_2016], %while3A_1942 {strides = array<i32>} : memref<320x128xf32, #tpu.memory_space<vmem>>, vector<16xf32>,
            } else {
            }
            %select_n3A_1976 = arith.select %ne3A_1972, %broadcast_in_dim3A_3, %while3A_1935 : vector<16xf32>
            %select_n3A_1977 = arith.select %ne3A_1972, %broadcast_in_dim3A_3, %while3A_1936 : vector<16xf32>
            %select_n3A_1978 = arith.select %ne3A_1972, %broadcast_in_dim3A_3, %while3A_1937 : vector<16xf32>
            %select_n3A_1979 = arith.select %ne3A_1972, %broadcast_in_dim3A_3, %while3A_1938 : vector<16xf32>
            %select_n3A_1980 = arith.select %ne3A_1972, %broadcast_in_dim3A_3, %while3A_1939 : vector<16xf32>
            %select_n3A_1981 = arith.select %ne3A_1972, %broadcast_in_dim3A_3, %while3A_1940 : vector<16xf32>
            %select_n3A_1982 = arith.select %ne3A_1972, %broadcast_in_dim3A_3, %while3A_1941 : vector<16xf32>
            %select_n3A_1983 = arith.select %ne3A_1972, %broadcast_in_dim3A_3, %while3A_1942 : vector<16xf32>
            %while3A_1984 = arith.subi %min3A_1971, %while3A_1933 : i32
            %while3A_1985 = arith.addi %while3A_1933, %while3A_1984 : i32
            %while3A_1986 = arith.constant 1 : i32
            %while3A_1987 = arith.divsi %while3A_1984, %while3A_1986 : i32
            %while3A_1988 = arith.muli %while3A_1987, %while3A_1986 : i32
            %while3A_1989 = arith.addi %while3A_1933, %while3A_1988 : i32
            %while3A_1990 = arith.constant 1 : i32
            %while3A_1991:8 = scf.for %while3A_1994 = %while3A_1933 to %while3A_1989 step %while3A_1990 iter_args(%while3A_1995 = %select_n3A_1976, %while3A_1996 = %select_n3A_1977, %while3A_1997 = %select_n3A_1978, %while3A_1998 = %select_n3A_1979, %while3A_1999 = %select_n3A_1980, %while3A_2000 = %select_n3A_1981, %while3A_2001 = %select_n3A_1982, %while3A_2002 = %select_n3A_1983) -> (vector<16xf32>, vector<16xf32>, vector<16xf32>, vector<16xf32>, vector<16xf32>, vector<16xf32>, vector<16xf32>, vector<16xf32>)  : i32 {
              %mul3A_2003 = arith.constant 16 : i32
              %mul3A_2004 = arith.muli %while3A_1908, %mul3A_2003 : i32
              %add3A_2005 = arith.addi %mul3A_2004, %while3A_1994 : i32
              %get3A_2006 = arith.index_cast %add3A_2005 : i32 to index
              %get3A_2007 = arith.constant 0 : index
              %get3A_2008 = tpu.vector_load %arg6[%get3A_2006, %get3A_2007] {strides = array<i32>} : memref<256x128xf32, #tpu.memory_space<vmem>>, vector<16xf32>,
              %min3A_2009 = arith.minimumf %while3A_1995, %get3A_2008 : vector<16xf32>
              %mul3A_2010 = arith.constant 16 : i32
              %mul3A_2011 = arith.muli %while3A_1908, %mul3A_2010 : i32
              %add3A_2012 = arith.addi %mul3A_2011, %while3A_1994 : i32
              %get3A_2013 = arith.index_cast %add3A_2012 : i32 to index
              %get3A_2014 = arith.constant 16 : index
              %get3A_2015 = tpu.vector_load %arg6[%get3A_2013, %get3A_2014] {strides = array<i32>} : memref<256x128xf32, #tpu.memory_space<vmem>>, vector<16xf32>,
              %min3A_2016 = arith.minimumf %while3A_1996, %get3A_2015 : vector<16xf32>
              %mul3A_2017 = arith.constant 16 : i32
              %mul3A_2018 = arith.muli %while3A_1908, %mul3A_2017 : i32
              %add3A_2019 = arith.addi %mul3A_2018, %while3A_1994 : i32
              %get3A_2020 = arith.index_cast %add3A_2019 : i32 to index
              %get3A_2021 = arith.constant 32 : index
              %get3A_2022 = tpu.vector_load %arg6[%get3A_2020, %get3A_2021] {strides = array<i32>} : memref<256x128xf32, #tpu.memory_space<vmem>>, vector<16xf32>,
              %min3A_2023 = arith.minimumf %while3A_1997, %get3A_2022 : vector<16xf32>
              %mul3A_2024 = arith.constant 16 : i32
              %mul3A_2025 = arith.muli %while3A_1908, %mul3A_2024 : i32
              %add3A_2026 = arith.addi %mul3A_2025, %while3A_1994 : i32
              %get3A_2027 = arith.index_cast %add3A_2026 : i32 to index
              %get3A_2028 = arith.constant 48 : index
              %get3A_2029 = tpu.vector_load %arg6[%get3A_2027, %get3A_2028] {strides = array<i32>} : memref<256x128xf32, #tpu.memory_space<vmem>>, vector<16xf32>,
              %min3A_2030 = arith.minimumf %while3A_1998, %get3A_2029 : vector<16xf32>
              %mul3A_2031 = arith.constant 16 : i32
              %mul3A_2032 = arith.muli %while3A_1908, %mul3A_2031 : i32
              %add3A_2033 = arith.addi %mul3A_2032, %while3A_1994 : i32
              %get3A_2034 = arith.index_cast %add3A_2033 : i32 to index
              %get3A_2035 = arith.constant 64 : index
              %get3A_2036 = tpu.vector_load %arg6[%get3A_2034, %get3A_2035] {strides = array<i32>} : memref<256x128xf32, #tpu.memory_space<vmem>>, vector<16xf32>,
              %min3A_2037 = arith.minimumf %while3A_1999, %get3A_2036 : vector<16xf32>
              %mul3A_2038 = arith.constant 16 : i32
              %mul3A_2039 = arith.muli %while3A_1908, %mul3A_2038 : i32
              %add3A_2040 = arith.addi %mul3A_2039, %while3A_1994 : i32
              %get3A_2041 = arith.index_cast %add3A_2040 : i32 to index
              %get3A_2042 = arith.constant 80 : index
              %get3A_2043 = tpu.vector_load %arg6[%get3A_2041, %get3A_2042] {strides = array<i32>} : memref<256x128xf32, #tpu.memory_space<vmem>>, vector<16xf32>,
              %min3A_2044 = arith.minimumf %while3A_2000, %get3A_2043 : vector<16xf32>
              %mul3A_2045 = arith.constant 16 : i32
              %mul3A_2046 = arith.muli %while3A_1908, %mul3A_2045 : i32
              %add3A_2047 = arith.addi %mul3A_2046, %while3A_1994 : i32
              %get3A_2048 = arith.index_cast %add3A_2047 : i32 to index
              %get3A_2049 = arith.constant 96 : index
              %get3A_2050 = tpu.vector_load %arg6[%get3A_2048, %get3A_2049] {strides = array<i32>} : memref<256x128xf32, #tpu.memory_space<vmem>>, vector<16xf32>,
              %min3A_2051 = arith.minimumf %while3A_2001, %get3A_2050 : vector<16xf32>
              %mul3A_2052 = arith.constant 16 : i32
              %mul3A_2053 = arith.muli %while3A_1908, %mul3A_2052 : i32
              %add3A_2054 = arith.addi %mul3A_2053, %while3A_1994 : i32
              %get3A_2055 = arith.index_cast %add3A_2054 : i32 to index
              %get3A_2056 = arith.constant 112 : index
              %get3A_2057 = tpu.vector_load %arg6[%get3A_2055, %get3A_2056] {strides = array<i32>} : memref<256x128xf32, #tpu.memory_space<vmem>>, vector<16xf32>,
              %min3A_2058 = arith.minimumf %while3A_2002, %get3A_2057 : vector<16xf32>
              scf.yield %min3A_2009, %min3A_2016, %min3A_2023, %min3A_2030, %min3A_2037, %min3A_2044, %min3A_2051, %min3A_2058 : vector<16xf32>, vector<16xf32>, vector<16xf32>, vector<16xf32>, vector<16xf32>, vector<16xf32>, vector<16xf32>, vector<16xf32>
            }
            %while3A_1992 = arith.constant 1 : i32
            %while3A_1993:8 = scf.for %while3A_1994 = %while3A_1989 to %while3A_1985 step %while3A_1992 iter_args(%while3A_1995 = %while3A_1991#0, %while3A_1996 = %while3A_1991#1, %while3A_1997 = %while3A_1991#2, %while3A_1998 = %while3A_1991#3, %while3A_1999 = %while3A_1991#4, %while3A_2000 = %while3A_1991#5, %while3A_2001 = %while3A_1991#6, %while3A_2002 = %while3A_1991#7) -> (vector<16xf32>, vector<16xf32>, vector<16xf32>, vector<16xf32>, vector<16xf32>, vector<16xf32>, vector<16xf32>, vector<16xf32>)  : i32 {
              %mul3A_2003 = arith.constant 16 : i32
              %mul3A_2004 = arith.muli %while3A_1908, %mul3A_2003 : i32
              %add3A_2005 = arith.addi %mul3A_2004, %while3A_1994 : i32
              %get3A_2006 = arith.index_cast %add3A_2005 : i32 to index
              %get3A_2007 = arith.constant 0 : index
              %get3A_2008 = tpu.vector_load %arg6[%get3A_2006, %get3A_2007] {strides = array<i32>} : memref<256x128xf32, #tpu.memory_space<vmem>>, vector<16xf32>,
              %min3A_2009 = arith.minimumf %while3A_1995, %get3A_2008 : vector<16xf32>
              %mul3A_2010 = arith.constant 16 : i32
              %mul3A_2011 = arith.muli %while3A_1908, %mul3A_2010 : i32
              %add3A_2012 = arith.addi %mul3A_2011, %while3A_1994 : i32
              %get3A_2013 = arith.index_cast %add3A_2012 : i32 to index
              %get3A_2014 = arith.constant 16 : index
              %get3A_2015 = tpu.vector_load %arg6[%get3A_2013, %get3A_2014] {strides = array<i32>} : memref<256x128xf32, #tpu.memory_space<vmem>>, vector<16xf32>,
              %min3A_2016 = arith.minimumf %while3A_1996, %get3A_2015 : vector<16xf32>
              %mul3A_2017 = arith.constant 16 : i32
              %mul3A_2018 = arith.muli %while3A_1908, %mul3A_2017 : i32
              %add3A_2019 = arith.addi %mul3A_2018, %while3A_1994 : i32
              %get3A_2020 = arith.index_cast %add3A_2019 : i32 to index
              %get3A_2021 = arith.constant 32 : index
              %get3A_2022 = tpu.vector_load %arg6[%get3A_2020, %get3A_2021] {strides = array<i32>} : memref<256x128xf32, #tpu.memory_space<vmem>>, vector<16xf32>,
              %min3A_2023 = arith.minimumf %while3A_1997, %get3A_2022 : vector<16xf32>
              %mul3A_2024 = arith.constant 16 : i32
              %mul3A_2025 = arith.muli %while3A_1908, %mul3A_2024 : i32
              %add3A_2026 = arith.addi %mul3A_2025, %while3A_1994 : i32
              %get3A_2027 = arith.index_cast %add3A_2026 : i32 to index
              %get3A_2028 = arith.constant 48 : index
              %get3A_2029 = tpu.vector_load %arg6[%get3A_2027, %get3A_2028] {strides = array<i32>} : memref<256x128xf32, #tpu.memory_space<vmem>>, vector<16xf32>,
              %min3A_2030 = arith.minimumf %while3A_1998, %get3A_2029 : vector<16xf32>
              %mul3A_2031 = arith.constant 16 : i32
              %mul3A_2032 = arith.muli %while3A_1908, %mul3A_2031 : i32
              %add3A_2033 = arith.addi %mul3A_2032, %while3A_1994 : i32
              %get3A_2034 = arith.index_cast %add3A_2033 : i32 to index
              %get3A_2035 = arith.constant 64 : index
              %get3A_2036 = tpu.vector_load %arg6[%get3A_2034, %get3A_2035] {strides = array<i32>} : memref<256x128xf32, #tpu.memory_space<vmem>>, vector<16xf32>,
              %min3A_2037 = arith.minimumf %while3A_1999, %get3A_2036 : vector<16xf32>
              %mul3A_2038 = arith.constant 16 : i32
              %mul3A_2039 = arith.muli %while3A_1908, %mul3A_2038 : i32
              %add3A_2040 = arith.addi %mul3A_2039, %while3A_1994 : i32
              %get3A_2041 = arith.index_cast %add3A_2040 : i32 to index
              %get3A_2042 = arith.constant 80 : index
              %get3A_2043 = tpu.vector_load %arg6[%get3A_2041, %get3A_2042] {strides = array<i32>} : memref<256x128xf32, #tpu.memory_space<vmem>>, vector<16xf32>,
              %min3A_2044 = arith.minimumf %while3A_2000, %get3A_2043 : vector<16xf32>
              %mul3A_2045 = arith.constant 16 : i32
              %mul3A_2046 = arith.muli %while3A_1908, %mul3A_2045 : i32
              %add3A_2047 = arith.addi %mul3A_2046, %while3A_1994 : i32
              %get3A_2048 = arith.index_cast %add3A_2047 : i32 to index
              %get3A_2049 = arith.constant 96 : index
              %get3A_2050 = tpu.vector_load %arg6[%get3A_2048, %get3A_2049] {strides = array<i32>} : memref<256x128xf32, #tpu.memory_space<vmem>>, vector<16xf32>,
              %min3A_2051 = arith.minimumf %while3A_2001, %get3A_2050 : vector<16xf32>
              %mul3A_2052 = arith.constant 16 : i32
              %mul3A_2053 = arith.muli %while3A_1908, %mul3A_2052 : i32
              %add3A_2054 = arith.addi %mul3A_2053, %while3A_1994 : i32
              %get3A_2055 = arith.index_cast %add3A_2054 : i32 to index
              %get3A_2056 = arith.constant 112 : index
              %get3A_2057 = tpu.vector_load %arg6[%get3A_2055, %get3A_2056] {strides = array<i32>} : memref<256x128xf32, #tpu.memory_space<vmem>>, vector<16xf32>,
              %min3A_2058 = arith.minimumf %while3A_2002, %get3A_2057 : vector<16xf32>
              scf.yield %min3A_2009, %min3A_2016, %min3A_2023, %min3A_2030, %min3A_2037, %min3A_2044, %min3A_2051, %min3A_2058 : vector<16xf32>, vector<16xf32>, vector<16xf32>, vector<16xf32>, vector<16xf32>, vector<16xf32>, vector<16xf32>, vector<16xf32>
            }
            scf.yield %min3A_1971, %sub3A_1955, %while3A_1993#0, %while3A_1993#1, %while3A_1993#2, %while3A_1993#3, %while3A_1993#4, %while3A_1993#5, %while3A_1993#6, %while3A_1993#7 : i32, i32, vector<16xf32>, vector<16xf32>, vector<16xf32>, vector<16xf32>, vector<16xf32>, vector<16xf32>, vector<16xf32>, vector<16xf32>
          }
          scf.yield %while3A_1932#2, %while3A_1932#3, %while3A_1932#4, %while3A_1932#5, %while3A_1932#6, %while3A_1932#7, %while3A_1932#8, %while3A_1932#9, %while3A_1932#1 : vector<16xf32>, vector<16xf32>, vector<16xf32>, vector<16xf32>, vector<16xf32>, vector<16xf32>, vector<16xf32>, vector<16xf32>, i32
        }
        %while3A_1906 = arith.constant 1 : i32
        %while3A_1907:9 = scf.for %while3A_1908 = %while3A_1903 to %while3A_1899 step %while3A_1906 iter_args(%while3A_1909 = %while3A_1905#0, %while3A_1910 = %while3A_1905#1, %while3A_1911 = %while3A_1905#2, %while3A_1912 = %while3A_1905#3, %while3A_1913 = %while3A_1905#4, %while3A_1914 = %while3A_1905#5, %while3A_1915 = %while3A_1905#6, %while3A_1916 = %while3A_1905#7, %while3A_1917 = %while3A_1905#8) -> (vector<16xf32>, vector<16xf32>, vector<16xf32>, vector<16xf32>, vector<16xf32>, vector<16xf32>, vector<16xf32>, vector<16xf32>, i32)  : i32 {
          %mul3A_1918 = arith.constant 16 : i32
          %mul3A_1919 = arith.muli %while3A_1908, %mul3A_1918 : i32
          %sub3A_1920 = arith.subi %max3A_1840, %mul3A_1919 : i32
          %max3A_1921 = arith.constant 0 : i32
          %max3A_1922 = arith.maxsi %sub3A_1920, %max3A_1921 : i32
          %mul3A_1923 = arith.constant 16 : i32
          %mul3A_1924 = arith.muli %while3A_1908, %mul3A_1923 : i32
          %sub3A_1925 = arith.subi %min3A_1845, %mul3A_1924 : i32
          %min3A_1926 = arith.constant 16 : i32
          %min3A_1927 = arith.minsi %sub3A_1925, %min3A_1926 : i32
          %mul3A_1928 = arith.constant 16 : i32
          %mul3A_1929 = arith.muli %while3A_1908, %mul3A_1928 : i32
          %get3A_1930 = arith.index_cast %mul3A_1929 : i32 to index
          %get3A_1931 = tpu.vector_load %arg8[%get3A_1930] {strides = array<i32>} : memref<256xi32, #tpu.memory_space<vmem>>, vector<16xi32>,
          %while3A_1932:10 = scf.while (%while3A_1933 = %max3A_1922, %while3A_1934 = %while3A_1917, %while3A_1935 = %while3A_1909, %while3A_1936 = %while3A_1910, %while3A_1937 = %while3A_1911, %while3A_1938 = %while3A_1912, %while3A_1939 = %while3A_1913, %while3A_1940 = %while3A_1914, %while3A_1941 = %while3A_1915, %while3A_1942 = %while3A_1916) : (i32, i32, vector<16xf32>, vector<16xf32>, vector<16xf32>, vector<16xf32>, vector<16xf32>, vector<16xf32>, vector<16xf32>, vector<16xf32>) -> (i32, i32, vector<16xf32>, vector<16xf32>, vector<16xf32>, vector<16xf32>, vector<16xf32>, vector<16xf32>, vector<16xf32>, vector<16xf32>) {
            %lt3A_1943 = arith.cmpi slt, %while3A_1933, %min3A_1927 : i32
            scf.condition(%lt3A_1943) %while3A_1933, %while3A_1934, %while3A_1935, %while3A_1936, %while3A_1937, %while3A_1938, %while3A_1939, %while3A_1940, %while3A_1941, %while3A_1942 : i32, i32, vector<16xf32>, vector<16xf32>, vector<16xf32>, vector<16xf32>, vector<16xf32>, vector<16xf32>, vector<16xf32>, vector<16xf32>
          } do {
          ^bb0(%while3A_1933: i32, %while3A_1934: i32, %while3A_1935: vector<16xf32>, %while3A_1936: vector<16xf32>, %while3A_1937: vector<16xf32>, %while3A_1938: vector<16xf32>, %while3A_1939: vector<16xf32>, %while3A_1940: vector<16xf32>, %while3A_1941: vector<16xf32>, %while3A_1942: vector<16xf32>):
            %eq3A_1943 = vector.broadcast %while3A_1933 : i32 to vector<16xi32>
            %eq3A_1944 = arith.cmpi eq, %iota3A, %eq3A_1943 : vector<16xi32>
            %jit3A_1945 = arith.constant -1 : i32
            %broadcast_in_dim3A_1946 = vector.broadcast %jit3A_1945 : i32 to vector<16xi32>
            %select_n3A_1947 = arith.select %eq3A_1944, %get3A_1931, %broadcast_in_dim3A_1946 : vector<16xi1>, vector<16xi32>
            %reduce_max3A = arith.constant true
            %reduce_max3A_1948 = vector.broadcast %reduce_max3A : i1 to vector<16xi1>
            %reduce_max3A_1949 = arith.constant -2147483648 : i32
            %reduce_max3A_1950 = vector.broadcast %reduce_max3A_1949 : i32 to vector<16xi32>
            %reduce_max3A_1951 = arith.xori %select_n3A_1947, %reduce_max3A_1950 : vector<16xi32>
            %reduce_max3A_1952 = tpu.scan <max>, %reduce_max3A_1951 masked %reduce_max3A_1948 : vector<16xi32>, vector<16xi1> -> vector<16xi32>
            %reduce_max3A_1953 = arith.xori %reduce_max3A_1952, %reduce_max3A_1950 : vector<16xi32>
            %reduce_max3A_1954 = vector.extract %reduce_max3A_1953[15] : i32 from vector<16xi32>
            %sub3A_1955 = arith.subi %reduce_max3A_1954, %mul3A_2 : i32
            %add3A_1956 = arith.addi %sub3A_1955, %mul3A_2 : i32
            %ne3A_1957 = vector.broadcast %add3A_1956 : i32 to vector<16xi32>
            %ne3A_1958 = arith.cmpi ne, %get3A_1931, %ne3A_1957 : vector<16xi32>
            %ge3A = vector.broadcast %while3A_1933 : i32 to vector<16xi32>
            %ge3A_1959 = arith.cmpi sge, %iota3A, %ge3A : vector<16xi32>
            %and3A_1960 = arith.andi %ne3A_1958, %ge3A_1959 : vector<16xi1>
            %jit3A_1961 = arith.constant 16 : i32
            %broadcast_in_dim3A_1962 = vector.broadcast %jit3A_1961 : i32 to vector<16xi32>
            %select_n3A_1963 = arith.select %and3A_1960, %iota3A, %broadcast_in_dim3A_1962 : vector<16xi1>, vector<16xi32>
            %reduce_min3A = arith.constant true
            %reduce_min3A_1964 = vector.broadcast %reduce_min3A : i1 to vector<16xi1>
            %reduce_min3A_1965 = arith.constant -2147483648 : i32
            %reduce_min3A_1966 = vector.broadcast %reduce_min3A_1965 : i32 to vector<16xi32>
            %reduce_min3A_1967 = arith.xori %select_n3A_1963, %reduce_min3A_1966 : vector<16xi32>
            %reduce_min3A_1968 = tpu.scan <min>, %reduce_min3A_1967 masked %reduce_min3A_1964 : vector<16xi32>, vector<16xi1> -> vector<16xi32>
            %reduce_min3A_1969 = arith.xori %reduce_min3A_1968, %reduce_min3A_1966 : vector<16xi32>
            %reduce_min3A_1970 = vector.extract %reduce_min3A_1969[15] : i32 from vector<16xi32>
            %min3A_1971 = arith.minsi %reduce_min3A_1970, %min3A_1927 : i32
            %ne3A_1972 = arith.cmpi ne, %sub3A_1955, %while3A_1934 : i32
            %convert_element_type3A_1973 = arith.extui %ne3A_1972 : i1 to i32
            %cond3A_1974 = arith.constant 0 : i32
            %cond3A_1975 = arith.cmpi ne, %convert_element_type3A_1973, %cond3A_1974 : i32
            scf.if %cond3A_1975 {
              %swap3A_1994 = arith.index_cast %while3A_1934 : i32 to index
              %swap3A_1995 = arith.constant 0 : index
              %swap3A_1996 = tpu.vector_load %arg5[%swap3A_1994, %swap3A_1995] {strides = array<i32>} : memref<320x128xf32, #tpu.memory_space<vmem>>, vector<16xf32>,
              tpu.vector_store %arg5[%swap3A_1994, %swap3A_1995], %while3A_1935 {strides = array<i32>} : memref<320x128xf32, #tpu.memory_space<vmem>>, vector<16xf32>,
              %swap3A_1997 = arith.index_cast %while3A_1934 : i32 to index
              %swap3A_1998 = arith.constant 16 : index
              %swap3A_1999 = tpu.vector_load %arg5[%swap3A_1997, %swap3A_1998] {strides = array<i32>} : memref<320x128xf32, #tpu.memory_space<vmem>>, vector<16xf32>,
              tpu.vector_store %arg5[%swap3A_1997, %swap3A_1998], %while3A_1936 {strides = array<i32>} : memref<320x128xf32, #tpu.memory_space<vmem>>, vector<16xf32>,
              %swap3A_2000 = arith.index_cast %while3A_1934 : i32 to index
              %swap3A_2001 = arith.constant 32 : index
              %swap3A_2002 = tpu.vector_load %arg5[%swap3A_2000, %swap3A_2001] {strides = array<i32>} : memref<320x128xf32, #tpu.memory_space<vmem>>, vector<16xf32>,
              tpu.vector_store %arg5[%swap3A_2000, %swap3A_2001], %while3A_1937 {strides = array<i32>} : memref<320x128xf32, #tpu.memory_space<vmem>>, vector<16xf32>,
              %swap3A_2003 = arith.index_cast %while3A_1934 : i32 to index
              %swap3A_2004 = arith.constant 48 : index
              %swap3A_2005 = tpu.vector_load %arg5[%swap3A_2003, %swap3A_2004] {strides = array<i32>} : memref<320x128xf32, #tpu.memory_space<vmem>>, vector<16xf32>,
              tpu.vector_store %arg5[%swap3A_2003, %swap3A_2004], %while3A_1938 {strides = array<i32>} : memref<320x128xf32, #tpu.memory_space<vmem>>, vector<16xf32>,
              %swap3A_2006 = arith.index_cast %while3A_1934 : i32 to index
              %swap3A_2007 = arith.constant 64 : index
              %swap3A_2008 = tpu.vector_load %arg5[%swap3A_2006, %swap3A_2007] {strides = array<i32>} : memref<320x128xf32, #tpu.memory_space<vmem>>, vector<16xf32>,
              tpu.vector_store %arg5[%swap3A_2006, %swap3A_2007], %while3A_1939 {strides = array<i32>} : memref<320x128xf32, #tpu.memory_space<vmem>>, vector<16xf32>,
              %swap3A_2009 = arith.index_cast %while3A_1934 : i32 to index
              %swap3A_2010 = arith.constant 80 : index
              %swap3A_2011 = tpu.vector_load %arg5[%swap3A_2009, %swap3A_2010] {strides = array<i32>} : memref<320x128xf32, #tpu.memory_space<vmem>>, vector<16xf32>,
              tpu.vector_store %arg5[%swap3A_2009, %swap3A_2010], %while3A_1940 {strides = array<i32>} : memref<320x128xf32, #tpu.memory_space<vmem>>, vector<16xf32>,
              %swap3A_2012 = arith.index_cast %while3A_1934 : i32 to index
              %swap3A_2013 = arith.constant 96 : index
              %swap3A_2014 = tpu.vector_load %arg5[%swap3A_2012, %swap3A_2013] {strides = array<i32>} : memref<320x128xf32, #tpu.memory_space<vmem>>, vector<16xf32>,
              tpu.vector_store %arg5[%swap3A_2012, %swap3A_2013], %while3A_1941 {strides = array<i32>} : memref<320x128xf32, #tpu.memory_space<vmem>>, vector<16xf32>,
              %swap3A_2015 = arith.index_cast %while3A_1934 : i32 to index
              %swap3A_2016 = arith.constant 112 : index
              %swap3A_2017 = tpu.vector_load %arg5[%swap3A_2015, %swap3A_2016] {strides = array<i32>} : memref<320x128xf32, #tpu.memory_space<vmem>>, vector<16xf32>,
              tpu.vector_store %arg5[%swap3A_2015, %swap3A_2016], %while3A_1942 {strides = array<i32>} : memref<320x128xf32, #tpu.memory_space<vmem>>, vector<16xf32>,
            } else {
            }
            %select_n3A_1976 = arith.select %ne3A_1972, %broadcast_in_dim3A_3, %while3A_1935 : vector<16xf32>
            %select_n3A_1977 = arith.select %ne3A_1972, %broadcast_in_dim3A_3, %while3A_1936 : vector<16xf32>
            %select_n3A_1978 = arith.select %ne3A_1972, %broadcast_in_dim3A_3, %while3A_1937 : vector<16xf32>
            %select_n3A_1979 = arith.select %ne3A_1972, %broadcast_in_dim3A_3, %while3A_1938 : vector<16xf32>
            %select_n3A_1980 = arith.select %ne3A_1972, %broadcast_in_dim3A_3, %while3A_1939 : vector<16xf32>
            %select_n3A_1981 = arith.select %ne3A_1972, %broadcast_in_dim3A_3, %while3A_1940 : vector<16xf32>
            %select_n3A_1982 = arith.select %ne3A_1972, %broadcast_in_dim3A_3, %while3A_1941 : vector<16xf32>
            %select_n3A_1983 = arith.select %ne3A_1972, %broadcast_in_dim3A_3, %while3A_1942 : vector<16xf32>
            %while3A_1984 = arith.subi %min3A_1971, %while3A_1933 : i32
            %while3A_1985 = arith.addi %while3A_1933, %while3A_1984 : i32
            %while3A_1986 = arith.constant 1 : i32
            %while3A_1987 = arith.divsi %while3A_1984, %while3A_1986 : i32
            %while3A_1988 = arith.muli %while3A_1987, %while3A_1986 : i32
            %while3A_1989 = arith.addi %while3A_1933, %while3A_1988 : i32
            %while3A_1990 = arith.constant 1 : i32
            %while3A_1991:8 = scf.for %while3A_1994 = %while3A_1933 to %while3A_1989 step %while3A_1990 iter_args(%while3A_1995 = %select_n3A_1976, %while3A_1996 = %select_n3A_1977, %while3A_1997 = %select_n3A_1978, %while3A_1998 = %select_n3A_1979, %while3A_1999 = %select_n3A_1980, %while3A_2000 = %select_n3A_1981, %while3A_2001 = %select_n3A_1982, %while3A_2002 = %select_n3A_1983) -> (vector<16xf32>, vector<16xf32>, vector<16xf32>, vector<16xf32>, vector<16xf32>, vector<16xf32>, vector<16xf32>, vector<16xf32>)  : i32 {
              %mul3A_2003 = arith.constant 16 : i32
              %mul3A_2004 = arith.muli %while3A_1908, %mul3A_2003 : i32
              %add3A_2005 = arith.addi %mul3A_2004, %while3A_1994 : i32
              %get3A_2006 = arith.index_cast %add3A_2005 : i32 to index
              %get3A_2007 = arith.constant 0 : index
              %get3A_2008 = tpu.vector_load %arg6[%get3A_2006, %get3A_2007] {strides = array<i32>} : memref<256x128xf32, #tpu.memory_space<vmem>>, vector<16xf32>,
              %min3A_2009 = arith.minimumf %while3A_1995, %get3A_2008 : vector<16xf32>
              %mul3A_2010 = arith.constant 16 : i32
              %mul3A_2011 = arith.muli %while3A_1908, %mul3A_2010 : i32
              %add3A_2012 = arith.addi %mul3A_2011, %while3A_1994 : i32
              %get3A_2013 = arith.index_cast %add3A_2012 : i32 to index
              %get3A_2014 = arith.constant 16 : index
              %get3A_2015 = tpu.vector_load %arg6[%get3A_2013, %get3A_2014] {strides = array<i32>} : memref<256x128xf32, #tpu.memory_space<vmem>>, vector<16xf32>,
              %min3A_2016 = arith.minimumf %while3A_1996, %get3A_2015 : vector<16xf32>
              %mul3A_2017 = arith.constant 16 : i32
              %mul3A_2018 = arith.muli %while3A_1908, %mul3A_2017 : i32
              %add3A_2019 = arith.addi %mul3A_2018, %while3A_1994 : i32
              %get3A_2020 = arith.index_cast %add3A_2019 : i32 to index
              %get3A_2021 = arith.constant 32 : index
              %get3A_2022 = tpu.vector_load %arg6[%get3A_2020, %get3A_2021] {strides = array<i32>} : memref<256x128xf32, #tpu.memory_space<vmem>>, vector<16xf32>,
              %min3A_2023 = arith.minimumf %while3A_1997, %get3A_2022 : vector<16xf32>
              %mul3A_2024 = arith.constant 16 : i32
              %mul3A_2025 = arith.muli %while3A_1908, %mul3A_2024 : i32
              %add3A_2026 = arith.addi %mul3A_2025, %while3A_1994 : i32
              %get3A_2027 = arith.index_cast %add3A_2026 : i32 to index
              %get3A_2028 = arith.constant 48 : index
              %get3A_2029 = tpu.vector_load %arg6[%get3A_2027, %get3A_2028] {strides = array<i32>} : memref<256x128xf32, #tpu.memory_space<vmem>>, vector<16xf32>,
              %min3A_2030 = arith.minimumf %while3A_1998, %get3A_2029 : vector<16xf32>
              %mul3A_2031 = arith.constant 16 : i32
              %mul3A_2032 = arith.muli %while3A_1908, %mul3A_2031 : i32
              %add3A_2033 = arith.addi %mul3A_2032, %while3A_1994 : i32
              %get3A_2034 = arith.index_cast %add3A_2033 : i32 to index
              %get3A_2035 = arith.constant 64 : index
              %get3A_2036 = tpu.vector_load %arg6[%get3A_2034, %get3A_2035] {strides = array<i32>} : memref<256x128xf32, #tpu.memory_space<vmem>>, vector<16xf32>,
              %min3A_2037 = arith.minimumf %while3A_1999, %get3A_2036 : vector<16xf32>
              %mul3A_2038 = arith.constant 16 : i32
              %mul3A_2039 = arith.muli %while3A_1908, %mul3A_2038 : i32
              %add3A_2040 = arith.addi %mul3A_2039, %while3A_1994 : i32
              %get3A_2041 = arith.index_cast %add3A_2040 : i32 to index
              %get3A_2042 = arith.constant 80 : index
              %get3A_2043 = tpu.vector_load %arg6[%get3A_2041, %get3A_2042] {strides = array<i32>} : memref<256x128xf32, #tpu.memory_space<vmem>>, vector<16xf32>,
              %min3A_2044 = arith.minimumf %while3A_2000, %get3A_2043 : vector<16xf32>
              %mul3A_2045 = arith.constant 16 : i32
              %mul3A_2046 = arith.muli %while3A_1908, %mul3A_2045 : i32
              %add3A_2047 = arith.addi %mul3A_2046, %while3A_1994 : i32
              %get3A_2048 = arith.index_cast %add3A_2047 : i32 to index
              %get3A_2049 = arith.constant 96 : index
              %get3A_2050 = tpu.vector_load %arg6[%get3A_2048, %get3A_2049] {strides = array<i32>} : memref<256x128xf32, #tpu.memory_space<vmem>>, vector<16xf32>,
              %min3A_2051 = arith.minimumf %while3A_2001, %get3A_2050 : vector<16xf32>
              %mul3A_2052 = arith.constant 16 : i32
              %mul3A_2053 = arith.muli %while3A_1908, %mul3A_2052 : i32
              %add3A_2054 = arith.addi %mul3A_2053, %while3A_1994 : i32
              %get3A_2055 = arith.index_cast %add3A_2054 : i32 to index
              %get3A_2056 = arith.constant 112 : index
              %get3A_2057 = tpu.vector_load %arg6[%get3A_2055, %get3A_2056] {strides = array<i32>} : memref<256x128xf32, #tpu.memory_space<vmem>>, vector<16xf32>,
              %min3A_2058 = arith.minimumf %while3A_2002, %get3A_2057 : vector<16xf32>
              scf.yield %min3A_2009, %min3A_2016, %min3A_2023, %min3A_2030, %min3A_2037, %min3A_2044, %min3A_2051, %min3A_2058 : vector<16xf32>, vector<16xf32>, vector<16xf32>, vector<16xf32>, vector<16xf32>, vector<16xf32>, vector<16xf32>, vector<16xf32>
            }
            %while3A_1992 = arith.constant 1 : i32
            %while3A_1993:8 = scf.for %while3A_1994 = %while3A_1989 to %while3A_1985 step %while3A_1992 iter_args(%while3A_1995 = %while3A_1991#0, %while3A_1996 = %while3A_1991#1, %while3A_1997 = %while3A_1991#2, %while3A_1998 = %while3A_1991#3, %while3A_1999 = %while3A_1991#4, %while3A_2000 = %while3A_1991#5, %while3A_2001 = %while3A_1991#6, %while3A_2002 = %while3A_1991#7) -> (vector<16xf32>, vector<16xf32>, vector<16xf32>, vector<16xf32>, vector<16xf32>, vector<16xf32>, vector<16xf32>, vector<16xf32>)  : i32 {
              %mul3A_2003 = arith.constant 16 : i32
              %mul3A_2004 = arith.muli %while3A_1908, %mul3A_2003 : i32
              %add3A_2005 = arith.addi %mul3A_2004, %while3A_1994 : i32
              %get3A_2006 = arith.index_cast %add3A_2005 : i32 to index
              %get3A_2007 = arith.constant 0 : index
              %get3A_2008 = tpu.vector_load %arg6[%get3A_2006, %get3A_2007] {strides = array<i32>} : memref<256x128xf32, #tpu.memory_space<vmem>>, vector<16xf32>,
              %min3A_2009 = arith.minimumf %while3A_1995, %get3A_2008 : vector<16xf32>
              %mul3A_2010 = arith.constant 16 : i32
              %mul3A_2011 = arith.muli %while3A_1908, %mul3A_2010 : i32
              %add3A_2012 = arith.addi %mul3A_2011, %while3A_1994 : i32
              %get3A_2013 = arith.index_cast %add3A_2012 : i32 to index
              %get3A_2014 = arith.constant 16 : index
              %get3A_2015 = tpu.vector_load %arg6[%get3A_2013, %get3A_2014] {strides = array<i32>} : memref<256x128xf32, #tpu.memory_space<vmem>>, vector<16xf32>,
              %min3A_2016 = arith.minimumf %while3A_1996, %get3A_2015 : vector<16xf32>
              %mul3A_2017 = arith.constant 16 : i32
              %mul3A_2018 = arith.muli %while3A_1908, %mul3A_2017 : i32
              %add3A_2019 = arith.addi %mul3A_2018, %while3A_1994 : i32
              %get3A_2020 = arith.index_cast %add3A_2019 : i32 to index
              %get3A_2021 = arith.constant 32 : index
              %get3A_2022 = tpu.vector_load %arg6[%get3A_2020, %get3A_2021] {strides = array<i32>} : memref<256x128xf32, #tpu.memory_space<vmem>>, vector<16xf32>,
              %min3A_2023 = arith.minimumf %while3A_1997, %get3A_2022 : vector<16xf32>
              %mul3A_2024 = arith.constant 16 : i32
              %mul3A_2025 = arith.muli %while3A_1908, %mul3A_2024 : i32
              %add3A_2026 = arith.addi %mul3A_2025, %while3A_1994 : i32
              %get3A_2027 = arith.index_cast %add3A_2026 : i32 to index
              %get3A_2028 = arith.constant 48 : index
              %get3A_2029 = tpu.vector_load %arg6[%get3A_2027, %get3A_2028] {strides = array<i32>} : memref<256x128xf32, #tpu.memory_space<vmem>>, vector<16xf32>,
              %min3A_2030 = arith.minimumf %while3A_1998, %get3A_2029 : vector<16xf32>
              %mul3A_2031 = arith.constant 16 : i32
              %mul3A_2032 = arith.muli %while3A_1908, %mul3A_2031 : i32
              %add3A_2033 = arith.addi %mul3A_2032, %while3A_1994 : i32
              %get3A_2034 = arith.index_cast %add3A_2033 : i32 to index
              %get3A_2035 = arith.constant 64 : index
              %get3A_2036 = tpu.vector_load %arg6[%get3A_2034, %get3A_2035] {strides = array<i32>} : memref<256x128xf32, #tpu.memory_space<vmem>>, vector<16xf32>,
              %min3A_2037 = arith.minimumf %while3A_1999, %get3A_2036 : vector<16xf32>
              %mul3A_2038 = arith.constant 16 : i32
              %mul3A_2039 = arith.muli %while3A_1908, %mul3A_2038 : i32
              %add3A_2040 = arith.addi %mul3A_2039, %while3A_1994 : i32
              %get3A_2041 = arith.index_cast %add3A_2040 : i32 to index
              %get3A_2042 = arith.constant 80 : index
              %get3A_2043 = tpu.vector_load %arg6[%get3A_2041, %get3A_2042] {strides = array<i32>} : memref<256x128xf32, #tpu.memory_space<vmem>>, vector<16xf32>,
              %min3A_2044 = arith.minimumf %while3A_2000, %get3A_2043 : vector<16xf32>
              %mul3A_2045 = arith.constant 16 : i32
              %mul3A_2046 = arith.muli %while3A_1908, %mul3A_2045 : i32
              %add3A_2047 = arith.addi %mul3A_2046, %while3A_1994 : i32
              %get3A_2048 = arith.index_cast %add3A_2047 : i32 to index
              %get3A_2049 = arith.constant 96 : index
              %get3A_2050 = tpu.vector_load %arg6[%get3A_2048, %get3A_2049] {strides = array<i32>} : memref<256x128xf32, #tpu.memory_space<vmem>>, vector<16xf32>,
              %min3A_2051 = arith.minimumf %while3A_2001, %get3A_2050 : vector<16xf32>
              %mul3A_2052 = arith.constant 16 : i32
              %mul3A_2053 = arith.muli %while3A_1908, %mul3A_2052 : i32
              %add3A_2054 = arith.addi %mul3A_2053, %while3A_1994 : i32
              %get3A_2055 = arith.index_cast %add3A_2054 : i32 to index
              %get3A_2056 = arith.constant 112 : index
              %get3A_2057 = tpu.vector_load %arg6[%get3A_2055, %get3A_2056] {strides = array<i32>} : memref<256x128xf32, #tpu.memory_space<vmem>>, vector<16xf32>,
              %min3A_2058 = arith.minimumf %while3A_2002, %get3A_2057 : vector<16xf32>
              scf.yield %min3A_2009, %min3A_2016, %min3A_2023, %min3A_2030, %min3A_2037, %min3A_2044, %min3A_2051, %min3A_2058 : vector<16xf32>, vector<16xf32>, vector<16xf32>, vector<16xf32>, vector<16xf32>, vector<16xf32>, vector<16xf32>, vector<16xf32>
            }
            scf.yield %min3A_1971, %sub3A_1955, %while3A_1993#0, %while3A_1993#1, %while3A_1993#2, %while3A_1993#3, %while3A_1993#4, %while3A_1993#5, %while3A_1993#6, %while3A_1993#7 : i32, i32, vector<16xf32>, vector<16xf32>, vector<16xf32>, vector<16xf32>, vector<16xf32>, vector<16xf32>, vector<16xf32>, vector<16xf32>
          }
          scf.yield %while3A_1932#2, %while3A_1932#3, %while3A_1932#4, %while3A_1932#5, %while3A_1932#6, %while3A_1932#7, %while3A_1932#8, %while3A_1932#9, %while3A_1932#1 : vector<16xf32>, vector<16xf32>, vector<16xf32>, vector<16xf32>, vector<16xf32>, vector<16xf32>, vector<16xf32>, vector<16xf32>, i32
        }
        scf.yield %while3A_1907#0, %while3A_1907#1, %while3A_1907#2, %while3A_1907#3, %while3A_1907#4, %while3A_1907#5, %while3A_1907#6, %while3A_1907#7, %while3A_1907#8 : vector<16xf32>, vector<16xf32>, vector<16xf32>, vector<16xf32>, vector<16xf32>, vector<16xf32>, vector<16xf32>, vector<16xf32>, i32
      } else {
        scf.yield %while3A_1785, %while3A_1786, %while3A_1787, %while3A_1788, %while3A_1789, %while3A_1790, %while3A_1791, %while3A_1792, %while3A_1793 : vector<16xf32>, vector<16xf32>, vector<16xf32>, vector<16xf32>, vector<16xf32>, vector<16xf32>, vector<16xf32>, vector<16xf32>, i32
      }
      %mul3A_1810 = arith.constant 2 : i32
      %mul3A_1811 = arith.muli %mul3A_1810, %while3A_1784 : i32
      %add3A_1812 = arith.addi %select_n3A_1680, %mul3A_1811 : i32
      %add3A_1813 = arith.constant 1 : i32
      %add3A_1814 = arith.addi %add3A_1812, %add3A_1813 : i32
      %add3A_1815 = arith.constant 1 : i32
      %add3A_1816 = arith.addi %add3A_1814, %add3A_1815 : i32
      %lt3A_1817 = arith.cmpi slt, %add3A_1816, %select_n3A_1708 : i32
      %convert_element_type3A_1818 = arith.extui %lt3A_1817 : i1 to i32
      %cond3A_1819 = arith.constant 0 : i32
      %cond3A_1820 = arith.cmpi ne, %convert_element_type3A_1818, %cond3A_1819 : i32
      scf.if %cond3A_1820 {
        %add3A_1826 = arith.constant 1 : i32
        %add3A_1827 = arith.addi %add3A_1814, %add3A_1826 : i32
        %mul3A_1828 = arith.constant 256 : i32
        %mul3A_1829 = arith.muli %add3A_1827, %mul3A_1828 : i32
        %dma_start3A_1830 = arith.constant 0 : i32
        %dma_start3A_1831 = tpu.memref_slice %arg2[%mul3A_1829, %dma_start3A_1830] : memref<320000x128xf32, #tpu.memory_space<hbm>> -> memref<256x128xf32, #tpu.memory_space<hbm>>
        %dma_start3A_1832 = arith.constant 0 : i32
        %dma_start3A_1833 = tpu.memref_slice %arg2[%mul3A_1829, %dma_start3A_1832] : memref<320000x128xf32, #tpu.memory_space<hbm>> -> memref<256x128xf32, #tpu.memory_space<hbm>>
        tpu.enqueue_dma source(%dma_start3A_1833 : memref<256x128xf32, #tpu.memory_space<hbm>>) target(%arg6 : memref<256x128xf32, #tpu.memory_space<vmem>>) target_semaphore(%arg12 : memref<!tpu.dma_semaphore, #tpu.memory_space<semaphore_mem>>)
        %mul3A_1834 = arith.constant 256 : i32
        %mul3A_1835 = arith.muli %add3A_1827, %mul3A_1834 : i32
        %dma_start3A_1836 = tpu.memref_slice %arg3[%mul3A_1835] : memref<320000xi32, #tpu.memory_space<hbm>> -> memref<256xi32, #tpu.memory_space<hbm>>
        %dma_start3A_1837 = tpu.memref_slice %arg3[%mul3A_1835] : memref<320000xi32, #tpu.memory_space<hbm>> -> memref<256xi32, #tpu.memory_space<hbm>>
        tpu.enqueue_dma source(%dma_start3A_1837 : memref<256xi32, #tpu.memory_space<hbm>>) target(%arg8 : memref<256xi32, #tpu.memory_space<vmem>>) target_semaphore(%arg12 : memref<!tpu.dma_semaphore, #tpu.memory_space<semaphore_mem>>)
      } else {
      }
      %lt3A_1821 = arith.cmpi slt, %add3A_1814, %select_n3A_1708 : i32
      %convert_element_type3A_1822 = arith.extui %lt3A_1821 : i1 to i32
      %cond3A_1823 = arith.constant 0 : i32
      %cond3A_1824 = arith.cmpi ne, %convert_element_type3A_1822, %cond3A_1823 : i32
      %cond3A_1825:9 = scf.if %cond3A_1824 -> (vector<16xf32>, vector<16xf32>, vector<16xf32>, vector<16xf32>, vector<16xf32>, vector<16xf32>, vector<16xf32>, vector<16xf32>, i32) {
        %mul3A_1826 = arith.constant 256 : i32
        %mul3A_1827 = arith.muli %add3A_1814, %mul3A_1826 : i32
        %dma_wait3A_1828 = arith.constant 0 : i32
        %dma_wait3A_1829 = tpu.memref_slice %arg2[%mul3A_1827, %dma_wait3A_1828] : memref<320000x128xf32, #tpu.memory_space<hbm>> -> memref<256x128xf32, #tpu.memory_space<hbm>>
        %dma_wait3A_1830 = arith.constant 0 : i32
        %dma_wait3A_1831 = tpu.memref_slice %arg2[%mul3A_1827, %dma_wait3A_1830] : memref<320000x128xf32, #tpu.memory_space<hbm>> -> memref<256x128xf32, #tpu.memory_space<hbm>>
        tpu.wait_dma2 semaphore(%arg13 : memref<!tpu.dma_semaphore, #tpu.memory_space<semaphore_mem>>) src(%dma_wait3A_1831 : memref<256x128xf32, #tpu.memory_space<hbm>>) dst(%arg7 : memref<256x128xf32, #tpu.memory_space<vmem>>)
        %mul3A_1832 = arith.constant 256 : i32
        %mul3A_1833 = arith.muli %add3A_1814, %mul3A_1832 : i32
        %dma_wait3A_1834 = tpu.memref_slice %arg3[%mul3A_1833] : memref<320000xi32, #tpu.memory_space<hbm>> -> memref<256xi32, #tpu.memory_space<hbm>>
        %dma_wait3A_1835 = tpu.memref_slice %arg3[%mul3A_1833] : memref<320000xi32, #tpu.memory_space<hbm>> -> memref<256xi32, #tpu.memory_space<hbm>>
        tpu.wait_dma2 semaphore(%arg13 : memref<!tpu.dma_semaphore, #tpu.memory_space<semaphore_mem>>) src(%dma_wait3A_1835 : memref<256xi32, #tpu.memory_space<hbm>>) dst(%arg9 : memref<256xi32, #tpu.memory_space<vmem>>)
        %mul3A_1836 = arith.constant 256 : i32
        %mul3A_1837 = arith.muli %add3A_1814, %mul3A_1836 : i32
        %sub3A_1838 = arith.subi %cond3A_1656#0, %mul3A_1837 : i32
        %max3A_1839 = arith.constant 0 : i32
        %max3A_1840 = arith.maxsi %sub3A_1838, %max3A_1839 : i32
        %mul3A_1841 = arith.constant 256 : i32
        %mul3A_1842 = arith.muli %add3A_1814, %mul3A_1841 : i32
        %sub3A_1843 = arith.subi %cond3A_1656#1, %mul3A_1842 : i32
        %min3A_1844 = arith.constant 256 : i32
        %min3A_1845 = arith.minsi %sub3A_1843, %min3A_1844 : i32
        %jit3A_1846 = arith.constant 16 : i32
        %div3A_1847 = arith.divsi %max3A_1840, %jit3A_1846 : i32
        %sign3A_1848 = arith.constant 0 : i32
        %sign3A_1849 = arith.cmpi sgt, %max3A_1840, %sign3A_1848 : i32
        %sign3A_1850 = arith.extui %sign3A_1849 : i1 to i32
        %sign3A_1851 = arith.constant 0 : i32
        %sign3A_1852 = arith.cmpi slt, %max3A_1840, %sign3A_1851 : i32
        %sign3A_1853 = arith.extui %sign3A_1852 : i1 to i32
        %sign3A_1854 = arith.subi %sign3A_1850, %sign3A_1853 : i32
        %sign3A_1855 = arith.constant 0 : i32
        %sign3A_1856 = arith.cmpi sgt, %jit3A_1846, %sign3A_1855 : i32
        %sign3A_1857 = arith.extui %sign3A_1856 : i1 to i32
        %sign3A_1858 = arith.constant 0 : i32
        %sign3A_1859 = arith.cmpi slt, %jit3A_1846, %sign3A_1858 : i32
        %sign3A_1860 = arith.extui %sign3A_1859 : i1 to i32
        %sign3A_1861 = arith.subi %sign3A_1857, %sign3A_1860 : i32
        %ne3A_1862 = arith.cmpi ne, %sign3A_1854, %sign3A_1861 : i32
        %rem3A_1863 = arith.remsi %max3A_1840, %jit3A_1846 : i32
        %ne3A_1864 = arith.constant 0 : i32
        %ne3A_1865 = arith.cmpi ne, %rem3A_1863, %ne3A_1864 : i32
        %and3A_1866 = arith.andi %ne3A_1862, %ne3A_1865 : i1
        %sub3A_1867 = arith.constant 1 : i32
        %sub3A_1868 = arith.subi %div3A_1847, %sub3A_1867 : i32
        %select_n3A_1869 = arith.select %and3A_1866, %sub3A_1868, %div3A_1847 : i32
        %add3A_1870 = arith.constant 16 : i32
        %add3A_1871 = arith.addi %min3A_1845, %add3A_1870 : i32
        %sub3A_1872 = arith.constant 1 : i32
        %sub3A_1873 = arith.subi %add3A_1871, %sub3A_1872 : i32
        %jit3A_1874 = arith.constant 16 : i32
        %div3A_1875 = arith.divsi %sub3A_1873, %jit3A_1874 : i32
        %sign3A_1876 = arith.constant 0 : i32
        %sign3A_1877 = arith.cmpi sgt, %sub3A_1873, %sign3A_1876 : i32
        %sign3A_1878 = arith.extui %sign3A_1877 : i1 to i32
        %sign3A_1879 = arith.constant 0 : i32
        %sign3A_1880 = arith.cmpi slt, %sub3A_1873, %sign3A_1879 : i32
        %sign3A_1881 = arith.extui %sign3A_1880 : i1 to i32
        %sign3A_1882 = arith.subi %sign3A_1878, %sign3A_1881 : i32
        %sign3A_1883 = arith.constant 0 : i32
        %sign3A_1884 = arith.cmpi sgt, %jit3A_1874, %sign3A_1883 : i32
        %sign3A_1885 = arith.extui %sign3A_1884 : i1 to i32
        %sign3A_1886 = arith.constant 0 : i32
        %sign3A_1887 = arith.cmpi slt, %jit3A_1874, %sign3A_1886 : i32
        %sign3A_1888 = arith.extui %sign3A_1887 : i1 to i32
        %sign3A_1889 = arith.subi %sign3A_1885, %sign3A_1888 : i32
        %ne3A_1890 = arith.cmpi ne, %sign3A_1882, %sign3A_1889 : i32
        %rem3A_1891 = arith.remsi %sub3A_1873, %jit3A_1874 : i32
        %ne3A_1892 = arith.constant 0 : i32
        %ne3A_1893 = arith.cmpi ne, %rem3A_1891, %ne3A_1892 : i32
        %and3A_1894 = arith.andi %ne3A_1890, %ne3A_1893 : i1
        %sub3A_1895 = arith.constant 1 : i32
        %sub3A_1896 = arith.subi %div3A_1875, %sub3A_1895 : i32
        %select_n3A_1897 = arith.select %and3A_1894, %sub3A_1896, %div3A_1875 : i32
        %while3A_1898 = arith.subi %select_n3A_1897, %select_n3A_1869 : i32
        %while3A_1899 = arith.addi %select_n3A_1869, %while3A_1898 : i32
        %while3A_1900 = arith.constant 1 : i32
        %while3A_1901 = arith.divsi %while3A_1898, %while3A_1900 : i32
        %while3A_1902 = arith.muli %while3A_1901, %while3A_1900 : i32
        %while3A_1903 = arith.addi %select_n3A_1869, %while3A_1902 : i32
        %while3A_1904 = arith.constant 1 : i32
        %while3A_1905:9 = scf.for %while3A_1908 = %select_n3A_1869 to %while3A_1903 step %while3A_1904 iter_args(%while3A_1909 = %cond3A_1809#0, %while3A_1910 = %cond3A_1809#1, %while3A_1911 = %cond3A_1809#2, %while3A_1912 = %cond3A_1809#3, %while3A_1913 = %cond3A_1809#4, %while3A_1914 = %cond3A_1809#5, %while3A_1915 = %cond3A_1809#6, %while3A_1916 = %cond3A_1809#7, %while3A_1917 = %cond3A_1809#8) -> (vector<16xf32>, vector<16xf32>, vector<16xf32>, vector<16xf32>, vector<16xf32>, vector<16xf32>, vector<16xf32>, vector<16xf32>, i32)  : i32 {
          %mul3A_1918 = arith.constant 16 : i32
          %mul3A_1919 = arith.muli %while3A_1908, %mul3A_1918 : i32
          %sub3A_1920 = arith.subi %max3A_1840, %mul3A_1919 : i32
          %max3A_1921 = arith.constant 0 : i32
          %max3A_1922 = arith.maxsi %sub3A_1920, %max3A_1921 : i32
          %mul3A_1923 = arith.constant 16 : i32
          %mul3A_1924 = arith.muli %while3A_1908, %mul3A_1923 : i32
          %sub3A_1925 = arith.subi %min3A_1845, %mul3A_1924 : i32
          %min3A_1926 = arith.constant 16 : i32
          %min3A_1927 = arith.minsi %sub3A_1925, %min3A_1926 : i32
          %mul3A_1928 = arith.constant 16 : i32
          %mul3A_1929 = arith.muli %while3A_1908, %mul3A_1928 : i32
          %get3A_1930 = arith.index_cast %mul3A_1929 : i32 to index
          %get3A_1931 = tpu.vector_load %arg9[%get3A_1930] {strides = array<i32>} : memref<256xi32, #tpu.memory_space<vmem>>, vector<16xi32>,
          %while3A_1932:10 = scf.while (%while3A_1933 = %max3A_1922, %while3A_1934 = %while3A_1917, %while3A_1935 = %while3A_1909, %while3A_1936 = %while3A_1910, %while3A_1937 = %while3A_1911, %while3A_1938 = %while3A_1912, %while3A_1939 = %while3A_1913, %while3A_1940 = %while3A_1914, %while3A_1941 = %while3A_1915, %while3A_1942 = %while3A_1916) : (i32, i32, vector<16xf32>, vector<16xf32>, vector<16xf32>, vector<16xf32>, vector<16xf32>, vector<16xf32>, vector<16xf32>, vector<16xf32>) -> (i32, i32, vector<16xf32>, vector<16xf32>, vector<16xf32>, vector<16xf32>, vector<16xf32>, vector<16xf32>, vector<16xf32>, vector<16xf32>) {
            %lt3A_1943 = arith.cmpi slt, %while3A_1933, %min3A_1927 : i32
            scf.condition(%lt3A_1943) %while3A_1933, %while3A_1934, %while3A_1935, %while3A_1936, %while3A_1937, %while3A_1938, %while3A_1939, %while3A_1940, %while3A_1941, %while3A_1942 : i32, i32, vector<16xf32>, vector<16xf32>, vector<16xf32>, vector<16xf32>, vector<16xf32>, vector<16xf32>, vector<16xf32>, vector<16xf32>
          } do {
          ^bb0(%while3A_1933: i32, %while3A_1934: i32, %while3A_1935: vector<16xf32>, %while3A_1936: vector<16xf32>, %while3A_1937: vector<16xf32>, %while3A_1938: vector<16xf32>, %while3A_1939: vector<16xf32>, %while3A_1940: vector<16xf32>, %while3A_1941: vector<16xf32>, %while3A_1942: vector<16xf32>):
            %eq3A_1943 = vector.broadcast %while3A_1933 : i32 to vector<16xi32>
            %eq3A_1944 = arith.cmpi eq, %iota3A, %eq3A_1943 : vector<16xi32>
            %jit3A_1945 = arith.constant -1 : i32
            %broadcast_in_dim3A_1946 = vector.broadcast %jit3A_1945 : i32 to vector<16xi32>
            %select_n3A_1947 = arith.select %eq3A_1944, %get3A_1931, %broadcast_in_dim3A_1946 : vector<16xi1>, vector<16xi32>
            %reduce_max3A = arith.constant true
            %reduce_max3A_1948 = vector.broadcast %reduce_max3A : i1 to vector<16xi1>
            %reduce_max3A_1949 = arith.constant -2147483648 : i32
            %reduce_max3A_1950 = vector.broadcast %reduce_max3A_1949 : i32 to vector<16xi32>
            %reduce_max3A_1951 = arith.xori %select_n3A_1947, %reduce_max3A_1950 : vector<16xi32>
            %reduce_max3A_1952 = tpu.scan <max>, %reduce_max3A_1951 masked %reduce_max3A_1948 : vector<16xi32>, vector<16xi1> -> vector<16xi32>
            %reduce_max3A_1953 = arith.xori %reduce_max3A_1952, %reduce_max3A_1950 : vector<16xi32>
            %reduce_max3A_1954 = vector.extract %reduce_max3A_1953[15] : i32 from vector<16xi32>
            %sub3A_1955 = arith.subi %reduce_max3A_1954, %mul3A_2 : i32
            %add3A_1956 = arith.addi %sub3A_1955, %mul3A_2 : i32
            %ne3A_1957 = vector.broadcast %add3A_1956 : i32 to vector<16xi32>
            %ne3A_1958 = arith.cmpi ne, %get3A_1931, %ne3A_1957 : vector<16xi32>
            %ge3A = vector.broadcast %while3A_1933 : i32 to vector<16xi32>
            %ge3A_1959 = arith.cmpi sge, %iota3A, %ge3A : vector<16xi32>
            %and3A_1960 = arith.andi %ne3A_1958, %ge3A_1959 : vector<16xi1>
            %jit3A_1961 = arith.constant 16 : i32
            %broadcast_in_dim3A_1962 = vector.broadcast %jit3A_1961 : i32 to vector<16xi32>
            %select_n3A_1963 = arith.select %and3A_1960, %iota3A, %broadcast_in_dim3A_1962 : vector<16xi1>, vector<16xi32>
            %reduce_min3A = arith.constant true
            %reduce_min3A_1964 = vector.broadcast %reduce_min3A : i1 to vector<16xi1>
            %reduce_min3A_1965 = arith.constant -2147483648 : i32
            %reduce_min3A_1966 = vector.broadcast %reduce_min3A_1965 : i32 to vector<16xi32>
            %reduce_min3A_1967 = arith.xori %select_n3A_1963, %reduce_min3A_1966 : vector<16xi32>
            %reduce_min3A_1968 = tpu.scan <min>, %reduce_min3A_1967 masked %reduce_min3A_1964 : vector<16xi32>, vector<16xi1> -> vector<16xi32>
            %reduce_min3A_1969 = arith.xori %reduce_min3A_1968, %reduce_min3A_1966 : vector<16xi32>
            %reduce_min3A_1970 = vector.extract %reduce_min3A_1969[15] : i32 from vector<16xi32>
            %min3A_1971 = arith.minsi %reduce_min3A_1970, %min3A_1927 : i32
            %ne3A_1972 = arith.cmpi ne, %sub3A_1955, %while3A_1934 : i32
            %convert_element_type3A_1973 = arith.extui %ne3A_1972 : i1 to i32
            %cond3A_1974 = arith.constant 0 : i32
            %cond3A_1975 = arith.cmpi ne, %convert_element_type3A_1973, %cond3A_1974 : i32
            scf.if %cond3A_1975 {
              %swap3A_1994 = arith.index_cast %while3A_1934 : i32 to index
              %swap3A_1995 = arith.constant 0 : index
              %swap3A_1996 = tpu.vector_load %arg5[%swap3A_1994, %swap3A_1995] {strides = array<i32>} : memref<320x128xf32, #tpu.memory_space<vmem>>, vector<16xf32>,
              tpu.vector_store %arg5[%swap3A_1994, %swap3A_1995], %while3A_1935 {strides = array<i32>} : memref<320x128xf32, #tpu.memory_space<vmem>>, vector<16xf32>,
              %swap3A_1997 = arith.index_cast %while3A_1934 : i32 to index
              %swap3A_1998 = arith.constant 16 : index
              %swap3A_1999 = tpu.vector_load %arg5[%swap3A_1997, %swap3A_1998] {strides = array<i32>} : memref<320x128xf32, #tpu.memory_space<vmem>>, vector<16xf32>,
              tpu.vector_store %arg5[%swap3A_1997, %swap3A_1998], %while3A_1936 {strides = array<i32>} : memref<320x128xf32, #tpu.memory_space<vmem>>, vector<16xf32>,
              %swap3A_2000 = arith.index_cast %while3A_1934 : i32 to index
              %swap3A_2001 = arith.constant 32 : index
              %swap3A_2002 = tpu.vector_load %arg5[%swap3A_2000, %swap3A_2001] {strides = array<i32>} : memref<320x128xf32, #tpu.memory_space<vmem>>, vector<16xf32>,
              tpu.vector_store %arg5[%swap3A_2000, %swap3A_2001], %while3A_1937 {strides = array<i32>} : memref<320x128xf32, #tpu.memory_space<vmem>>, vector<16xf32>,
              %swap3A_2003 = arith.index_cast %while3A_1934 : i32 to index
              %swap3A_2004 = arith.constant 48 : index
              %swap3A_2005 = tpu.vector_load %arg5[%swap3A_2003, %swap3A_2004] {strides = array<i32>} : memref<320x128xf32, #tpu.memory_space<vmem>>, vector<16xf32>,
              tpu.vector_store %arg5[%swap3A_2003, %swap3A_2004], %while3A_1938 {strides = array<i32>} : memref<320x128xf32, #tpu.memory_space<vmem>>, vector<16xf32>,
              %swap3A_2006 = arith.index_cast %while3A_1934 : i32 to index
              %swap3A_2007 = arith.constant 64 : index
              %swap3A_2008 = tpu.vector_load %arg5[%swap3A_2006, %swap3A_2007] {strides = array<i32>} : memref<320x128xf32, #tpu.memory_space<vmem>>, vector<16xf32>,
              tpu.vector_store %arg5[%swap3A_2006, %swap3A_2007], %while3A_1939 {strides = array<i32>} : memref<320x128xf32, #tpu.memory_space<vmem>>, vector<16xf32>,
              %swap3A_2009 = arith.index_cast %while3A_1934 : i32 to index
              %swap3A_2010 = arith.constant 80 : index
              %swap3A_2011 = tpu.vector_load %arg5[%swap3A_2009, %swap3A_2010] {strides = array<i32>} : memref<320x128xf32, #tpu.memory_space<vmem>>, vector<16xf32>,
              tpu.vector_store %arg5[%swap3A_2009, %swap3A_2010], %while3A_1940 {strides = array<i32>} : memref<320x128xf32, #tpu.memory_space<vmem>>, vector<16xf32>,
              %swap3A_2012 = arith.index_cast %while3A_1934 : i32 to index
              %swap3A_2013 = arith.constant 96 : index
              %swap3A_2014 = tpu.vector_load %arg5[%swap3A_2012, %swap3A_2013] {strides = array<i32>} : memref<320x128xf32, #tpu.memory_space<vmem>>, vector<16xf32>,
              tpu.vector_store %arg5[%swap3A_2012, %swap3A_2013], %while3A_1941 {strides = array<i32>} : memref<320x128xf32, #tpu.memory_space<vmem>>, vector<16xf32>,
              %swap3A_2015 = arith.index_cast %while3A_1934 : i32 to index
              %swap3A_2016 = arith.constant 112 : index
              %swap3A_2017 = tpu.vector_load %arg5[%swap3A_2015, %swap3A_2016] {strides = array<i32>} : memref<320x128xf32, #tpu.memory_space<vmem>>, vector<16xf32>,
              tpu.vector_store %arg5[%swap3A_2015, %swap3A_2016], %while3A_1942 {strides = array<i32>} : memref<320x128xf32, #tpu.memory_space<vmem>>, vector<16xf32>,
            } else {
            }
            %select_n3A_1976 = arith.select %ne3A_1972, %broadcast_in_dim3A_3, %while3A_1935 : vector<16xf32>
            %select_n3A_1977 = arith.select %ne3A_1972, %broadcast_in_dim3A_3, %while3A_1936 : vector<16xf32>
            %select_n3A_1978 = arith.select %ne3A_1972, %broadcast_in_dim3A_3, %while3A_1937 : vector<16xf32>
            %select_n3A_1979 = arith.select %ne3A_1972, %broadcast_in_dim3A_3, %while3A_1938 : vector<16xf32>
            %select_n3A_1980 = arith.select %ne3A_1972, %broadcast_in_dim3A_3, %while3A_1939 : vector<16xf32>
            %select_n3A_1981 = arith.select %ne3A_1972, %broadcast_in_dim3A_3, %while3A_1940 : vector<16xf32>
            %select_n3A_1982 = arith.select %ne3A_1972, %broadcast_in_dim3A_3, %while3A_1941 : vector<16xf32>
            %select_n3A_1983 = arith.select %ne3A_1972, %broadcast_in_dim3A_3, %while3A_1942 : vector<16xf32>
            %while3A_1984 = arith.subi %min3A_1971, %while3A_1933 : i32
            %while3A_1985 = arith.addi %while3A_1933, %while3A_1984 : i32
            %while3A_1986 = arith.constant 1 : i32
            %while3A_1987 = arith.divsi %while3A_1984, %while3A_1986 : i32
            %while3A_1988 = arith.muli %while3A_1987, %while3A_1986 : i32
            %while3A_1989 = arith.addi %while3A_1933, %while3A_1988 : i32
            %while3A_1990 = arith.constant 1 : i32
            %while3A_1991:8 = scf.for %while3A_1994 = %while3A_1933 to %while3A_1989 step %while3A_1990 iter_args(%while3A_1995 = %select_n3A_1976, %while3A_1996 = %select_n3A_1977, %while3A_1997 = %select_n3A_1978, %while3A_1998 = %select_n3A_1979, %while3A_1999 = %select_n3A_1980, %while3A_2000 = %select_n3A_1981, %while3A_2001 = %select_n3A_1982, %while3A_2002 = %select_n3A_1983) -> (vector<16xf32>, vector<16xf32>, vector<16xf32>, vector<16xf32>, vector<16xf32>, vector<16xf32>, vector<16xf32>, vector<16xf32>)  : i32 {
              %mul3A_2003 = arith.constant 16 : i32
              %mul3A_2004 = arith.muli %while3A_1908, %mul3A_2003 : i32
              %add3A_2005 = arith.addi %mul3A_2004, %while3A_1994 : i32
              %get3A_2006 = arith.index_cast %add3A_2005 : i32 to index
              %get3A_2007 = arith.constant 0 : index
              %get3A_2008 = tpu.vector_load %arg7[%get3A_2006, %get3A_2007] {strides = array<i32>} : memref<256x128xf32, #tpu.memory_space<vmem>>, vector<16xf32>,
              %min3A_2009 = arith.minimumf %while3A_1995, %get3A_2008 : vector<16xf32>
              %mul3A_2010 = arith.constant 16 : i32
              %mul3A_2011 = arith.muli %while3A_1908, %mul3A_2010 : i32
              %add3A_2012 = arith.addi %mul3A_2011, %while3A_1994 : i32
              %get3A_2013 = arith.index_cast %add3A_2012 : i32 to index
              %get3A_2014 = arith.constant 16 : index
              %get3A_2015 = tpu.vector_load %arg7[%get3A_2013, %get3A_2014] {strides = array<i32>} : memref<256x128xf32, #tpu.memory_space<vmem>>, vector<16xf32>,
              %min3A_2016 = arith.minimumf %while3A_1996, %get3A_2015 : vector<16xf32>
              %mul3A_2017 = arith.constant 16 : i32
              %mul3A_2018 = arith.muli %while3A_1908, %mul3A_2017 : i32
              %add3A_2019 = arith.addi %mul3A_2018, %while3A_1994 : i32
              %get3A_2020 = arith.index_cast %add3A_2019 : i32 to index
              %get3A_2021 = arith.constant 32 : index
              %get3A_2022 = tpu.vector_load %arg7[%get3A_2020, %get3A_2021] {strides = array<i32>} : memref<256x128xf32, #tpu.memory_space<vmem>>, vector<16xf32>,
              %min3A_2023 = arith.minimumf %while3A_1997, %get3A_2022 : vector<16xf32>
              %mul3A_2024 = arith.constant 16 : i32
              %mul3A_2025 = arith.muli %while3A_1908, %mul3A_2024 : i32
              %add3A_2026 = arith.addi %mul3A_2025, %while3A_1994 : i32
              %get3A_2027 = arith.index_cast %add3A_2026 : i32 to index
              %get3A_2028 = arith.constant 48 : index
              %get3A_2029 = tpu.vector_load %arg7[%get3A_2027, %get3A_2028] {strides = array<i32>} : memref<256x128xf32, #tpu.memory_space<vmem>>, vector<16xf32>,
              %min3A_2030 = arith.minimumf %while3A_1998, %get3A_2029 : vector<16xf32>
              %mul3A_2031 = arith.constant 16 : i32
              %mul3A_2032 = arith.muli %while3A_1908, %mul3A_2031 : i32
              %add3A_2033 = arith.addi %mul3A_2032, %while3A_1994 : i32
              %get3A_2034 = arith.index_cast %add3A_2033 : i32 to index
              %get3A_2035 = arith.constant 64 : index
              %get3A_2036 = tpu.vector_load %arg7[%get3A_2034, %get3A_2035] {strides = array<i32>} : memref<256x128xf32, #tpu.memory_space<vmem>>, vector<16xf32>,
              %min3A_2037 = arith.minimumf %while3A_1999, %get3A_2036 : vector<16xf32>
              %mul3A_2038 = arith.constant 16 : i32
              %mul3A_2039 = arith.muli %while3A_1908, %mul3A_2038 : i32
              %add3A_2040 = arith.addi %mul3A_2039, %while3A_1994 : i32
              %get3A_2041 = arith.index_cast %add3A_2040 : i32 to index
              %get3A_2042 = arith.constant 80 : index
              %get3A_2043 = tpu.vector_load %arg7[%get3A_2041, %get3A_2042] {strides = array<i32>} : memref<256x128xf32, #tpu.memory_space<vmem>>, vector<16xf32>,
              %min3A_2044 = arith.minimumf %while3A_2000, %get3A_2043 : vector<16xf32>
              %mul3A_2045 = arith.constant 16 : i32
              %mul3A_2046 = arith.muli %while3A_1908, %mul3A_2045 : i32
              %add3A_2047 = arith.addi %mul3A_2046, %while3A_1994 : i32
              %get3A_2048 = arith.index_cast %add3A_2047 : i32 to index
              %get3A_2049 = arith.constant 96 : index
              %get3A_2050 = tpu.vector_load %arg7[%get3A_2048, %get3A_2049] {strides = array<i32>} : memref<256x128xf32, #tpu.memory_space<vmem>>, vector<16xf32>,
              %min3A_2051 = arith.minimumf %while3A_2001, %get3A_2050 : vector<16xf32>
              %mul3A_2052 = arith.constant 16 : i32
              %mul3A_2053 = arith.muli %while3A_1908, %mul3A_2052 : i32
              %add3A_2054 = arith.addi %mul3A_2053, %while3A_1994 : i32
              %get3A_2055 = arith.index_cast %add3A_2054 : i32 to index
              %get3A_2056 = arith.constant 112 : index
              %get3A_2057 = tpu.vector_load %arg7[%get3A_2055, %get3A_2056] {strides = array<i32>} : memref<256x128xf32, #tpu.memory_space<vmem>>, vector<16xf32>,
              %min3A_2058 = arith.minimumf %while3A_2002, %get3A_2057 : vector<16xf32>
              scf.yield %min3A_2009, %min3A_2016, %min3A_2023, %min3A_2030, %min3A_2037, %min3A_2044, %min3A_2051, %min3A_2058 : vector<16xf32>, vector<16xf32>, vector<16xf32>, vector<16xf32>, vector<16xf32>, vector<16xf32>, vector<16xf32>, vector<16xf32>
            }
            %while3A_1992 = arith.constant 1 : i32
            %while3A_1993:8 = scf.for %while3A_1994 = %while3A_1989 to %while3A_1985 step %while3A_1992 iter_args(%while3A_1995 = %while3A_1991#0, %while3A_1996 = %while3A_1991#1, %while3A_1997 = %while3A_1991#2, %while3A_1998 = %while3A_1991#3, %while3A_1999 = %while3A_1991#4, %while3A_2000 = %while3A_1991#5, %while3A_2001 = %while3A_1991#6, %while3A_2002 = %while3A_1991#7) -> (vector<16xf32>, vector<16xf32>, vector<16xf32>, vector<16xf32>, vector<16xf32>, vector<16xf32>, vector<16xf32>, vector<16xf32>)  : i32 {
              %mul3A_2003 = arith.constant 16 : i32
              %mul3A_2004 = arith.muli %while3A_1908, %mul3A_2003 : i32
              %add3A_2005 = arith.addi %mul3A_2004, %while3A_1994 : i32
              %get3A_2006 = arith.index_cast %add3A_2005 : i32 to index
              %get3A_2007 = arith.constant 0 : index
              %get3A_2008 = tpu.vector_load %arg7[%get3A_2006, %get3A_2007] {strides = array<i32>} : memref<256x128xf32, #tpu.memory_space<vmem>>, vector<16xf32>,
              %min3A_2009 = arith.minimumf %while3A_1995, %get3A_2008 : vector<16xf32>
              %mul3A_2010 = arith.constant 16 : i32
              %mul3A_2011 = arith.muli %while3A_1908, %mul3A_2010 : i32
              %add3A_2012 = arith.addi %mul3A_2011, %while3A_1994 : i32
              %get3A_2013 = arith.index_cast %add3A_2012 : i32 to index
              %get3A_2014 = arith.constant 16 : index
              %get3A_2015 = tpu.vector_load %arg7[%get3A_2013, %get3A_2014] {strides = array<i32>} : memref<256x128xf32, #tpu.memory_space<vmem>>, vector<16xf32>,
              %min3A_2016 = arith.minimumf %while3A_1996, %get3A_2015 : vector<16xf32>
              %mul3A_2017 = arith.constant 16 : i32
              %mul3A_2018 = arith.muli %while3A_1908, %mul3A_2017 : i32
              %add3A_2019 = arith.addi %mul3A_2018, %while3A_1994 : i32
              %get3A_2020 = arith.index_cast %add3A_2019 : i32 to index
              %get3A_2021 = arith.constant 32 : index
              %get3A_2022 = tpu.vector_load %arg7[%get3A_2020, %get3A_2021] {strides = array<i32>} : memref<256x128xf32, #tpu.memory_space<vmem>>, vector<16xf32>,
              %min3A_2023 = arith.minimumf %while3A_1997, %get3A_2022 : vector<16xf32>
              %mul3A_2024 = arith.constant 16 : i32
              %mul3A_2025 = arith.muli %while3A_1908, %mul3A_2024 : i32
              %add3A_2026 = arith.addi %mul3A_2025, %while3A_1994 : i32
              %get3A_2027 = arith.index_cast %add3A_2026 : i32 to index
              %get3A_2028 = arith.constant 48 : index
              %get3A_2029 = tpu.vector_load %arg7[%get3A_2027, %get3A_2028] {strides = array<i32>} : memref<256x128xf32, #tpu.memory_space<vmem>>, vector<16xf32>,
              %min3A_2030 = arith.minimumf %while3A_1998, %get3A_2029 : vector<16xf32>
              %mul3A_2031 = arith.constant 16 : i32
              %mul3A_2032 = arith.muli %while3A_1908, %mul3A_2031 : i32
              %add3A_2033 = arith.addi %mul3A_2032, %while3A_1994 : i32
              %get3A_2034 = arith.index_cast %add3A_2033 : i32 to index
              %get3A_2035 = arith.constant 64 : index
              %get3A_2036 = tpu.vector_load %arg7[%get3A_2034, %get3A_2035] {strides = array<i32>} : memref<256x128xf32, #tpu.memory_space<vmem>>, vector<16xf32>,
              %min3A_2037 = arith.minimumf %while3A_1999, %get3A_2036 : vector<16xf32>
              %mul3A_2038 = arith.constant 16 : i32
              %mul3A_2039 = arith.muli %while3A_1908, %mul3A_2038 : i32
              %add3A_2040 = arith.addi %mul3A_2039, %while3A_1994 : i32
              %get3A_2041 = arith.index_cast %add3A_2040 : i32 to index
              %get3A_2042 = arith.constant 80 : index
              %get3A_2043 = tpu.vector_load %arg7[%get3A_2041, %get3A_2042] {strides = array<i32>} : memref<256x128xf32, #tpu.memory_space<vmem>>, vector<16xf32>,
              %min3A_2044 = arith.minimumf %while3A_2000, %get3A_2043 : vector<16xf32>
              %mul3A_2045 = arith.constant 16 : i32
              %mul3A_2046 = arith.muli %while3A_1908, %mul3A_2045 : i32
              %add3A_2047 = arith.addi %mul3A_2046, %while3A_1994 : i32
              %get3A_2048 = arith.index_cast %add3A_2047 : i32 to index
              %get3A_2049 = arith.constant 96 : index
              %get3A_2050 = tpu.vector_load %arg7[%get3A_2048, %get3A_2049] {strides = array<i32>} : memref<256x128xf32, #tpu.memory_space<vmem>>, vector<16xf32>,
              %min3A_2051 = arith.minimumf %while3A_2001, %get3A_2050 : vector<16xf32>
              %mul3A_2052 = arith.constant 16 : i32
              %mul3A_2053 = arith.muli %while3A_1908, %mul3A_2052 : i32
              %add3A_2054 = arith.addi %mul3A_2053, %while3A_1994 : i32
              %get3A_2055 = arith.index_cast %add3A_2054 : i32 to index
              %get3A_2056 = arith.constant 112 : index
              %get3A_2057 = tpu.vector_load %arg7[%get3A_2055, %get3A_2056] {strides = array<i32>} : memref<256x128xf32, #tpu.memory_space<vmem>>, vector<16xf32>,
              %min3A_2058 = arith.minimumf %while3A_2002, %get3A_2057 : vector<16xf32>
              scf.yield %min3A_2009, %min3A_2016, %min3A_2023, %min3A_2030, %min3A_2037, %min3A_2044, %min3A_2051, %min3A_2058 : vector<16xf32>, vector<16xf32>, vector<16xf32>, vector<16xf32>, vector<16xf32>, vector<16xf32>, vector<16xf32>, vector<16xf32>
            }
            scf.yield %min3A_1971, %sub3A_1955, %while3A_1993#0, %while3A_1993#1, %while3A_1993#2, %while3A_1993#3, %while3A_1993#4, %while3A_1993#5, %while3A_1993#6, %while3A_1993#7 : i32, i32, vector<16xf32>, vector<16xf32>, vector<16xf32>, vector<16xf32>, vector<16xf32>, vector<16xf32>, vector<16xf32>, vector<16xf32>
          }
          scf.yield %while3A_1932#2, %while3A_1932#3, %while3A_1932#4, %while3A_1932#5, %while3A_1932#6, %while3A_1932#7, %while3A_1932#8, %while3A_1932#9, %while3A_1932#1 : vector<16xf32>, vector<16xf32>, vector<16xf32>, vector<16xf32>, vector<16xf32>, vector<16xf32>, vector<16xf32>, vector<16xf32>, i32
        }
        %while3A_1906 = arith.constant 1 : i32
        %while3A_1907:9 = scf.for %while3A_1908 = %while3A_1903 to %while3A_1899 step %while3A_1906 iter_args(%while3A_1909 = %while3A_1905#0, %while3A_1910 = %while3A_1905#1, %while3A_1911 = %while3A_1905#2, %while3A_1912 = %while3A_1905#3, %while3A_1913 = %while3A_1905#4, %while3A_1914 = %while3A_1905#5, %while3A_1915 = %while3A_1905#6, %while3A_1916 = %while3A_1905#7, %while3A_1917 = %while3A_1905#8) -> (vector<16xf32>, vector<16xf32>, vector<16xf32>, vector<16xf32>, vector<16xf32>, vector<16xf32>, vector<16xf32>, vector<16xf32>, i32)  : i32 {
          %mul3A_1918 = arith.constant 16 : i32
          %mul3A_1919 = arith.muli %while3A_1908, %mul3A_1918 : i32
          %sub3A_1920 = arith.subi %max3A_1840, %mul3A_1919 : i32
          %max3A_1921 = arith.constant 0 : i32
          %max3A_1922 = arith.maxsi %sub3A_1920, %max3A_1921 : i32
          %mul3A_1923 = arith.constant 16 : i32
          %mul3A_1924 = arith.muli %while3A_1908, %mul3A_1923 : i32
          %sub3A_1925 = arith.subi %min3A_1845, %mul3A_1924 : i32
          %min3A_1926 = arith.constant 16 : i32
          %min3A_1927 = arith.minsi %sub3A_1925, %min3A_1926 : i32
          %mul3A_1928 = arith.constant 16 : i32
          %mul3A_1929 = arith.muli %while3A_1908, %mul3A_1928 : i32
          %get3A_1930 = arith.index_cast %mul3A_1929 : i32 to index
          %get3A_1931 = tpu.vector_load %arg9[%get3A_1930] {strides = array<i32>} : memref<256xi32, #tpu.memory_space<vmem>>, vector<16xi32>,
          %while3A_1932:10 = scf.while (%while3A_1933 = %max3A_1922, %while3A_1934 = %while3A_1917, %while3A_1935 = %while3A_1909, %while3A_1936 = %while3A_1910, %while3A_1937 = %while3A_1911, %while3A_1938 = %while3A_1912, %while3A_1939 = %while3A_1913, %while3A_1940 = %while3A_1914, %while3A_1941 = %while3A_1915, %while3A_1942 = %while3A_1916) : (i32, i32, vector<16xf32>, vector<16xf32>, vector<16xf32>, vector<16xf32>, vector<16xf32>, vector<16xf32>, vector<16xf32>, vector<16xf32>) -> (i32, i32, vector<16xf32>, vector<16xf32>, vector<16xf32>, vector<16xf32>, vector<16xf32>, vector<16xf32>, vector<16xf32>, vector<16xf32>) {
            %lt3A_1943 = arith.cmpi slt, %while3A_1933, %min3A_1927 : i32
            scf.condition(%lt3A_1943) %while3A_1933, %while3A_1934, %while3A_1935, %while3A_1936, %while3A_1937, %while3A_1938, %while3A_1939, %while3A_1940, %while3A_1941, %while3A_1942 : i32, i32, vector<16xf32>, vector<16xf32>, vector<16xf32>, vector<16xf32>, vector<16xf32>, vector<16xf32>, vector<16xf32>, vector<16xf32>
          } do {
          ^bb0(%while3A_1933: i32, %while3A_1934: i32, %while3A_1935: vector<16xf32>, %while3A_1936: vector<16xf32>, %while3A_1937: vector<16xf32>, %while3A_1938: vector<16xf32>, %while3A_1939: vector<16xf32>, %while3A_1940: vector<16xf32>, %while3A_1941: vector<16xf32>, %while3A_1942: vector<16xf32>):
            %eq3A_1943 = vector.broadcast %while3A_1933 : i32 to vector<16xi32>
            %eq3A_1944 = arith.cmpi eq, %iota3A, %eq3A_1943 : vector<16xi32>
            %jit3A_1945 = arith.constant -1 : i32
            %broadcast_in_dim3A_1946 = vector.broadcast %jit3A_1945 : i32 to vector<16xi32>
            %select_n3A_1947 = arith.select %eq3A_1944, %get3A_1931, %broadcast_in_dim3A_1946 : vector<16xi1>, vector<16xi32>
            %reduce_max3A = arith.constant true
            %reduce_max3A_1948 = vector.broadcast %reduce_max3A : i1 to vector<16xi1>
            %reduce_max3A_1949 = arith.constant -2147483648 : i32
            %reduce_max3A_1950 = vector.broadcast %reduce_max3A_1949 : i32 to vector<16xi32>
            %reduce_max3A_1951 = arith.xori %select_n3A_1947, %reduce_max3A_1950 : vector<16xi32>
            %reduce_max3A_1952 = tpu.scan <max>, %reduce_max3A_1951 masked %reduce_max3A_1948 : vector<16xi32>, vector<16xi1> -> vector<16xi32>
            %reduce_max3A_1953 = arith.xori %reduce_max3A_1952, %reduce_max3A_1950 : vector<16xi32>
            %reduce_max3A_1954 = vector.extract %reduce_max3A_1953[15] : i32 from vector<16xi32>
            %sub3A_1955 = arith.subi %reduce_max3A_1954, %mul3A_2 : i32
            %add3A_1956 = arith.addi %sub3A_1955, %mul3A_2 : i32
            %ne3A_1957 = vector.broadcast %add3A_1956 : i32 to vector<16xi32>
            %ne3A_1958 = arith.cmpi ne, %get3A_1931, %ne3A_1957 : vector<16xi32>
            %ge3A = vector.broadcast %while3A_1933 : i32 to vector<16xi32>
            %ge3A_1959 = arith.cmpi sge, %iota3A, %ge3A : vector<16xi32>
            %and3A_1960 = arith.andi %ne3A_1958, %ge3A_1959 : vector<16xi1>
            %jit3A_1961 = arith.constant 16 : i32
            %broadcast_in_dim3A_1962 = vector.broadcast %jit3A_1961 : i32 to vector<16xi32>
            %select_n3A_1963 = arith.select %and3A_1960, %iota3A, %broadcast_in_dim3A_1962 : vector<16xi1>, vector<16xi32>
            %reduce_min3A = arith.constant true
            %reduce_min3A_1964 = vector.broadcast %reduce_min3A : i1 to vector<16xi1>
            %reduce_min3A_1965 = arith.constant -2147483648 : i32
            %reduce_min3A_1966 = vector.broadcast %reduce_min3A_1965 : i32 to vector<16xi32>
            %reduce_min3A_1967 = arith.xori %select_n3A_1963, %reduce_min3A_1966 : vector<16xi32>
            %reduce_min3A_1968 = tpu.scan <min>, %reduce_min3A_1967 masked %reduce_min3A_1964 : vector<16xi32>, vector<16xi1> -> vector<16xi32>
            %reduce_min3A_1969 = arith.xori %reduce_min3A_1968, %reduce_min3A_1966 : vector<16xi32>
            %reduce_min3A_1970 = vector.extract %reduce_min3A_1969[15] : i32 from vector<16xi32>
            %min3A_1971 = arith.minsi %reduce_min3A_1970, %min3A_1927 : i32
            %ne3A_1972 = arith.cmpi ne, %sub3A_1955, %while3A_1934 : i32
            %convert_element_type3A_1973 = arith.extui %ne3A_1972 : i1 to i32
            %cond3A_1974 = arith.constant 0 : i32
            %cond3A_1975 = arith.cmpi ne, %convert_element_type3A_1973, %cond3A_1974 : i32
            scf.if %cond3A_1975 {
              %swap3A_1994 = arith.index_cast %while3A_1934 : i32 to index
              %swap3A_1995 = arith.constant 0 : index
              %swap3A_1996 = tpu.vector_load %arg5[%swap3A_1994, %swap3A_1995] {strides = array<i32>} : memref<320x128xf32, #tpu.memory_space<vmem>>, vector<16xf32>,
              tpu.vector_store %arg5[%swap3A_1994, %swap3A_1995], %while3A_1935 {strides = array<i32>} : memref<320x128xf32, #tpu.memory_space<vmem>>, vector<16xf32>,
              %swap3A_1997 = arith.index_cast %while3A_1934 : i32 to index
              %swap3A_1998 = arith.constant 16 : index
              %swap3A_1999 = tpu.vector_load %arg5[%swap3A_1997, %swap3A_1998] {strides = array<i32>} : memref<320x128xf32, #tpu.memory_space<vmem>>, vector<16xf32>,
              tpu.vector_store %arg5[%swap3A_1997, %swap3A_1998], %while3A_1936 {strides = array<i32>} : memref<320x128xf32, #tpu.memory_space<vmem>>, vector<16xf32>,
              %swap3A_2000 = arith.index_cast %while3A_1934 : i32 to index
              %swap3A_2001 = arith.constant 32 : index
              %swap3A_2002 = tpu.vector_load %arg5[%swap3A_2000, %swap3A_2001] {strides = array<i32>} : memref<320x128xf32, #tpu.memory_space<vmem>>, vector<16xf32>,
              tpu.vector_store %arg5[%swap3A_2000, %swap3A_2001], %while3A_1937 {strides = array<i32>} : memref<320x128xf32, #tpu.memory_space<vmem>>, vector<16xf32>,
              %swap3A_2003 = arith.index_cast %while3A_1934 : i32 to index
              %swap3A_2004 = arith.constant 48 : index
              %swap3A_2005 = tpu.vector_load %arg5[%swap3A_2003, %swap3A_2004] {strides = array<i32>} : memref<320x128xf32, #tpu.memory_space<vmem>>, vector<16xf32>,
              tpu.vector_store %arg5[%swap3A_2003, %swap3A_2004], %while3A_1938 {strides = array<i32>} : memref<320x128xf32, #tpu.memory_space<vmem>>, vector<16xf32>,
              %swap3A_2006 = arith.index_cast %while3A_1934 : i32 to index
              %swap3A_2007 = arith.constant 64 : index
              %swap3A_2008 = tpu.vector_load %arg5[%swap3A_2006, %swap3A_2007] {strides = array<i32>} : memref<320x128xf32, #tpu.memory_space<vmem>>, vector<16xf32>,
              tpu.vector_store %arg5[%swap3A_2006, %swap3A_2007], %while3A_1939 {strides = array<i32>} : memref<320x128xf32, #tpu.memory_space<vmem>>, vector<16xf32>,
              %swap3A_2009 = arith.index_cast %while3A_1934 : i32 to index
              %swap3A_2010 = arith.constant 80 : index
              %swap3A_2011 = tpu.vector_load %arg5[%swap3A_2009, %swap3A_2010] {strides = array<i32>} : memref<320x128xf32, #tpu.memory_space<vmem>>, vector<16xf32>,
              tpu.vector_store %arg5[%swap3A_2009, %swap3A_2010], %while3A_1940 {strides = array<i32>} : memref<320x128xf32, #tpu.memory_space<vmem>>, vector<16xf32>,
              %swap3A_2012 = arith.index_cast %while3A_1934 : i32 to index
              %swap3A_2013 = arith.constant 96 : index
              %swap3A_2014 = tpu.vector_load %arg5[%swap3A_2012, %swap3A_2013] {strides = array<i32>} : memref<320x128xf32, #tpu.memory_space<vmem>>, vector<16xf32>,
              tpu.vector_store %arg5[%swap3A_2012, %swap3A_2013], %while3A_1941 {strides = array<i32>} : memref<320x128xf32, #tpu.memory_space<vmem>>, vector<16xf32>,
              %swap3A_2015 = arith.index_cast %while3A_1934 : i32 to index
              %swap3A_2016 = arith.constant 112 : index
              %swap3A_2017 = tpu.vector_load %arg5[%swap3A_2015, %swap3A_2016] {strides = array<i32>} : memref<320x128xf32, #tpu.memory_space<vmem>>, vector<16xf32>,
              tpu.vector_store %arg5[%swap3A_2015, %swap3A_2016], %while3A_1942 {strides = array<i32>} : memref<320x128xf32, #tpu.memory_space<vmem>>, vector<16xf32>,
            } else {
            }
            %select_n3A_1976 = arith.select %ne3A_1972, %broadcast_in_dim3A_3, %while3A_1935 : vector<16xf32>
            %select_n3A_1977 = arith.select %ne3A_1972, %broadcast_in_dim3A_3, %while3A_1936 : vector<16xf32>
            %select_n3A_1978 = arith.select %ne3A_1972, %broadcast_in_dim3A_3, %while3A_1937 : vector<16xf32>
            %select_n3A_1979 = arith.select %ne3A_1972, %broadcast_in_dim3A_3, %while3A_1938 : vector<16xf32>
            %select_n3A_1980 = arith.select %ne3A_1972, %broadcast_in_dim3A_3, %while3A_1939 : vector<16xf32>
            %select_n3A_1981 = arith.select %ne3A_1972, %broadcast_in_dim3A_3, %while3A_1940 : vector<16xf32>
            %select_n3A_1982 = arith.select %ne3A_1972, %broadcast_in_dim3A_3, %while3A_1941 : vector<16xf32>
            %select_n3A_1983 = arith.select %ne3A_1972, %broadcast_in_dim3A_3, %while3A_1942 : vector<16xf32>
            %while3A_1984 = arith.subi %min3A_1971, %while3A_1933 : i32
            %while3A_1985 = arith.addi %while3A_1933, %while3A_1984 : i32
            %while3A_1986 = arith.constant 1 : i32
            %while3A_1987 = arith.divsi %while3A_1984, %while3A_1986 : i32
            %while3A_1988 = arith.muli %while3A_1987, %while3A_1986 : i32
            %while3A_1989 = arith.addi %while3A_1933, %while3A_1988 : i32
            %while3A_1990 = arith.constant 1 : i32
            %while3A_1991:8 = scf.for %while3A_1994 = %while3A_1933 to %while3A_1989 step %while3A_1990 iter_args(%while3A_1995 = %select_n3A_1976, %while3A_1996 = %select_n3A_1977, %while3A_1997 = %select_n3A_1978, %while3A_1998 = %select_n3A_1979, %while3A_1999 = %select_n3A_1980, %while3A_2000 = %select_n3A_1981, %while3A_2001 = %select_n3A_1982, %while3A_2002 = %select_n3A_1983) -> (vector<16xf32>, vector<16xf32>, vector<16xf32>, vector<16xf32>, vector<16xf32>, vector<16xf32>, vector<16xf32>, vector<16xf32>)  : i32 {
              %mul3A_2003 = arith.constant 16 : i32
              %mul3A_2004 = arith.muli %while3A_1908, %mul3A_2003 : i32
              %add3A_2005 = arith.addi %mul3A_2004, %while3A_1994 : i32
              %get3A_2006 = arith.index_cast %add3A_2005 : i32 to index
              %get3A_2007 = arith.constant 0 : index
              %get3A_2008 = tpu.vector_load %arg7[%get3A_2006, %get3A_2007] {strides = array<i32>} : memref<256x128xf32, #tpu.memory_space<vmem>>, vector<16xf32>,
              %min3A_2009 = arith.minimumf %while3A_1995, %get3A_2008 : vector<16xf32>
              %mul3A_2010 = arith.constant 16 : i32
              %mul3A_2011 = arith.muli %while3A_1908, %mul3A_2010 : i32
              %add3A_2012 = arith.addi %mul3A_2011, %while3A_1994 : i32
              %get3A_2013 = arith.index_cast %add3A_2012 : i32 to index
              %get3A_2014 = arith.constant 16 : index
              %get3A_2015 = tpu.vector_load %arg7[%get3A_2013, %get3A_2014] {strides = array<i32>} : memref<256x128xf32, #tpu.memory_space<vmem>>, vector<16xf32>,
              %min3A_2016 = arith.minimumf %while3A_1996, %get3A_2015 : vector<16xf32>
              %mul3A_2017 = arith.constant 16 : i32
              %mul3A_2018 = arith.muli %while3A_1908, %mul3A_2017 : i32
              %add3A_2019 = arith.addi %mul3A_2018, %while3A_1994 : i32
              %get3A_2020 = arith.index_cast %add3A_2019 : i32 to index
              %get3A_2021 = arith.constant 32 : index
              %get3A_2022 = tpu.vector_load %arg7[%get3A_2020, %get3A_2021] {strides = array<i32>} : memref<256x128xf32, #tpu.memory_space<vmem>>, vector<16xf32>,
              %min3A_2023 = arith.minimumf %while3A_1997, %get3A_2022 : vector<16xf32>
              %mul3A_2024 = arith.constant 16 : i32
              %mul3A_2025 = arith.muli %while3A_1908, %mul3A_2024 : i32
              %add3A_2026 = arith.addi %mul3A_2025, %while3A_1994 : i32
              %get3A_2027 = arith.index_cast %add3A_2026 : i32 to index
              %get3A_2028 = arith.constant 48 : index
              %get3A_2029 = tpu.vector_load %arg7[%get3A_2027, %get3A_2028] {strides = array<i32>} : memref<256x128xf32, #tpu.memory_space<vmem>>, vector<16xf32>,
              %min3A_2030 = arith.minimumf %while3A_1998, %get3A_2029 : vector<16xf32>
              %mul3A_2031 = arith.constant 16 : i32
              %mul3A_2032 = arith.muli %while3A_1908, %mul3A_2031 : i32
              %add3A_2033 = arith.addi %mul3A_2032, %while3A_1994 : i32
              %get3A_2034 = arith.index_cast %add3A_2033 : i32 to index
              %get3A_2035 = arith.constant 64 : index
              %get3A_2036 = tpu.vector_load %arg7[%get3A_2034, %get3A_2035] {strides = array<i32>} : memref<256x128xf32, #tpu.memory_space<vmem>>, vector<16xf32>,
              %min3A_2037 = arith.minimumf %while3A_1999, %get3A_2036 : vector<16xf32>
              %mul3A_2038 = arith.constant 16 : i32
              %mul3A_2039 = arith.muli %while3A_1908, %mul3A_2038 : i32
              %add3A_2040 = arith.addi %mul3A_2039, %while3A_1994 : i32
              %get3A_2041 = arith.index_cast %add3A_2040 : i32 to index
              %get3A_2042 = arith.constant 80 : index
              %get3A_2043 = tpu.vector_load %arg7[%get3A_2041, %get3A_2042] {strides = array<i32>} : memref<256x128xf32, #tpu.memory_space<vmem>>, vector<16xf32>,
              %min3A_2044 = arith.minimumf %while3A_2000, %get3A_2043 : vector<16xf32>
              %mul3A_2045 = arith.constant 16 : i32
              %mul3A_2046 = arith.muli %while3A_1908, %mul3A_2045 : i32
              %add3A_2047 = arith.addi %mul3A_2046, %while3A_1994 : i32
              %get3A_2048 = arith.index_cast %add3A_2047 : i32 to index
              %get3A_2049 = arith.constant 96 : index
              %get3A_2050 = tpu.vector_load %arg7[%get3A_2048, %get3A_2049] {strides = array<i32>} : memref<256x128xf32, #tpu.memory_space<vmem>>, vector<16xf32>,
              %min3A_2051 = arith.minimumf %while3A_2001, %get3A_2050 : vector<16xf32>
              %mul3A_2052 = arith.constant 16 : i32
              %mul3A_2053 = arith.muli %while3A_1908, %mul3A_2052 : i32
              %add3A_2054 = arith.addi %mul3A_2053, %while3A_1994 : i32
              %get3A_2055 = arith.index_cast %add3A_2054 : i32 to index
              %get3A_2056 = arith.constant 112 : index
              %get3A_2057 = tpu.vector_load %arg7[%get3A_2055, %get3A_2056] {strides = array<i32>} : memref<256x128xf32, #tpu.memory_space<vmem>>, vector<16xf32>,
              %min3A_2058 = arith.minimumf %while3A_2002, %get3A_2057 : vector<16xf32>
              scf.yield %min3A_2009, %min3A_2016, %min3A_2023, %min3A_2030, %min3A_2037, %min3A_2044, %min3A_2051, %min3A_2058 : vector<16xf32>, vector<16xf32>, vector<16xf32>, vector<16xf32>, vector<16xf32>, vector<16xf32>, vector<16xf32>, vector<16xf32>
            }
            %while3A_1992 = arith.constant 1 : i32
            %while3A_1993:8 = scf.for %while3A_1994 = %while3A_1989 to %while3A_1985 step %while3A_1992 iter_args(%while3A_1995 = %while3A_1991#0, %while3A_1996 = %while3A_1991#1, %while3A_1997 = %while3A_1991#2, %while3A_1998 = %while3A_1991#3, %while3A_1999 = %while3A_1991#4, %while3A_2000 = %while3A_1991#5, %while3A_2001 = %while3A_1991#6, %while3A_2002 = %while3A_1991#7) -> (vector<16xf32>, vector<16xf32>, vector<16xf32>, vector<16xf32>, vector<16xf32>, vector<16xf32>, vector<16xf32>, vector<16xf32>)  : i32 {
              %mul3A_2003 = arith.constant 16 : i32
              %mul3A_2004 = arith.muli %while3A_1908, %mul3A_2003 : i32
              %add3A_2005 = arith.addi %mul3A_2004, %while3A_1994 : i32
              %get3A_2006 = arith.index_cast %add3A_2005 : i32 to index
              %get3A_2007 = arith.constant 0 : index
              %get3A_2008 = tpu.vector_load %arg7[%get3A_2006, %get3A_2007] {strides = array<i32>} : memref<256x128xf32, #tpu.memory_space<vmem>>, vector<16xf32>,
              %min3A_2009 = arith.minimumf %while3A_1995, %get3A_2008 : vector<16xf32>
              %mul3A_2010 = arith.constant 16 : i32
              %mul3A_2011 = arith.muli %while3A_1908, %mul3A_2010 : i32
              %add3A_2012 = arith.addi %mul3A_2011, %while3A_1994 : i32
              %get3A_2013 = arith.index_cast %add3A_2012 : i32 to index
              %get3A_2014 = arith.constant 16 : index
              %get3A_2015 = tpu.vector_load %arg7[%get3A_2013, %get3A_2014] {strides = array<i32>} : memref<256x128xf32, #tpu.memory_space<vmem>>, vector<16xf32>,
              %min3A_2016 = arith.minimumf %while3A_1996, %get3A_2015 : vector<16xf32>
              %mul3A_2017 = arith.constant 16 : i32
              %mul3A_2018 = arith.muli %while3A_1908, %mul3A_2017 : i32
              %add3A_2019 = arith.addi %mul3A_2018, %while3A_1994 : i32
              %get3A_2020 = arith.index_cast %add3A_2019 : i32 to index
              %get3A_2021 = arith.constant 32 : index
              %get3A_2022 = tpu.vector_load %arg7[%get3A_2020, %get3A_2021] {strides = array<i32>} : memref<256x128xf32, #tpu.memory_space<vmem>>, vector<16xf32>,
              %min3A_2023 = arith.minimumf %while3A_1997, %get3A_2022 : vector<16xf32>
              %mul3A_2024 = arith.constant 16 : i32
              %mul3A_2025 = arith.muli %while3A_1908, %mul3A_2024 : i32
              %add3A_2026 = arith.addi %mul3A_2025, %while3A_1994 : i32
              %get3A_2027 = arith.index_cast %add3A_2026 : i32 to index
              %get3A_2028 = arith.constant 48 : index
              %get3A_2029 = tpu.vector_load %arg7[%get3A_2027, %get3A_2028] {strides = array<i32>} : memref<256x128xf32, #tpu.memory_space<vmem>>, vector<16xf32>,
              %min3A_2030 = arith.minimumf %while3A_1998, %get3A_2029 : vector<16xf32>
              %mul3A_2031 = arith.constant 16 : i32
              %mul3A_2032 = arith.muli %while3A_1908, %mul3A_2031 : i32
              %add3A_2033 = arith.addi %mul3A_2032, %while3A_1994 : i32
              %get3A_2034 = arith.index_cast %add3A_2033 : i32 to index
              %get3A_2035 = arith.constant 64 : index
              %get3A_2036 = tpu.vector_load %arg7[%get3A_2034, %get3A_2035] {strides = array<i32>} : memref<256x128xf32, #tpu.memory_space<vmem>>, vector<16xf32>,
              %min3A_2037 = arith.minimumf %while3A_1999, %get3A_2036 : vector<16xf32>
              %mul3A_2038 = arith.constant 16 : i32
              %mul3A_2039 = arith.muli %while3A_1908, %mul3A_2038 : i32
              %add3A_2040 = arith.addi %mul3A_2039, %while3A_1994 : i32
              %get3A_2041 = arith.index_cast %add3A_2040 : i32 to index
              %get3A_2042 = arith.constant 80 : index
              %get3A_2043 = tpu.vector_load %arg7[%get3A_2041, %get3A_2042] {strides = array<i32>} : memref<256x128xf32, #tpu.memory_space<vmem>>, vector<16xf32>,
              %min3A_2044 = arith.minimumf %while3A_2000, %get3A_2043 : vector<16xf32>
              %mul3A_2045 = arith.constant 16 : i32
              %mul3A_2046 = arith.muli %while3A_1908, %mul3A_2045 : i32
              %add3A_2047 = arith.addi %mul3A_2046, %while3A_1994 : i32
              %get3A_2048 = arith.index_cast %add3A_2047 : i32 to index
              %get3A_2049 = arith.constant 96 : index
              %get3A_2050 = tpu.vector_load %arg7[%get3A_2048, %get3A_2049] {strides = array<i32>} : memref<256x128xf32, #tpu.memory_space<vmem>>, vector<16xf32>,
              %min3A_2051 = arith.minimumf %while3A_2001, %get3A_2050 : vector<16xf32>
              %mul3A_2052 = arith.constant 16 : i32
              %mul3A_2053 = arith.muli %while3A_1908, %mul3A_2052 : i32
              %add3A_2054 = arith.addi %mul3A_2053, %while3A_1994 : i32
              %get3A_2055 = arith.index_cast %add3A_2054 : i32 to index
              %get3A_2056 = arith.constant 112 : index
              %get3A_2057 = tpu.vector_load %arg7[%get3A_2055, %get3A_2056] {strides = array<i32>} : memref<256x128xf32, #tpu.memory_space<vmem>>, vector<16xf32>,
              %min3A_2058 = arith.minimumf %while3A_2002, %get3A_2057 : vector<16xf32>
              scf.yield %min3A_2009, %min3A_2016, %min3A_2023, %min3A_2030, %min3A_2037, %min3A_2044, %min3A_2051, %min3A_2058 : vector<16xf32>, vector<16xf32>, vector<16xf32>, vector<16xf32>, vector<16xf32>, vector<16xf32>, vector<16xf32>, vector<16xf32>
            }
            scf.yield %min3A_1971, %sub3A_1955, %while3A_1993#0, %while3A_1993#1, %while3A_1993#2, %while3A_1993#3, %while3A_1993#4, %while3A_1993#5, %while3A_1993#6, %while3A_1993#7 : i32, i32, vector<16xf32>, vector<16xf32>, vector<16xf32>, vector<16xf32>, vector<16xf32>, vector<16xf32>, vector<16xf32>, vector<16xf32>
          }
          scf.yield %while3A_1932#2, %while3A_1932#3, %while3A_1932#4, %while3A_1932#5, %while3A_1932#6, %while3A_1932#7, %while3A_1932#8, %while3A_1932#9, %while3A_1932#1 : vector<16xf32>, vector<16xf32>, vector<16xf32>, vector<16xf32>, vector<16xf32>, vector<16xf32>, vector<16xf32>, vector<16xf32>, i32
        }
        scf.yield %while3A_1907#0, %while3A_1907#1, %while3A_1907#2, %while3A_1907#3, %while3A_1907#4, %while3A_1907#5, %while3A_1907#6, %while3A_1907#7, %while3A_1907#8 : vector<16xf32>, vector<16xf32>, vector<16xf32>, vector<16xf32>, vector<16xf32>, vector<16xf32>, vector<16xf32>, vector<16xf32>, i32
      } else {
        scf.yield %cond3A_1809#0, %cond3A_1809#1, %cond3A_1809#2, %cond3A_1809#3, %cond3A_1809#4, %cond3A_1809#5, %cond3A_1809#6, %cond3A_1809#7, %cond3A_1809#8 : vector<16xf32>, vector<16xf32>, vector<16xf32>, vector<16xf32>, vector<16xf32>, vector<16xf32>, vector<16xf32>, vector<16xf32>, i32
      }
      scf.yield %cond3A_1825#0, %cond3A_1825#1, %cond3A_1825#2, %cond3A_1825#3, %cond3A_1825#4, %cond3A_1825#5, %cond3A_1825#6, %cond3A_1825#7, %cond3A_1825#8 : vector<16xf32>, vector<16xf32>, vector<16xf32>, vector<16xf32>, vector<16xf32>, vector<16xf32>, vector<16xf32>, vector<16xf32>, i32
    }
    %while3A_1749 = arith.constant 1 : i32
    %while3A_1750:9 = scf.for %while3A_1784 = %while3A_1746 to %while3A_1742 step %while3A_1749 iter_args(%while3A_1785 = %while3A_1748#0, %while3A_1786 = %while3A_1748#1, %while3A_1787 = %while3A_1748#2, %while3A_1788 = %while3A_1748#3, %while3A_1789 = %while3A_1748#4, %while3A_1790 = %while3A_1748#5, %while3A_1791 = %while3A_1748#6, %while3A_1792 = %while3A_1748#7, %while3A_1793 = %while3A_1748#8) -> (vector<16xf32>, vector<16xf32>, vector<16xf32>, vector<16xf32>, vector<16xf32>, vector<16xf32>, vector<16xf32>, vector<16xf32>, i32)  : i32 {
      %mul3A_1794 = arith.constant 2 : i32
      %mul3A_1795 = arith.muli %mul3A_1794, %while3A_1784 : i32
      %add3A_1796 = arith.addi %select_n3A_1680, %mul3A_1795 : i32
      %add3A_1797 = arith.constant 0 : i32
      %add3A_1798 = arith.addi %add3A_1796, %add3A_1797 : i32
      %add3A_1799 = arith.constant 1 : i32
      %add3A_1800 = arith.addi %add3A_1798, %add3A_1799 : i32
      %lt3A_1801 = arith.cmpi slt, %add3A_1800, %select_n3A_1708 : i32
      %convert_element_type3A_1802 = arith.extui %lt3A_1801 : i1 to i32
      %cond3A_1803 = arith.constant 0 : i32
      %cond3A_1804 = arith.cmpi ne, %convert_element_type3A_1802, %cond3A_1803 : i32
      scf.if %cond3A_1804 {
        %add3A_1826 = arith.constant 1 : i32
        %add3A_1827 = arith.addi %add3A_1798, %add3A_1826 : i32
        %mul3A_1828 = arith.constant 256 : i32
        %mul3A_1829 = arith.muli %add3A_1827, %mul3A_1828 : i32
        %dma_start3A_1830 = arith.constant 0 : i32
        %dma_start3A_1831 = tpu.memref_slice %arg2[%mul3A_1829, %dma_start3A_1830] : memref<320000x128xf32, #tpu.memory_space<hbm>> -> memref<256x128xf32, #tpu.memory_space<hbm>>
        %dma_start3A_1832 = arith.constant 0 : i32
        %dma_start3A_1833 = tpu.memref_slice %arg2[%mul3A_1829, %dma_start3A_1832] : memref<320000x128xf32, #tpu.memory_space<hbm>> -> memref<256x128xf32, #tpu.memory_space<hbm>>
        tpu.enqueue_dma source(%dma_start3A_1833 : memref<256x128xf32, #tpu.memory_space<hbm>>) target(%arg7 : memref<256x128xf32, #tpu.memory_space<vmem>>) target_semaphore(%arg13 : memref<!tpu.dma_semaphore, #tpu.memory_space<semaphore_mem>>)
        %mul3A_1834 = arith.constant 256 : i32
        %mul3A_1835 = arith.muli %add3A_1827, %mul3A_1834 : i32
        %dma_start3A_1836 = tpu.memref_slice %arg3[%mul3A_1835] : memref<320000xi32, #tpu.memory_space<hbm>> -> memref<256xi32, #tpu.memory_space<hbm>>
        %dma_start3A_1837 = tpu.memref_slice %arg3[%mul3A_1835] : memref<320000xi32, #tpu.memory_space<hbm>> -> memref<256xi32, #tpu.memory_space<hbm>>
        tpu.enqueue_dma source(%dma_start3A_1837 : memref<256xi32, #tpu.memory_space<hbm>>) target(%arg9 : memref<256xi32, #tpu.memory_space<vmem>>) target_semaphore(%arg13 : memref<!tpu.dma_semaphore, #tpu.memory_space<semaphore_mem>>)
      } else {
      }
      %lt3A_1805 = arith.cmpi slt, %add3A_1798, %select_n3A_1708 : i32
      %convert_element_type3A_1806 = arith.extui %lt3A_1805 : i1 to i32
      %cond3A_1807 = arith.constant 0 : i32
      %cond3A_1808 = arith.cmpi ne, %convert_element_type3A_1806, %cond3A_1807 : i32
      %cond3A_1809:9 = scf.if %cond3A_1808 -> (vector<16xf32>, vector<16xf32>, vector<16xf32>, vector<16xf32>, vector<16xf32>, vector<16xf32>, vector<16xf32>, vector<16xf32>, i32) {
        %mul3A_1826 = arith.constant 256 : i32
        %mul3A_1827 = arith.muli %add3A_1798, %mul3A_1826 : i32
        %dma_wait3A_1828 = arith.constant 0 : i32
        %dma_wait3A_1829 = tpu.memref_slice %arg2[%mul3A_1827, %dma_wait3A_1828] : memref<320000x128xf32, #tpu.memory_space<hbm>> -> memref<256x128xf32, #tpu.memory_space<hbm>>
        %dma_wait3A_1830 = arith.constant 0 : i32
        %dma_wait3A_1831 = tpu.memref_slice %arg2[%mul3A_1827, %dma_wait3A_1830] : memref<320000x128xf32, #tpu.memory_space<hbm>> -> memref<256x128xf32, #tpu.memory_space<hbm>>
        tpu.wait_dma2 semaphore(%arg12 : memref<!tpu.dma_semaphore, #tpu.memory_space<semaphore_mem>>) src(%dma_wait3A_1831 : memref<256x128xf32, #tpu.memory_space<hbm>>) dst(%arg6 : memref<256x128xf32, #tpu.memory_space<vmem>>)
        %mul3A_1832 = arith.constant 256 : i32
        %mul3A_1833 = arith.muli %add3A_1798, %mul3A_1832 : i32
        %dma_wait3A_1834 = tpu.memref_slice %arg3[%mul3A_1833] : memref<320000xi32, #tpu.memory_space<hbm>> -> memref<256xi32, #tpu.memory_space<hbm>>
        %dma_wait3A_1835 = tpu.memref_slice %arg3[%mul3A_1833] : memref<320000xi32, #tpu.memory_space<hbm>> -> memref<256xi32, #tpu.memory_space<hbm>>
        tpu.wait_dma2 semaphore(%arg12 : memref<!tpu.dma_semaphore, #tpu.memory_space<semaphore_mem>>) src(%dma_wait3A_1835 : memref<256xi32, #tpu.memory_space<hbm>>) dst(%arg8 : memref<256xi32, #tpu.memory_space<vmem>>)
        %mul3A_1836 = arith.constant 256 : i32
        %mul3A_1837 = arith.muli %add3A_1798, %mul3A_1836 : i32
        %sub3A_1838 = arith.subi %cond3A_1656#0, %mul3A_1837 : i32
        %max3A_1839 = arith.constant 0 : i32
        %max3A_1840 = arith.maxsi %sub3A_1838, %max3A_1839 : i32
        %mul3A_1841 = arith.constant 256 : i32
        %mul3A_1842 = arith.muli %add3A_1798, %mul3A_1841 : i32
        %sub3A_1843 = arith.subi %cond3A_1656#1, %mul3A_1842 : i32
        %min3A_1844 = arith.constant 256 : i32
        %min3A_1845 = arith.minsi %sub3A_1843, %min3A_1844 : i32
        %jit3A_1846 = arith.constant 16 : i32
        %div3A_1847 = arith.divsi %max3A_1840, %jit3A_1846 : i32
        %sign3A_1848 = arith.constant 0 : i32
        %sign3A_1849 = arith.cmpi sgt, %max3A_1840, %sign3A_1848 : i32
        %sign3A_1850 = arith.extui %sign3A_1849 : i1 to i32
        %sign3A_1851 = arith.constant 0 : i32
        %sign3A_1852 = arith.cmpi slt, %max3A_1840, %sign3A_1851 : i32
        %sign3A_1853 = arith.extui %sign3A_1852 : i1 to i32
        %sign3A_1854 = arith.subi %sign3A_1850, %sign3A_1853 : i32
        %sign3A_1855 = arith.constant 0 : i32
        %sign3A_1856 = arith.cmpi sgt, %jit3A_1846, %sign3A_1855 : i32
        %sign3A_1857 = arith.extui %sign3A_1856 : i1 to i32
        %sign3A_1858 = arith.constant 0 : i32
        %sign3A_1859 = arith.cmpi slt, %jit3A_1846, %sign3A_1858 : i32
        %sign3A_1860 = arith.extui %sign3A_1859 : i1 to i32
        %sign3A_1861 = arith.subi %sign3A_1857, %sign3A_1860 : i32
        %ne3A_1862 = arith.cmpi ne, %sign3A_1854, %sign3A_1861 : i32
        %rem3A_1863 = arith.remsi %max3A_1840, %jit3A_1846 : i32
        %ne3A_1864 = arith.constant 0 : i32
        %ne3A_1865 = arith.cmpi ne, %rem3A_1863, %ne3A_1864 : i32
        %and3A_1866 = arith.andi %ne3A_1862, %ne3A_1865 : i1
        %sub3A_1867 = arith.constant 1 : i32
        %sub3A_1868 = arith.subi %div3A_1847, %sub3A_1867 : i32
        %select_n3A_1869 = arith.select %and3A_1866, %sub3A_1868, %div3A_1847 : i32
        %add3A_1870 = arith.constant 16 : i32
        %add3A_1871 = arith.addi %min3A_1845, %add3A_1870 : i32
        %sub3A_1872 = arith.constant 1 : i32
        %sub3A_1873 = arith.subi %add3A_1871, %sub3A_1872 : i32
        %jit3A_1874 = arith.constant 16 : i32
        %div3A_1875 = arith.divsi %sub3A_1873, %jit3A_1874 : i32
        %sign3A_1876 = arith.constant 0 : i32
        %sign3A_1877 = arith.cmpi sgt, %sub3A_1873, %sign3A_1876 : i32
        %sign3A_1878 = arith.extui %sign3A_1877 : i1 to i32
        %sign3A_1879 = arith.constant 0 : i32
        %sign3A_1880 = arith.cmpi slt, %sub3A_1873, %sign3A_1879 : i32
        %sign3A_1881 = arith.extui %sign3A_1880 : i1 to i32
        %sign3A_1882 = arith.subi %sign3A_1878, %sign3A_1881 : i32
        %sign3A_1883 = arith.constant 0 : i32
        %sign3A_1884 = arith.cmpi sgt, %jit3A_1874, %sign3A_1883 : i32
        %sign3A_1885 = arith.extui %sign3A_1884 : i1 to i32
        %sign3A_1886 = arith.constant 0 : i32
        %sign3A_1887 = arith.cmpi slt, %jit3A_1874, %sign3A_1886 : i32
        %sign3A_1888 = arith.extui %sign3A_1887 : i1 to i32
        %sign3A_1889 = arith.subi %sign3A_1885, %sign3A_1888 : i32
        %ne3A_1890 = arith.cmpi ne, %sign3A_1882, %sign3A_1889 : i32
        %rem3A_1891 = arith.remsi %sub3A_1873, %jit3A_1874 : i32
        %ne3A_1892 = arith.constant 0 : i32
        %ne3A_1893 = arith.cmpi ne, %rem3A_1891, %ne3A_1892 : i32
        %and3A_1894 = arith.andi %ne3A_1890, %ne3A_1893 : i1
        %sub3A_1895 = arith.constant 1 : i32
        %sub3A_1896 = arith.subi %div3A_1875, %sub3A_1895 : i32
        %select_n3A_1897 = arith.select %and3A_1894, %sub3A_1896, %div3A_1875 : i32
        %while3A_1898 = arith.subi %select_n3A_1897, %select_n3A_1869 : i32
        %while3A_1899 = arith.addi %select_n3A_1869, %while3A_1898 : i32
        %while3A_1900 = arith.constant 1 : i32
        %while3A_1901 = arith.divsi %while3A_1898, %while3A_1900 : i32
        %while3A_1902 = arith.muli %while3A_1901, %while3A_1900 : i32
        %while3A_1903 = arith.addi %select_n3A_1869, %while3A_1902 : i32
        %while3A_1904 = arith.constant 1 : i32
        %while3A_1905:9 = scf.for %while3A_1908 = %select_n3A_1869 to %while3A_1903 step %while3A_1904 iter_args(%while3A_1909 = %while3A_1785, %while3A_1910 = %while3A_1786, %while3A_1911 = %while3A_1787, %while3A_1912 = %while3A_1788, %while3A_1913 = %while3A_1789, %while3A_1914 = %while3A_1790, %while3A_1915 = %while3A_1791, %while3A_1916 = %while3A_1792, %while3A_1917 = %while3A_1793) -> (vector<16xf32>, vector<16xf32>, vector<16xf32>, vector<16xf32>, vector<16xf32>, vector<16xf32>, vector<16xf32>, vector<16xf32>, i32)  : i32 {
          %mul3A_1918 = arith.constant 16 : i32
          %mul3A_1919 = arith.muli %while3A_1908, %mul3A_1918 : i32
          %sub3A_1920 = arith.subi %max3A_1840, %mul3A_1919 : i32
          %max3A_1921 = arith.constant 0 : i32
          %max3A_1922 = arith.maxsi %sub3A_1920, %max3A_1921 : i32
          %mul3A_1923 = arith.constant 16 : i32
          %mul3A_1924 = arith.muli %while3A_1908, %mul3A_1923 : i32
          %sub3A_1925 = arith.subi %min3A_1845, %mul3A_1924 : i32
          %min3A_1926 = arith.constant 16 : i32
          %min3A_1927 = arith.minsi %sub3A_1925, %min3A_1926 : i32
          %mul3A_1928 = arith.constant 16 : i32
          %mul3A_1929 = arith.muli %while3A_1908, %mul3A_1928 : i32
          %get3A_1930 = arith.index_cast %mul3A_1929 : i32 to index
          %get3A_1931 = tpu.vector_load %arg8[%get3A_1930] {strides = array<i32>} : memref<256xi32, #tpu.memory_space<vmem>>, vector<16xi32>,
          %while3A_1932:10 = scf.while (%while3A_1933 = %max3A_1922, %while3A_1934 = %while3A_1917, %while3A_1935 = %while3A_1909, %while3A_1936 = %while3A_1910, %while3A_1937 = %while3A_1911, %while3A_1938 = %while3A_1912, %while3A_1939 = %while3A_1913, %while3A_1940 = %while3A_1914, %while3A_1941 = %while3A_1915, %while3A_1942 = %while3A_1916) : (i32, i32, vector<16xf32>, vector<16xf32>, vector<16xf32>, vector<16xf32>, vector<16xf32>, vector<16xf32>, vector<16xf32>, vector<16xf32>) -> (i32, i32, vector<16xf32>, vector<16xf32>, vector<16xf32>, vector<16xf32>, vector<16xf32>, vector<16xf32>, vector<16xf32>, vector<16xf32>) {
            %lt3A_1943 = arith.cmpi slt, %while3A_1933, %min3A_1927 : i32
            scf.condition(%lt3A_1943) %while3A_1933, %while3A_1934, %while3A_1935, %while3A_1936, %while3A_1937, %while3A_1938, %while3A_1939, %while3A_1940, %while3A_1941, %while3A_1942 : i32, i32, vector<16xf32>, vector<16xf32>, vector<16xf32>, vector<16xf32>, vector<16xf32>, vector<16xf32>, vector<16xf32>, vector<16xf32>
          } do {
          ^bb0(%while3A_1933: i32, %while3A_1934: i32, %while3A_1935: vector<16xf32>, %while3A_1936: vector<16xf32>, %while3A_1937: vector<16xf32>, %while3A_1938: vector<16xf32>, %while3A_1939: vector<16xf32>, %while3A_1940: vector<16xf32>, %while3A_1941: vector<16xf32>, %while3A_1942: vector<16xf32>):
            %eq3A_1943 = vector.broadcast %while3A_1933 : i32 to vector<16xi32>
            %eq3A_1944 = arith.cmpi eq, %iota3A, %eq3A_1943 : vector<16xi32>
            %jit3A_1945 = arith.constant -1 : i32
            %broadcast_in_dim3A_1946 = vector.broadcast %jit3A_1945 : i32 to vector<16xi32>
            %select_n3A_1947 = arith.select %eq3A_1944, %get3A_1931, %broadcast_in_dim3A_1946 : vector<16xi1>, vector<16xi32>
            %reduce_max3A = arith.constant true
            %reduce_max3A_1948 = vector.broadcast %reduce_max3A : i1 to vector<16xi1>
            %reduce_max3A_1949 = arith.constant -2147483648 : i32
            %reduce_max3A_1950 = vector.broadcast %reduce_max3A_1949 : i32 to vector<16xi32>
            %reduce_max3A_1951 = arith.xori %select_n3A_1947, %reduce_max3A_1950 : vector<16xi32>
            %reduce_max3A_1952 = tpu.scan <max>, %reduce_max3A_1951 masked %reduce_max3A_1948 : vector<16xi32>, vector<16xi1> -> vector<16xi32>
            %reduce_max3A_1953 = arith.xori %reduce_max3A_1952, %reduce_max3A_1950 : vector<16xi32>
            %reduce_max3A_1954 = vector.extract %reduce_max3A_1953[15] : i32 from vector<16xi32>
            %sub3A_1955 = arith.subi %reduce_max3A_1954, %mul3A_2 : i32
            %add3A_1956 = arith.addi %sub3A_1955, %mul3A_2 : i32
            %ne3A_1957 = vector.broadcast %add3A_1956 : i32 to vector<16xi32>
            %ne3A_1958 = arith.cmpi ne, %get3A_1931, %ne3A_1957 : vector<16xi32>
            %ge3A = vector.broadcast %while3A_1933 : i32 to vector<16xi32>
            %ge3A_1959 = arith.cmpi sge, %iota3A, %ge3A : vector<16xi32>
            %and3A_1960 = arith.andi %ne3A_1958, %ge3A_1959 : vector<16xi1>
            %jit3A_1961 = arith.constant 16 : i32
            %broadcast_in_dim3A_1962 = vector.broadcast %jit3A_1961 : i32 to vector<16xi32>
            %select_n3A_1963 = arith.select %and3A_1960, %iota3A, %broadcast_in_dim3A_1962 : vector<16xi1>, vector<16xi32>
            %reduce_min3A = arith.constant true
            %reduce_min3A_1964 = vector.broadcast %reduce_min3A : i1 to vector<16xi1>
            %reduce_min3A_1965 = arith.constant -2147483648 : i32
            %reduce_min3A_1966 = vector.broadcast %reduce_min3A_1965 : i32 to vector<16xi32>
            %reduce_min3A_1967 = arith.xori %select_n3A_1963, %reduce_min3A_1966 : vector<16xi32>
            %reduce_min3A_1968 = tpu.scan <min>, %reduce_min3A_1967 masked %reduce_min3A_1964 : vector<16xi32>, vector<16xi1> -> vector<16xi32>
            %reduce_min3A_1969 = arith.xori %reduce_min3A_1968, %reduce_min3A_1966 : vector<16xi32>
            %reduce_min3A_1970 = vector.extract %reduce_min3A_1969[15] : i32 from vector<16xi32>
            %min3A_1971 = arith.minsi %reduce_min3A_1970, %min3A_1927 : i32
            %ne3A_1972 = arith.cmpi ne, %sub3A_1955, %while3A_1934 : i32
            %convert_element_type3A_1973 = arith.extui %ne3A_1972 : i1 to i32
            %cond3A_1974 = arith.constant 0 : i32
            %cond3A_1975 = arith.cmpi ne, %convert_element_type3A_1973, %cond3A_1974 : i32
            scf.if %cond3A_1975 {
              %swap3A_1994 = arith.index_cast %while3A_1934 : i32 to index
              %swap3A_1995 = arith.constant 0 : index
              %swap3A_1996 = tpu.vector_load %arg5[%swap3A_1994, %swap3A_1995] {strides = array<i32>} : memref<320x128xf32, #tpu.memory_space<vmem>>, vector<16xf32>,
              tpu.vector_store %arg5[%swap3A_1994, %swap3A_1995], %while3A_1935 {strides = array<i32>} : memref<320x128xf32, #tpu.memory_space<vmem>>, vector<16xf32>,
              %swap3A_1997 = arith.index_cast %while3A_1934 : i32 to index
              %swap3A_1998 = arith.constant 16 : index
              %swap3A_1999 = tpu.vector_load %arg5[%swap3A_1997, %swap3A_1998] {strides = array<i32>} : memref<320x128xf32, #tpu.memory_space<vmem>>, vector<16xf32>,
              tpu.vector_store %arg5[%swap3A_1997, %swap3A_1998], %while3A_1936 {strides = array<i32>} : memref<320x128xf32, #tpu.memory_space<vmem>>, vector<16xf32>,
              %swap3A_2000 = arith.index_cast %while3A_1934 : i32 to index
              %swap3A_2001 = arith.constant 32 : index
              %swap3A_2002 = tpu.vector_load %arg5[%swap3A_2000, %swap3A_2001] {strides = array<i32>} : memref<320x128xf32, #tpu.memory_space<vmem>>, vector<16xf32>,
              tpu.vector_store %arg5[%swap3A_2000, %swap3A_2001], %while3A_1937 {strides = array<i32>} : memref<320x128xf32, #tpu.memory_space<vmem>>, vector<16xf32>,
              %swap3A_2003 = arith.index_cast %while3A_1934 : i32 to index
              %swap3A_2004 = arith.constant 48 : index
              %swap3A_2005 = tpu.vector_load %arg5[%swap3A_2003, %swap3A_2004] {strides = array<i32>} : memref<320x128xf32, #tpu.memory_space<vmem>>, vector<16xf32>,
              tpu.vector_store %arg5[%swap3A_2003, %swap3A_2004], %while3A_1938 {strides = array<i32>} : memref<320x128xf32, #tpu.memory_space<vmem>>, vector<16xf32>,
              %swap3A_2006 = arith.index_cast %while3A_1934 : i32 to index
              %swap3A_2007 = arith.constant 64 : index
              %swap3A_2008 = tpu.vector_load %arg5[%swap3A_2006, %swap3A_2007] {strides = array<i32>} : memref<320x128xf32, #tpu.memory_space<vmem>>, vector<16xf32>,
              tpu.vector_store %arg5[%swap3A_2006, %swap3A_2007], %while3A_1939 {strides = array<i32>} : memref<320x128xf32, #tpu.memory_space<vmem>>, vector<16xf32>,
              %swap3A_2009 = arith.index_cast %while3A_1934 : i32 to index
              %swap3A_2010 = arith.constant 80 : index
              %swap3A_2011 = tpu.vector_load %arg5[%swap3A_2009, %swap3A_2010] {strides = array<i32>} : memref<320x128xf32, #tpu.memory_space<vmem>>, vector<16xf32>,
              tpu.vector_store %arg5[%swap3A_2009, %swap3A_2010], %while3A_1940 {strides = array<i32>} : memref<320x128xf32, #tpu.memory_space<vmem>>, vector<16xf32>,
              %swap3A_2012 = arith.index_cast %while3A_1934 : i32 to index
              %swap3A_2013 = arith.constant 96 : index
              %swap3A_2014 = tpu.vector_load %arg5[%swap3A_2012, %swap3A_2013] {strides = array<i32>} : memref<320x128xf32, #tpu.memory_space<vmem>>, vector<16xf32>,
              tpu.vector_store %arg5[%swap3A_2012, %swap3A_2013], %while3A_1941 {strides = array<i32>} : memref<320x128xf32, #tpu.memory_space<vmem>>, vector<16xf32>,
              %swap3A_2015 = arith.index_cast %while3A_1934 : i32 to index
              %swap3A_2016 = arith.constant 112 : index
              %swap3A_2017 = tpu.vector_load %arg5[%swap3A_2015, %swap3A_2016] {strides = array<i32>} : memref<320x128xf32, #tpu.memory_space<vmem>>, vector<16xf32>,
              tpu.vector_store %arg5[%swap3A_2015, %swap3A_2016], %while3A_1942 {strides = array<i32>} : memref<320x128xf32, #tpu.memory_space<vmem>>, vector<16xf32>,
            } else {
            }
            %select_n3A_1976 = arith.select %ne3A_1972, %broadcast_in_dim3A_3, %while3A_1935 : vector<16xf32>
            %select_n3A_1977 = arith.select %ne3A_1972, %broadcast_in_dim3A_3, %while3A_1936 : vector<16xf32>
            %select_n3A_1978 = arith.select %ne3A_1972, %broadcast_in_dim3A_3, %while3A_1937 : vector<16xf32>
            %select_n3A_1979 = arith.select %ne3A_1972, %broadcast_in_dim3A_3, %while3A_1938 : vector<16xf32>
            %select_n3A_1980 = arith.select %ne3A_1972, %broadcast_in_dim3A_3, %while3A_1939 : vector<16xf32>
            %select_n3A_1981 = arith.select %ne3A_1972, %broadcast_in_dim3A_3, %while3A_1940 : vector<16xf32>
            %select_n3A_1982 = arith.select %ne3A_1972, %broadcast_in_dim3A_3, %while3A_1941 : vector<16xf32>
            %select_n3A_1983 = arith.select %ne3A_1972, %broadcast_in_dim3A_3, %while3A_1942 : vector<16xf32>
            %while3A_1984 = arith.subi %min3A_1971, %while3A_1933 : i32
            %while3A_1985 = arith.addi %while3A_1933, %while3A_1984 : i32
            %while3A_1986 = arith.constant 1 : i32
            %while3A_1987 = arith.divsi %while3A_1984, %while3A_1986 : i32
            %while3A_1988 = arith.muli %while3A_1987, %while3A_1986 : i32
            %while3A_1989 = arith.addi %while3A_1933, %while3A_1988 : i32
            %while3A_1990 = arith.constant 1 : i32
            %while3A_1991:8 = scf.for %while3A_1994 = %while3A_1933 to %while3A_1989 step %while3A_1990 iter_args(%while3A_1995 = %select_n3A_1976, %while3A_1996 = %select_n3A_1977, %while3A_1997 = %select_n3A_1978, %while3A_1998 = %select_n3A_1979, %while3A_1999 = %select_n3A_1980, %while3A_2000 = %select_n3A_1981, %while3A_2001 = %select_n3A_1982, %while3A_2002 = %select_n3A_1983) -> (vector<16xf32>, vector<16xf32>, vector<16xf32>, vector<16xf32>, vector<16xf32>, vector<16xf32>, vector<16xf32>, vector<16xf32>)  : i32 {
              %mul3A_2003 = arith.constant 16 : i32
              %mul3A_2004 = arith.muli %while3A_1908, %mul3A_2003 : i32
              %add3A_2005 = arith.addi %mul3A_2004, %while3A_1994 : i32
              %get3A_2006 = arith.index_cast %add3A_2005 : i32 to index
              %get3A_2007 = arith.constant 0 : index
              %get3A_2008 = tpu.vector_load %arg6[%get3A_2006, %get3A_2007] {strides = array<i32>} : memref<256x128xf32, #tpu.memory_space<vmem>>, vector<16xf32>,
              %min3A_2009 = arith.minimumf %while3A_1995, %get3A_2008 : vector<16xf32>
              %mul3A_2010 = arith.constant 16 : i32
              %mul3A_2011 = arith.muli %while3A_1908, %mul3A_2010 : i32
              %add3A_2012 = arith.addi %mul3A_2011, %while3A_1994 : i32
              %get3A_2013 = arith.index_cast %add3A_2012 : i32 to index
              %get3A_2014 = arith.constant 16 : index
              %get3A_2015 = tpu.vector_load %arg6[%get3A_2013, %get3A_2014] {strides = array<i32>} : memref<256x128xf32, #tpu.memory_space<vmem>>, vector<16xf32>,
              %min3A_2016 = arith.minimumf %while3A_1996, %get3A_2015 : vector<16xf32>
              %mul3A_2017 = arith.constant 16 : i32
              %mul3A_2018 = arith.muli %while3A_1908, %mul3A_2017 : i32
              %add3A_2019 = arith.addi %mul3A_2018, %while3A_1994 : i32
              %get3A_2020 = arith.index_cast %add3A_2019 : i32 to index
              %get3A_2021 = arith.constant 32 : index
              %get3A_2022 = tpu.vector_load %arg6[%get3A_2020, %get3A_2021] {strides = array<i32>} : memref<256x128xf32, #tpu.memory_space<vmem>>, vector<16xf32>,
              %min3A_2023 = arith.minimumf %while3A_1997, %get3A_2022 : vector<16xf32>
              %mul3A_2024 = arith.constant 16 : i32
              %mul3A_2025 = arith.muli %while3A_1908, %mul3A_2024 : i32
              %add3A_2026 = arith.addi %mul3A_2025, %while3A_1994 : i32
              %get3A_2027 = arith.index_cast %add3A_2026 : i32 to index
              %get3A_2028 = arith.constant 48 : index
              %get3A_2029 = tpu.vector_load %arg6[%get3A_2027, %get3A_2028] {strides = array<i32>} : memref<256x128xf32, #tpu.memory_space<vmem>>, vector<16xf32>,
              %min3A_2030 = arith.minimumf %while3A_1998, %get3A_2029 : vector<16xf32>
              %mul3A_2031 = arith.constant 16 : i32
              %mul3A_2032 = arith.muli %while3A_1908, %mul3A_2031 : i32
              %add3A_2033 = arith.addi %mul3A_2032, %while3A_1994 : i32
              %get3A_2034 = arith.index_cast %add3A_2033 : i32 to index
              %get3A_2035 = arith.constant 64 : index
              %get3A_2036 = tpu.vector_load %arg6[%get3A_2034, %get3A_2035] {strides = array<i32>} : memref<256x128xf32, #tpu.memory_space<vmem>>, vector<16xf32>,
              %min3A_2037 = arith.minimumf %while3A_1999, %get3A_2036 : vector<16xf32>
              %mul3A_2038 = arith.constant 16 : i32
              %mul3A_2039 = arith.muli %while3A_1908, %mul3A_2038 : i32
              %add3A_2040 = arith.addi %mul3A_2039, %while3A_1994 : i32
              %get3A_2041 = arith.index_cast %add3A_2040 : i32 to index
              %get3A_2042 = arith.constant 80 : index
              %get3A_2043 = tpu.vector_load %arg6[%get3A_2041, %get3A_2042] {strides = array<i32>} : memref<256x128xf32, #tpu.memory_space<vmem>>, vector<16xf32>,
              %min3A_2044 = arith.minimumf %while3A_2000, %get3A_2043 : vector<16xf32>
              %mul3A_2045 = arith.constant 16 : i32
              %mul3A_2046 = arith.muli %while3A_1908, %mul3A_2045 : i32
              %add3A_2047 = arith.addi %mul3A_2046, %while3A_1994 : i32
              %get3A_2048 = arith.index_cast %add3A_2047 : i32 to index
              %get3A_2049 = arith.constant 96 : index
              %get3A_2050 = tpu.vector_load %arg6[%get3A_2048, %get3A_2049] {strides = array<i32>} : memref<256x128xf32, #tpu.memory_space<vmem>>, vector<16xf32>,
              %min3A_2051 = arith.minimumf %while3A_2001, %get3A_2050 : vector<16xf32>
              %mul3A_2052 = arith.constant 16 : i32
              %mul3A_2053 = arith.muli %while3A_1908, %mul3A_2052 : i32
              %add3A_2054 = arith.addi %mul3A_2053, %while3A_1994 : i32
              %get3A_2055 = arith.index_cast %add3A_2054 : i32 to index
              %get3A_2056 = arith.constant 112 : index
              %get3A_2057 = tpu.vector_load %arg6[%get3A_2055, %get3A_2056] {strides = array<i32>} : memref<256x128xf32, #tpu.memory_space<vmem>>, vector<16xf32>,
              %min3A_2058 = arith.minimumf %while3A_2002, %get3A_2057 : vector<16xf32>
              scf.yield %min3A_2009, %min3A_2016, %min3A_2023, %min3A_2030, %min3A_2037, %min3A_2044, %min3A_2051, %min3A_2058 : vector<16xf32>, vector<16xf32>, vector<16xf32>, vector<16xf32>, vector<16xf32>, vector<16xf32>, vector<16xf32>, vector<16xf32>
            }
            %while3A_1992 = arith.constant 1 : i32
            %while3A_1993:8 = scf.for %while3A_1994 = %while3A_1989 to %while3A_1985 step %while3A_1992 iter_args(%while3A_1995 = %while3A_1991#0, %while3A_1996 = %while3A_1991#1, %while3A_1997 = %while3A_1991#2, %while3A_1998 = %while3A_1991#3, %while3A_1999 = %while3A_1991#4, %while3A_2000 = %while3A_1991#5, %while3A_2001 = %while3A_1991#6, %while3A_2002 = %while3A_1991#7) -> (vector<16xf32>, vector<16xf32>, vector<16xf32>, vector<16xf32>, vector<16xf32>, vector<16xf32>, vector<16xf32>, vector<16xf32>)  : i32 {
              %mul3A_2003 = arith.constant 16 : i32
              %mul3A_2004 = arith.muli %while3A_1908, %mul3A_2003 : i32
              %add3A_2005 = arith.addi %mul3A_2004, %while3A_1994 : i32
              %get3A_2006 = arith.index_cast %add3A_2005 : i32 to index
              %get3A_2007 = arith.constant 0 : index
              %get3A_2008 = tpu.vector_load %arg6[%get3A_2006, %get3A_2007] {strides = array<i32>} : memref<256x128xf32, #tpu.memory_space<vmem>>, vector<16xf32>,
              %min3A_2009 = arith.minimumf %while3A_1995, %get3A_2008 : vector<16xf32>
              %mul3A_2010 = arith.constant 16 : i32
              %mul3A_2011 = arith.muli %while3A_1908, %mul3A_2010 : i32
              %add3A_2012 = arith.addi %mul3A_2011, %while3A_1994 : i32
              %get3A_2013 = arith.index_cast %add3A_2012 : i32 to index
              %get3A_2014 = arith.constant 16 : index
              %get3A_2015 = tpu.vector_load %arg6[%get3A_2013, %get3A_2014] {strides = array<i32>} : memref<256x128xf32, #tpu.memory_space<vmem>>, vector<16xf32>,
              %min3A_2016 = arith.minimumf %while3A_1996, %get3A_2015 : vector<16xf32>
              %mul3A_2017 = arith.constant 16 : i32
              %mul3A_2018 = arith.muli %while3A_1908, %mul3A_2017 : i32
              %add3A_2019 = arith.addi %mul3A_2018, %while3A_1994 : i32
              %get3A_2020 = arith.index_cast %add3A_2019 : i32 to index
              %get3A_2021 = arith.constant 32 : index
              %get3A_2022 = tpu.vector_load %arg6[%get3A_2020, %get3A_2021] {strides = array<i32>} : memref<256x128xf32, #tpu.memory_space<vmem>>, vector<16xf32>,
              %min3A_2023 = arith.minimumf %while3A_1997, %get3A_2022 : vector<16xf32>
              %mul3A_2024 = arith.constant 16 : i32
              %mul3A_2025 = arith.muli %while3A_1908, %mul3A_2024 : i32
              %add3A_2026 = arith.addi %mul3A_2025, %while3A_1994 : i32
              %get3A_2027 = arith.index_cast %add3A_2026 : i32 to index
              %get3A_2028 = arith.constant 48 : index
              %get3A_2029 = tpu.vector_load %arg6[%get3A_2027, %get3A_2028] {strides = array<i32>} : memref<256x128xf32, #tpu.memory_space<vmem>>, vector<16xf32>,
              %min3A_2030 = arith.minimumf %while3A_1998, %get3A_2029 : vector<16xf32>
              %mul3A_2031 = arith.constant 16 : i32
              %mul3A_2032 = arith.muli %while3A_1908, %mul3A_2031 : i32
              %add3A_2033 = arith.addi %mul3A_2032, %while3A_1994 : i32
              %get3A_2034 = arith.index_cast %add3A_2033 : i32 to index
              %get3A_2035 = arith.constant 64 : index
              %get3A_2036 = tpu.vector_load %arg6[%get3A_2034, %get3A_2035] {strides = array<i32>} : memref<256x128xf32, #tpu.memory_space<vmem>>, vector<16xf32>,
              %min3A_2037 = arith.minimumf %while3A_1999, %get3A_2036 : vector<16xf32>
              %mul3A_2038 = arith.constant 16 : i32
              %mul3A_2039 = arith.muli %while3A_1908, %mul3A_2038 : i32
              %add3A_2040 = arith.addi %mul3A_2039, %while3A_1994 : i32
              %get3A_2041 = arith.index_cast %add3A_2040 : i32 to index
              %get3A_2042 = arith.constant 80 : index
              %get3A_2043 = tpu.vector_load %arg6[%get3A_2041, %get3A_2042] {strides = array<i32>} : memref<256x128xf32, #tpu.memory_space<vmem>>, vector<16xf32>,
              %min3A_2044 = arith.minimumf %while3A_2000, %get3A_2043 : vector<16xf32>
              %mul3A_2045 = arith.constant 16 : i32
              %mul3A_2046 = arith.muli %while3A_1908, %mul3A_2045 : i32
              %add3A_2047 = arith.addi %mul3A_2046, %while3A_1994 : i32
              %get3A_2048 = arith.index_cast %add3A_2047 : i32 to index
              %get3A_2049 = arith.constant 96 : index
              %get3A_2050 = tpu.vector_load %arg6[%get3A_2048, %get3A_2049] {strides = array<i32>} : memref<256x128xf32, #tpu.memory_space<vmem>>, vector<16xf32>,
              %min3A_2051 = arith.minimumf %while3A_2001, %get3A_2050 : vector<16xf32>
              %mul3A_2052 = arith.constant 16 : i32
              %mul3A_2053 = arith.muli %while3A_1908, %mul3A_2052 : i32
              %add3A_2054 = arith.addi %mul3A_2053, %while3A_1994 : i32
              %get3A_2055 = arith.index_cast %add3A_2054 : i32 to index
              %get3A_2056 = arith.constant 112 : index
              %get3A_2057 = tpu.vector_load %arg6[%get3A_2055, %get3A_2056] {strides = array<i32>} : memref<256x128xf32, #tpu.memory_space<vmem>>, vector<16xf32>,
              %min3A_2058 = arith.minimumf %while3A_2002, %get3A_2057 : vector<16xf32>
              scf.yield %min3A_2009, %min3A_2016, %min3A_2023, %min3A_2030, %min3A_2037, %min3A_2044, %min3A_2051, %min3A_2058 : vector<16xf32>, vector<16xf32>, vector<16xf32>, vector<16xf32>, vector<16xf32>, vector<16xf32>, vector<16xf32>, vector<16xf32>
            }
            scf.yield %min3A_1971, %sub3A_1955, %while3A_1993#0, %while3A_1993#1, %while3A_1993#2, %while3A_1993#3, %while3A_1993#4, %while3A_1993#5, %while3A_1993#6, %while3A_1993#7 : i32, i32, vector<16xf32>, vector<16xf32>, vector<16xf32>, vector<16xf32>, vector<16xf32>, vector<16xf32>, vector<16xf32>, vector<16xf32>
          }
          scf.yield %while3A_1932#2, %while3A_1932#3, %while3A_1932#4, %while3A_1932#5, %while3A_1932#6, %while3A_1932#7, %while3A_1932#8, %while3A_1932#9, %while3A_1932#1 : vector<16xf32>, vector<16xf32>, vector<16xf32>, vector<16xf32>, vector<16xf32>, vector<16xf32>, vector<16xf32>, vector<16xf32>, i32
        }
        %while3A_1906 = arith.constant 1 : i32
        %while3A_1907:9 = scf.for %while3A_1908 = %while3A_1903 to %while3A_1899 step %while3A_1906 iter_args(%while3A_1909 = %while3A_1905#0, %while3A_1910 = %while3A_1905#1, %while3A_1911 = %while3A_1905#2, %while3A_1912 = %while3A_1905#3, %while3A_1913 = %while3A_1905#4, %while3A_1914 = %while3A_1905#5, %while3A_1915 = %while3A_1905#6, %while3A_1916 = %while3A_1905#7, %while3A_1917 = %while3A_1905#8) -> (vector<16xf32>, vector<16xf32>, vector<16xf32>, vector<16xf32>, vector<16xf32>, vector<16xf32>, vector<16xf32>, vector<16xf32>, i32)  : i32 {
          %mul3A_1918 = arith.constant 16 : i32
          %mul3A_1919 = arith.muli %while3A_1908, %mul3A_1918 : i32
          %sub3A_1920 = arith.subi %max3A_1840, %mul3A_1919 : i32
          %max3A_1921 = arith.constant 0 : i32
          %max3A_1922 = arith.maxsi %sub3A_1920, %max3A_1921 : i32
          %mul3A_1923 = arith.constant 16 : i32
          %mul3A_1924 = arith.muli %while3A_1908, %mul3A_1923 : i32
          %sub3A_1925 = arith.subi %min3A_1845, %mul3A_1924 : i32
          %min3A_1926 = arith.constant 16 : i32
          %min3A_1927 = arith.minsi %sub3A_1925, %min3A_1926 : i32
          %mul3A_1928 = arith.constant 16 : i32
          %mul3A_1929 = arith.muli %while3A_1908, %mul3A_1928 : i32
          %get3A_1930 = arith.index_cast %mul3A_1929 : i32 to index
          %get3A_1931 = tpu.vector_load %arg8[%get3A_1930] {strides = array<i32>} : memref<256xi32, #tpu.memory_space<vmem>>, vector<16xi32>,
          %while3A_1932:10 = scf.while (%while3A_1933 = %max3A_1922, %while3A_1934 = %while3A_1917, %while3A_1935 = %while3A_1909, %while3A_1936 = %while3A_1910, %while3A_1937 = %while3A_1911, %while3A_1938 = %while3A_1912, %while3A_1939 = %while3A_1913, %while3A_1940 = %while3A_1914, %while3A_1941 = %while3A_1915, %while3A_1942 = %while3A_1916) : (i32, i32, vector<16xf32>, vector<16xf32>, vector<16xf32>, vector<16xf32>, vector<16xf32>, vector<16xf32>, vector<16xf32>, vector<16xf32>) -> (i32, i32, vector<16xf32>, vector<16xf32>, vector<16xf32>, vector<16xf32>, vector<16xf32>, vector<16xf32>, vector<16xf32>, vector<16xf32>) {
            %lt3A_1943 = arith.cmpi slt, %while3A_1933, %min3A_1927 : i32
            scf.condition(%lt3A_1943) %while3A_1933, %while3A_1934, %while3A_1935, %while3A_1936, %while3A_1937, %while3A_1938, %while3A_1939, %while3A_1940, %while3A_1941, %while3A_1942 : i32, i32, vector<16xf32>, vector<16xf32>, vector<16xf32>, vector<16xf32>, vector<16xf32>, vector<16xf32>, vector<16xf32>, vector<16xf32>
          } do {
          ^bb0(%while3A_1933: i32, %while3A_1934: i32, %while3A_1935: vector<16xf32>, %while3A_1936: vector<16xf32>, %while3A_1937: vector<16xf32>, %while3A_1938: vector<16xf32>, %while3A_1939: vector<16xf32>, %while3A_1940: vector<16xf32>, %while3A_1941: vector<16xf32>, %while3A_1942: vector<16xf32>):
            %eq3A_1943 = vector.broadcast %while3A_1933 : i32 to vector<16xi32>
            %eq3A_1944 = arith.cmpi eq, %iota3A, %eq3A_1943 : vector<16xi32>
            %jit3A_1945 = arith.constant -1 : i32
            %broadcast_in_dim3A_1946 = vector.broadcast %jit3A_1945 : i32 to vector<16xi32>
            %select_n3A_1947 = arith.select %eq3A_1944, %get3A_1931, %broadcast_in_dim3A_1946 : vector<16xi1>, vector<16xi32>
            %reduce_max3A = arith.constant true
            %reduce_max3A_1948 = vector.broadcast %reduce_max3A : i1 to vector<16xi1>
            %reduce_max3A_1949 = arith.constant -2147483648 : i32
            %reduce_max3A_1950 = vector.broadcast %reduce_max3A_1949 : i32 to vector<16xi32>
            %reduce_max3A_1951 = arith.xori %select_n3A_1947, %reduce_max3A_1950 : vector<16xi32>
            %reduce_max3A_1952 = tpu.scan <max>, %reduce_max3A_1951 masked %reduce_max3A_1948 : vector<16xi32>, vector<16xi1> -> vector<16xi32>
            %reduce_max3A_1953 = arith.xori %reduce_max3A_1952, %reduce_max3A_1950 : vector<16xi32>
            %reduce_max3A_1954 = vector.extract %reduce_max3A_1953[15] : i32 from vector<16xi32>
            %sub3A_1955 = arith.subi %reduce_max3A_1954, %mul3A_2 : i32
            %add3A_1956 = arith.addi %sub3A_1955, %mul3A_2 : i32
            %ne3A_1957 = vector.broadcast %add3A_1956 : i32 to vector<16xi32>
            %ne3A_1958 = arith.cmpi ne, %get3A_1931, %ne3A_1957 : vector<16xi32>
            %ge3A = vector.broadcast %while3A_1933 : i32 to vector<16xi32>
            %ge3A_1959 = arith.cmpi sge, %iota3A, %ge3A : vector<16xi32>
            %and3A_1960 = arith.andi %ne3A_1958, %ge3A_1959 : vector<16xi1>
            %jit3A_1961 = arith.constant 16 : i32
            %broadcast_in_dim3A_1962 = vector.broadcast %jit3A_1961 : i32 to vector<16xi32>
            %select_n3A_1963 = arith.select %and3A_1960, %iota3A, %broadcast_in_dim3A_1962 : vector<16xi1>, vector<16xi32>
            %reduce_min3A = arith.constant true
            %reduce_min3A_1964 = vector.broadcast %reduce_min3A : i1 to vector<16xi1>
            %reduce_min3A_1965 = arith.constant -2147483648 : i32
            %reduce_min3A_1966 = vector.broadcast %reduce_min3A_1965 : i32 to vector<16xi32>
            %reduce_min3A_1967 = arith.xori %select_n3A_1963, %reduce_min3A_1966 : vector<16xi32>
            %reduce_min3A_1968 = tpu.scan <min>, %reduce_min3A_1967 masked %reduce_min3A_1964 : vector<16xi32>, vector<16xi1> -> vector<16xi32>
            %reduce_min3A_1969 = arith.xori %reduce_min3A_1968, %reduce_min3A_1966 : vector<16xi32>
            %reduce_min3A_1970 = vector.extract %reduce_min3A_1969[15] : i32 from vector<16xi32>
            %min3A_1971 = arith.minsi %reduce_min3A_1970, %min3A_1927 : i32
            %ne3A_1972 = arith.cmpi ne, %sub3A_1955, %while3A_1934 : i32
            %convert_element_type3A_1973 = arith.extui %ne3A_1972 : i1 to i32
            %cond3A_1974 = arith.constant 0 : i32
            %cond3A_1975 = arith.cmpi ne, %convert_element_type3A_1973, %cond3A_1974 : i32
            scf.if %cond3A_1975 {
              %swap3A_1994 = arith.index_cast %while3A_1934 : i32 to index
              %swap3A_1995 = arith.constant 0 : index
              %swap3A_1996 = tpu.vector_load %arg5[%swap3A_1994, %swap3A_1995] {strides = array<i32>} : memref<320x128xf32, #tpu.memory_space<vmem>>, vector<16xf32>,
              tpu.vector_store %arg5[%swap3A_1994, %swap3A_1995], %while3A_1935 {strides = array<i32>} : memref<320x128xf32, #tpu.memory_space<vmem>>, vector<16xf32>,
              %swap3A_1997 = arith.index_cast %while3A_1934 : i32 to index
              %swap3A_1998 = arith.constant 16 : index
              %swap3A_1999 = tpu.vector_load %arg5[%swap3A_1997, %swap3A_1998] {strides = array<i32>} : memref<320x128xf32, #tpu.memory_space<vmem>>, vector<16xf32>,
              tpu.vector_store %arg5[%swap3A_1997, %swap3A_1998], %while3A_1936 {strides = array<i32>} : memref<320x128xf32, #tpu.memory_space<vmem>>, vector<16xf32>,
              %swap3A_2000 = arith.index_cast %while3A_1934 : i32 to index
              %swap3A_2001 = arith.constant 32 : index
              %swap3A_2002 = tpu.vector_load %arg5[%swap3A_2000, %swap3A_2001] {strides = array<i32>} : memref<320x128xf32, #tpu.memory_space<vmem>>, vector<16xf32>,
              tpu.vector_store %arg5[%swap3A_2000, %swap3A_2001], %while3A_1937 {strides = array<i32>} : memref<320x128xf32, #tpu.memory_space<vmem>>, vector<16xf32>,
              %swap3A_2003 = arith.index_cast %while3A_1934 : i32 to index
              %swap3A_2004 = arith.constant 48 : index
              %swap3A_2005 = tpu.vector_load %arg5[%swap3A_2003, %swap3A_2004] {strides = array<i32>} : memref<320x128xf32, #tpu.memory_space<vmem>>, vector<16xf32>,
              tpu.vector_store %arg5[%swap3A_2003, %swap3A_2004], %while3A_1938 {strides = array<i32>} : memref<320x128xf32, #tpu.memory_space<vmem>>, vector<16xf32>,
              %swap3A_2006 = arith.index_cast %while3A_1934 : i32 to index
              %swap3A_2007 = arith.constant 64 : index
              %swap3A_2008 = tpu.vector_load %arg5[%swap3A_2006, %swap3A_2007] {strides = array<i32>} : memref<320x128xf32, #tpu.memory_space<vmem>>, vector<16xf32>,
              tpu.vector_store %arg5[%swap3A_2006, %swap3A_2007], %while3A_1939 {strides = array<i32>} : memref<320x128xf32, #tpu.memory_space<vmem>>, vector<16xf32>,
              %swap3A_2009 = arith.index_cast %while3A_1934 : i32 to index
              %swap3A_2010 = arith.constant 80 : index
              %swap3A_2011 = tpu.vector_load %arg5[%swap3A_2009, %swap3A_2010] {strides = array<i32>} : memref<320x128xf32, #tpu.memory_space<vmem>>, vector<16xf32>,
              tpu.vector_store %arg5[%swap3A_2009, %swap3A_2010], %while3A_1940 {strides = array<i32>} : memref<320x128xf32, #tpu.memory_space<vmem>>, vector<16xf32>,
              %swap3A_2012 = arith.index_cast %while3A_1934 : i32 to index
              %swap3A_2013 = arith.constant 96 : index
              %swap3A_2014 = tpu.vector_load %arg5[%swap3A_2012, %swap3A_2013] {strides = array<i32>} : memref<320x128xf32, #tpu.memory_space<vmem>>, vector<16xf32>,
              tpu.vector_store %arg5[%swap3A_2012, %swap3A_2013], %while3A_1941 {strides = array<i32>} : memref<320x128xf32, #tpu.memory_space<vmem>>, vector<16xf32>,
              %swap3A_2015 = arith.index_cast %while3A_1934 : i32 to index
              %swap3A_2016 = arith.constant 112 : index
              %swap3A_2017 = tpu.vector_load %arg5[%swap3A_2015, %swap3A_2016] {strides = array<i32>} : memref<320x128xf32, #tpu.memory_space<vmem>>, vector<16xf32>,
              tpu.vector_store %arg5[%swap3A_2015, %swap3A_2016], %while3A_1942 {strides = array<i32>} : memref<320x128xf32, #tpu.memory_space<vmem>>, vector<16xf32>,
            } else {
            }
            %select_n3A_1976 = arith.select %ne3A_1972, %broadcast_in_dim3A_3, %while3A_1935 : vector<16xf32>
            %select_n3A_1977 = arith.select %ne3A_1972, %broadcast_in_dim3A_3, %while3A_1936 : vector<16xf32>
            %select_n3A_1978 = arith.select %ne3A_1972, %broadcast_in_dim3A_3, %while3A_1937 : vector<16xf32>
            %select_n3A_1979 = arith.select %ne3A_1972, %broadcast_in_dim3A_3, %while3A_1938 : vector<16xf32>
            %select_n3A_1980 = arith.select %ne3A_1972, %broadcast_in_dim3A_3, %while3A_1939 : vector<16xf32>
            %select_n3A_1981 = arith.select %ne3A_1972, %broadcast_in_dim3A_3, %while3A_1940 : vector<16xf32>
            %select_n3A_1982 = arith.select %ne3A_1972, %broadcast_in_dim3A_3, %while3A_1941 : vector<16xf32>
            %select_n3A_1983 = arith.select %ne3A_1972, %broadcast_in_dim3A_3, %while3A_1942 : vector<16xf32>
            %while3A_1984 = arith.subi %min3A_1971, %while3A_1933 : i32
            %while3A_1985 = arith.addi %while3A_1933, %while3A_1984 : i32
            %while3A_1986 = arith.constant 1 : i32
            %while3A_1987 = arith.divsi %while3A_1984, %while3A_1986 : i32
            %while3A_1988 = arith.muli %while3A_1987, %while3A_1986 : i32
            %while3A_1989 = arith.addi %while3A_1933, %while3A_1988 : i32
            %while3A_1990 = arith.constant 1 : i32
            %while3A_1991:8 = scf.for %while3A_1994 = %while3A_1933 to %while3A_1989 step %while3A_1990 iter_args(%while3A_1995 = %select_n3A_1976, %while3A_1996 = %select_n3A_1977, %while3A_1997 = %select_n3A_1978, %while3A_1998 = %select_n3A_1979, %while3A_1999 = %select_n3A_1980, %while3A_2000 = %select_n3A_1981, %while3A_2001 = %select_n3A_1982, %while3A_2002 = %select_n3A_1983) -> (vector<16xf32>, vector<16xf32>, vector<16xf32>, vector<16xf32>, vector<16xf32>, vector<16xf32>, vector<16xf32>, vector<16xf32>)  : i32 {
              %mul3A_2003 = arith.constant 16 : i32
              %mul3A_2004 = arith.muli %while3A_1908, %mul3A_2003 : i32
              %add3A_2005 = arith.addi %mul3A_2004, %while3A_1994 : i32
              %get3A_2006 = arith.index_cast %add3A_2005 : i32 to index
              %get3A_2007 = arith.constant 0 : index
              %get3A_2008 = tpu.vector_load %arg6[%get3A_2006, %get3A_2007] {strides = array<i32>} : memref<256x128xf32, #tpu.memory_space<vmem>>, vector<16xf32>,
              %min3A_2009 = arith.minimumf %while3A_1995, %get3A_2008 : vector<16xf32>
              %mul3A_2010 = arith.constant 16 : i32
              %mul3A_2011 = arith.muli %while3A_1908, %mul3A_2010 : i32
              %add3A_2012 = arith.addi %mul3A_2011, %while3A_1994 : i32
              %get3A_2013 = arith.index_cast %add3A_2012 : i32 to index
              %get3A_2014 = arith.constant 16 : index
              %get3A_2015 = tpu.vector_load %arg6[%get3A_2013, %get3A_2014] {strides = array<i32>} : memref<256x128xf32, #tpu.memory_space<vmem>>, vector<16xf32>,
              %min3A_2016 = arith.minimumf %while3A_1996, %get3A_2015 : vector<16xf32>
              %mul3A_2017 = arith.constant 16 : i32
              %mul3A_2018 = arith.muli %while3A_1908, %mul3A_2017 : i32
              %add3A_2019 = arith.addi %mul3A_2018, %while3A_1994 : i32
              %get3A_2020 = arith.index_cast %add3A_2019 : i32 to index
              %get3A_2021 = arith.constant 32 : index
              %get3A_2022 = tpu.vector_load %arg6[%get3A_2020, %get3A_2021] {strides = array<i32>} : memref<256x128xf32, #tpu.memory_space<vmem>>, vector<16xf32>,
              %min3A_2023 = arith.minimumf %while3A_1997, %get3A_2022 : vector<16xf32>
              %mul3A_2024 = arith.constant 16 : i32
              %mul3A_2025 = arith.muli %while3A_1908, %mul3A_2024 : i32
              %add3A_2026 = arith.addi %mul3A_2025, %while3A_1994 : i32
              %get3A_2027 = arith.index_cast %add3A_2026 : i32 to index
              %get3A_2028 = arith.constant 48 : index
              %get3A_2029 = tpu.vector_load %arg6[%get3A_2027, %get3A_2028] {strides = array<i32>} : memref<256x128xf32, #tpu.memory_space<vmem>>, vector<16xf32>,
              %min3A_2030 = arith.minimumf %while3A_1998, %get3A_2029 : vector<16xf32>
              %mul3A_2031 = arith.constant 16 : i32
              %mul3A_2032 = arith.muli %while3A_1908, %mul3A_2031 : i32
              %add3A_2033 = arith.addi %mul3A_2032, %while3A_1994 : i32
              %get3A_2034 = arith.index_cast %add3A_2033 : i32 to index
              %get3A_2035 = arith.constant 64 : index
              %get3A_2036 = tpu.vector_load %arg6[%get3A_2034, %get3A_2035] {strides = array<i32>} : memref<256x128xf32, #tpu.memory_space<vmem>>, vector<16xf32>,
              %min3A_2037 = arith.minimumf %while3A_1999, %get3A_2036 : vector<16xf32>
              %mul3A_2038 = arith.constant 16 : i32
              %mul3A_2039 = arith.muli %while3A_1908, %mul3A_2038 : i32
              %add3A_2040 = arith.addi %mul3A_2039, %while3A_1994 : i32
              %get3A_2041 = arith.index_cast %add3A_2040 : i32 to index
              %get3A_2042 = arith.constant 80 : index
              %get3A_2043 = tpu.vector_load %arg6[%get3A_2041, %get3A_2042] {strides = array<i32>} : memref<256x128xf32, #tpu.memory_space<vmem>>, vector<16xf32>,
              %min3A_2044 = arith.minimumf %while3A_2000, %get3A_2043 : vector<16xf32>
              %mul3A_2045 = arith.constant 16 : i32
              %mul3A_2046 = arith.muli %while3A_1908, %mul3A_2045 : i32
              %add3A_2047 = arith.addi %mul3A_2046, %while3A_1994 : i32
              %get3A_2048 = arith.index_cast %add3A_2047 : i32 to index
              %get3A_2049 = arith.constant 96 : index
              %get3A_2050 = tpu.vector_load %arg6[%get3A_2048, %get3A_2049] {strides = array<i32>} : memref<256x128xf32, #tpu.memory_space<vmem>>, vector<16xf32>,
              %min3A_2051 = arith.minimumf %while3A_2001, %get3A_2050 : vector<16xf32>
              %mul3A_2052 = arith.constant 16 : i32
              %mul3A_2053 = arith.muli %while3A_1908, %mul3A_2052 : i32
              %add3A_2054 = arith.addi %mul3A_2053, %while3A_1994 : i32
              %get3A_2055 = arith.index_cast %add3A_2054 : i32 to index
              %get3A_2056 = arith.constant 112 : index
              %get3A_2057 = tpu.vector_load %arg6[%get3A_2055, %get3A_2056] {strides = array<i32>} : memref<256x128xf32, #tpu.memory_space<vmem>>, vector<16xf32>,
              %min3A_2058 = arith.minimumf %while3A_2002, %get3A_2057 : vector<16xf32>
              scf.yield %min3A_2009, %min3A_2016, %min3A_2023, %min3A_2030, %min3A_2037, %min3A_2044, %min3A_2051, %min3A_2058 : vector<16xf32>, vector<16xf32>, vector<16xf32>, vector<16xf32>, vector<16xf32>, vector<16xf32>, vector<16xf32>, vector<16xf32>
            }
            %while3A_1992 = arith.constant 1 : i32
            %while3A_1993:8 = scf.for %while3A_1994 = %while3A_1989 to %while3A_1985 step %while3A_1992 iter_args(%while3A_1995 = %while3A_1991#0, %while3A_1996 = %while3A_1991#1, %while3A_1997 = %while3A_1991#2, %while3A_1998 = %while3A_1991#3, %while3A_1999 = %while3A_1991#4, %while3A_2000 = %while3A_1991#5, %while3A_2001 = %while3A_1991#6, %while3A_2002 = %while3A_1991#7) -> (vector<16xf32>, vector<16xf32>, vector<16xf32>, vector<16xf32>, vector<16xf32>, vector<16xf32>, vector<16xf32>, vector<16xf32>)  : i32 {
              %mul3A_2003 = arith.constant 16 : i32
              %mul3A_2004 = arith.muli %while3A_1908, %mul3A_2003 : i32
              %add3A_2005 = arith.addi %mul3A_2004, %while3A_1994 : i32
              %get3A_2006 = arith.index_cast %add3A_2005 : i32 to index
              %get3A_2007 = arith.constant 0 : index
              %get3A_2008 = tpu.vector_load %arg6[%get3A_2006, %get3A_2007] {strides = array<i32>} : memref<256x128xf32, #tpu.memory_space<vmem>>, vector<16xf32>,
              %min3A_2009 = arith.minimumf %while3A_1995, %get3A_2008 : vector<16xf32>
              %mul3A_2010 = arith.constant 16 : i32
              %mul3A_2011 = arith.muli %while3A_1908, %mul3A_2010 : i32
              %add3A_2012 = arith.addi %mul3A_2011, %while3A_1994 : i32
              %get3A_2013 = arith.index_cast %add3A_2012 : i32 to index
              %get3A_2014 = arith.constant 16 : index
              %get3A_2015 = tpu.vector_load %arg6[%get3A_2013, %get3A_2014] {strides = array<i32>} : memref<256x128xf32, #tpu.memory_space<vmem>>, vector<16xf32>,
              %min3A_2016 = arith.minimumf %while3A_1996, %get3A_2015 : vector<16xf32>
              %mul3A_2017 = arith.constant 16 : i32
              %mul3A_2018 = arith.muli %while3A_1908, %mul3A_2017 : i32
              %add3A_2019 = arith.addi %mul3A_2018, %while3A_1994 : i32
              %get3A_2020 = arith.index_cast %add3A_2019 : i32 to index
              %get3A_2021 = arith.constant 32 : index
              %get3A_2022 = tpu.vector_load %arg6[%get3A_2020, %get3A_2021] {strides = array<i32>} : memref<256x128xf32, #tpu.memory_space<vmem>>, vector<16xf32>,
              %min3A_2023 = arith.minimumf %while3A_1997, %get3A_2022 : vector<16xf32>
              %mul3A_2024 = arith.constant 16 : i32
              %mul3A_2025 = arith.muli %while3A_1908, %mul3A_2024 : i32
              %add3A_2026 = arith.addi %mul3A_2025, %while3A_1994 : i32
              %get3A_2027 = arith.index_cast %add3A_2026 : i32 to index
              %get3A_2028 = arith.constant 48 : index
              %get3A_2029 = tpu.vector_load %arg6[%get3A_2027, %get3A_2028] {strides = array<i32>} : memref<256x128xf32, #tpu.memory_space<vmem>>, vector<16xf32>,
              %min3A_2030 = arith.minimumf %while3A_1998, %get3A_2029 : vector<16xf32>
              %mul3A_2031 = arith.constant 16 : i32
              %mul3A_2032 = arith.muli %while3A_1908, %mul3A_2031 : i32
              %add3A_2033 = arith.addi %mul3A_2032, %while3A_1994 : i32
              %get3A_2034 = arith.index_cast %add3A_2033 : i32 to index
              %get3A_2035 = arith.constant 64 : index
              %get3A_2036 = tpu.vector_load %arg6[%get3A_2034, %get3A_2035] {strides = array<i32>} : memref<256x128xf32, #tpu.memory_space<vmem>>, vector<16xf32>,
              %min3A_2037 = arith.minimumf %while3A_1999, %get3A_2036 : vector<16xf32>
              %mul3A_2038 = arith.constant 16 : i32
              %mul3A_2039 = arith.muli %while3A_1908, %mul3A_2038 : i32
              %add3A_2040 = arith.addi %mul3A_2039, %while3A_1994 : i32
              %get3A_2041 = arith.index_cast %add3A_2040 : i32 to index
              %get3A_2042 = arith.constant 80 : index
              %get3A_2043 = tpu.vector_load %arg6[%get3A_2041, %get3A_2042] {strides = array<i32>} : memref<256x128xf32, #tpu.memory_space<vmem>>, vector<16xf32>,
              %min3A_2044 = arith.minimumf %while3A_2000, %get3A_2043 : vector<16xf32>
              %mul3A_2045 = arith.constant 16 : i32
              %mul3A_2046 = arith.muli %while3A_1908, %mul3A_2045 : i32
              %add3A_2047 = arith.addi %mul3A_2046, %while3A_1994 : i32
              %get3A_2048 = arith.index_cast %add3A_2047 : i32 to index
              %get3A_2049 = arith.constant 96 : index
              %get3A_2050 = tpu.vector_load %arg6[%get3A_2048, %get3A_2049] {strides = array<i32>} : memref<256x128xf32, #tpu.memory_space<vmem>>, vector<16xf32>,
              %min3A_2051 = arith.minimumf %while3A_2001, %get3A_2050 : vector<16xf32>
              %mul3A_2052 = arith.constant 16 : i32
              %mul3A_2053 = arith.muli %while3A_1908, %mul3A_2052 : i32
              %add3A_2054 = arith.addi %mul3A_2053, %while3A_1994 : i32
              %get3A_2055 = arith.index_cast %add3A_2054 : i32 to index
              %get3A_2056 = arith.constant 112 : index
              %get3A_2057 = tpu.vector_load %arg6[%get3A_2055, %get3A_2056] {strides = array<i32>} : memref<256x128xf32, #tpu.memory_space<vmem>>, vector<16xf32>,
              %min3A_2058 = arith.minimumf %while3A_2002, %get3A_2057 : vector<16xf32>
              scf.yield %min3A_2009, %min3A_2016, %min3A_2023, %min3A_2030, %min3A_2037, %min3A_2044, %min3A_2051, %min3A_2058 : vector<16xf32>, vector<16xf32>, vector<16xf32>, vector<16xf32>, vector<16xf32>, vector<16xf32>, vector<16xf32>, vector<16xf32>
            }
            scf.yield %min3A_1971, %sub3A_1955, %while3A_1993#0, %while3A_1993#1, %while3A_1993#2, %while3A_1993#3, %while3A_1993#4, %while3A_1993#5, %while3A_1993#6, %while3A_1993#7 : i32, i32, vector<16xf32>, vector<16xf32>, vector<16xf32>, vector<16xf32>, vector<16xf32>, vector<16xf32>, vector<16xf32>, vector<16xf32>
          }
          scf.yield %while3A_1932#2, %while3A_1932#3, %while3A_1932#4, %while3A_1932#5, %while3A_1932#6, %while3A_1932#7, %while3A_1932#8, %while3A_1932#9, %while3A_1932#1 : vector<16xf32>, vector<16xf32>, vector<16xf32>, vector<16xf32>, vector<16xf32>, vector<16xf32>, vector<16xf32>, vector<16xf32>, i32
        }
        scf.yield %while3A_1907#0, %while3A_1907#1, %while3A_1907#2, %while3A_1907#3, %while3A_1907#4, %while3A_1907#5, %while3A_1907#6, %while3A_1907#7, %while3A_1907#8 : vector<16xf32>, vector<16xf32>, vector<16xf32>, vector<16xf32>, vector<16xf32>, vector<16xf32>, vector<16xf32>, vector<16xf32>, i32
      } else {
        scf.yield %while3A_1785, %while3A_1786, %while3A_1787, %while3A_1788, %while3A_1789, %while3A_1790, %while3A_1791, %while3A_1792, %while3A_1793 : vector<16xf32>, vector<16xf32>, vector<16xf32>, vector<16xf32>, vector<16xf32>, vector<16xf32>, vector<16xf32>, vector<16xf32>, i32
      }
      %mul3A_1810 = arith.constant 2 : i32
      %mul3A_1811 = arith.muli %mul3A_1810, %while3A_1784 : i32
      %add3A_1812 = arith.addi %select_n3A_1680, %mul3A_1811 : i32
      %add3A_1813 = arith.constant 1 : i32
      %add3A_1814 = arith.addi %add3A_1812, %add3A_1813 : i32
      %add3A_1815 = arith.constant 1 : i32
      %add3A_1816 = arith.addi %add3A_1814, %add3A_1815 : i32
      %lt3A_1817 = arith.cmpi slt, %add3A_1816, %select_n3A_1708 : i32
      %convert_element_type3A_1818 = arith.extui %lt3A_1817 : i1 to i32
      %cond3A_1819 = arith.constant 0 : i32
      %cond3A_1820 = arith.cmpi ne, %convert_element_type3A_1818, %cond3A_1819 : i32
      scf.if %cond3A_1820 {
        %add3A_1826 = arith.constant 1 : i32
        %add3A_1827 = arith.addi %add3A_1814, %add3A_1826 : i32
        %mul3A_1828 = arith.constant 256 : i32
        %mul3A_1829 = arith.muli %add3A_1827, %mul3A_1828 : i32
        %dma_start3A_1830 = arith.constant 0 : i32
        %dma_start3A_1831 = tpu.memref_slice %arg2[%mul3A_1829, %dma_start3A_1830] : memref<320000x128xf32, #tpu.memory_space<hbm>> -> memref<256x128xf32, #tpu.memory_space<hbm>>
        %dma_start3A_1832 = arith.constant 0 : i32
        %dma_start3A_1833 = tpu.memref_slice %arg2[%mul3A_1829, %dma_start3A_1832] : memref<320000x128xf32, #tpu.memory_space<hbm>> -> memref<256x128xf32, #tpu.memory_space<hbm>>
        tpu.enqueue_dma source(%dma_start3A_1833 : memref<256x128xf32, #tpu.memory_space<hbm>>) target(%arg6 : memref<256x128xf32, #tpu.memory_space<vmem>>) target_semaphore(%arg12 : memref<!tpu.dma_semaphore, #tpu.memory_space<semaphore_mem>>)
        %mul3A_1834 = arith.constant 256 : i32
        %mul3A_1835 = arith.muli %add3A_1827, %mul3A_1834 : i32
        %dma_start3A_1836 = tpu.memref_slice %arg3[%mul3A_1835] : memref<320000xi32, #tpu.memory_space<hbm>> -> memref<256xi32, #tpu.memory_space<hbm>>
        %dma_start3A_1837 = tpu.memref_slice %arg3[%mul3A_1835] : memref<320000xi32, #tpu.memory_space<hbm>> -> memref<256xi32, #tpu.memory_space<hbm>>
        tpu.enqueue_dma source(%dma_start3A_1837 : memref<256xi32, #tpu.memory_space<hbm>>) target(%arg8 : memref<256xi32, #tpu.memory_space<vmem>>) target_semaphore(%arg12 : memref<!tpu.dma_semaphore, #tpu.memory_space<semaphore_mem>>)
      } else {
      }
      %lt3A_1821 = arith.cmpi slt, %add3A_1814, %select_n3A_1708 : i32
      %convert_element_type3A_1822 = arith.extui %lt3A_1821 : i1 to i32
      %cond3A_1823 = arith.constant 0 : i32
      %cond3A_1824 = arith.cmpi ne, %convert_element_type3A_1822, %cond3A_1823 : i32
      %cond3A_1825:9 = scf.if %cond3A_1824 -> (vector<16xf32>, vector<16xf32>, vector<16xf32>, vector<16xf32>, vector<16xf32>, vector<16xf32>, vector<16xf32>, vector<16xf32>, i32) {
        %mul3A_1826 = arith.constant 256 : i32
        %mul3A_1827 = arith.muli %add3A_1814, %mul3A_1826 : i32
        %dma_wait3A_1828 = arith.constant 0 : i32
        %dma_wait3A_1829 = tpu.memref_slice %arg2[%mul3A_1827, %dma_wait3A_1828] : memref<320000x128xf32, #tpu.memory_space<hbm>> -> memref<256x128xf32, #tpu.memory_space<hbm>>
        %dma_wait3A_1830 = arith.constant 0 : i32
        %dma_wait3A_1831 = tpu.memref_slice %arg2[%mul3A_1827, %dma_wait3A_1830] : memref<320000x128xf32, #tpu.memory_space<hbm>> -> memref<256x128xf32, #tpu.memory_space<hbm>>
        tpu.wait_dma2 semaphore(%arg13 : memref<!tpu.dma_semaphore, #tpu.memory_space<semaphore_mem>>) src(%dma_wait3A_1831 : memref<256x128xf32, #tpu.memory_space<hbm>>) dst(%arg7 : memref<256x128xf32, #tpu.memory_space<vmem>>)
        %mul3A_1832 = arith.constant 256 : i32
        %mul3A_1833 = arith.muli %add3A_1814, %mul3A_1832 : i32
        %dma_wait3A_1834 = tpu.memref_slice %arg3[%mul3A_1833] : memref<320000xi32, #tpu.memory_space<hbm>> -> memref<256xi32, #tpu.memory_space<hbm>>
        %dma_wait3A_1835 = tpu.memref_slice %arg3[%mul3A_1833] : memref<320000xi32, #tpu.memory_space<hbm>> -> memref<256xi32, #tpu.memory_space<hbm>>
        tpu.wait_dma2 semaphore(%arg13 : memref<!tpu.dma_semaphore, #tpu.memory_space<semaphore_mem>>) src(%dma_wait3A_1835 : memref<256xi32, #tpu.memory_space<hbm>>) dst(%arg9 : memref<256xi32, #tpu.memory_space<vmem>>)
        %mul3A_1836 = arith.constant 256 : i32
        %mul3A_1837 = arith.muli %add3A_1814, %mul3A_1836 : i32
        %sub3A_1838 = arith.subi %cond3A_1656#0, %mul3A_1837 : i32
        %max3A_1839 = arith.constant 0 : i32
        %max3A_1840 = arith.maxsi %sub3A_1838, %max3A_1839 : i32
        %mul3A_1841 = arith.constant 256 : i32
        %mul3A_1842 = arith.muli %add3A_1814, %mul3A_1841 : i32
        %sub3A_1843 = arith.subi %cond3A_1656#1, %mul3A_1842 : i32
        %min3A_1844 = arith.constant 256 : i32
        %min3A_1845 = arith.minsi %sub3A_1843, %min3A_1844 : i32
        %jit3A_1846 = arith.constant 16 : i32
        %div3A_1847 = arith.divsi %max3A_1840, %jit3A_1846 : i32
        %sign3A_1848 = arith.constant 0 : i32
        %sign3A_1849 = arith.cmpi sgt, %max3A_1840, %sign3A_1848 : i32
        %sign3A_1850 = arith.extui %sign3A_1849 : i1 to i32
        %sign3A_1851 = arith.constant 0 : i32
        %sign3A_1852 = arith.cmpi slt, %max3A_1840, %sign3A_1851 : i32
        %sign3A_1853 = arith.extui %sign3A_1852 : i1 to i32
        %sign3A_1854 = arith.subi %sign3A_1850, %sign3A_1853 : i32
        %sign3A_1855 = arith.constant 0 : i32
        %sign3A_1856 = arith.cmpi sgt, %jit3A_1846, %sign3A_1855 : i32
        %sign3A_1857 = arith.extui %sign3A_1856 : i1 to i32
        %sign3A_1858 = arith.constant 0 : i32
        %sign3A_1859 = arith.cmpi slt, %jit3A_1846, %sign3A_1858 : i32
        %sign3A_1860 = arith.extui %sign3A_1859 : i1 to i32
        %sign3A_1861 = arith.subi %sign3A_1857, %sign3A_1860 : i32
        %ne3A_1862 = arith.cmpi ne, %sign3A_1854, %sign3A_1861 : i32
        %rem3A_1863 = arith.remsi %max3A_1840, %jit3A_1846 : i32
        %ne3A_1864 = arith.constant 0 : i32
        %ne3A_1865 = arith.cmpi ne, %rem3A_1863, %ne3A_1864 : i32
        %and3A_1866 = arith.andi %ne3A_1862, %ne3A_1865 : i1
        %sub3A_1867 = arith.constant 1 : i32
        %sub3A_1868 = arith.subi %div3A_1847, %sub3A_1867 : i32
        %select_n3A_1869 = arith.select %and3A_1866, %sub3A_1868, %div3A_1847 : i32
        %add3A_1870 = arith.constant 16 : i32
        %add3A_1871 = arith.addi %min3A_1845, %add3A_1870 : i32
        %sub3A_1872 = arith.constant 1 : i32
        %sub3A_1873 = arith.subi %add3A_1871, %sub3A_1872 : i32
        %jit3A_1874 = arith.constant 16 : i32
        %div3A_1875 = arith.divsi %sub3A_1873, %jit3A_1874 : i32
        %sign3A_1876 = arith.constant 0 : i32
        %sign3A_1877 = arith.cmpi sgt, %sub3A_1873, %sign3A_1876 : i32
        %sign3A_1878 = arith.extui %sign3A_1877 : i1 to i32
        %sign3A_1879 = arith.constant 0 : i32
        %sign3A_1880 = arith.cmpi slt, %sub3A_1873, %sign3A_1879 : i32
        %sign3A_1881 = arith.extui %sign3A_1880 : i1 to i32
        %sign3A_1882 = arith.subi %sign3A_1878, %sign3A_1881 : i32
        %sign3A_1883 = arith.constant 0 : i32
        %sign3A_1884 = arith.cmpi sgt, %jit3A_1874, %sign3A_1883 : i32
        %sign3A_1885 = arith.extui %sign3A_1884 : i1 to i32
        %sign3A_1886 = arith.constant 0 : i32
        %sign3A_1887 = arith.cmpi slt, %jit3A_1874, %sign3A_1886 : i32
        %sign3A_1888 = arith.extui %sign3A_1887 : i1 to i32
        %sign3A_1889 = arith.subi %sign3A_1885, %sign3A_1888 : i32
        %ne3A_1890 = arith.cmpi ne, %sign3A_1882, %sign3A_1889 : i32
        %rem3A_1891 = arith.remsi %sub3A_1873, %jit3A_1874 : i32
        %ne3A_1892 = arith.constant 0 : i32
        %ne3A_1893 = arith.cmpi ne, %rem3A_1891, %ne3A_1892 : i32
        %and3A_1894 = arith.andi %ne3A_1890, %ne3A_1893 : i1
        %sub3A_1895 = arith.constant 1 : i32
        %sub3A_1896 = arith.subi %div3A_1875, %sub3A_1895 : i32
        %select_n3A_1897 = arith.select %and3A_1894, %sub3A_1896, %div3A_1875 : i32
        %while3A_1898 = arith.subi %select_n3A_1897, %select_n3A_1869 : i32
        %while3A_1899 = arith.addi %select_n3A_1869, %while3A_1898 : i32
        %while3A_1900 = arith.constant 1 : i32
        %while3A_1901 = arith.divsi %while3A_1898, %while3A_1900 : i32
        %while3A_1902 = arith.muli %while3A_1901, %while3A_1900 : i32
        %while3A_1903 = arith.addi %select_n3A_1869, %while3A_1902 : i32
        %while3A_1904 = arith.constant 1 : i32
        %while3A_1905:9 = scf.for %while3A_1908 = %select_n3A_1869 to %while3A_1903 step %while3A_1904 iter_args(%while3A_1909 = %cond3A_1809#0, %while3A_1910 = %cond3A_1809#1, %while3A_1911 = %cond3A_1809#2, %while3A_1912 = %cond3A_1809#3, %while3A_1913 = %cond3A_1809#4, %while3A_1914 = %cond3A_1809#5, %while3A_1915 = %cond3A_1809#6, %while3A_1916 = %cond3A_1809#7, %while3A_1917 = %cond3A_1809#8) -> (vector<16xf32>, vector<16xf32>, vector<16xf32>, vector<16xf32>, vector<16xf32>, vector<16xf32>, vector<16xf32>, vector<16xf32>, i32)  : i32 {
          %mul3A_1918 = arith.constant 16 : i32
          %mul3A_1919 = arith.muli %while3A_1908, %mul3A_1918 : i32
          %sub3A_1920 = arith.subi %max3A_1840, %mul3A_1919 : i32
          %max3A_1921 = arith.constant 0 : i32
          %max3A_1922 = arith.maxsi %sub3A_1920, %max3A_1921 : i32
          %mul3A_1923 = arith.constant 16 : i32
          %mul3A_1924 = arith.muli %while3A_1908, %mul3A_1923 : i32
          %sub3A_1925 = arith.subi %min3A_1845, %mul3A_1924 : i32
          %min3A_1926 = arith.constant 16 : i32
          %min3A_1927 = arith.minsi %sub3A_1925, %min3A_1926 : i32
          %mul3A_1928 = arith.constant 16 : i32
          %mul3A_1929 = arith.muli %while3A_1908, %mul3A_1928 : i32
          %get3A_1930 = arith.index_cast %mul3A_1929 : i32 to index
          %get3A_1931 = tpu.vector_load %arg9[%get3A_1930] {strides = array<i32>} : memref<256xi32, #tpu.memory_space<vmem>>, vector<16xi32>,
          %while3A_1932:10 = scf.while (%while3A_1933 = %max3A_1922, %while3A_1934 = %while3A_1917, %while3A_1935 = %while3A_1909, %while3A_1936 = %while3A_1910, %while3A_1937 = %while3A_1911, %while3A_1938 = %while3A_1912, %while3A_1939 = %while3A_1913, %while3A_1940 = %while3A_1914, %while3A_1941 = %while3A_1915, %while3A_1942 = %while3A_1916) : (i32, i32, vector<16xf32>, vector<16xf32>, vector<16xf32>, vector<16xf32>, vector<16xf32>, vector<16xf32>, vector<16xf32>, vector<16xf32>) -> (i32, i32, vector<16xf32>, vector<16xf32>, vector<16xf32>, vector<16xf32>, vector<16xf32>, vector<16xf32>, vector<16xf32>, vector<16xf32>) {
            %lt3A_1943 = arith.cmpi slt, %while3A_1933, %min3A_1927 : i32
            scf.condition(%lt3A_1943) %while3A_1933, %while3A_1934, %while3A_1935, %while3A_1936, %while3A_1937, %while3A_1938, %while3A_1939, %while3A_1940, %while3A_1941, %while3A_1942 : i32, i32, vector<16xf32>, vector<16xf32>, vector<16xf32>, vector<16xf32>, vector<16xf32>, vector<16xf32>, vector<16xf32>, vector<16xf32>
          } do {
          ^bb0(%while3A_1933: i32, %while3A_1934: i32, %while3A_1935: vector<16xf32>, %while3A_1936: vector<16xf32>, %while3A_1937: vector<16xf32>, %while3A_1938: vector<16xf32>, %while3A_1939: vector<16xf32>, %while3A_1940: vector<16xf32>, %while3A_1941: vector<16xf32>, %while3A_1942: vector<16xf32>):
            %eq3A_1943 = vector.broadcast %while3A_1933 : i32 to vector<16xi32>
            %eq3A_1944 = arith.cmpi eq, %iota3A, %eq3A_1943 : vector<16xi32>
            %jit3A_1945 = arith.constant -1 : i32
            %broadcast_in_dim3A_1946 = vector.broadcast %jit3A_1945 : i32 to vector<16xi32>
            %select_n3A_1947 = arith.select %eq3A_1944, %get3A_1931, %broadcast_in_dim3A_1946 : vector<16xi1>, vector<16xi32>
            %reduce_max3A = arith.constant true
            %reduce_max3A_1948 = vector.broadcast %reduce_max3A : i1 to vector<16xi1>
            %reduce_max3A_1949 = arith.constant -2147483648 : i32
            %reduce_max3A_1950 = vector.broadcast %reduce_max3A_1949 : i32 to vector<16xi32>
            %reduce_max3A_1951 = arith.xori %select_n3A_1947, %reduce_max3A_1950 : vector<16xi32>
            %reduce_max3A_1952 = tpu.scan <max>, %reduce_max3A_1951 masked %reduce_max3A_1948 : vector<16xi32>, vector<16xi1> -> vector<16xi32>
            %reduce_max3A_1953 = arith.xori %reduce_max3A_1952, %reduce_max3A_1950 : vector<16xi32>
            %reduce_max3A_1954 = vector.extract %reduce_max3A_1953[15] : i32 from vector<16xi32>
            %sub3A_1955 = arith.subi %reduce_max3A_1954, %mul3A_2 : i32
            %add3A_1956 = arith.addi %sub3A_1955, %mul3A_2 : i32
            %ne3A_1957 = vector.broadcast %add3A_1956 : i32 to vector<16xi32>
            %ne3A_1958 = arith.cmpi ne, %get3A_1931, %ne3A_1957 : vector<16xi32>
            %ge3A = vector.broadcast %while3A_1933 : i32 to vector<16xi32>
            %ge3A_1959 = arith.cmpi sge, %iota3A, %ge3A : vector<16xi32>
            %and3A_1960 = arith.andi %ne3A_1958, %ge3A_1959 : vector<16xi1>
            %jit3A_1961 = arith.constant 16 : i32
            %broadcast_in_dim3A_1962 = vector.broadcast %jit3A_1961 : i32 to vector<16xi32>
            %select_n3A_1963 = arith.select %and3A_1960, %iota3A, %broadcast_in_dim3A_1962 : vector<16xi1>, vector<16xi32>
            %reduce_min3A = arith.constant true
            %reduce_min3A_1964 = vector.broadcast %reduce_min3A : i1 to vector<16xi1>
            %reduce_min3A_1965 = arith.constant -2147483648 : i32
            %reduce_min3A_1966 = vector.broadcast %reduce_min3A_1965 : i32 to vector<16xi32>
            %reduce_min3A_1967 = arith.xori %select_n3A_1963, %reduce_min3A_1966 : vector<16xi32>
            %reduce_min3A_1968 = tpu.scan <min>, %reduce_min3A_1967 masked %reduce_min3A_1964 : vector<16xi32>, vector<16xi1> -> vector<16xi32>
            %reduce_min3A_1969 = arith.xori %reduce_min3A_1968, %reduce_min3A_1966 : vector<16xi32>
            %reduce_min3A_1970 = vector.extract %reduce_min3A_1969[15] : i32 from vector<16xi32>
            %min3A_1971 = arith.minsi %reduce_min3A_1970, %min3A_1927 : i32
            %ne3A_1972 = arith.cmpi ne, %sub3A_1955, %while3A_1934 : i32
            %convert_element_type3A_1973 = arith.extui %ne3A_1972 : i1 to i32
            %cond3A_1974 = arith.constant 0 : i32
            %cond3A_1975 = arith.cmpi ne, %convert_element_type3A_1973, %cond3A_1974 : i32
            scf.if %cond3A_1975 {
              %swap3A_1994 = arith.index_cast %while3A_1934 : i32 to index
              %swap3A_1995 = arith.constant 0 : index
              %swap3A_1996 = tpu.vector_load %arg5[%swap3A_1994, %swap3A_1995] {strides = array<i32>} : memref<320x128xf32, #tpu.memory_space<vmem>>, vector<16xf32>,
              tpu.vector_store %arg5[%swap3A_1994, %swap3A_1995], %while3A_1935 {strides = array<i32>} : memref<320x128xf32, #tpu.memory_space<vmem>>, vector<16xf32>,
              %swap3A_1997 = arith.index_cast %while3A_1934 : i32 to index
              %swap3A_1998 = arith.constant 16 : index
              %swap3A_1999 = tpu.vector_load %arg5[%swap3A_1997, %swap3A_1998] {strides = array<i32>} : memref<320x128xf32, #tpu.memory_space<vmem>>, vector<16xf32>,
              tpu.vector_store %arg5[%swap3A_1997, %swap3A_1998], %while3A_1936 {strides = array<i32>} : memref<320x128xf32, #tpu.memory_space<vmem>>, vector<16xf32>,
              %swap3A_2000 = arith.index_cast %while3A_1934 : i32 to index
              %swap3A_2001 = arith.constant 32 : index
              %swap3A_2002 = tpu.vector_load %arg5[%swap3A_2000, %swap3A_2001] {strides = array<i32>} : memref<320x128xf32, #tpu.memory_space<vmem>>, vector<16xf32>,
              tpu.vector_store %arg5[%swap3A_2000, %swap3A_2001], %while3A_1937 {strides = array<i32>} : memref<320x128xf32, #tpu.memory_space<vmem>>, vector<16xf32>,
              %swap3A_2003 = arith.index_cast %while3A_1934 : i32 to index
              %swap3A_2004 = arith.constant 48 : index
              %swap3A_2005 = tpu.vector_load %arg5[%swap3A_2003, %swap3A_2004] {strides = array<i32>} : memref<320x128xf32, #tpu.memory_space<vmem>>, vector<16xf32>,
              tpu.vector_store %arg5[%swap3A_2003, %swap3A_2004], %while3A_1938 {strides = array<i32>} : memref<320x128xf32, #tpu.memory_space<vmem>>, vector<16xf32>,
              %swap3A_2006 = arith.index_cast %while3A_1934 : i32 to index
              %swap3A_2007 = arith.constant 64 : index
              %swap3A_2008 = tpu.vector_load %arg5[%swap3A_2006, %swap3A_2007] {strides = array<i32>} : memref<320x128xf32, #tpu.memory_space<vmem>>, vector<16xf32>,
              tpu.vector_store %arg5[%swap3A_2006, %swap3A_2007], %while3A_1939 {strides = array<i32>} : memref<320x128xf32, #tpu.memory_space<vmem>>, vector<16xf32>,
              %swap3A_2009 = arith.index_cast %while3A_1934 : i32 to index
              %swap3A_2010 = arith.constant 80 : index
              %swap3A_2011 = tpu.vector_load %arg5[%swap3A_2009, %swap3A_2010] {strides = array<i32>} : memref<320x128xf32, #tpu.memory_space<vmem>>, vector<16xf32>,
              tpu.vector_store %arg5[%swap3A_2009, %swap3A_2010], %while3A_1940 {strides = array<i32>} : memref<320x128xf32, #tpu.memory_space<vmem>>, vector<16xf32>,
              %swap3A_2012 = arith.index_cast %while3A_1934 : i32 to index
              %swap3A_2013 = arith.constant 96 : index
              %swap3A_2014 = tpu.vector_load %arg5[%swap3A_2012, %swap3A_2013] {strides = array<i32>} : memref<320x128xf32, #tpu.memory_space<vmem>>, vector<16xf32>,
              tpu.vector_store %arg5[%swap3A_2012, %swap3A_2013], %while3A_1941 {strides = array<i32>} : memref<320x128xf32, #tpu.memory_space<vmem>>, vector<16xf32>,
              %swap3A_2015 = arith.index_cast %while3A_1934 : i32 to index
              %swap3A_2016 = arith.constant 112 : index
              %swap3A_2017 = tpu.vector_load %arg5[%swap3A_2015, %swap3A_2016] {strides = array<i32>} : memref<320x128xf32, #tpu.memory_space<vmem>>, vector<16xf32>,
              tpu.vector_store %arg5[%swap3A_2015, %swap3A_2016], %while3A_1942 {strides = array<i32>} : memref<320x128xf32, #tpu.memory_space<vmem>>, vector<16xf32>,
            } else {
            }
            %select_n3A_1976 = arith.select %ne3A_1972, %broadcast_in_dim3A_3, %while3A_1935 : vector<16xf32>
            %select_n3A_1977 = arith.select %ne3A_1972, %broadcast_in_dim3A_3, %while3A_1936 : vector<16xf32>
            %select_n3A_1978 = arith.select %ne3A_1972, %broadcast_in_dim3A_3, %while3A_1937 : vector<16xf32>
            %select_n3A_1979 = arith.select %ne3A_1972, %broadcast_in_dim3A_3, %while3A_1938 : vector<16xf32>
            %select_n3A_1980 = arith.select %ne3A_1972, %broadcast_in_dim3A_3, %while3A_1939 : vector<16xf32>
            %select_n3A_1981 = arith.select %ne3A_1972, %broadcast_in_dim3A_3, %while3A_1940 : vector<16xf32>
            %select_n3A_1982 = arith.select %ne3A_1972, %broadcast_in_dim3A_3, %while3A_1941 : vector<16xf32>
            %select_n3A_1983 = arith.select %ne3A_1972, %broadcast_in_dim3A_3, %while3A_1942 : vector<16xf32>
            %while3A_1984 = arith.subi %min3A_1971, %while3A_1933 : i32
            %while3A_1985 = arith.addi %while3A_1933, %while3A_1984 : i32
            %while3A_1986 = arith.constant 1 : i32
            %while3A_1987 = arith.divsi %while3A_1984, %while3A_1986 : i32
            %while3A_1988 = arith.muli %while3A_1987, %while3A_1986 : i32
            %while3A_1989 = arith.addi %while3A_1933, %while3A_1988 : i32
            %while3A_1990 = arith.constant 1 : i32
            %while3A_1991:8 = scf.for %while3A_1994 = %while3A_1933 to %while3A_1989 step %while3A_1990 iter_args(%while3A_1995 = %select_n3A_1976, %while3A_1996 = %select_n3A_1977, %while3A_1997 = %select_n3A_1978, %while3A_1998 = %select_n3A_1979, %while3A_1999 = %select_n3A_1980, %while3A_2000 = %select_n3A_1981, %while3A_2001 = %select_n3A_1982, %while3A_2002 = %select_n3A_1983) -> (vector<16xf32>, vector<16xf32>, vector<16xf32>, vector<16xf32>, vector<16xf32>, vector<16xf32>, vector<16xf32>, vector<16xf32>)  : i32 {
              %mul3A_2003 = arith.constant 16 : i32
              %mul3A_2004 = arith.muli %while3A_1908, %mul3A_2003 : i32
              %add3A_2005 = arith.addi %mul3A_2004, %while3A_1994 : i32
              %get3A_2006 = arith.index_cast %add3A_2005 : i32 to index
              %get3A_2007 = arith.constant 0 : index
              %get3A_2008 = tpu.vector_load %arg7[%get3A_2006, %get3A_2007] {strides = array<i32>} : memref<256x128xf32, #tpu.memory_space<vmem>>, vector<16xf32>,
              %min3A_2009 = arith.minimumf %while3A_1995, %get3A_2008 : vector<16xf32>
              %mul3A_2010 = arith.constant 16 : i32
              %mul3A_2011 = arith.muli %while3A_1908, %mul3A_2010 : i32
              %add3A_2012 = arith.addi %mul3A_2011, %while3A_1994 : i32
              %get3A_2013 = arith.index_cast %add3A_2012 : i32 to index
              %get3A_2014 = arith.constant 16 : index
              %get3A_2015 = tpu.vector_load %arg7[%get3A_2013, %get3A_2014] {strides = array<i32>} : memref<256x128xf32, #tpu.memory_space<vmem>>, vector<16xf32>,
              %min3A_2016 = arith.minimumf %while3A_1996, %get3A_2015 : vector<16xf32>
              %mul3A_2017 = arith.constant 16 : i32
              %mul3A_2018 = arith.muli %while3A_1908, %mul3A_2017 : i32
              %add3A_2019 = arith.addi %mul3A_2018, %while3A_1994 : i32
              %get3A_2020 = arith.index_cast %add3A_2019 : i32 to index
              %get3A_2021 = arith.constant 32 : index
              %get3A_2022 = tpu.vector_load %arg7[%get3A_2020, %get3A_2021] {strides = array<i32>} : memref<256x128xf32, #tpu.memory_space<vmem>>, vector<16xf32>,
              %min3A_2023 = arith.minimumf %while3A_1997, %get3A_2022 : vector<16xf32>
              %mul3A_2024 = arith.constant 16 : i32
              %mul3A_2025 = arith.muli %while3A_1908, %mul3A_2024 : i32
              %add3A_2026 = arith.addi %mul3A_2025, %while3A_1994 : i32
              %get3A_2027 = arith.index_cast %add3A_2026 : i32 to index
              %get3A_2028 = arith.constant 48 : index
              %get3A_2029 = tpu.vector_load %arg7[%get3A_2027, %get3A_2028] {strides = array<i32>} : memref<256x128xf32, #tpu.memory_space<vmem>>, vector<16xf32>,
              %min3A_2030 = arith.minimumf %while3A_1998, %get3A_2029 : vector<16xf32>
              %mul3A_2031 = arith.constant 16 : i32
              %mul3A_2032 = arith.muli %while3A_1908, %mul3A_2031 : i32
              %add3A_2033 = arith.addi %mul3A_2032, %while3A_1994 : i32
              %get3A_2034 = arith.index_cast %add3A_2033 : i32 to index
              %get3A_2035 = arith.constant 64 : index
              %get3A_2036 = tpu.vector_load %arg7[%get3A_2034, %get3A_2035] {strides = array<i32>} : memref<256x128xf32, #tpu.memory_space<vmem>>, vector<16xf32>,
              %min3A_2037 = arith.minimumf %while3A_1999, %get3A_2036 : vector<16xf32>
              %mul3A_2038 = arith.constant 16 : i32
              %mul3A_2039 = arith.muli %while3A_1908, %mul3A_2038 : i32
              %add3A_2040 = arith.addi %mul3A_2039, %while3A_1994 : i32
              %get3A_2041 = arith.index_cast %add3A_2040 : i32 to index
              %get3A_2042 = arith.constant 80 : index
              %get3A_2043 = tpu.vector_load %arg7[%get3A_2041, %get3A_2042] {strides = array<i32>} : memref<256x128xf32, #tpu.memory_space<vmem>>, vector<16xf32>,
              %min3A_2044 = arith.minimumf %while3A_2000, %get3A_2043 : vector<16xf32>
              %mul3A_2045 = arith.constant 16 : i32
              %mul3A_2046 = arith.muli %while3A_1908, %mul3A_2045 : i32
              %add3A_2047 = arith.addi %mul3A_2046, %while3A_1994 : i32
              %get3A_2048 = arith.index_cast %add3A_2047 : i32 to index
              %get3A_2049 = arith.constant 96 : index
              %get3A_2050 = tpu.vector_load %arg7[%get3A_2048, %get3A_2049] {strides = array<i32>} : memref<256x128xf32, #tpu.memory_space<vmem>>, vector<16xf32>,
              %min3A_2051 = arith.minimumf %while3A_2001, %get3A_2050 : vector<16xf32>
              %mul3A_2052 = arith.constant 16 : i32
              %mul3A_2053 = arith.muli %while3A_1908, %mul3A_2052 : i32
              %add3A_2054 = arith.addi %mul3A_2053, %while3A_1994 : i32
              %get3A_2055 = arith.index_cast %add3A_2054 : i32 to index
              %get3A_2056 = arith.constant 112 : index
              %get3A_2057 = tpu.vector_load %arg7[%get3A_2055, %get3A_2056] {strides = array<i32>} : memref<256x128xf32, #tpu.memory_space<vmem>>, vector<16xf32>,
              %min3A_2058 = arith.minimumf %while3A_2002, %get3A_2057 : vector<16xf32>
              scf.yield %min3A_2009, %min3A_2016, %min3A_2023, %min3A_2030, %min3A_2037, %min3A_2044, %min3A_2051, %min3A_2058 : vector<16xf32>, vector<16xf32>, vector<16xf32>, vector<16xf32>, vector<16xf32>, vector<16xf32>, vector<16xf32>, vector<16xf32>
            }
            %while3A_1992 = arith.constant 1 : i32
            %while3A_1993:8 = scf.for %while3A_1994 = %while3A_1989 to %while3A_1985 step %while3A_1992 iter_args(%while3A_1995 = %while3A_1991#0, %while3A_1996 = %while3A_1991#1, %while3A_1997 = %while3A_1991#2, %while3A_1998 = %while3A_1991#3, %while3A_1999 = %while3A_1991#4, %while3A_2000 = %while3A_1991#5, %while3A_2001 = %while3A_1991#6, %while3A_2002 = %while3A_1991#7) -> (vector<16xf32>, vector<16xf32>, vector<16xf32>, vector<16xf32>, vector<16xf32>, vector<16xf32>, vector<16xf32>, vector<16xf32>)  : i32 {
              %mul3A_2003 = arith.constant 16 : i32
              %mul3A_2004 = arith.muli %while3A_1908, %mul3A_2003 : i32
              %add3A_2005 = arith.addi %mul3A_2004, %while3A_1994 : i32
              %get3A_2006 = arith.index_cast %add3A_2005 : i32 to index
              %get3A_2007 = arith.constant 0 : index
              %get3A_2008 = tpu.vector_load %arg7[%get3A_2006, %get3A_2007] {strides = array<i32>} : memref<256x128xf32, #tpu.memory_space<vmem>>, vector<16xf32>,
              %min3A_2009 = arith.minimumf %while3A_1995, %get3A_2008 : vector<16xf32>
              %mul3A_2010 = arith.constant 16 : i32
              %mul3A_2011 = arith.muli %while3A_1908, %mul3A_2010 : i32
              %add3A_2012 = arith.addi %mul3A_2011, %while3A_1994 : i32
              %get3A_2013 = arith.index_cast %add3A_2012 : i32 to index
              %get3A_2014 = arith.constant 16 : index
              %get3A_2015 = tpu.vector_load %arg7[%get3A_2013, %get3A_2014] {strides = array<i32>} : memref<256x128xf32, #tpu.memory_space<vmem>>, vector<16xf32>,
              %min3A_2016 = arith.minimumf %while3A_1996, %get3A_2015 : vector<16xf32>
              %mul3A_2017 = arith.constant 16 : i32
              %mul3A_2018 = arith.muli %while3A_1908, %mul3A_2017 : i32
              %add3A_2019 = arith.addi %mul3A_2018, %while3A_1994 : i32
              %get3A_2020 = arith.index_cast %add3A_2019 : i32 to index
              %get3A_2021 = arith.constant 32 : index
              %get3A_2022 = tpu.vector_load %arg7[%get3A_2020, %get3A_2021] {strides = array<i32>} : memref<256x128xf32, #tpu.memory_space<vmem>>, vector<16xf32>,
              %min3A_2023 = arith.minimumf %while3A_1997, %get3A_2022 : vector<16xf32>
              %mul3A_2024 = arith.constant 16 : i32
              %mul3A_2025 = arith.muli %while3A_1908, %mul3A_2024 : i32
              %add3A_2026 = arith.addi %mul3A_2025, %while3A_1994 : i32
              %get3A_2027 = arith.index_cast %add3A_2026 : i32 to index
              %get3A_2028 = arith.constant 48 : index
              %get3A_2029 = tpu.vector_load %arg7[%get3A_2027, %get3A_2028] {strides = array<i32>} : memref<256x128xf32, #tpu.memory_space<vmem>>, vector<16xf32>,
              %min3A_2030 = arith.minimumf %while3A_1998, %get3A_2029 : vector<16xf32>
              %mul3A_2031 = arith.constant 16 : i32
              %mul3A_2032 = arith.muli %while3A_1908, %mul3A_2031 : i32
              %add3A_2033 = arith.addi %mul3A_2032, %while3A_1994 : i32
              %get3A_2034 = arith.index_cast %add3A_2033 : i32 to index
              %get3A_2035 = arith.constant 64 : index
              %get3A_2036 = tpu.vector_load %arg7[%get3A_2034, %get3A_2035] {strides = array<i32>} : memref<256x128xf32, #tpu.memory_space<vmem>>, vector<16xf32>,
              %min3A_2037 = arith.minimumf %while3A_1999, %get3A_2036 : vector<16xf32>
              %mul3A_2038 = arith.constant 16 : i32
              %mul3A_2039 = arith.muli %while3A_1908, %mul3A_2038 : i32
              %add3A_2040 = arith.addi %mul3A_2039, %while3A_1994 : i32
              %get3A_2041 = arith.index_cast %add3A_2040 : i32 to index
              %get3A_2042 = arith.constant 80 : index
              %get3A_2043 = tpu.vector_load %arg7[%get3A_2041, %get3A_2042] {strides = array<i32>} : memref<256x128xf32, #tpu.memory_space<vmem>>, vector<16xf32>,
              %min3A_2044 = arith.minimumf %while3A_2000, %get3A_2043 : vector<16xf32>
              %mul3A_2045 = arith.constant 16 : i32
              %mul3A_2046 = arith.muli %while3A_1908, %mul3A_2045 : i32
              %add3A_2047 = arith.addi %mul3A_2046, %while3A_1994 : i32
              %get3A_2048 = arith.index_cast %add3A_2047 : i32 to index
              %get3A_2049 = arith.constant 96 : index
              %get3A_2050 = tpu.vector_load %arg7[%get3A_2048, %get3A_2049] {strides = array<i32>} : memref<256x128xf32, #tpu.memory_space<vmem>>, vector<16xf32>,
              %min3A_2051 = arith.minimumf %while3A_2001, %get3A_2050 : vector<16xf32>
              %mul3A_2052 = arith.constant 16 : i32
              %mul3A_2053 = arith.muli %while3A_1908, %mul3A_2052 : i32
              %add3A_2054 = arith.addi %mul3A_2053, %while3A_1994 : i32
              %get3A_2055 = arith.index_cast %add3A_2054 : i32 to index
              %get3A_2056 = arith.constant 112 : index
              %get3A_2057 = tpu.vector_load %arg7[%get3A_2055, %get3A_2056] {strides = array<i32>} : memref<256x128xf32, #tpu.memory_space<vmem>>, vector<16xf32>,
              %min3A_2058 = arith.minimumf %while3A_2002, %get3A_2057 : vector<16xf32>
              scf.yield %min3A_2009, %min3A_2016, %min3A_2023, %min3A_2030, %min3A_2037, %min3A_2044, %min3A_2051, %min3A_2058 : vector<16xf32>, vector<16xf32>, vector<16xf32>, vector<16xf32>, vector<16xf32>, vector<16xf32>, vector<16xf32>, vector<16xf32>
            }
            scf.yield %min3A_1971, %sub3A_1955, %while3A_1993#0, %while3A_1993#1, %while3A_1993#2, %while3A_1993#3, %while3A_1993#4, %while3A_1993#5, %while3A_1993#6, %while3A_1993#7 : i32, i32, vector<16xf32>, vector<16xf32>, vector<16xf32>, vector<16xf32>, vector<16xf32>, vector<16xf32>, vector<16xf32>, vector<16xf32>
          }
          scf.yield %while3A_1932#2, %while3A_1932#3, %while3A_1932#4, %while3A_1932#5, %while3A_1932#6, %while3A_1932#7, %while3A_1932#8, %while3A_1932#9, %while3A_1932#1 : vector<16xf32>, vector<16xf32>, vector<16xf32>, vector<16xf32>, vector<16xf32>, vector<16xf32>, vector<16xf32>, vector<16xf32>, i32
        }
        %while3A_1906 = arith.constant 1 : i32
        %while3A_1907:9 = scf.for %while3A_1908 = %while3A_1903 to %while3A_1899 step %while3A_1906 iter_args(%while3A_1909 = %while3A_1905#0, %while3A_1910 = %while3A_1905#1, %while3A_1911 = %while3A_1905#2, %while3A_1912 = %while3A_1905#3, %while3A_1913 = %while3A_1905#4, %while3A_1914 = %while3A_1905#5, %while3A_1915 = %while3A_1905#6, %while3A_1916 = %while3A_1905#7, %while3A_1917 = %while3A_1905#8) -> (vector<16xf32>, vector<16xf32>, vector<16xf32>, vector<16xf32>, vector<16xf32>, vector<16xf32>, vector<16xf32>, vector<16xf32>, i32)  : i32 {
          %mul3A_1918 = arith.constant 16 : i32
          %mul3A_1919 = arith.muli %while3A_1908, %mul3A_1918 : i32
          %sub3A_1920 = arith.subi %max3A_1840, %mul3A_1919 : i32
          %max3A_1921 = arith.constant 0 : i32
          %max3A_1922 = arith.maxsi %sub3A_1920, %max3A_1921 : i32
          %mul3A_1923 = arith.constant 16 : i32
          %mul3A_1924 = arith.muli %while3A_1908, %mul3A_1923 : i32
          %sub3A_1925 = arith.subi %min3A_1845, %mul3A_1924 : i32
          %min3A_1926 = arith.constant 16 : i32
          %min3A_1927 = arith.minsi %sub3A_1925, %min3A_1926 : i32
          %mul3A_1928 = arith.constant 16 : i32
          %mul3A_1929 = arith.muli %while3A_1908, %mul3A_1928 : i32
          %get3A_1930 = arith.index_cast %mul3A_1929 : i32 to index
          %get3A_1931 = tpu.vector_load %arg9[%get3A_1930] {strides = array<i32>} : memref<256xi32, #tpu.memory_space<vmem>>, vector<16xi32>,
          %while3A_1932:10 = scf.while (%while3A_1933 = %max3A_1922, %while3A_1934 = %while3A_1917, %while3A_1935 = %while3A_1909, %while3A_1936 = %while3A_1910, %while3A_1937 = %while3A_1911, %while3A_1938 = %while3A_1912, %while3A_1939 = %while3A_1913, %while3A_1940 = %while3A_1914, %while3A_1941 = %while3A_1915, %while3A_1942 = %while3A_1916) : (i32, i32, vector<16xf32>, vector<16xf32>, vector<16xf32>, vector<16xf32>, vector<16xf32>, vector<16xf32>, vector<16xf32>, vector<16xf32>) -> (i32, i32, vector<16xf32>, vector<16xf32>, vector<16xf32>, vector<16xf32>, vector<16xf32>, vector<16xf32>, vector<16xf32>, vector<16xf32>) {
            %lt3A_1943 = arith.cmpi slt, %while3A_1933, %min3A_1927 : i32
            scf.condition(%lt3A_1943) %while3A_1933, %while3A_1934, %while3A_1935, %while3A_1936, %while3A_1937, %while3A_1938, %while3A_1939, %while3A_1940, %while3A_1941, %while3A_1942 : i32, i32, vector<16xf32>, vector<16xf32>, vector<16xf32>, vector<16xf32>, vector<16xf32>, vector<16xf32>, vector<16xf32>, vector<16xf32>
          } do {
          ^bb0(%while3A_1933: i32, %while3A_1934: i32, %while3A_1935: vector<16xf32>, %while3A_1936: vector<16xf32>, %while3A_1937: vector<16xf32>, %while3A_1938: vector<16xf32>, %while3A_1939: vector<16xf32>, %while3A_1940: vector<16xf32>, %while3A_1941: vector<16xf32>, %while3A_1942: vector<16xf32>):
            %eq3A_1943 = vector.broadcast %while3A_1933 : i32 to vector<16xi32>
            %eq3A_1944 = arith.cmpi eq, %iota3A, %eq3A_1943 : vector<16xi32>
            %jit3A_1945 = arith.constant -1 : i32
            %broadcast_in_dim3A_1946 = vector.broadcast %jit3A_1945 : i32 to vector<16xi32>
            %select_n3A_1947 = arith.select %eq3A_1944, %get3A_1931, %broadcast_in_dim3A_1946 : vector<16xi1>, vector<16xi32>
            %reduce_max3A = arith.constant true
            %reduce_max3A_1948 = vector.broadcast %reduce_max3A : i1 to vector<16xi1>
            %reduce_max3A_1949 = arith.constant -2147483648 : i32
            %reduce_max3A_1950 = vector.broadcast %reduce_max3A_1949 : i32 to vector<16xi32>
            %reduce_max3A_1951 = arith.xori %select_n3A_1947, %reduce_max3A_1950 : vector<16xi32>
            %reduce_max3A_1952 = tpu.scan <max>, %reduce_max3A_1951 masked %reduce_max3A_1948 : vector<16xi32>, vector<16xi1> -> vector<16xi32>
            %reduce_max3A_1953 = arith.xori %reduce_max3A_1952, %reduce_max3A_1950 : vector<16xi32>
            %reduce_max3A_1954 = vector.extract %reduce_max3A_1953[15] : i32 from vector<16xi32>
            %sub3A_1955 = arith.subi %reduce_max3A_1954, %mul3A_2 : i32
            %add3A_1956 = arith.addi %sub3A_1955, %mul3A_2 : i32
            %ne3A_1957 = vector.broadcast %add3A_1956 : i32 to vector<16xi32>
            %ne3A_1958 = arith.cmpi ne, %get3A_1931, %ne3A_1957 : vector<16xi32>
            %ge3A = vector.broadcast %while3A_1933 : i32 to vector<16xi32>
            %ge3A_1959 = arith.cmpi sge, %iota3A, %ge3A : vector<16xi32>
            %and3A_1960 = arith.andi %ne3A_1958, %ge3A_1959 : vector<16xi1>
            %jit3A_1961 = arith.constant 16 : i32
            %broadcast_in_dim3A_1962 = vector.broadcast %jit3A_1961 : i32 to vector<16xi32>
            %select_n3A_1963 = arith.select %and3A_1960, %iota3A, %broadcast_in_dim3A_1962 : vector<16xi1>, vector<16xi32>
            %reduce_min3A = arith.constant true
            %reduce_min3A_1964 = vector.broadcast %reduce_min3A : i1 to vector<16xi1>
            %reduce_min3A_1965 = arith.constant -2147483648 : i32
            %reduce_min3A_1966 = vector.broadcast %reduce_min3A_1965 : i32 to vector<16xi32>
            %reduce_min3A_1967 = arith.xori %select_n3A_1963, %reduce_min3A_1966 : vector<16xi32>
            %reduce_min3A_1968 = tpu.scan <min>, %reduce_min3A_1967 masked %reduce_min3A_1964 : vector<16xi32>, vector<16xi1> -> vector<16xi32>
            %reduce_min3A_1969 = arith.xori %reduce_min3A_1968, %reduce_min3A_1966 : vector<16xi32>
            %reduce_min3A_1970 = vector.extract %reduce_min3A_1969[15] : i32 from vector<16xi32>
            %min3A_1971 = arith.minsi %reduce_min3A_1970, %min3A_1927 : i32
            %ne3A_1972 = arith.cmpi ne, %sub3A_1955, %while3A_1934 : i32
            %convert_element_type3A_1973 = arith.extui %ne3A_1972 : i1 to i32
            %cond3A_1974 = arith.constant 0 : i32
            %cond3A_1975 = arith.cmpi ne, %convert_element_type3A_1973, %cond3A_1974 : i32
            scf.if %cond3A_1975 {
              %swap3A_1994 = arith.index_cast %while3A_1934 : i32 to index
              %swap3A_1995 = arith.constant 0 : index
              %swap3A_1996 = tpu.vector_load %arg5[%swap3A_1994, %swap3A_1995] {strides = array<i32>} : memref<320x128xf32, #tpu.memory_space<vmem>>, vector<16xf32>,
              tpu.vector_store %arg5[%swap3A_1994, %swap3A_1995], %while3A_1935 {strides = array<i32>} : memref<320x128xf32, #tpu.memory_space<vmem>>, vector<16xf32>,
              %swap3A_1997 = arith.index_cast %while3A_1934 : i32 to index
              %swap3A_1998 = arith.constant 16 : index
              %swap3A_1999 = tpu.vector_load %arg5[%swap3A_1997, %swap3A_1998] {strides = array<i32>} : memref<320x128xf32, #tpu.memory_space<vmem>>, vector<16xf32>,
              tpu.vector_store %arg5[%swap3A_1997, %swap3A_1998], %while3A_1936 {strides = array<i32>} : memref<320x128xf32, #tpu.memory_space<vmem>>, vector<16xf32>,
              %swap3A_2000 = arith.index_cast %while3A_1934 : i32 to index
              %swap3A_2001 = arith.constant 32 : index
              %swap3A_2002 = tpu.vector_load %arg5[%swap3A_2000, %swap3A_2001] {strides = array<i32>} : memref<320x128xf32, #tpu.memory_space<vmem>>, vector<16xf32>,
              tpu.vector_store %arg5[%swap3A_2000, %swap3A_2001], %while3A_1937 {strides = array<i32>} : memref<320x128xf32, #tpu.memory_space<vmem>>, vector<16xf32>,
              %swap3A_2003 = arith.index_cast %while3A_1934 : i32 to index
              %swap3A_2004 = arith.constant 48 : index
              %swap3A_2005 = tpu.vector_load %arg5[%swap3A_2003, %swap3A_2004] {strides = array<i32>} : memref<320x128xf32, #tpu.memory_space<vmem>>, vector<16xf32>,
              tpu.vector_store %arg5[%swap3A_2003, %swap3A_2004], %while3A_1938 {strides = array<i32>} : memref<320x128xf32, #tpu.memory_space<vmem>>, vector<16xf32>,
              %swap3A_2006 = arith.index_cast %while3A_1934 : i32 to index
              %swap3A_2007 = arith.constant 64 : index
              %swap3A_2008 = tpu.vector_load %arg5[%swap3A_2006, %swap3A_2007] {strides = array<i32>} : memref<320x128xf32, #tpu.memory_space<vmem>>, vector<16xf32>,
              tpu.vector_store %arg5[%swap3A_2006, %swap3A_2007], %while3A_1939 {strides = array<i32>} : memref<320x128xf32, #tpu.memory_space<vmem>>, vector<16xf32>,
              %swap3A_2009 = arith.index_cast %while3A_1934 : i32 to index
              %swap3A_2010 = arith.constant 80 : index
              %swap3A_2011 = tpu.vector_load %arg5[%swap3A_2009, %swap3A_2010] {strides = array<i32>} : memref<320x128xf32, #tpu.memory_space<vmem>>, vector<16xf32>,
              tpu.vector_store %arg5[%swap3A_2009, %swap3A_2010], %while3A_1940 {strides = array<i32>} : memref<320x128xf32, #tpu.memory_space<vmem>>, vector<16xf32>,
              %swap3A_2012 = arith.index_cast %while3A_1934 : i32 to index
              %swap3A_2013 = arith.constant 96 : index
              %swap3A_2014 = tpu.vector_load %arg5[%swap3A_2012, %swap3A_2013] {strides = array<i32>} : memref<320x128xf32, #tpu.memory_space<vmem>>, vector<16xf32>,
              tpu.vector_store %arg5[%swap3A_2012, %swap3A_2013], %while3A_1941 {strides = array<i32>} : memref<320x128xf32, #tpu.memory_space<vmem>>, vector<16xf32>,
              %swap3A_2015 = arith.index_cast %while3A_1934 : i32 to index
              %swap3A_2016 = arith.constant 112 : index
              %swap3A_2017 = tpu.vector_load %arg5[%swap3A_2015, %swap3A_2016] {strides = array<i32>} : memref<320x128xf32, #tpu.memory_space<vmem>>, vector<16xf32>,
              tpu.vector_store %arg5[%swap3A_2015, %swap3A_2016], %while3A_1942 {strides = array<i32>} : memref<320x128xf32, #tpu.memory_space<vmem>>, vector<16xf32>,
            } else {
            }
            %select_n3A_1976 = arith.select %ne3A_1972, %broadcast_in_dim3A_3, %while3A_1935 : vector<16xf32>
            %select_n3A_1977 = arith.select %ne3A_1972, %broadcast_in_dim3A_3, %while3A_1936 : vector<16xf32>
            %select_n3A_1978 = arith.select %ne3A_1972, %broadcast_in_dim3A_3, %while3A_1937 : vector<16xf32>
            %select_n3A_1979 = arith.select %ne3A_1972, %broadcast_in_dim3A_3, %while3A_1938 : vector<16xf32>
            %select_n3A_1980 = arith.select %ne3A_1972, %broadcast_in_dim3A_3, %while3A_1939 : vector<16xf32>
            %select_n3A_1981 = arith.select %ne3A_1972, %broadcast_in_dim3A_3, %while3A_1940 : vector<16xf32>
            %select_n3A_1982 = arith.select %ne3A_1972, %broadcast_in_dim3A_3, %while3A_1941 : vector<16xf32>
            %select_n3A_1983 = arith.select %ne3A_1972, %broadcast_in_dim3A_3, %while3A_1942 : vector<16xf32>
            %while3A_1984 = arith.subi %min3A_1971, %while3A_1933 : i32
            %while3A_1985 = arith.addi %while3A_1933, %while3A_1984 : i32
            %while3A_1986 = arith.constant 1 : i32
            %while3A_1987 = arith.divsi %while3A_1984, %while3A_1986 : i32
            %while3A_1988 = arith.muli %while3A_1987, %while3A_1986 : i32
            %while3A_1989 = arith.addi %while3A_1933, %while3A_1988 : i32
            %while3A_1990 = arith.constant 1 : i32
            %while3A_1991:8 = scf.for %while3A_1994 = %while3A_1933 to %while3A_1989 step %while3A_1990 iter_args(%while3A_1995 = %select_n3A_1976, %while3A_1996 = %select_n3A_1977, %while3A_1997 = %select_n3A_1978, %while3A_1998 = %select_n3A_1979, %while3A_1999 = %select_n3A_1980, %while3A_2000 = %select_n3A_1981, %while3A_2001 = %select_n3A_1982, %while3A_2002 = %select_n3A_1983) -> (vector<16xf32>, vector<16xf32>, vector<16xf32>, vector<16xf32>, vector<16xf32>, vector<16xf32>, vector<16xf32>, vector<16xf32>)  : i32 {
              %mul3A_2003 = arith.constant 16 : i32
              %mul3A_2004 = arith.muli %while3A_1908, %mul3A_2003 : i32
              %add3A_2005 = arith.addi %mul3A_2004, %while3A_1994 : i32
              %get3A_2006 = arith.index_cast %add3A_2005 : i32 to index
              %get3A_2007 = arith.constant 0 : index
              %get3A_2008 = tpu.vector_load %arg7[%get3A_2006, %get3A_2007] {strides = array<i32>} : memref<256x128xf32, #tpu.memory_space<vmem>>, vector<16xf32>,
              %min3A_2009 = arith.minimumf %while3A_1995, %get3A_2008 : vector<16xf32>
              %mul3A_2010 = arith.constant 16 : i32
              %mul3A_2011 = arith.muli %while3A_1908, %mul3A_2010 : i32
              %add3A_2012 = arith.addi %mul3A_2011, %while3A_1994 : i32
              %get3A_2013 = arith.index_cast %add3A_2012 : i32 to index
              %get3A_2014 = arith.constant 16 : index
              %get3A_2015 = tpu.vector_load %arg7[%get3A_2013, %get3A_2014] {strides = array<i32>} : memref<256x128xf32, #tpu.memory_space<vmem>>, vector<16xf32>,
              %min3A_2016 = arith.minimumf %while3A_1996, %get3A_2015 : vector<16xf32>
              %mul3A_2017 = arith.constant 16 : i32
              %mul3A_2018 = arith.muli %while3A_1908, %mul3A_2017 : i32
              %add3A_2019 = arith.addi %mul3A_2018, %while3A_1994 : i32
              %get3A_2020 = arith.index_cast %add3A_2019 : i32 to index
              %get3A_2021 = arith.constant 32 : index
              %get3A_2022 = tpu.vector_load %arg7[%get3A_2020, %get3A_2021] {strides = array<i32>} : memref<256x128xf32, #tpu.memory_space<vmem>>, vector<16xf32>,
              %min3A_2023 = arith.minimumf %while3A_1997, %get3A_2022 : vector<16xf32>
              %mul3A_2024 = arith.constant 16 : i32
              %mul3A_2025 = arith.muli %while3A_1908, %mul3A_2024 : i32
              %add3A_2026 = arith.addi %mul3A_2025, %while3A_1994 : i32
              %get3A_2027 = arith.index_cast %add3A_2026 : i32 to index
              %get3A_2028 = arith.constant 48 : index
              %get3A_2029 = tpu.vector_load %arg7[%get3A_2027, %get3A_2028] {strides = array<i32>} : memref<256x128xf32, #tpu.memory_space<vmem>>, vector<16xf32>,
              %min3A_2030 = arith.minimumf %while3A_1998, %get3A_2029 : vector<16xf32>
              %mul3A_2031 = arith.constant 16 : i32
              %mul3A_2032 = arith.muli %while3A_1908, %mul3A_2031 : i32
              %add3A_2033 = arith.addi %mul3A_2032, %while3A_1994 : i32
              %get3A_2034 = arith.index_cast %add3A_2033 : i32 to index
              %get3A_2035 = arith.constant 64 : index
              %get3A_2036 = tpu.vector_load %arg7[%get3A_2034, %get3A_2035] {strides = array<i32>} : memref<256x128xf32, #tpu.memory_space<vmem>>, vector<16xf32>,
              %min3A_2037 = arith.minimumf %while3A_1999, %get3A_2036 : vector<16xf32>
              %mul3A_2038 = arith.constant 16 : i32
              %mul3A_2039 = arith.muli %while3A_1908, %mul3A_2038 : i32
              %add3A_2040 = arith.addi %mul3A_2039, %while3A_1994 : i32
              %get3A_2041 = arith.index_cast %add3A_2040 : i32 to index
              %get3A_2042 = arith.constant 80 : index
              %get3A_2043 = tpu.vector_load %arg7[%get3A_2041, %get3A_2042] {strides = array<i32>} : memref<256x128xf32, #tpu.memory_space<vmem>>, vector<16xf32>,
              %min3A_2044 = arith.minimumf %while3A_2000, %get3A_2043 : vector<16xf32>
              %mul3A_2045 = arith.constant 16 : i32
              %mul3A_2046 = arith.muli %while3A_1908, %mul3A_2045 : i32
              %add3A_2047 = arith.addi %mul3A_2046, %while3A_1994 : i32
              %get3A_2048 = arith.index_cast %add3A_2047 : i32 to index
              %get3A_2049 = arith.constant 96 : index
              %get3A_2050 = tpu.vector_load %arg7[%get3A_2048, %get3A_2049] {strides = array<i32>} : memref<256x128xf32, #tpu.memory_space<vmem>>, vector<16xf32>,
              %min3A_2051 = arith.minimumf %while3A_2001, %get3A_2050 : vector<16xf32>
              %mul3A_2052 = arith.constant 16 : i32
              %mul3A_2053 = arith.muli %while3A_1908, %mul3A_2052 : i32
              %add3A_2054 = arith.addi %mul3A_2053, %while3A_1994 : i32
              %get3A_2055 = arith.index_cast %add3A_2054 : i32 to index
              %get3A_2056 = arith.constant 112 : index
              %get3A_2057 = tpu.vector_load %arg7[%get3A_2055, %get3A_2056] {strides = array<i32>} : memref<256x128xf32, #tpu.memory_space<vmem>>, vector<16xf32>,
              %min3A_2058 = arith.minimumf %while3A_2002, %get3A_2057 : vector<16xf32>
              scf.yield %min3A_2009, %min3A_2016, %min3A_2023, %min3A_2030, %min3A_2037, %min3A_2044, %min3A_2051, %min3A_2058 : vector<16xf32>, vector<16xf32>, vector<16xf32>, vector<16xf32>, vector<16xf32>, vector<16xf32>, vector<16xf32>, vector<16xf32>
            }
            %while3A_1992 = arith.constant 1 : i32
            %while3A_1993:8 = scf.for %while3A_1994 = %while3A_1989 to %while3A_1985 step %while3A_1992 iter_args(%while3A_1995 = %while3A_1991#0, %while3A_1996 = %while3A_1991#1, %while3A_1997 = %while3A_1991#2, %while3A_1998 = %while3A_1991#3, %while3A_1999 = %while3A_1991#4, %while3A_2000 = %while3A_1991#5, %while3A_2001 = %while3A_1991#6, %while3A_2002 = %while3A_1991#7) -> (vector<16xf32>, vector<16xf32>, vector<16xf32>, vector<16xf32>, vector<16xf32>, vector<16xf32>, vector<16xf32>, vector<16xf32>)  : i32 {
              %mul3A_2003 = arith.constant 16 : i32
              %mul3A_2004 = arith.muli %while3A_1908, %mul3A_2003 : i32
              %add3A_2005 = arith.addi %mul3A_2004, %while3A_1994 : i32
              %get3A_2006 = arith.index_cast %add3A_2005 : i32 to index
              %get3A_2007 = arith.constant 0 : index
              %get3A_2008 = tpu.vector_load %arg7[%get3A_2006, %get3A_2007] {strides = array<i32>} : memref<256x128xf32, #tpu.memory_space<vmem>>, vector<16xf32>,
              %min3A_2009 = arith.minimumf %while3A_1995, %get3A_2008 : vector<16xf32>
              %mul3A_2010 = arith.constant 16 : i32
              %mul3A_2011 = arith.muli %while3A_1908, %mul3A_2010 : i32
              %add3A_2012 = arith.addi %mul3A_2011, %while3A_1994 : i32
              %get3A_2013 = arith.index_cast %add3A_2012 : i32 to index
              %get3A_2014 = arith.constant 16 : index
              %get3A_2015 = tpu.vector_load %arg7[%get3A_2013, %get3A_2014] {strides = array<i32>} : memref<256x128xf32, #tpu.memory_space<vmem>>, vector<16xf32>,
              %min3A_2016 = arith.minimumf %while3A_1996, %get3A_2015 : vector<16xf32>
              %mul3A_2017 = arith.constant 16 : i32
              %mul3A_2018 = arith.muli %while3A_1908, %mul3A_2017 : i32
              %add3A_2019 = arith.addi %mul3A_2018, %while3A_1994 : i32
              %get3A_2020 = arith.index_cast %add3A_2019 : i32 to index
              %get3A_2021 = arith.constant 32 : index
              %get3A_2022 = tpu.vector_load %arg7[%get3A_2020, %get3A_2021] {strides = array<i32>} : memref<256x128xf32, #tpu.memory_space<vmem>>, vector<16xf32>,
              %min3A_2023 = arith.minimumf %while3A_1997, %get3A_2022 : vector<16xf32>
              %mul3A_2024 = arith.constant 16 : i32
              %mul3A_2025 = arith.muli %while3A_1908, %mul3A_2024 : i32
              %add3A_2026 = arith.addi %mul3A_2025, %while3A_1994 : i32
              %get3A_2027 = arith.index_cast %add3A_2026 : i32 to index
              %get3A_2028 = arith.constant 48 : index
              %get3A_2029 = tpu.vector_load %arg7[%get3A_2027, %get3A_2028] {strides = array<i32>} : memref<256x128xf32, #tpu.memory_space<vmem>>, vector<16xf32>,
              %min3A_2030 = arith.minimumf %while3A_1998, %get3A_2029 : vector<16xf32>
              %mul3A_2031 = arith.constant 16 : i32
              %mul3A_2032 = arith.muli %while3A_1908, %mul3A_2031 : i32
              %add3A_2033 = arith.addi %mul3A_2032, %while3A_1994 : i32
              %get3A_2034 = arith.index_cast %add3A_2033 : i32 to index
              %get3A_2035 = arith.constant 64 : index
              %get3A_2036 = tpu.vector_load %arg7[%get3A_2034, %get3A_2035] {strides = array<i32>} : memref<256x128xf32, #tpu.memory_space<vmem>>, vector<16xf32>,
              %min3A_2037 = arith.minimumf %while3A_1999, %get3A_2036 : vector<16xf32>
              %mul3A_2038 = arith.constant 16 : i32
              %mul3A_2039 = arith.muli %while3A_1908, %mul3A_2038 : i32
              %add3A_2040 = arith.addi %mul3A_2039, %while3A_1994 : i32
              %get3A_2041 = arith.index_cast %add3A_2040 : i32 to index
              %get3A_2042 = arith.constant 80 : index
              %get3A_2043 = tpu.vector_load %arg7[%get3A_2041, %get3A_2042] {strides = array<i32>} : memref<256x128xf32, #tpu.memory_space<vmem>>, vector<16xf32>,
              %min3A_2044 = arith.minimumf %while3A_2000, %get3A_2043 : vector<16xf32>
              %mul3A_2045 = arith.constant 16 : i32
              %mul3A_2046 = arith.muli %while3A_1908, %mul3A_2045 : i32
              %add3A_2047 = arith.addi %mul3A_2046, %while3A_1994 : i32
              %get3A_2048 = arith.index_cast %add3A_2047 : i32 to index
              %get3A_2049 = arith.constant 96 : index
              %get3A_2050 = tpu.vector_load %arg7[%get3A_2048, %get3A_2049] {strides = array<i32>} : memref<256x128xf32, #tpu.memory_space<vmem>>, vector<16xf32>,
              %min3A_2051 = arith.minimumf %while3A_2001, %get3A_2050 : vector<16xf32>
              %mul3A_2052 = arith.constant 16 : i32
              %mul3A_2053 = arith.muli %while3A_1908, %mul3A_2052 : i32
              %add3A_2054 = arith.addi %mul3A_2053, %while3A_1994 : i32
              %get3A_2055 = arith.index_cast %add3A_2054 : i32 to index
              %get3A_2056 = arith.constant 112 : index
              %get3A_2057 = tpu.vector_load %arg7[%get3A_2055, %get3A_2056] {strides = array<i32>} : memref<256x128xf32, #tpu.memory_space<vmem>>, vector<16xf32>,
              %min3A_2058 = arith.minimumf %while3A_2002, %get3A_2057 : vector<16xf32>
              scf.yield %min3A_2009, %min3A_2016, %min3A_2023, %min3A_2030, %min3A_2037, %min3A_2044, %min3A_2051, %min3A_2058 : vector<16xf32>, vector<16xf32>, vector<16xf32>, vector<16xf32>, vector<16xf32>, vector<16xf32>, vector<16xf32>, vector<16xf32>
            }
            scf.yield %min3A_1971, %sub3A_1955, %while3A_1993#0, %while3A_1993#1, %while3A_1993#2, %while3A_1993#3, %while3A_1993#4, %while3A_1993#5, %while3A_1993#6, %while3A_1993#7 : i32, i32, vector<16xf32>, vector<16xf32>, vector<16xf32>, vector<16xf32>, vector<16xf32>, vector<16xf32>, vector<16xf32>, vector<16xf32>
          }
          scf.yield %while3A_1932#2, %while3A_1932#3, %while3A_1932#4, %while3A_1932#5, %while3A_1932#6, %while3A_1932#7, %while3A_1932#8, %while3A_1932#9, %while3A_1932#1 : vector<16xf32>, vector<16xf32>, vector<16xf32>, vector<16xf32>, vector<16xf32>, vector<16xf32>, vector<16xf32>, vector<16xf32>, i32
        }
        scf.yield %while3A_1907#0, %while3A_1907#1, %while3A_1907#2, %while3A_1907#3, %while3A_1907#4, %while3A_1907#5, %while3A_1907#6, %while3A_1907#7, %while3A_1907#8 : vector<16xf32>, vector<16xf32>, vector<16xf32>, vector<16xf32>, vector<16xf32>, vector<16xf32>, vector<16xf32>, vector<16xf32>, i32
      } else {
        scf.yield %cond3A_1809#0, %cond3A_1809#1, %cond3A_1809#2, %cond3A_1809#3, %cond3A_1809#4, %cond3A_1809#5, %cond3A_1809#6, %cond3A_1809#7, %cond3A_1809#8 : vector<16xf32>, vector<16xf32>, vector<16xf32>, vector<16xf32>, vector<16xf32>, vector<16xf32>, vector<16xf32>, vector<16xf32>, i32
      }
      scf.yield %cond3A_1825#0, %cond3A_1825#1, %cond3A_1825#2, %cond3A_1825#3, %cond3A_1825#4, %cond3A_1825#5, %cond3A_1825#6, %cond3A_1825#7, %cond3A_1825#8 : vector<16xf32>, vector<16xf32>, vector<16xf32>, vector<16xf32>, vector<16xf32>, vector<16xf32>, vector<16xf32>, vector<16xf32>, i32
    }
    %swap3A = arith.index_cast %while3A_1750#8 : i32 to index
    %swap3A_1751 = arith.constant 0 : index
    %swap3A_1752 = tpu.vector_load %arg5[%swap3A, %swap3A_1751] {strides = array<i32>} : memref<320x128xf32, #tpu.memory_space<vmem>>, vector<16xf32>,
    tpu.vector_store %arg5[%swap3A, %swap3A_1751], %while3A_1750#0 {strides = array<i32>} : memref<320x128xf32, #tpu.memory_space<vmem>>, vector<16xf32>,
    %swap3A_1753 = arith.index_cast %while3A_1750#8 : i32 to index
    %swap3A_1754 = arith.constant 16 : index
    %swap3A_1755 = tpu.vector_load %arg5[%swap3A_1753, %swap3A_1754] {strides = array<i32>} : memref<320x128xf32, #tpu.memory_space<vmem>>, vector<16xf32>,
    tpu.vector_store %arg5[%swap3A_1753, %swap3A_1754], %while3A_1750#1 {strides = array<i32>} : memref<320x128xf32, #tpu.memory_space<vmem>>, vector<16xf32>,
    %swap3A_1756 = arith.index_cast %while3A_1750#8 : i32 to index
    %swap3A_1757 = arith.constant 32 : index
    %swap3A_1758 = tpu.vector_load %arg5[%swap3A_1756, %swap3A_1757] {strides = array<i32>} : memref<320x128xf32, #tpu.memory_space<vmem>>, vector<16xf32>,
    tpu.vector_store %arg5[%swap3A_1756, %swap3A_1757], %while3A_1750#2 {strides = array<i32>} : memref<320x128xf32, #tpu.memory_space<vmem>>, vector<16xf32>,
    %swap3A_1759 = arith.index_cast %while3A_1750#8 : i32 to index
    %swap3A_1760 = arith.constant 48 : index
    %swap3A_1761 = tpu.vector_load %arg5[%swap3A_1759, %swap3A_1760] {strides = array<i32>} : memref<320x128xf32, #tpu.memory_space<vmem>>, vector<16xf32>,
    tpu.vector_store %arg5[%swap3A_1759, %swap3A_1760], %while3A_1750#3 {strides = array<i32>} : memref<320x128xf32, #tpu.memory_space<vmem>>, vector<16xf32>,
    %swap3A_1762 = arith.index_cast %while3A_1750#8 : i32 to index
    %swap3A_1763 = arith.constant 64 : index
    %swap3A_1764 = tpu.vector_load %arg5[%swap3A_1762, %swap3A_1763] {strides = array<i32>} : memref<320x128xf32, #tpu.memory_space<vmem>>, vector<16xf32>,
    tpu.vector_store %arg5[%swap3A_1762, %swap3A_1763], %while3A_1750#4 {strides = array<i32>} : memref<320x128xf32, #tpu.memory_space<vmem>>, vector<16xf32>,
    %swap3A_1765 = arith.index_cast %while3A_1750#8 : i32 to index
    %swap3A_1766 = arith.constant 80 : index
    %swap3A_1767 = tpu.vector_load %arg5[%swap3A_1765, %swap3A_1766] {strides = array<i32>} : memref<320x128xf32, #tpu.memory_space<vmem>>, vector<16xf32>,
    tpu.vector_store %arg5[%swap3A_1765, %swap3A_1766], %while3A_1750#5 {strides = array<i32>} : memref<320x128xf32, #tpu.memory_space<vmem>>, vector<16xf32>,
    %swap3A_1768 = arith.index_cast %while3A_1750#8 : i32 to index
    %swap3A_1769 = arith.constant 96 : index
    %swap3A_1770 = tpu.vector_load %arg5[%swap3A_1768, %swap3A_1769] {strides = array<i32>} : memref<320x128xf32, #tpu.memory_space<vmem>>, vector<16xf32>,
    tpu.vector_store %arg5[%swap3A_1768, %swap3A_1769], %while3A_1750#6 {strides = array<i32>} : memref<320x128xf32, #tpu.memory_space<vmem>>, vector<16xf32>,
    %swap3A_1771 = arith.index_cast %while3A_1750#8 : i32 to index
    %swap3A_1772 = arith.constant 112 : index
    %swap3A_1773 = tpu.vector_load %arg5[%swap3A_1771, %swap3A_1772] {strides = array<i32>} : memref<320x128xf32, #tpu.memory_space<vmem>>, vector<16xf32>,
    tpu.vector_store %arg5[%swap3A_1771, %swap3A_1772], %while3A_1750#7 {strides = array<i32>} : memref<320x128xf32, #tpu.memory_space<vmem>>, vector<16xf32>,
    %lt3A_1774 = arith.constant 31 : i32
    %lt3A_1775 = arith.cmpi slt, %add3A, %lt3A_1774 : i32
    %convert_element_type3A_1776 = arith.extui %lt3A_1775 : i1 to i32
    %cond3A_1777 = arith.constant 0 : i32
    %cond3A_1778 = arith.cmpi ne, %convert_element_type3A_1776, %cond3A_1777 : i32
    scf.if %cond3A_1778 {
      "tpu.region"() ({
        %run_scoped3A = tpu.sem_alloc : memref<!tpu.dma_semaphore, #tpu.memory_space<semaphore_mem>>
        %dma_start3A_1784 = arith.constant 0 : i32
        %dma_start3A_1785 = tpu.memref_slice %arg4[%mul3A_2, %dma_start3A_1784] : memref<10000x128xf32, #tpu.memory_space<hbm>> -> memref<320x128xf32, #tpu.memory_space<hbm>>
        %dma_start3A_1786 = arith.constant 0 : i32
        %dma_start3A_1787 = tpu.memref_slice %arg4[%mul3A_2, %dma_start3A_1786] : memref<10000x128xf32, #tpu.memory_space<hbm>> -> memref<320x128xf32, #tpu.memory_space<hbm>>
        tpu.enqueue_dma source(%arg5 : memref<320x128xf32, #tpu.memory_space<vmem>>) target(%dma_start3A_1787 : memref<320x128xf32, #tpu.memory_space<hbm>>) target_semaphore(%run_scoped3A : memref<!tpu.dma_semaphore, #tpu.memory_space<semaphore_mem>>)
        %dma_wait3A_1788 = arith.constant 0 : i32
        %dma_wait3A_1789 = tpu.memref_slice %arg4[%mul3A_2, %dma_wait3A_1788] : memref<10000x128xf32, #tpu.memory_space<hbm>> -> memref<320x128xf32, #tpu.memory_space<hbm>>
        %dma_wait3A_1790 = arith.constant 0 : i32
        %dma_wait3A_1791 = tpu.memref_slice %arg4[%mul3A_2, %dma_wait3A_1790] : memref<10000x128xf32, #tpu.memory_space<hbm>> -> memref<320x128xf32, #tpu.memory_space<hbm>>
        tpu.wait_dma2 semaphore(%run_scoped3A : memref<!tpu.dma_semaphore, #tpu.memory_space<semaphore_mem>>) src(%arg5 : memref<320x128xf32, #tpu.memory_space<vmem>>) dst(%dma_wait3A_1791 : memref<320x128xf32, #tpu.memory_space<hbm>>)
        tpu.yield
      }) : () -> ()
    } else {
    }
    %eq3A_1779 = arith.constant 31 : i32
    %eq3A_1780 = arith.cmpi eq, %add3A, %eq3A_1779 : i32
    %convert_element_type3A_1781 = arith.extui %eq3A_1780 : i1 to i32
    %cond3A_1782 = arith.constant 0 : i32
    %cond3A_1783 = arith.cmpi ne, %convert_element_type3A_1781, %cond3A_1782 : i32
    scf.if %cond3A_1783 {
      "tpu.region"() ({
        %run_scoped3A = tpu.sem_alloc : memref<!tpu.dma_semaphore, #tpu.memory_space<semaphore_mem>>
        %dma_start3A_1784 = arith.constant 0 : i32
        %dma_start3A_1785 = arith.constant 0 : i32
        %dma_start3A_1786 = tpu.memref_slice %arg5[%dma_start3A_1784, %dma_start3A_1785] : memref<320x128xf32, #tpu.memory_space<vmem>> -> memref<80x128xf32, #tpu.memory_space<vmem>>
        %dma_start3A_1787 = arith.constant 0 : i32
        %dma_start3A_1788 = tpu.memref_slice %arg4[%mul3A_2, %dma_start3A_1787] : memref<10000x128xf32, #tpu.memory_space<hbm>> -> memref<80x128xf32, #tpu.memory_space<hbm>>
        %dma_start3A_1789 = arith.constant 0 : i32
        %dma_start3A_1790 = tpu.memref_slice %arg4[%mul3A_2, %dma_start3A_1789] : memref<10000x128xf32, #tpu.memory_space<hbm>> -> memref<80x128xf32, #tpu.memory_space<hbm>>
        %dma_start3A_1791 = arith.constant 0 : i32
        %dma_start3A_1792 = arith.constant 0 : i32
        %dma_start3A_1793 = tpu.memref_slice %arg5[%dma_start3A_1791, %dma_start3A_1792] : memref<320x128xf32, #tpu.memory_space<vmem>> -> memref<80x128xf32, #tpu.memory_space<vmem>>
        tpu.enqueue_dma source(%dma_start3A_1793 : memref<80x128xf32, #tpu.memory_space<vmem>>) target(%dma_start3A_1790 : memref<80x128xf32, #tpu.memory_space<hbm>>) target_semaphore(%run_scoped3A : memref<!tpu.dma_semaphore, #tpu.memory_space<semaphore_mem>>)
        %dma_wait3A_1794 = arith.constant 0 : i32
        %dma_wait3A_1795 = arith.constant 0 : i32
        %dma_wait3A_1796 = tpu.memref_slice %arg5[%dma_wait3A_1794, %dma_wait3A_1795] : memref<320x128xf32, #tpu.memory_space<vmem>> -> memref<80x128xf32, #tpu.memory_space<vmem>>
        %dma_wait3A_1797 = arith.constant 0 : i32
        %dma_wait3A_1798 = tpu.memref_slice %arg4[%mul3A_2, %dma_wait3A_1797] : memref<10000x128xf32, #tpu.memory_space<hbm>> -> memref<80x128xf32, #tpu.memory_space<hbm>>
        %dma_wait3A_1799 = arith.constant 0 : i32
        %dma_wait3A_1800 = tpu.memref_slice %arg4[%mul3A_2, %dma_wait3A_1799] : memref<10000x128xf32, #tpu.memory_space<hbm>> -> memref<80x128xf32, #tpu.memory_space<hbm>>
        %dma_wait3A_1801 = arith.constant 0 : i32
        %dma_wait3A_1802 = arith.constant 0 : i32
        %dma_wait3A_1803 = tpu.memref_slice %arg5[%dma_wait3A_1801, %dma_wait3A_1802] : memref<320x128xf32, #tpu.memory_space<vmem>> -> memref<80x128xf32, #tpu.memory_space<vmem>>
        tpu.wait_dma2 semaphore(%run_scoped3A : memref<!tpu.dma_semaphore, #tpu.memory_space<semaphore_mem>>) src(%dma_wait3A_1803 : memref<80x128xf32, #tpu.memory_space<vmem>>) dst(%dma_wait3A_1800 : memref<80x128xf32, #tpu.memory_space<hbm>>)
        tpu.yield
      }) : () -> ()
    } else {
    }
    return
  }
}

</mosaic_0001>

<sc_bundles>
// kernel: kernel.3.cloned.1.call-start
scs
__scs_entry_jumppad:
0x0: {  	(pc) =	sbr.rel $0x88, $3  }
0x1: {  	(tag) =	ssettag $0x0;
	lr =	simm.s32 $0x1  }
0x2: {  	[smem:$0x3F9F] =	sst lr;
	_ =	strace $0xD0000000  }
0x3: {  	_ = 	snop  }
0x4: {  	_ = 	snop  }
0x5: {  	_ = 	snop  }
0x6: {  	_ = 	snop  }
0x7: {  	_ = 	snop  }
__scs_overlays_trampoline_lowered:
0x8: {  	[smem:$0x3FAE] =	sst s0  }
0x9: {  	[smem:$0x3FAF] =	sst s1  }
0xa: {  	[smem:$0x3FB0] =	sst s2  }
0xb: {  	[smem:$0x3FB1] =	sst s3  }
0xc: {  	[smem:$0x3FB2] =	sst s4  }
0xd: {  	[smem:$0x3FB3] =	sst s5  }
0xe: {  	[smem:$0x3FB4] =	sst s6  }
0xf: {  	[smem:$0x3FB5] =	sst s7  }
0x10: {  	[smem:$0x3FB6] =	sst s8  }
0x11: {  	[smem:$0x3FB7] =	sst s9;
	s0 =	simm.s32 @!p0 $0x0  }
0x12: {  	s1 =	sld [smem:$0x3F9D];
	s0 =	simm.s32 @p0 $0x1  }
0x13: {  	[smem:$0x3FB8] =	sst s0;
	s0 =	simm.s32 @!p1 $0x0  }
0x14: {  	s2 =	sld [smem:$0x3F9C];
	s0 =	simm.s32 @p1 $0x1  }
0x15: {  	[smem:$0x3FB9] =	sst s0;
	s0 =	simm.s32 @!p2 $0x0  }
0x16: {  	s3 =	sld [smem:$0x3FDB];
	s0 =	simm.s32 @p2 $0x1  }
0x17: {  	s4 =	simm.s32 $0x1BF5;
	[smem:$0x3FBB] =	sst s0  }
0x18: {  	s0 =	sld [smem:$0x3F9E];
	_ =	swait.ge [sflag:s4], $0x0  }
0x19: {  	s7 =	sld [smem:$0x3F9F]  }
0x1a: {  	s8 =	sadd.s32 $0xFFFFE003, lr  }
0x1b: {  	s9 =	sadd.s32 $0xFFFFFEF7, lr;
	s5 =	simm.s32 $0xFFFFFFFF;
	p2 =	slt.u32 s8, $0xFFFFF086  }
0x1c: {  	p1 =	slt.u32 s9, $0xF7A;
	s5 =	simm.s32 @!p2 $0x0  }
0x1d: {  	s5 =	simm.s32 @p1 $0x1;
	p0 =	seq.s32 s7, s2  }
0x1e: {  	s7 =	smul.u32 @!p0 $0xF7A, s2;
	p2 =	seq.s32 @!p0 s5, $0x0  }
0x1f: {  	s9 =	smul.u32 $0xF7A, s1;
	s8 =	simm.s32 @!p0 $0x1BF5;
	p2 =	por !p2, p0  }
0x20: {  	[sflag:s8] =	ssyncset.s32 @!p0 $0xFFFFF086;
	s6 =	sadd.s32 @!p0 s3, s7;
	s7 =	simm.s32 @!p0 $0x108  }
0x21: {  	s3 =	sadd.s32 s3, s9;
	s6 =	sadd.s32 @!p0 $0x88, s6;
	s7 =	simm.s32 @p2 $0x1082  }
0x22: {  	[simem:s7], [sflag:s8] =	dma.local @!p0 [hbm:s6], $0xF7A  }
0x23: {  	s9 =	sor.u32 $0xD0000000, s2;
	s6 =	simm.s32 $0x108;
	_ =	swait.ge @!p0 [sflag:s8], $0x0  }
0x24: {  	s3 =	sadd.s32 $0x88, s3;
	s6 =	simm.s32 @!p1 $0x1082;
	[sflag:s4] =	ssyncset.s32 $0xFFFFF086  }
0x25: {  	[simem:s6], [sflag:s4] =	dma.local [hbm:s3], $0xF7A  }
0x26: {  	[smem:$0x3F9F] =	sst s1;
	(tag) =	ssettag s2;
	_ =	strace s9  }
0x27: {  	s1 =	sld [smem:$0x3FAF]  }
0x28: {  	s2 =	sld [smem:$0x3FB0]  }
0x29: {  	s4 =	sld [smem:$0x3FB2]  }
0x2a: {  	p0 =	seq.s32 s5, $0x0;
	s5 =	sld [smem:$0x3FB3]  }
0x2b: {  	s6 =	sld [smem:$0x3FB4]  }
0x2c: {  	s7 =	sld [smem:$0x3FB5]  }
0x2d: {  	s3 =	simm.s32 $0x108;
	s8 =	sld [smem:$0x3FB6]  }
0x2e: {  	s3 =	simm.s32 @!p0 $0x1082;
	s9 =	sld [smem:$0x3FB7]  }
0x2f: {  	lr =	sadd.s32 s0, s3;
	s0 =	sld [smem:$0x3FAE]  }
0x30: {  	s3 =	sld [smem:$0x3FB1]  }
0x31: {  	[smem:$0x3FBA] =	sst s10  }
0x32: {  	s10 =	sld [smem:$0x3FB8];
	_ =	sdelay $0x3  }
0x33: {  	p0 =	seq.s32 s10, $0x1;
	s10 =	sld [smem:$0x3FBA];
	_ =	sdelay $0x3  }
0x34: {  	[smem:$0x3FBA] =	sst s10  }
0x35: {  	s10 =	sld [smem:$0x3FB9];
	_ =	sdelay $0x3  }
0x36: {  	p1 =	seq.s32 s10, $0x1;
	s10 =	sld [smem:$0x3FBA];
	_ =	sdelay $0x3  }
0x37: {  	[smem:$0x3FBA] =	sst s10  }
0x38: {  	s10 =	sld [smem:$0x3FBB]  }
0x39: {  	_ = 	snop;
	(pc) =	sbr.ind lr, $3  }
0x3a: {  	_ = 	snop  }
0x3b: {  	_ = 	snop  }
0x3c: {  	p2 =	seq.s32 s10, $0x1;
	s10 =	sld [smem:$0x3FBA]  }
0x3d: {  	_ =	shalt  }
0x3e: {  	_ =	shalt  }
0x3f: {  	_ =	shalt  }
0x40: {  	_ =	shalt  }
0x41: {  	_ =	shalt  }
0x42: {  	_ =	shalt  }
0x43: {  	_ =	shalt  }
0x44: {  	_ =	shalt  }
0x45: {  	_ =	shalt  }
0x46: {  	_ =	shalt  }
0x47: {  	_ =	shalt  }
0x48: {  	_ =	shalt  }
0x49: {  	_ =	shalt  }
0x4a: {  	_ =	shalt  }
0x4b: {  	_ =	shalt  }
0x4c: {  	_ =	shalt  }
0x4d: {  	_ =	shalt  }
0x4e: {  	_ =	shalt  }
0x4f: {  	_ =	shalt  }
0x50: {  	_ =	shalt  }
0x51: {  	_ =	shalt  }
0x52: {  	_ =	shalt  }
0x53: {  	_ =	shalt  }
0x54: {  	_ =	shalt  }
0x55: {  	_ =	shalt  }
0x56: {  	_ =	shalt  }
0x57: {  	_ =	shalt  }
0x58: {  	_ =	shalt  }
0x59: {  	_ =	shalt  }
0x5a: {  	_ =	shalt  }
0x5b: {  	_ =	shalt  }
0x5c: {  	_ =	shalt  }
0x5d: {  	_ =	shalt  }
0x5e: {  	_ =	shalt  }
0x5f: {  	_ =	shalt  }
0x60: {  	_ =	shalt  }
0x61: {  	_ =	shalt  }
0x62: {  	_ =	shalt  }
0x63: {  	_ =	shalt  }
0x64: {  	_ =	shalt  }
0x65: {  	_ =	shalt  }
0x66: {  	_ =	shalt  }
0x67: {  	_ =	shalt  }
0x68: {  	_ =	shalt  }
0x69: {  	_ =	shalt  }
0x6a: {  	_ =	shalt  }
0x6b: {  	_ =	shalt  }
0x6c: {  	_ =	shalt  }
0x6d: {  	_ =	shalt  }
0x6e: {  	_ =	shalt  }
0x6f: {  	_ =	shalt  }
0x70: {  	_ =	shalt  }
0x71: {  	_ =	shalt  }
0x72: {  	_ =	shalt  }
0x73: {  	_ =	shalt  }
0x74: {  	_ =	shalt  }
0x75: {  	_ =	shalt  }
0x76: {  	_ =	shalt  }
0x77: {  	_ =	shalt  }
0x78: {  	_ =	shalt  }
0x79: {  	_ =	shalt  }
0x7a: {  	_ =	shalt  }
0x7b: {  	_ =	shalt  }
0x7c: {  	_ =	shalt  }
0x7d: {  	_ =	shalt  }
0x7e: {  	_ =	shalt  }
0x7f: {  	_ =	shalt  }
0x80: {  	_ =	shalt  }
0x81: {  	_ =	shalt  }
0x82: {  	_ =	shalt  }
0x83: {  	_ =	shalt  }
0x84: {  	_ =	shalt  }
0x85: {  	_ =	shalt  }
0x86: {  	_ =	shalt  }
0x87: {  	_ =	shalt  }
.Lfunc_end0:
.L_simem_size_0:
called_computation_lowered:
.L_overlay_start_0:
0x88: {  	s2 =	sld [smem:$0x3FD9]  }
0x89: {  	s3 =	sld [smem:$0x3FFE];
	_ =	sdelay $0x1  }
0x8a: {  	s1 =	srdreg.scid  }
0x8b: {  	s0 =	sand.u32 $0x1, s1  }
0x8c: {  	s18 =	sshll.u32 s0, $0xA;
	s2 =	sadd.s32 s3, s2  }
0x8d: {  	s2 =	sadd.s32 s2, s18  }
0x8e: {  	[smem:$0x3FC6] =	sst s2  }
0x8f: {  	_ = 	snop  }
0x90: {  	s2 =	sld [smem:$0x3FC9]  }
0x91: {  	s19 =	sld [smem:$0x3FC8]  }
0x92: {  	s4 =	sld [smem:$0x3FD0];
	(tm) =	ssettm $0x1  }
0x93: {  	s5 =	sld [smem:$0x3FFB];
	_ =	sdelay $0x3  }
0x94: {  	_ =	strace s5  }
0x95: {  	s5 =	sld [smem:$0x3FFC];
	_ =	sdelay $0x3  }
0x96: {  	_ =	strace s5  }
0x97: {  	s5 =	sld [smem:$0x3FFD];
	_ =	sdelay $0x3  }
0x98: {  	_ =	strace s5  }
0x99: {  	_ =	strace $0x8FFFFFFF  }
0x9a: {  	s20 =	sld [smem:$0x3FDB];
	_ =	sdelay $0x1  }
0x9b: {  	s6 =	simm.s32 $_scs_section_size  }
0x9c: {  	s7 =	simm.s32 $_size__tile_overlayer_lowered;
	s8 =	simm.s32 $_tile_overlayer_lowered  }
0x9d: {  	s23 =	simm.s32 $0x1BFF;
	s22 =	sshll.u32 s8, $0x1;
	s5 =	sadd.s32 s6, s20  }
0x9e: {  	s9 =	simm.s32 $0x0;
	s21 =	sshll.u32 s7, $0x1;
	s7 =	sadd.s32 s22, s5  }
0x9f: {  	[timem:s9], [sflag:s23] =	dma.local [hbm:s7], s21  }
0xa0: {  	_ =	swait.ge [sflag:s23], s21  }
0xa1: {  	s6 =	ssub.s32 $0x0, s21;
	[sflag:s23] =	ssyncset.done $0x0  }
0xa2: {  	[sflag:s23] =	ssyncadd.s32 s6;
	_ =	sdelay $0x1  }
0xa3: {  	s24 =	simm.s32 $0x1B8B  }
0xa4: {  	_ =	swait.ge [sflag:s24], $0x1  }
0xa5: {  	[sflag:s24] =	ssyncset.done $0x0  }
0xa6: {  	s25 =	simm.s32 $0x1B8E;
	[sflag:s24] =	ssyncadd.s32 $0xFFFFFFFF  }
0xa7: {  	s26 =	simm.s32 $execute0_lowered;
	[smem:$0x3FD2] =	sst s25  }
0xa8: {  	s6 =	sshll.u32 s26, $0x1;
	_ =	strace $0x80000046;
	[dreg:$0x1] =	wrdreg $0xFFFFFFFF  }
0xa9: {  	s28 =	simm.s32 $_size_execute0_lowered;
	s5 =	sadd.s32 s5, s6;
	[dreg:$0x0] =	wrdreg $0x0  }
0xaa: {  	s6 =	sshll.u32 s28, $0x1;
	[dreg:$0x2] =	wrdreg s5  }
0xab: {  	[dreg:$0x3] =	wrdreg s6  }
0xac: {  	[dreg:$0x4] =	wrdreg $0xC0  }
0xad: {  	_ =	task [dreg:s9], $0x5FFFF  }
0xae: {  	[dreg:$0x1] =	wrdreg $0xFFFFFFFF  }
0xaf: {  	[dreg:$0x0] =	wrdreg $0x60  }
0xb0: {  	[dreg:$0x2] =	wrdreg s2  }
0xb1: {  	[dreg:$0x3] =	wrdreg s19  }
0xb2: {  	[dreg:$0x4] =	wrdreg s4  }
0xb3: {  	[dreg:$0x5] =	wrdreg $0x9  }
0xb4: {  	_ =	task.clear_ibuf [dreg:s9], $0x6FFFF;
	_ =	strace $0x90000046  }
0xb5: {  	s29 =	simm.s32 $0x9;
	_ =	strace $0x80000048  }
0xb6: {  	_ =	swait.ge [sflag:s29], $0x1  }
0xb7: {  	[sflag:s29] =	ssyncadd.s32 $0xFFFFFFFF  }
0xb8: {  	_ =	strace $0x90000048  }
0xb9: {  	_ =	sfence  }
0xba: {  	s30 =	sld [smem:$0x0];
	_ =	sdelay $0x2  }
0xbb: {  	s31 =	sshll.u32 s1, $0xD;
	s1 =	sshrl.u32 s1, $0x2  }
0xbc: {  	s3 =	sand.u32 $0x4000, s31;
	s1 =	sadd.s32 s1, s30  }
0xbd: {  	s0 =	sor.u32 s3, s0;
	s1 =	sshll.u32 s1, $0x11  }
0xbe: {  	s0 =	sor.u32 s1, s0  }
0xbf: {  	s0 =	sadd.s32 $0x8F2B, s0  }
0xc0: {  	[sflag:s0] =	ssyncadd.remote.s32 $0x1  }
0xc1: {  	_ =	sfence.sel $0xFFFF  }
0xc2: {  	[dreg:$0x0] =	wrdreg $0xFFFFFFFF;
	(pc) =	sbr.abs _section_cstart, $3  }
0xc3: {  	[dreg:$0x1] =	wrdreg $0xFFFFFFFF  }
0xc4: {  	_ =	task.clear_ibuf [dreg:s9], $0x2FFFF;
	_ =	strace $0x9FFFFFFF  }
0xc5: {  	(tm) =	ssettm $0x7FFFFFFF  }
tec
execute0_lowered:
.L_overlay_start_1:
0x0: {  	(tag) =	ssettag $0x1  }
0x1: {  	s18 =	rddreg [dreg:$0x0]  }
0x2: {  	s0 =	srdreg.scid;
	s3 =	rddreg [dreg:$0x1]  }
0x3: {  	s2 =	stileid.u32;
	s24 =	rddreg [dreg:$0x2];
	s0 =	sand.u32 $0x1, s0  }
0x4: {  	s5 =	simm.s32 $0x0;
	s14 =	simm.s32 $0x1A200;
	s1 =	sshll.u32 s0, $0x4  }
0x5: {  	s15 =	simm.s32 $0x1AA00;
	s16 =	simm.s32 $0x3;
	s1 =	sor.u32 s2, s1  }
0x6: {  	s17 =	simm.s32 $0x4;
	s0 =	ssub.s32 $0x2, s0;
	s4 =	smul.u32 $0x140, s1  }
0x7: {  	[smem:$0x7FF] =	sst s5;
	s9 =	sshrl.u32 s0, $0x1;
	s6 =	smul.u32 $0x280, s1  }
0x8: {  	s2 =	sadd.s32 $0x26C00, s24;
	s11 =	smul.u32 $0x1400, s1;
	s0 =	ssub.s32 s0, s9  }
0x9: {  	_ =	strace $0x80000047;
	[dreg:$0xa] =	wrdreg s2;
	s0 =	smax.u32 s0, $0x1  }
0xa: {  	s7 =	sadd.s32 $0x140, s4;
	s6 =	smax.u32 s6, $0x40;
	s31 =	sadd.s32 s24, s11  }
0xb: {  	[dreg:$0xb] =	wrdreg s0;
	s8 =	sshll.u32 s7, $0x1;
	s12 =	sadd.s32 $0xFFFFFFC0, s6  }
0xc: {  	[dreg:$0x9] =	wrdreg s31;
	s8 =	smin.u32 s8, $0x4DE0;
	s26 =	sshll.u32 s12, $0x1  }
.Ltmp0:
0xd: {  	[dreg:$0x4] =	wrdreg s12;
	s30 =	sshll.u32 s12, $0x4;
	(pc) =	sbr.rel .LBB2_1-.Ltmp0, $4  }
0xe: {  	s25 =	sadd.s32 $0xFFFFFFC0, s8;
	s8 =	sadd.s32 s3, s26;
	[dreg:$0x8] =	wrdreg s30  }
0xf: {  	v3 =	vlaneseq.u32;
	s10 =	sshll.u32 s25, $0x1;
	[dreg:$0x5] =	wrdreg s8;
	s29 =	sshll.u32 s25, $0x4  }
0x10: {  	v2 =	vimm.f32 $+Inf;
	v4 =	vimm.s32 $0x0;
	s23 =	simm.s32 $0x0;
	v5 =	vadd.s32 $0x1, v3;
	s28 =	sadd.s32 s3, s10;
	[dreg:$0x7] =	wrdreg s29  }
0x11: {  	v6 =	vor.u32 $0x80000000, v3;
	p1 =	seq.s32 s1, $0x1F;
	v0 =	vmov s4;
	v1 =	vmov s7;
	p0 =	seq.s32 s25, $0x4DA0;
	[dreg:$0x6] =	wrdreg s28  }
.LBB2_39:
0x12: {  	s0 =	sshll.u32 s29, $0x9;
	s23 =	rddreg [dreg:$0xc]  }
.LBB2_40:
0x13: {  	s0 =	sshra.s32 s0, $0x2  }
0x14: {  	[tilespmem:s0+$0x0] =	vst v14  }
0x15: {  	[tilespmem:s0+$0x10] =	vst v11  }
0x16: {  	[tilespmem:s0+$0x20] =	vst v9  }
0x17: {  	[tilespmem:s0+$0x30] =	vst v8  }
0x18: {  	[tilespmem:s0+$0x40] =	vst v13  }
0x19: {  	[tilespmem:s0+$0x50] =	vst v12  }
0x1a: {  	[tilespmem:s0+$0x60] =	vst v10  }
0x1b: {  	s1 =	rddreg [dreg:$0xa];
	[tilespmem:s0+$0x70] =	vst v7;
	s0 =	simm.s32 @p1 $0x0  }
0x1c: {  	[hbm4b:s1+s0] =	stream.linear.scatter @p1 [tilespmem:s0], [sflag:$0x5], $0x2800, $0x38;
	[tilespmem:$0x1B200] =	vst v63  }
0x1d: {  	s0 =	simm.s32 @p1 $0x5  }
0x1e: {  	_ =	swait.ge @p1 [sflag:s0], $0x2800  }
0x1f: {  	[sflag:s0] =	ssyncset.done @p1 $0x0  }
0x20: {  	s1 =	rddreg [dreg:$0x9];
	[sflag:s0] =	ssyncadd.s32 @p1 $0xFFFFD800;
	s0 =	simm.s32 @!p1 $0x0  }
0x21: {  	[hbm4b:s1+s0] =	stream.linear.scatter @!p1 [tilespmem:s0], [sflag:$0x5], $0xA000, $0x38;
	[tilespmem:$0x1B200] =	vst v63  }
0x22: {  	s0 =	simm.s32 @!p1 $0x5  }
0x23: {  	_ =	swait.ge @!p1 [sflag:s0], $0xA000  }
0x24: {  	s23 =	sadd.s32 $0x1, s23;
	s31 =	rddreg [dreg:$0xb]  }
0x25: {  	p2 =	sne.s32 s23, s31  }
.Ltmp1:
0x26: {  	_ = 	snop;
	(pc) =	sbr.rel @!p2 .LBB2_41-.Ltmp1, $3  }
0x27: {  	_ =	sdelay $0x1  }
0x28: {  	[sflag:s0] =	ssyncset.done @!p1 $0x0  }
0x29: {  	[sflag:s0] =	ssyncadd.s32 @!p1 $0xFFFF6000  }
.LBB2_1:
0x2a: {  	s0 =	simm.s32 $0x0;
	s1 =	simm.s32 $0x200  }
.LBB2_2:
0x2b: {  	p2 =	sne.s32 s1, $0x27E00;
	[tilespmem:s0+$0x70] =	vst v2  }
0x2c: {  	[tilespmem:s0+$0x0] =	vst v2  }
0x2d: {  	[tilespmem:s0+$0x10] =	vst v2  }
.Ltmp2:
0x2e: {  	[tilespmem:s0+$0x20] =	vst v2;
	(pc) =	sbr.rel @p2 .LBB2_2-.Ltmp2, $4  }
0x2f: {  	[tilespmem:s0+$0x30] =	vst v2  }
0x30: {  	[tilespmem:s0+$0x40] =	vst v2  }
0x31: {  	[tilespmem:s0+$0x50] =	vst v2  }
0x32: {  	[tilespmem:s0+$0x60] =	vst v2;
	s0 =	sshra.s32 s1, $0x2;
	s1 =	sadd.s32 $0x200, s1  }
0x33: {  	[tilespmem:s0+$0x70] =	vst v2  }
0x34: {  	[tilespmem:s0+$0x0] =	vst v2  }
0x35: {  	[tilespmem:s0+$0x10] =	vst v2  }
0x36: {  	[tilespmem:s0+$0x20] =	vst v2  }
0x37: {  	[tilespmem:s0+$0x30] =	vst v2  }
0x38: {  	[tilespmem:s0+$0x40] =	vst v2  }
0x39: {  	[tilespmem:s0+$0x50] =	vst v2  }
0x3a: {  	[tilespmem:s0+$0x60] =	vst v2;
	s28 =	rddreg [dreg:$0x5]  }
0x3b: {  	[tilespmem:s14], [sflag:$0x3] =	stream.linear.gather [hbm4b:s28+s5], $0x800, $0x38;
	[tilespmem:$0x1B200] =	vst v63  }
0x3c: {  	s29 =	rddreg [dreg:$0x6]  }
0x3d: {  	[tilespmem:s15], [sflag:$0x4] =	stream.linear.gather [hbm4b:s29+s5], $0x800, $0x38;
	[tilespmem:$0x1B200] =	vst v63  }
0x3e: {  	_ =	swait.ge [sflag:s16], $0x800  }
0x3f: {  	[sflag:s16] =	ssyncset.done $0x0  }
0x40: {  	[sflag:s16] =	ssyncadd.s32 $0xFFFFF800  }
0x41: {  	_ =	swait.ge [sflag:s17], $0x800  }
0x42: {  	[sflag:s17] =	ssyncset.done $0x0  }
0x43: {  	[sflag:s17] =	ssyncadd.s32 $0xFFFFF800  }
0x44: {  	v7 =	vld [tilespmem:$0x1A200]  }
0x45: {  	v8 =	vld [tilespmem:$0x1A210]  }
0x46: {  	v9 =	vld [tilespmem:$0x1A220]  }
0x47: {  	v10 =	vld [tilespmem:$0x1A230]  }
0x48: {  	v11 =	vld [tilespmem:$0x1A240]  }
0x49: {  	v12 =	vld [tilespmem:$0x1A250]  }
0x4a: {  	v27 =	vld [tilespmem:$0x1A280]  }
0x4b: {  	v29 =	vld [tilespmem:$0x1A290]  }
0x4c: {  	v31 =	vld [tilespmem:$0x1A2A0]  }
0x4d: {  	v35 =	vld [tilespmem:$0x1A2D0]  }
0x4e: {  	v37 =	vld [tilespmem:$0x1A2E0]  }
0x4f: {  	v39 =	vld [tilespmem:$0x1A2F0];
	vm0 =	vlt.s32 v7, v0;
	vm14 =	vlt.s32 v8, v0;
	vm15 =	vlt.s32 v9, v0  }
0x50: {  	v43 =	vld [tilespmem:$0x1A320];
	vm1 =	vlt.s32 v10, v0;
	vm4 =	vlt.s32 v11, v0;
	vm5 =	vlt.s32 v12, v0  }
0x51: {  	v47 =	vld [tilespmem:$0x1A340];
	vm8 =	vlt.s32 v27, v0;
	vm9 =	vlt.s32 v29, v0;
	vm10 =	vlt.s32 v31, v0  }
0x52: {  	v55 =	vld [tilespmem:$0x1A390];
	vm13 =	vlt.s32 v35, v0;
	v13 =	vsel vm0, $0x1, v4;
	v14 =	vsel vm14, $0x1, v4  }
0x53: {  	v7 =	vld [tilespmem:$0x1A260];
	v28 =	vsel vm15, $0x1, v4;
	v15 =	vsel vm1, $0x1, v4;
	v30 =	vsel vm4, $0x1, v4  }
0x54: {  	v45 =	vld [tilespmem:$0x1A330];
	v32 =	vsel vm5, $0x1, v4;
	v36 =	vsel vm8, $0x1, v4;
	v38 =	vsel vm9, $0x1, v4  }
0x55: {  	v8 =	vld [tilespmem:$0x1A270];
	v40 =	vsel vm10, $0x1, v4;
	v44 =	vsel vm13, $0x1, v4;
	vm14 =	vlt.s32 v37, v0  }
0x56: {  	v51 =	vld [tilespmem:$0x1A370];
	vm15 =	vlt.s32 v39, v0;
	vm8 =	vlt.s32 v47, v0;
	v13 =	vadd.s32 v13, v14  }
0x57: {  	v63 =	vld [tilespmem:$0x1A3E0];
	vm13 =	vlt.s32 v55, v0;
	v46 =	vsel vm14, $0x1, v4;
	v10 =	vadd.s32 v28, v13  }
0x58: {  	v48 =	vsel vm15, $0x1, v4;
	v10 =	vadd.s32 v15, v10;
	vm6 =	vlt.s32 v7, v0;
	v7 =	vld [tilespmem:$0x1A2B0]  }
0x59: {  	v53 =	vld [tilespmem:$0x1A380];
	v56 =	vsel vm8, $0x1, v4;
	v18 =	vsel vm13, $0x1, v4;
	v10 =	vadd.s32 v30, v10  }
0x5a: {  	vm7 =	vlt.s32 v8, v0;
	v8 =	vld [tilespmem:$0x1A2C0];
	v33 =	vsel vm6, $0x1, v4;
	v10 =	vadd.s32 v32, v10  }
0x5b: {  	v59 =	vld [tilespmem:$0x1A3C0];
	v34 =	vsel vm7, $0x1, v4;
	vm6 =	vlt.s32 v43, v0;
	v10 =	vadd.s32 v33, v10  }
0x5c: {  	v25 =	vld [tilespmem:$0x1A430];
	vm7 =	vlt.s32 v45, v0;
	v52 =	vsel vm6, $0x1, v4;
	v10 =	vadd.s32 v34, v10  }
0x5d: {  	vm6 =	vlt.s32 v63, v0;
	v10 =	vadd.s32 v36, v10;
	vm11 =	vlt.s32 v7, v0;
	v7 =	vld [tilespmem:$0x1A300]  }
0x5e: {  	v61 =	vld [tilespmem:$0x1A3D0];
	v54 =	vsel vm7, $0x1, v4;
	v26 =	vsel vm6, $0x1, v4;
	v10 =	vadd.s32 v38, v10  }
0x5f: {  	vm12 =	vlt.s32 v8, v0;
	v8 =	vld [tilespmem:$0x1A310];
	v41 =	vsel vm11, $0x1, v4;
	v10 =	vadd.s32 v40, v10  }
0x60: {  	v21 =	vld [tilespmem:$0x1A410];
	v42 =	vsel vm12, $0x1, v4;
	vm11 =	vlt.s32 v51, v0;
	v10 =	vadd.s32 v41, v10  }
0x61: {  	v33 =	vld [tilespmem:$0x1A480];
	vm12 =	vlt.s32 v53, v0;
	v60 =	vsel vm11, $0x1, v4;
	v10 =	vadd.s32 v42, v10  }
0x62: {  	vm11 =	vlt.s32 v25, v0;
	v10 =	vadd.s32 v44, v10;
	vm4 =	vlt.s32 v7, v0;
	v7 =	vld [tilespmem:$0x1A350]  }
0x63: {  	v23 =	vld [tilespmem:$0x1A420];
	v62 =	vsel vm12, $0x1, v4;
	v34 =	vsel vm11, $0x1, v4;
	v10 =	vadd.s32 v46, v10  }
0x64: {  	vm5 =	vlt.s32 v8, v0;
	v8 =	vld [tilespmem:$0x1A360];
	v49 =	vsel vm4, $0x1, v4;
	v10 =	vadd.s32 v48, v10  }
0x65: {  	v16 =	vld [tilespmem:$0x1AA30];
	v50 =	vsel vm5, $0x1, v4;
	vm4 =	vlt.s32 v59, v0;
	v10 =	vadd.s32 v49, v10  }
0x66: {  	v41 =	vld [tilespmem:$0x1A4D0];
	vm5 =	vlt.s32 v61, v0;
	v22 =	vsel vm4, $0x1, v4;
	v10 =	vadd.s32 v50, v10  }
0x67: {  	vm4 =	vlt.s32 v33, v0;
	v10 =	vadd.s32 v52, v10;
	vm9 =	vlt.s32 v7, v0;
	v7 =	vld [tilespmem:$0x1A3A0]  }
0x68: {  	v29 =	vld [tilespmem:$0x1A460];
	v24 =	vsel vm5, $0x1, v4;
	v42 =	vsel vm4, $0x1, v4;
	v10 =	vadd.s32 v54, v10  }
0x69: {  	vm10 =	vlt.s32 v8, v0;
	v8 =	vld [tilespmem:$0x1A3B0];
	v57 =	vsel vm9, $0x1, v4;
	v10 =	vadd.s32 v56, v10  }
0x6a: {  	v31 =	vld [tilespmem:$0x1A470];
	v58 =	vsel vm10, $0x1, v4;
	vm9 =	vlt.s32 v21, v0;
	v10 =	vadd.s32 v57, v10  }
0x6b: {  	v49 =	vld [tilespmem:$0x1A520];
	vm10 =	vlt.s32 v23, v0;
	v30 =	vsel vm9, $0x1, v4;
	v10 =	vadd.s32 v58, v10  }
0x6c: {  	vm9 =	vlt.s32 v41, v0;
	v10 =	vadd.s32 v60, v10;
	vm14 =	vlt.s32 v7, v0;
	v7 =	vld [tilespmem:$0x1A3F0]  }
0x6d: {  	v37 =	vld [tilespmem:$0x1A4B0];
	v32 =	vsel vm10, $0x1, v4;
	v50 =	vsel vm9, $0x1, v4;
	v10 =	vadd.s32 v62, v10  }
0x6e: {  	vm15 =	vlt.s32 v8, v0;
	v8 =	vld [tilespmem:$0x1A400];
	v19 =	vsel vm14, $0x1, v4;
	v10 =	vadd.s32 v18, v10  }
0x6f: {  	v39 =	vld [tilespmem:$0x1A4C0];
	v20 =	vsel vm15, $0x1, v4;
	vm14 =	vlt.s32 v29, v0;
	v10 =	vadd.s32 v19, v10  }
0x70: {  	v57 =	vld [tilespmem:$0x1A570];
	vm15 =	vlt.s32 v31, v0;
	v38 =	vsel vm14, $0x1, v4;
	v10 =	vadd.s32 v20, v10  }
0x71: {  	vm14 =	vlt.s32 v49, v0;
	v10 =	vadd.s32 v22, v10;
	vm7 =	vlt.s32 v7, v0;
	v7 =	vld [tilespmem:$0x1A440]  }
0x72: {  	v47 =	vld [tilespmem:$0x1A510];
	v40 =	vsel vm15, $0x1, v4;
	v58 =	vsel vm14, $0x1, v4;
	v10 =	vadd.s32 v24, v10  }
0x73: {  	vm8 =	vlt.s32 v8, v0;
	v8 =	vld [tilespmem:$0x1A450];
	v27 =	vsel vm7, $0x1, v4;
	v10 =	vadd.s32 v26, v10  }
0x74: {  	v45 =	vld [tilespmem:$0x1A500];
	v28 =	vsel vm8, $0x1, v4;
	vm7 =	vlt.s32 v37, v0;
	v10 =	vadd.s32 v27, v10  }
0x75: {  	v19 =	vld [tilespmem:$0x1A5C0];
	vm8 =	vlt.s32 v39, v0;
	v46 =	vsel vm7, $0x1, v4;
	v10 =	vadd.s32 v28, v10  }
0x76: {  	vm7 =	vlt.s32 v57, v0;
	v10 =	vadd.s32 v30, v10;
	vm12 =	vlt.s32 v7, v0;
	v7 =	vld [tilespmem:$0x1A490]  }
0x77: {  	v55 =	vld [tilespmem:$0x1A560];
	v48 =	vsel vm8, $0x1, v4;
	v20 =	vsel vm7, $0x1, v4;
	v10 =	vadd.s32 v32, v10  }
0x78: {  	vm13 =	vlt.s32 v8, v0;
	v8 =	vld [tilespmem:$0x1A4A0];
	v35 =	vsel vm12, $0x1, v4;
	v10 =	vadd.s32 v34, v10  }
0x79: {  	v53 =	vld [tilespmem:$0x1A550];
	v36 =	vsel vm13, $0x1, v4;
	vm12 =	vlt.s32 v45, v0;
	v10 =	vadd.s32 v35, v10  }
0x7a: {  	v27 =	vld [tilespmem:$0x1A610];
	vm13 =	vlt.s32 v47, v0;
	v54 =	vsel vm12, $0x1, v4;
	v10 =	vadd.s32 v36, v10  }
0x7b: {  	vm12 =	vlt.s32 v19, v0;
	v10 =	vadd.s32 v38, v10;
	vm5 =	vlt.s32 v7, v0;
	v7 =	vld [tilespmem:$0x1A4E0]  }
0x7c: {  	v63 =	vld [tilespmem:$0x1A5B0];
	v56 =	vsel vm13, $0x1, v4;
	v28 =	vsel vm12, $0x1, v4;
	v10 =	vadd.s32 v40, v10  }
0x7d: {  	vm6 =	vlt.s32 v8, v0;
	v8 =	vld [tilespmem:$0x1A4F0];
	v43 =	vsel vm5, $0x1, v4;
	v10 =	vadd.s32 v42, v10  }
0x7e: {  	v61 =	vld [tilespmem:$0x1A5A0];
	v44 =	vsel vm6, $0x1, v4;
	vm5 =	vlt.s32 v53, v0;
	v10 =	vadd.s32 v43, v10  }
0x7f: {  	v35 =	vld [tilespmem:$0x1A660];
	vm6 =	vlt.s32 v55, v0;
	v62 =	vsel vm5, $0x1, v4;
	v10 =	vadd.s32 v44, v10  }
0x80: {  	vm5 =	vlt.s32 v27, v0;
	v10 =	vadd.s32 v46, v10;
	vm10 =	vlt.s32 v7, v0;
	v7 =	vld [tilespmem:$0x1A530]  }
0x81: {  	v25 =	vld [tilespmem:$0x1A600];
	v18 =	vsel vm6, $0x1, v4;
	v36 =	vsel vm5, $0x1, v4;
	v10 =	vadd.s32 v48, v10  }
0x82: {  	vm11 =	vlt.s32 v8, v0;
	v8 =	vld [tilespmem:$0x1A540];
	v51 =	vsel vm10, $0x1, v4;
	v10 =	vadd.s32 v50, v10  }
0x83: {  	v23 =	vld [tilespmem:$0x1A5F0];
	v52 =	vsel vm11, $0x1, v4;
	vm10 =	vlt.s32 v61, v0;
	v10 =	vadd.s32 v51, v10  }
0x84: {  	v43 =	vld [tilespmem:$0x1A6B0];
	vm11 =	vlt.s32 v63, v0;
	v24 =	vsel vm10, $0x1, v4;
	v10 =	vadd.s32 v52, v10  }
0x85: {  	vm10 =	vlt.s32 v35, v0;
	v10 =	vadd.s32 v54, v10;
	vm15 =	vlt.s32 v7, v0;
	v7 =	vld [tilespmem:$0x1A580]  }
0x86: {  	v33 =	vld [tilespmem:$0x1A650];
	v26 =	vsel vm11, $0x1, v4;
	v44 =	vsel vm10, $0x1, v4;
	v10 =	vadd.s32 v56, v10  }
0x87: {  	vm4 =	vlt.s32 v8, v0;
	v8 =	vld [tilespmem:$0x1A590];
	v59 =	vsel vm15, $0x1, v4;
	v10 =	vadd.s32 v58, v10  }
0x88: {  	v31 =	vld [tilespmem:$0x1A640];
	v60 =	vsel vm4, $0x1, v4;
	vm15 =	vlt.s32 v23, v0;
	v10 =	vadd.s32 v59, v10  }
0x89: {  	v51 =	vld [tilespmem:$0x1A700];
	vm4 =	vlt.s32 v25, v0;
	v32 =	vsel vm15, $0x1, v4;
	v10 =	vadd.s32 v60, v10  }
0x8a: {  	vm15 =	vlt.s32 v43, v0;
	v10 =	vadd.s32 v62, v10;
	vm8 =	vlt.s32 v7, v0;
	v7 =	vld [tilespmem:$0x1A5D0]  }
0x8b: {  	v41 =	vld [tilespmem:$0x1A6A0];
	v34 =	vsel vm4, $0x1, v4;
	v52 =	vsel vm15, $0x1, v4;
	v10 =	vadd.s32 v18, v10  }
0x8c: {  	vm9 =	vlt.s32 v8, v0;
	v8 =	vld [tilespmem:$0x1A5E0];
	v21 =	vsel vm8, $0x1, v4;
	v10 =	vadd.s32 v20, v10  }
0x8d: {  	v39 =	vld [tilespmem:$0x1A690];
	v22 =	vsel vm9, $0x1, v4;
	vm8 =	vlt.s32 v31, v0;
	v10 =	vadd.s32 v21, v10  }
0x8e: {  	v59 =	vld [tilespmem:$0x1A750];
	vm9 =	vlt.s32 v33, v0;
	v40 =	vsel vm8, $0x1, v4;
	v10 =	vadd.s32 v22, v10  }
0x8f: {  	vm8 =	vlt.s32 v51, v0;
	v10 =	vadd.s32 v24, v10;
	vm13 =	vlt.s32 v7, v0;
	v7 =	vld [tilespmem:$0x1A620]  }
0x90: {  	v49 =	vld [tilespmem:$0x1A6F0];
	v42 =	vsel vm9, $0x1, v4;
	v60 =	vsel vm8, $0x1, v4;
	v10 =	vadd.s32 v26, v10  }
0x91: {  	vm14 =	vlt.s32 v8, v0;
	v8 =	vld [tilespmem:$0x1A630];
	v29 =	vsel vm13, $0x1, v4;
	v10 =	vadd.s32 v28, v10  }
0x92: {  	v47 =	vld [tilespmem:$0x1A6E0];
	v30 =	vsel vm14, $0x1, v4;
	vm13 =	vlt.s32 v39, v0;
	v10 =	vadd.s32 v29, v10  }
0x93: {  	v21 =	vld [tilespmem:$0x1A7A0];
	vm14 =	vlt.s32 v41, v0;
	v48 =	vsel vm13, $0x1, v4;
	v10 =	vadd.s32 v30, v10  }
0x94: {  	vm13 =	vlt.s32 v59, v0;
	v10 =	vadd.s32 v32, v10;
	vm6 =	vlt.s32 v7, v0;
	v7 =	vld [tilespmem:$0x1A670]  }
0x95: {  	v57 =	vld [tilespmem:$0x1A740];
	v50 =	vsel vm14, $0x1, v4;
	v22 =	vsel vm13, $0x1, v4;
	v10 =	vadd.s32 v34, v10  }
0x96: {  	vm7 =	vlt.s32 v8, v0;
	v8 =	vld [tilespmem:$0x1A680];
	v37 =	vsel vm6, $0x1, v4;
	v10 =	vadd.s32 v36, v10  }
0x97: {  	v55 =	vld [tilespmem:$0x1A730];
	v38 =	vsel vm7, $0x1, v4;
	vm6 =	vlt.s32 v47, v0;
	v10 =	vadd.s32 v37, v10  }
0x98: {  	v29 =	vld [tilespmem:$0x1A7F0];
	vm7 =	vlt.s32 v49, v0;
	v56 =	vsel vm6, $0x1, v4;
	v10 =	vadd.s32 v38, v10  }
0x99: {  	vm6 =	vlt.s32 v21, v0;
	v10 =	vadd.s32 v40, v10;
	vm11 =	vlt.s32 v7, v0;
	v7 =	vld [tilespmem:$0x1A6C0]  }
0x9a: {  	v19 =	vld [tilespmem:$0x1A790];
	v58 =	vsel vm7, $0x1, v4;
	v30 =	vsel vm6, $0x1, v4;
	v10 =	vadd.s32 v42, v10  }
0x9b: {  	vm12 =	vlt.s32 v8, v0;
	v8 =	vld [tilespmem:$0x1A6D0];
	v45 =	vsel vm11, $0x1, v4;
	v10 =	vadd.s32 v44, v10  }
0x9c: {  	v63 =	vld [tilespmem:$0x1A780];
	v46 =	vsel vm12, $0x1, v4;
	vm11 =	vlt.s32 v55, v0;
	v10 =	vadd.s32 v45, v10  }
0x9d: {  	v37 =	vld [tilespmem:$0x1A840];
	vm12 =	vlt.s32 v57, v0;
	v18 =	vsel vm11, $0x1, v4;
	v10 =	vadd.s32 v46, v10  }
0x9e: {  	vm11 =	vlt.s32 v29, v0;
	v10 =	vadd.s32 v48, v10;
	vm4 =	vlt.s32 v7, v0;
	v7 =	vld [tilespmem:$0x1A710]  }
0x9f: {  	v27 =	vld [tilespmem:$0x1A7E0];
	v20 =	vsel vm12, $0x1, v4;
	v38 =	vsel vm11, $0x1, v4;
	v10 =	vadd.s32 v50, v10  }
0xa0: {  	vm5 =	vlt.s32 v8, v0;
	v8 =	vld [tilespmem:$0x1A720];
	v53 =	vsel vm4, $0x1, v4;
	v10 =	vadd.s32 v52, v10  }
0xa1: {  	v25 =	vld [tilespmem:$0x1A7D0];
	v54 =	vsel vm5, $0x1, v4;
	vm4 =	vlt.s32 v63, v0;
	v10 =	vadd.s32 v53, v10  }
0xa2: {  	v45 =	vld [tilespmem:$0x1A890];
	vm5 =	vlt.s32 v19, v0;
	v26 =	vsel vm4, $0x1, v4;
	v10 =	vadd.s32 v54, v10  }
0xa3: {  	vm4 =	vlt.s32 v37, v0;
	v10 =	vadd.s32 v56, v10;
	vm9 =	vlt.s32 v7, v0;
	v7 =	vld [tilespmem:$0x1A760]  }
0xa4: {  	v35 =	vld [tilespmem:$0x1A830];
	v28 =	vsel vm5, $0x1, v4;
	v46 =	vsel vm4, $0x1, v4;
	v10 =	vadd.s32 v58, v10  }
0xa5: {  	vm10 =	vlt.s32 v8, v0;
	v8 =	vld [tilespmem:$0x1A770];
	v61 =	vsel vm9, $0x1, v4;
	v10 =	vadd.s32 v60, v10  }
0xa6: {  	v33 =	vld [tilespmem:$0x1A820];
	v62 =	vsel vm10, $0x1, v4;
	vm9 =	vlt.s32 v25, v0;
	v10 =	vadd.s32 v61, v10  }
0xa7: {  	v53 =	vld [tilespmem:$0x1A8E0];
	vm10 =	vlt.s32 v27, v0;
	v34 =	vsel vm9, $0x1, v4;
	v10 =	vadd.s32 v62, v10  }
0xa8: {  	vm9 =	vlt.s32 v45, v0;
	v10 =	vadd.s32 v18, v10;
	vm14 =	vlt.s32 v7, v0;
	v7 =	vld [tilespmem:$0x1A7B0]  }
0xa9: {  	v43 =	vld [tilespmem:$0x1A880];
	v36 =	vsel vm10, $0x1, v4;
	v54 =	vsel vm9, $0x1, v4;
	v10 =	vadd.s32 v20, v10  }
0xaa: {  	vm15 =	vlt.s32 v8, v0;
	v8 =	vld [tilespmem:$0x1A7C0];
	v23 =	vsel vm14, $0x1, v4;
	v10 =	vadd.s32 v22, v10  }
0xab: {  	v41 =	vld [tilespmem:$0x1A870];
	v24 =	vsel vm15, $0x1, v4;
	vm14 =	vlt.s32 v33, v0;
	v10 =	vadd.s32 v23, v10  }
0xac: {  	v61 =	vld [tilespmem:$0x1A930];
	vm15 =	vlt.s32 v35, v0;
	v42 =	vsel vm14, $0x1, v4;
	v10 =	vadd.s32 v24, v10  }
0xad: {  	vm14 =	vlt.s32 v53, v0;
	v10 =	vadd.s32 v26, v10;
	vm7 =	vlt.s32 v7, v0;
	v7 =	vld [tilespmem:$0x1A800]  }
0xae: {  	v51 =	vld [tilespmem:$0x1A8D0];
	v44 =	vsel vm15, $0x1, v4;
	v62 =	vsel vm14, $0x1, v4;
	v10 =	vadd.s32 v28, v10  }
0xaf: {  	vm8 =	vlt.s32 v8, v0;
	v8 =	vld [tilespmem:$0x1A810];
	v31 =	vsel vm7, $0x1, v4;
	v10 =	vadd.s32 v30, v10  }
0xb0: {  	v49 =	vld [tilespmem:$0x1A8C0];
	v32 =	vsel vm8, $0x1, v4;
	vm7 =	vlt.s32 v41, v0;
	v10 =	vadd.s32 v31, v10  }
0xb1: {  	v23 =	vld [tilespmem:$0x1A980];
	vm8 =	vlt.s32 v43, v0;
	v50 =	vsel vm7, $0x1, v4;
	v10 =	vadd.s32 v32, v10  }
0xb2: {  	vm7 =	vlt.s32 v61, v0;
	v10 =	vadd.s32 v34, v10;
	vm12 =	vlt.s32 v7, v0;
	v7 =	vld [tilespmem:$0x1A850]  }
0xb3: {  	v59 =	vld [tilespmem:$0x1A920];
	v52 =	vsel vm8, $0x1, v4;
	v24 =	vsel vm7, $0x1, v4;
	v10 =	vadd.s32 v36, v10  }
0xb4: {  	vm13 =	vlt.s32 v8, v0;
	v8 =	vld [tilespmem:$0x1A860];
	v39 =	vsel vm12, $0x1, v4;
	v10 =	vadd.s32 v38, v10  }
0xb5: {  	v57 =	vld [tilespmem:$0x1A910];
	v40 =	vsel vm13, $0x1, v4;
	vm12 =	vlt.s32 v49, v0;
	v10 =	vadd.s32 v39, v10  }
0xb6: {  	v31 =	vld [tilespmem:$0x1A9D0];
	vm13 =	vlt.s32 v51, v0;
	v58 =	vsel vm12, $0x1, v4;
	v10 =	vadd.s32 v40, v10  }
0xb7: {  	vm12 =	vlt.s32 v23, v0;
	v10 =	vadd.s32 v42, v10;
	vm5 =	vlt.s32 v7, v0;
	v7 =	vld [tilespmem:$0x1A8A0]  }
0xb8: {  	v19 =	vld [tilespmem:$0x1A960];
	v60 =	vsel vm13, $0x1, v4;
	v32 =	vsel vm12, $0x1, v4;
	v10 =	vadd.s32 v44, v10  }
0xb9: {  	vm6 =	vlt.s32 v8, v0;
	v8 =	vld [tilespmem:$0x1A8B0];
	v47 =	vsel vm5, $0x1, v4;
	v10 =	vadd.s32 v46, v10  }
0xba: {  	v42 =	vld [tilespmem:$0x1AA40];
	v48 =	vsel vm6, $0x1, v4;
	vm5 =	vlt.s32 v57, v0;
	v10 =	vadd.s32 v47, v10  }
0xbb: {  	v51 =	vld [tilespmem:$0x1AA90];
	vm6 =	vlt.s32 v59, v0;
	v20 =	vsel vm5, $0x1, v4;
	v10 =	vadd.s32 v48, v10  }
0xbc: {  	vm5 =	vlt.s32 v31, v0;
	v10 =	vadd.s32 v50, v10;
	vm10 =	vlt.s32 v7, v0;
	v7 =	vld [tilespmem:$0x1A8F0]  }
0xbd: {  	v21 =	vld [tilespmem:$0x1A970];
	v22 =	vsel vm6, $0x1, v4;
	v40 =	vsel vm5, $0x1, v4;
	v10 =	vadd.s32 v52, v10  }
0xbe: {  	vm11 =	vlt.s32 v8, v0;
	v8 =	vld [tilespmem:$0x1A900];
	v55 =	vsel vm10, $0x1, v4;
	v10 =	vadd.s32 v54, v10  }
0xbf: {  	v29 =	vld [tilespmem:$0x1A9C0];
	vm12 =	vlt.s32 v42, v1;
	v56 =	vsel vm11, $0x1, v4;
	v10 =	vadd.s32 v55, v10  }
0xc0: {  	v39 =	vld [tilespmem:$0x1AA20];
	vm5 =	vlt.s32 v51, v1;
	v52 =	vsel vm12, $0x1, v4;
	v10 =	vadd.s32 v56, v10  }
0xc1: {  	vm10 =	vlt.s32 v19, v0;
	v10 =	vadd.s32 v58, v10;
	vm15 =	vlt.s32 v7, v0;
	v7 =	vld [tilespmem:$0x1A940]  }
0xc2: {  	v61 =	vld [tilespmem:$0x1AAE0];
	vm11 =	vlt.s32 v21, v0;
	v28 =	vsel vm10, $0x1, v4;
	v10 =	vadd.s32 v60, v10  }
0xc3: {  	vm4 =	vlt.s32 v8, v0;
	v8 =	vld [tilespmem:$0x1A950];
	v63 =	vsel vm15, $0x1, v4;
	v10 =	vadd.s32 v62, v10  }
0xc4: {  	v27 =	vld [tilespmem:$0x1A9B0];
	v30 =	vsel vm11, $0x1, v4;
	v18 =	vsel vm4, $0x1, v4;
	v10 =	vadd.s32 v63, v10  }
0xc5: {  	v19 =	vld [tilespmem:$0x1AB00];
	vm10 =	vlt.s32 v39, v1;
	vm11 =	vlt.s32 v16, v1;
	v10 =	vadd.s32 v18, v10  }
0xc6: {  	v48 =	vsel vm10, $0x1, v4;
	v10 =	vadd.s32 v20, v10;
	vm8 =	vlt.s32 v7, v0;
	v7 =	vld [tilespmem:$0x1A990]  }
0xc7: {  	v35 =	vld [tilespmem:$0x1AA00];
	v50 =	vsel vm11, $0x1, v4;
	vm10 =	vlt.s32 v61, v1;
	v10 =	vadd.s32 v22, v10  }
0xc8: {  	vm9 =	vlt.s32 v8, v0;
	v8 =	vld [tilespmem:$0x1A9A0];
	v25 =	vsel vm8, $0x1, v4;
	v10 =	vadd.s32 v24, v10  }
0xc9: {  	v37 =	vld [tilespmem:$0x1AA10];
	vm15 =	vlt.s32 v27, v0;
	v26 =	vsel vm9, $0x1, v4;
	v10 =	vadd.s32 v25, v10  }
0xca: {  	v43 =	vld [tilespmem:$0x1AA50];
	vm4 =	vlt.s32 v29, v0;
	v62 =	vsel vm5, $0x1, v4;
	v10 =	vadd.s32 v26, v10  }
0xcb: {  	vm12 =	vlt.s32 v19, v1;
	v10 =	vadd.s32 v28, v10;
	vm13 =	vlt.s32 v7, v0;
	v7 =	vld [tilespmem:$0x1A9E0]  }
0xcc: {  	v47 =	vld [tilespmem:$0x1AA70];
	v36 =	vsel vm15, $0x1, v4;
	vm8 =	vlt.s32 v35, v1;
	v10 =	vadd.s32 v30, v10  }
0xcd: {  	v49 =	vld [tilespmem:$0x1AA80];
	vm14 =	vlt.s32 v8, v0;
	v33 =	vsel vm13, $0x1, v4;
	v10 =	vadd.s32 v32, v10  }
0xce: {  	v45 =	vld [tilespmem:$0x1AA60];
	vm9 =	vlt.s32 v37, v1;
	v34 =	vsel vm14, $0x1, v4;
	v10 =	vadd.s32 v33, v10  }
0xcf: {  	v44 =	vsel vm8, $0x1, v4;
	v46 =	vsel vm9, $0x1, v4;
	v10 =	vadd.s32 v34, v10  }
0xd0: {  	v8 =	vld [tilespmem:$0x1A9F0];
	vm6 =	vlt.s32 v7, v0;
	v7 =	vadd.s32 v36, v10;
	v10 =	vadd.s32 v44, v46  }
0xd1: {  	v38 =	vsel vm4, $0x1, v4;
	vm15 =	vlt.s32 v47, v1;
	v10 =	vadd.s32 v48, v10  }
0xd2: {  	v53 =	vld [tilespmem:$0x1AAA0];
	vm4 =	vlt.s32 v49, v1;
	vm13 =	vlt.s32 v43, v1;
	v10 =	vadd.s32 v50, v10  }
0xd3: {  	v55 =	vld [tilespmem:$0x1AAB0];
	vm14 =	vlt.s32 v45, v1;
	v54 =	vsel vm13, $0x1, v4;
	v10 =	vadd.s32 v52, v10  }
0xd4: {  	v57 =	vld [tilespmem:$0x1AAC0];
	v58 =	vsel vm15, $0x1, v4;
	v56 =	vsel vm14, $0x1, v4;
	v10 =	vadd.s32 v54, v10  }
0xd5: {  	v59 =	vld [tilespmem:$0x1AAD0];
	v60 =	vsel vm4, $0x1, v4;
	vm7 =	vlt.s32 v8, v0;
	v10 =	vadd.s32 v56, v10  }
0xd6: {  	v27 =	vld [tilespmem:$0x1AB40];
	v41 =	vsel vm6, $0x1, v4;
	v8 =	vadd.s32 v38, v7;
	v10 =	vadd.s32 v58, v10  }
0xd7: {  	v63 =	vld [tilespmem:$0x1AAF0];
	v7 =	vsel vm7, $0x1, v4;
	vm6 =	vlt.s32 v53, v1;
	v10 =	vadd.s32 v60, v10  }
0xd8: {  	v29 =	vld [tilespmem:$0x1AB50];
	vm7 =	vlt.s32 v55, v1;
	v18 =	vsel vm6, $0x1, v4;
	v10 =	vadd.s32 v62, v10  }
0xd9: {  	v21 =	vld [tilespmem:$0x1AB10];
	vm8 =	vlt.s32 v57, v1;
	v20 =	vsel vm7, $0x1, v4;
	v10 =	vadd.s32 v18, v10  }
0xda: {  	v23 =	vld [tilespmem:$0x1AB20];
	vm9 =	vlt.s32 v59, v1;
	v22 =	vsel vm8, $0x1, v4;
	v10 =	vadd.s32 v20, v10  }
0xdb: {  	vm4 =	vlt.s32 v27, v1;
	v25 =	vld [tilespmem:$0x1AB30];
	v24 =	vsel vm9, $0x1, v4;
	v10 =	vadd.s32 v22, v10  }
0xdc: {  	vm11 =	vlt.s32 v63, v1;
	v26 =	vsel vm10, $0x1, v4;
	v10 =	vadd.s32 v24, v10  }
0xdd: {  	vm5 =	vlt.s32 v29, v1;
	v28 =	vsel vm11, $0x1, v4;
	v10 =	vadd.s32 v26, v10  }
0xde: {  	v31 =	vld [tilespmem:$0x1AB60];
	v30 =	vsel vm12, $0x1, v4;
	vm13 =	vlt.s32 v21, v1;
	v10 =	vadd.s32 v28, v10  }
0xdf: {  	vm14 =	vlt.s32 v23, v1;
	v33 =	vld [tilespmem:$0x1AB70];
	v32 =	vsel vm13, $0x1, v4;
	v10 =	vadd.s32 v30, v10  }
0xe0: {  	v35 =	vld [tilespmem:$0x1AB80];
	vm15 =	vlt.s32 v25, v1;
	v34 =	vsel vm14, $0x1, v4;
	v10 =	vadd.s32 v32, v10  }
0xe1: {  	v37 =	vld [tilespmem:$0x1AB90];
	v36 =	vsel vm15, $0x1, v4;
	v38 =	vsel vm4, $0x1, v4;
	v10 =	vadd.s32 v34, v10  }
0xe2: {  	v39 =	vld [tilespmem:$0x1ABA0];
	v8 =	vadd.s32 v40, v8;
	v40 =	vsel vm5, $0x1, v4;
	v10 =	vadd.s32 v36, v10  }
0xe3: {  	vm6 =	vlt.s32 v31, v1;
	v8 =	vadd.s32 v41, v8;
	v41 =	vld [tilespmem:$0x1ABB0];
	v10 =	vadd.s32 v38, v10  }
0xe4: {  	v43 =	vld [tilespmem:$0x1ABC0];
	vm7 =	vlt.s32 v33, v1;
	v42 =	vsel vm6, $0x1, v4;
	v10 =	vadd.s32 v40, v10  }
0xe5: {  	vm8 =	vlt.s32 v35, v1;
	v45 =	vld [tilespmem:$0x1ABD0];
	v44 =	vsel vm7, $0x1, v4;
	v10 =	vadd.s32 v42, v10  }
0xe6: {  	v47 =	vld [tilespmem:$0x1ABE0];
	vm9 =	vlt.s32 v37, v1;
	v46 =	vsel vm8, $0x1, v4;
	v10 =	vadd.s32 v44, v10  }
0xe7: {  	v49 =	vld [tilespmem:$0x1ABF0];
	vm10 =	vlt.s32 v39, v1;
	v48 =	vsel vm9, $0x1, v4;
	v10 =	vadd.s32 v46, v10  }
0xe8: {  	v51 =	vld [tilespmem:$0x1AC00];
	v50 =	vsel vm10, $0x1, v4;
	vm11 =	vlt.s32 v41, v1;
	v10 =	vadd.s32 v48, v10  }
0xe9: {  	vm12 =	vlt.s32 v43, v1;
	v53 =	vld [tilespmem:$0x1AC10];
	v52 =	vsel vm11, $0x1, v4;
	v10 =	vadd.s32 v50, v10  }
0xea: {  	vm13 =	vlt.s32 v45, v1;
	v55 =	vld [tilespmem:$0x1AC20];
	v54 =	vsel vm12, $0x1, v4;
	v10 =	vadd.s32 v52, v10  }
0xeb: {  	v57 =	vld [tilespmem:$0x1AC30];
	vm14 =	vlt.s32 v47, v1;
	v56 =	vsel vm13, $0x1, v4;
	v10 =	vadd.s32 v54, v10  }
0xec: {  	v59 =	vld [tilespmem:$0x1AC40];
	vm15 =	vlt.s32 v49, v1;
	v58 =	vsel vm14, $0x1, v4;
	v10 =	vadd.s32 v56, v10  }
0xed: {  	v61 =	vld [tilespmem:$0x1AC50];
	vm4 =	vlt.s32 v51, v1;
	v60 =	vsel vm15, $0x1, v4;
	v10 =	vadd.s32 v58, v10  }
0xee: {  	v63 =	vld [tilespmem:$0x1AC60];
	vm5 =	vlt.s32 v53, v1;
	v62 =	vsel vm4, $0x1, v4;
	v10 =	vadd.s32 v60, v10  }
0xef: {  	v19 =	vld [tilespmem:$0x1AC70];
	vm6 =	vlt.s32 v55, v1;
	v18 =	vsel vm5, $0x1, v4;
	v10 =	vadd.s32 v62, v10  }
0xf0: {  	v21 =	vld [tilespmem:$0x1AC80];
	vm7 =	vlt.s32 v57, v1;
	v20 =	vsel vm6, $0x1, v4;
	v10 =	vadd.s32 v18, v10  }
0xf1: {  	v23 =	vld [tilespmem:$0x1AC90];
	vm8 =	vlt.s32 v59, v1;
	v22 =	vsel vm7, $0x1, v4;
	v10 =	vadd.s32 v20, v10  }
0xf2: {  	v25 =	vld [tilespmem:$0x1ACA0];
	vm9 =	vlt.s32 v61, v1;
	v24 =	vsel vm8, $0x1, v4;
	v10 =	vadd.s32 v22, v10  }
0xf3: {  	v27 =	vld [tilespmem:$0x1ACB0];
	vm10 =	vlt.s32 v63, v1;
	v26 =	vsel vm9, $0x1, v4;
	v10 =	vadd.s32 v24, v10  }
0xf4: {  	v29 =	vld [tilespmem:$0x1ACC0];
	vm11 =	vlt.s32 v19, v1;
	v28 =	vsel vm10, $0x1, v4;
	v10 =	vadd.s32 v26, v10  }
0xf5: {  	v31 =	vld [tilespmem:$0x1ACD0];
	vm12 =	vlt.s32 v21, v1;
	v30 =	vsel vm11, $0x1, v4;
	v10 =	vadd.s32 v28, v10  }
0xf6: {  	v33 =	vld [tilespmem:$0x1ACE0];
	vm13 =	vlt.s32 v23, v1;
	v32 =	vsel vm12, $0x1, v4;
	v10 =	vadd.s32 v30, v10  }
0xf7: {  	v35 =	vld [tilespmem:$0x1ACF0];
	vm14 =	vlt.s32 v25, v1;
	v34 =	vsel vm13, $0x1, v4;
	v10 =	vadd.s32 v32, v10  }
0xf8: {  	v37 =	vld [tilespmem:$0x1AD00];
	vm15 =	vlt.s32 v27, v1;
	v36 =	vsel vm14, $0x1, v4;
	v10 =	vadd.s32 v34, v10  }
0xf9: {  	v39 =	vld [tilespmem:$0x1AD10];
	vm4 =	vlt.s32 v29, v1;
	v38 =	vsel vm15, $0x1, v4;
	v10 =	vadd.s32 v36, v10  }
0xfa: {  	v41 =	vld [tilespmem:$0x1AD20];
	vm5 =	vlt.s32 v31, v1;
	v40 =	vsel vm4, $0x1, v4;
	v10 =	vadd.s32 v38, v10  }
0xfb: {  	v43 =	vld [tilespmem:$0x1AD30];
	vm6 =	vlt.s32 v33, v1;
	v42 =	vsel vm5, $0x1, v4;
	v10 =	vadd.s32 v40, v10  }
0xfc: {  	v45 =	vld [tilespmem:$0x1AD40];
	vm7 =	vlt.s32 v35, v1;
	v44 =	vsel vm6, $0x1, v4;
	v10 =	vadd.s32 v42, v10  }
0xfd: {  	v47 =	vld [tilespmem:$0x1AD50];
	vm8 =	vlt.s32 v37, v1;
	v46 =	vsel vm7, $0x1, v4;
	v10 =	vadd.s32 v44, v10  }
0xfe: {  	v49 =	vld [tilespmem:$0x1AD60];
	vm9 =	vlt.s32 v39, v1;
	v48 =	vsel vm8, $0x1, v4;
	v10 =	vadd.s32 v46, v10  }
0xff: {  	v51 =	vld [tilespmem:$0x1AD70];
	vm10 =	vlt.s32 v41, v1;
	v50 =	vsel vm9, $0x1, v4;
	v10 =	vadd.s32 v48, v10  }
0x100: {  	v53 =	vld [tilespmem:$0x1AD80];
	vm11 =	vlt.s32 v43, v1;
	v52 =	vsel vm10, $0x1, v4;
	v10 =	vadd.s32 v50, v10  }
0x101: {  	v55 =	vld [tilespmem:$0x1AD90];
	vm12 =	vlt.s32 v45, v1;
	v54 =	vsel vm11, $0x1, v4;
	v10 =	vadd.s32 v52, v10  }
0x102: {  	v57 =	vld [tilespmem:$0x1ADA0];
	vm13 =	vlt.s32 v47, v1;
	v56 =	vsel vm12, $0x1, v4;
	v10 =	vadd.s32 v54, v10  }
0x103: {  	v59 =	vld [tilespmem:$0x1ADB0];
	vm14 =	vlt.s32 v49, v1;
	v58 =	vsel vm13, $0x1, v4;
	v10 =	vadd.s32 v56, v10  }
0x104: {  	v61 =	vld [tilespmem:$0x1ADC0];
	vm15 =	vlt.s32 v51, v1;
	v60 =	vsel vm14, $0x1, v4;
	v10 =	vadd.s32 v58, v10  }
0x105: {  	v63 =	vld [tilespmem:$0x1ADD0];
	vm4 =	vlt.s32 v53, v1;
	v62 =	vsel vm15, $0x1, v4;
	v10 =	vadd.s32 v60, v10  }
0x106: {  	v19 =	vld [tilespmem:$0x1ADE0];
	vm5 =	vlt.s32 v55, v1;
	v18 =	vsel vm4, $0x1, v4;
	v10 =	vadd.s32 v62, v10  }
0x107: {  	v21 =	vld [tilespmem:$0x1ADF0];
	vm6 =	vlt.s32 v57, v1;
	v20 =	vsel vm5, $0x1, v4;
	v10 =	vadd.s32 v18, v10  }
0x108: {  	v23 =	vld [tilespmem:$0x1AE00];
	vm7 =	vlt.s32 v59, v1;
	v22 =	vsel vm6, $0x1, v4;
	v10 =	vadd.s32 v20, v10  }
0x109: {  	v25 =	vld [tilespmem:$0x1AE10];
	vm8 =	vlt.s32 v61, v1;
	v24 =	vsel vm7, $0x1, v4;
	v10 =	vadd.s32 v22, v10  }
0x10a: {  	v27 =	vld [tilespmem:$0x1AE20];
	vm9 =	vlt.s32 v63, v1;
	v26 =	vsel vm8, $0x1, v4;
	v10 =	vadd.s32 v24, v10  }
0x10b: {  	v29 =	vld [tilespmem:$0x1AE30];
	vm10 =	vlt.s32 v19, v1;
	v28 =	vsel vm9, $0x1, v4;
	v10 =	vadd.s32 v26, v10  }
0x10c: {  	v31 =	vld [tilespmem:$0x1AE40];
	vm11 =	vlt.s32 v21, v1;
	v30 =	vsel vm10, $0x1, v4;
	v10 =	vadd.s32 v28, v10  }
0x10d: {  	v33 =	vld [tilespmem:$0x1AE50];
	vm12 =	vlt.s32 v23, v1;
	v32 =	vsel vm11, $0x1, v4;
	v10 =	vadd.s32 v30, v10  }
0x10e: {  	v35 =	vld [tilespmem:$0x1AE60];
	vm13 =	vlt.s32 v25, v1;
	v34 =	vsel vm12, $0x1, v4;
	v10 =	vadd.s32 v32, v10  }
0x10f: {  	v37 =	vld [tilespmem:$0x1AE70];
	vm14 =	vlt.s32 v27, v1;
	v36 =	vsel vm13, $0x1, v4;
	v10 =	vadd.s32 v34, v10  }
0x110: {  	v39 =	vld [tilespmem:$0x1AE80];
	vm15 =	vlt.s32 v29, v1;
	v38 =	vsel vm14, $0x1, v4;
	v10 =	vadd.s32 v36, v10  }
0x111: {  	v41 =	vld [tilespmem:$0x1AE90];
	vm4 =	vlt.s32 v31, v1;
	v40 =	vsel vm15, $0x1, v4;
	v10 =	vadd.s32 v38, v10  }
0x112: {  	v43 =	vld [tilespmem:$0x1AEA0];
	vm5 =	vlt.s32 v33, v1;
	v42 =	vsel vm4, $0x1, v4;
	v10 =	vadd.s32 v40, v10  }
0x113: {  	v45 =	vld [tilespmem:$0x1AEB0];
	vm6 =	vlt.s32 v35, v1;
	v44 =	vsel vm5, $0x1, v4;
	v10 =	vadd.s32 v42, v10  }
0x114: {  	v47 =	vld [tilespmem:$0x1AEC0];
	vm7 =	vlt.s32 v37, v1;
	v46 =	vsel vm6, $0x1, v4;
	v10 =	vadd.s32 v44, v10  }
0x115: {  	v49 =	vld [tilespmem:$0x1AED0];
	vm8 =	vlt.s32 v39, v1;
	v48 =	vsel vm7, $0x1, v4;
	v10 =	vadd.s32 v46, v10  }
0x116: {  	v51 =	vld [tilespmem:$0x1AEE0];
	vm9 =	vlt.s32 v41, v1;
	v50 =	vsel vm8, $0x1, v4;
	v10 =	vadd.s32 v48, v10  }
0x117: {  	v53 =	vld [tilespmem:$0x1AEF0];
	vm10 =	vlt.s32 v43, v1;
	v52 =	vsel vm9, $0x1, v4;
	v10 =	vadd.s32 v50, v10  }
0x118: {  	v55 =	vld [tilespmem:$0x1AF00];
	vm11 =	vlt.s32 v45, v1;
	v54 =	vsel vm10, $0x1, v4;
	v10 =	vadd.s32 v52, v10  }
0x119: {  	v57 =	vld [tilespmem:$0x1AF10];
	vm12 =	vlt.s32 v47, v1;
	v56 =	vsel vm11, $0x1, v4;
	v10 =	vadd.s32 v54, v10  }
0x11a: {  	v59 =	vld [tilespmem:$0x1AF20];
	vm13 =	vlt.s32 v49, v1;
	v58 =	vsel vm12, $0x1, v4;
	v10 =	vadd.s32 v56, v10  }
0x11b: {  	v61 =	vld [tilespmem:$0x1AF30];
	vm14 =	vlt.s32 v51, v1;
	v60 =	vsel vm13, $0x1, v4;
	v10 =	vadd.s32 v58, v10  }
0x11c: {  	v63 =	vld [tilespmem:$0x1AF40];
	vm15 =	vlt.s32 v53, v1;
	v62 =	vsel vm14, $0x1, v4;
	v10 =	vadd.s32 v60, v10  }
0x11d: {  	v19 =	vld [tilespmem:$0x1AF50];
	vm4 =	vlt.s32 v55, v1;
	v18 =	vsel vm15, $0x1, v4;
	v10 =	vadd.s32 v62, v10  }
0x11e: {  	v21 =	vld [tilespmem:$0x1AF60];
	vm5 =	vlt.s32 v57, v1;
	v20 =	vsel vm4, $0x1, v4;
	v10 =	vadd.s32 v18, v10  }
0x11f: {  	v23 =	vld [tilespmem:$0x1AF70];
	vm6 =	vlt.s32 v59, v1;
	v22 =	vsel vm5, $0x1, v4;
	v10 =	vadd.s32 v20, v10  }
0x120: {  	v25 =	vld [tilespmem:$0x1AF80];
	vm7 =	vlt.s32 v61, v1;
	v24 =	vsel vm6, $0x1, v4;
	v10 =	vadd.s32 v22, v10  }
0x121: {  	v27 =	vld [tilespmem:$0x1AF90];
	vm8 =	vlt.s32 v63, v1;
	v26 =	vsel vm7, $0x1, v4;
	v10 =	vadd.s32 v24, v10  }
0x122: {  	v29 =	vld [tilespmem:$0x1AFA0];
	vm9 =	vlt.s32 v19, v1;
	v28 =	vsel vm8, $0x1, v4;
	v10 =	vadd.s32 v26, v10  }
0x123: {  	v31 =	vld [tilespmem:$0x1AFB0];
	vm10 =	vlt.s32 v21, v1;
	v30 =	vsel vm9, $0x1, v4;
	v10 =	vadd.s32 v28, v10  }
0x124: {  	v33 =	vld [tilespmem:$0x1AFC0];
	vm11 =	vlt.s32 v23, v1;
	v32 =	vsel vm10, $0x1, v4;
	v10 =	vadd.s32 v30, v10  }
0x125: {  	v35 =	vld [tilespmem:$0x1AFD0];
	vm12 =	vlt.s32 v25, v1;
	v34 =	vsel vm11, $0x1, v4;
	v10 =	vadd.s32 v32, v10  }
0x126: {  	v37 =	vld [tilespmem:$0x1AFE0];
	vm13 =	vlt.s32 v27, v1;
	v36 =	vsel vm12, $0x1, v4;
	v10 =	vadd.s32 v34, v10  }
0x127: {  	v39 =	vld [tilespmem:$0x1AFF0];
	vm14 =	vlt.s32 v29, v1;
	v38 =	vsel vm13, $0x1, v4;
	v10 =	vadd.s32 v36, v10  }
0x128: {  	v41 =	vld [tilespmem:$0x1B000];
	vm15 =	vlt.s32 v31, v1;
	v40 =	vsel vm14, $0x1, v4;
	v10 =	vadd.s32 v38, v10  }
0x129: {  	v43 =	vld [tilespmem:$0x1B010];
	vm4 =	vlt.s32 v33, v1;
	v42 =	vsel vm15, $0x1, v4;
	v10 =	vadd.s32 v40, v10  }
0x12a: {  	v45 =	vld [tilespmem:$0x1B020];
	vm5 =	vlt.s32 v35, v1;
	v44 =	vsel vm4, $0x1, v4;
	v10 =	vadd.s32 v42, v10  }
0x12b: {  	v47 =	vld [tilespmem:$0x1B030];
	vm6 =	vlt.s32 v37, v1;
	v46 =	vsel vm5, $0x1, v4;
	v10 =	vadd.s32 v44, v10  }
0x12c: {  	v49 =	vld [tilespmem:$0x1B040];
	vm7 =	vlt.s32 v39, v1;
	v48 =	vsel vm6, $0x1, v4;
	v10 =	vadd.s32 v46, v10  }
0x12d: {  	v51 =	vld [tilespmem:$0x1B050];
	vm8 =	vlt.s32 v41, v1;
	v50 =	vsel vm7, $0x1, v4;
	v10 =	vadd.s32 v48, v10  }
0x12e: {  	v53 =	vld [tilespmem:$0x1B060];
	vm9 =	vlt.s32 v43, v1;
	v52 =	vsel vm8, $0x1, v4;
	v10 =	vadd.s32 v50, v10  }
0x12f: {  	v55 =	vld [tilespmem:$0x1B070];
	vm10 =	vlt.s32 v45, v1;
	v54 =	vsel vm9, $0x1, v4;
	v10 =	vadd.s32 v52, v10  }
0x130: {  	v57 =	vld [tilespmem:$0x1B080];
	vm11 =	vlt.s32 v47, v1;
	v56 =	vsel vm10, $0x1, v4;
	v10 =	vadd.s32 v54, v10  }
0x131: {  	v59 =	vld [tilespmem:$0x1B090];
	vm12 =	vlt.s32 v49, v1;
	v58 =	vsel vm11, $0x1, v4;
	v10 =	vadd.s32 v56, v10  }
0x132: {  	v61 =	vld [tilespmem:$0x1B0A0];
	vm13 =	vlt.s32 v51, v1;
	v60 =	vsel vm12, $0x1, v4;
	v10 =	vadd.s32 v58, v10  }
0x133: {  	v63 =	vld [tilespmem:$0x1B0B0];
	vm14 =	vlt.s32 v53, v1;
	v62 =	vsel vm13, $0x1, v4;
	v10 =	vadd.s32 v60, v10  }
0x134: {  	v17 =	vsel vm14, $0x1, v4;
	vm15 =	vlt.s32 v55, v1;
	v18 =	vld [tilespmem:$0x1B0C0];
	v10 =	vadd.s32 v62, v10  }
0x135: {  	v19 =	vsel vm15, $0x1, v4;
	vm4 =	vlt.s32 v57, v1;
	v20 =	vld [tilespmem:$0x1B0D0];
	v10 =	vadd.s32 v17, v10  }
0x136: {  	v21 =	vsel vm4, $0x1, v4;
	vm5 =	vlt.s32 v59, v1;
	v22 =	vld [tilespmem:$0x1B0E0];
	v10 =	vadd.s32 v19, v10  }
0x137: {  	v23 =	vsel vm5, $0x1, v4;
	vm6 =	vlt.s32 v61, v1;
	v24 =	vld [tilespmem:$0x1B0F0];
	v10 =	vadd.s32 v21, v10  }
0x138: {  	v25 =	vsel vm6, $0x1, v4;
	vm7 =	vlt.s32 v63, v1;
	v26 =	vld [tilespmem:$0x1B100];
	v10 =	vadd.s32 v23, v10  }
0x139: {  	v27 =	vsel vm7, $0x1, v4;
	vm8 =	vlt.s32 v18, v1;
	v28 =	vld [tilespmem:$0x1B110];
	v10 =	vadd.s32 v25, v10  }
0x13a: {  	v29 =	vsel vm8, $0x1, v4;
	vm9 =	vlt.s32 v20, v1;
	v30 =	vld [tilespmem:$0x1B120];
	v10 =	vadd.s32 v27, v10  }
0x13b: {  	v31 =	vsel vm9, $0x1, v4;
	vm10 =	vlt.s32 v22, v1;
	v32 =	vld [tilespmem:$0x1B130];
	v10 =	vadd.s32 v29, v10  }
0x13c: {  	v33 =	vsel vm10, $0x1, v4;
	vm11 =	vlt.s32 v24, v1;
	v34 =	vld [tilespmem:$0x1B140];
	v10 =	vadd.s32 v31, v10  }
0x13d: {  	v35 =	vsel vm11, $0x1, v4;
	vm12 =	vlt.s32 v26, v1;
	v36 =	vld [tilespmem:$0x1B150];
	v10 =	vadd.s32 v33, v10  }
0x13e: {  	v37 =	vsel vm12, $0x1, v4;
	vm13 =	vlt.s32 v28, v1;
	v38 =	vld [tilespmem:$0x1B160];
	v10 =	vadd.s32 v35, v10  }
0x13f: {  	v39 =	vsel vm13, $0x1, v4;
	vm14 =	vlt.s32 v30, v1;
	v40 =	vld [tilespmem:$0x1B170];
	v10 =	vadd.s32 v37, v10  }
0x140: {  	v41 =	vsel vm14, $0x1, v4;
	vm15 =	vlt.s32 v32, v1;
	v42 =	vld [tilespmem:$0x1B180];
	v10 =	vadd.s32 v39, v10  }
0x141: {  	v43 =	vsel vm15, $0x1, v4;
	vm4 =	vlt.s32 v34, v1;
	v44 =	vld [tilespmem:$0x1B190];
	v10 =	vadd.s32 v41, v10  }
0x142: {  	v45 =	vsel vm4, $0x1, v4;
	vm5 =	vlt.s32 v36, v1;
	v46 =	vld [tilespmem:$0x1B1A0];
	v10 =	vadd.s32 v43, v10  }
0x143: {  	v47 =	vsel vm5, $0x1, v4;
	vm6 =	vlt.s32 v38, v1;
	v48 =	vld [tilespmem:$0x1B1B0];
	v10 =	vadd.s32 v45, v10  }
0x144: {  	v49 =	vsel vm6, $0x1, v4;
	vm7 =	vlt.s32 v40, v1;
	v50 =	vld [tilespmem:$0x1B1C0];
	v10 =	vadd.s32 v47, v10  }
0x145: {  	v51 =	vsel vm7, $0x1, v4;
	vm8 =	vlt.s32 v42, v1;
	v52 =	vld [tilespmem:$0x1B1D0];
	v10 =	vadd.s32 v49, v10  }
0x146: {  	v53 =	vsel vm8, $0x1, v4;
	vm9 =	vlt.s32 v44, v1;
	v54 =	vld [tilespmem:$0x1B1E0];
	v10 =	vadd.s32 v51, v10  }
0x147: {  	v55 =	vsel vm9, $0x1, v4;
	vm10 =	vlt.s32 v46, v1;
	v56 =	vld [tilespmem:$0x1B1F0];
	v10 =	vadd.s32 v53, v10  }
0x148: {  	v57 =	vsel vm10, $0x1, v4;
	vm11 =	vlt.s32 v48, v1;
	v10 =	vadd.s32 v55, v10  }
0x149: {  	v58 =	vsel vm11, $0x1, v4;
	vm12 =	vlt.s32 v50, v1;
	v10 =	vadd.s32 v57, v10  }
0x14a: {  	v59 =	vsel vm12, $0x1, v4;
	vm13 =	vlt.s32 v52, v1;
	v10 =	vadd.s32 v58, v10  }
0x14b: {  	v61 =	vsel vm13, $0x1, v4;
	vm14 =	vlt.s32 v54, v1;
	v60 =	vadd.s32 v59, v10  }
0x14c: {  	v62 =	vsel vm14, $0x1, v4;
	vm15 =	vlt.s32 v56, v1;
	v9 =	vadd.s32 v61, v60  }
0x14d: {  	v7 =	vadd.s32 v7, v8;
	v63 =	vsel vm15, $0x1, v4;
	v8 =	vadd.s32 v62, v9  }
0x14e: {  	(xrf0) =	vadd.scan.msk.s32 $0xffff, v7;
	v7 =	vadd.s32 v63, v8  }
0x14f: {  	(xrf0) =	vadd.scan.msk.s32 $0xffff, v7;
	_ =	sdelay $0x4  }
0x150: {  	v7, _, _ =	vpop (xrf0)  }
0x151: {  	(v2sf) =	vpush v7, $0xF;
	v7, _, _ =	vpop (xrf0)  }
0x152: {  	(v2sf) =	vpush v7, $0xF;
	_ =	sdelay $0xd  }
0x153: {  	s0 =	spop (v2sf)  }
0x154: {  	s30 =	rddreg [dreg:$0x4];
	s2 =	sadd.s32 $0xFFFFFFFF, s0;
	s1 =	spop (v2sf)  }
0x155: {  	p2 =	sgt.u32 s2, $0x7FE;
	s2 =	sor.u32 s30, s0;
	p3 =	seq.s32 s1, $0x800  }
0x156: {  	p4 =	sne.s32 s2, $0x0;
	s31 =	sadd.s32 $0xFFFFFFFF, s1;
	p3 =	por !p0, !p3  }
0x157: {  	p2 =	por !p2, !p4;
	p5 =	slt.u32 s31, $0x7FF;
	p3 =	por !p3, !p3  }
0x158: {  	p2 =	por !p2, !p2;
	p3 =	por p5, p3  }
0x159: {  	p3 =	por p2, !p3  }
.Ltmp3:
0x15a: {  	_ = 	snop;
	(pc) =	sbr.rel @p3 .LBB2_4-.Ltmp3, $1  }
0x15b: {  	_ =	sdelay $0x3  }
.Ltmp4:
0x15c: {  	(pc) =	sbr.rel .LBB2_7-.Ltmp4, $4  }
0x15d: {  	_ = 	snop  }
0x15e: {  	s2 =	rddreg [dreg:$0x8]  }
0x15f: {  	s31 =	rddreg [dreg:$0x7]  }
0x160: {  	s19 =	sadd.s32 s2, s0;
	s20 =	sadd.s32 s31, s1  }
.LBB2_4:
0x161: {  	s11 =	simm.s32 $0xF;
	s2 =	simm.s32 $0x4E1F;
	s0 =	simm.s32 $0x0  }
0x162: {  	s7 =	simm.s32 $0x4E1F;
	s9 =	simm.s32 $0x0;
	s2 =	simm.s32 @p2 $0x4E1F  }
0x163: {  	s0 =	simm.s32 @p2 $0x0;
	s7 =	simm.s32 @p2 $0x4E1F;
	s9 =	simm.s32 @p2 $0x0  }
0x164: {  	s11 =	simm.s32 @p2 $0xF;
	s1 =	sadd.s32 s9, s7;
	s10 =	sadd.s32 s0, s2  }
0x165: {  	s6 =	sshrl.u32 s1, $0x1F;
	s8 =	sand.u32 $0x1, s1;
	p4 =	slt.s32 s1, $0x1  }
0x166: {  	p5 =	slt.s32 s10, $0x1;
	s26 =	sand.u32 $0x1, s10;
	s28 =	sshrl.u32 s10, $0x1F  }
0x167: {  	p3 =	seq.s32 s8, $0x1;
	s1 =	sadd.s32 s6, s1;
	s8 =	simm.s32 $0x1  }
0x168: {  	s29 =	sadd.s32 s28, s10;
	p2 =	por !p4, !p3;
	p4 =	seq.s32 s26, $0x1  }
0x169: {  	s6 =	simm.s32 $0x1;
	p2 =	por !p2, !p2;
	p6 =	por !p5, !p4  }
0x16a: {  	s1 =	sshra.s32 s1, $0x1;
	s8 =	simm.s32 @!p2 $0x0;
	p2 =	por !p6, !p6  }
0x16b: {  	s8 =	ssub.s32 s1, s8;
	s1 =	sshra.s32 s29, $0x1;
	s6 =	simm.s32 @!p2 $0x0  }
0x16c: {  	s12 =	sshll.u32 s8, $0x1;
	s10 =	ssub.s32 s1, s6  }
0x16d: {  	s30 =	sand.u32 $0x1FFFFFFE, s12;
	s6 =	sshll.u32 s10, $0x1  }
0x16e: {  	s1 =	sadd.s32 s3, s30;
	s31 =	sand.u32 $0x1FFFFFFE, s6  }
0x16f: {  	[tilespmem:s14], [sflag:$0x3] =	stream.linear.gather [hbm4b:s1+s5], $0x10, $0x38;
	[tilespmem:$0x1B200] =	vst v63  }
0x170: {  	s1 =	sadd.s32 s3, s31  }
0x171: {  	[tilespmem:s15], [sflag:$0x4] =	stream.linear.gather [hbm4b:s1+s5], $0x10, $0x38;
	[tilespmem:$0x1B200] =	vst v63  }
0x172: {  	_ =	swait.ge [sflag:s16], $0x10  }
0x173: {  	[sflag:s16] =	ssyncset.done $0x0  }
0x174: {  	[sflag:s16] =	ssyncadd.s32 $0xFFFFFFF0  }
0x175: {  	_ =	swait.ge [sflag:s17], $0x10  }
0x176: {  	[sflag:s17] =	ssyncset.done $0x0  }
0x177: {  	[sflag:s17] =	ssyncadd.s32 $0xFFFFFFF0  }
0x178: {  	v7 =	vld [tilespmem:$0x1A200];
	_ =	sdelay $0x4  }
0x179: {  	vm0 =	vlt.s32 v7, v0  }
0x17a: {  	v7 =	vsel vm0, $0x1, v4  }
0x17b: {  	(xrf0) =	vadd.scan.msk.s32 $0xffff, v7;
	_ =	sdelay $0x5  }
0x17c: {  	v7, _, _ =	vpop (xrf0)  }
0x17d: {  	(v2sf) =	vpush v7, $0xF;
	v7 =	vld [tilespmem:$0x1AA00];
	_ =	sdelay $0x4  }
0x17e: {  	vm15 =	vlt.s32 v7, v1  }
0x17f: {  	v7 =	vsel vm15, $0x1, v4  }
0x180: {  	(xrf0) =	vadd.scan.msk.s32 $0xffff, v7;
	_ =	sdelay $0x5  }
0x181: {  	v7, _, _ =	vpop (xrf0)  }
0x182: {  	(v2sf) =	vpush v7, $0xF;
	_ =	sdelay $0x5  }
0x183: {  	p2 =	slt.s32 s8, $0x4E1E;
	s1 =	smov.u32 s8  }
0x184: {  	s1 =	simm.s32 @!p2 $0x4E1E;
	p2 =	sne.s32 s11, $0x1  }
.Ltmp5:
0x185: {  	_ = 	snop;
	(pc) =	sbr.rel @!p2 .LBB2_6-.Ltmp5, $4  }
0x186: {  	_ = 	snop  }
0x187: {  	p3 =	slt.s32 s10, $0x4E1E;
	s6 =	smov.u32 s10  }
0x188: {  	s6 =	simm.s32 @!p3 $0x4E1E  }
0x189: {  	s11 =	sadd.s32 $0xFFFFFFFF, s11;
	s12 =	sadd.s32 $0x1, s1;
	s1 =	spop (v2sf)  }
.LBB2_5:
0x18a: {  	s13 =	smov.u32 s0  }
0x18b: {  	s18 =	smov.u32 s9;
	p2 =	slt.s32 s1, $0x10;
	s9 =	smov.u32 s12  }
0x18c: {  	s1 =	spop (v2sf);
	s7 =	smov.u32 @p2 s8;
	s9 =	smov.u32 @p2 s18  }
0x18d: {  	s0 =	sadd.s32 $0x1, s6;
	p2 =	slt.s32 s1, $0x10;
	s1 =	sadd.s32 s9, s7  }
0x18e: {  	s2 =	smov.u32 @p2 s10;
	s0 =	smov.u32 @p2 s13;
	s8 =	sand.u32 $0x1, s1  }
0x18f: {  	s6 =	sshrl.u32 s1, $0x1F;
	p2 =	slt.s32 s1, $0x1;
	p3 =	seq.s32 s8, $0x1  }
0x190: {  	s10 =	sadd.s32 s0, s2;
	s6 =	sadd.s32 s6, s1;
	p2 =	por !p2, !p3  }
0x191: {  	p3 =	slt.s32 s10, $0x1;
	s1 =	sand.u32 $0x1, s10;
	p2 =	por !p2, !p2  }
0x192: {  	p4 =	seq.s32 s1, $0x1;
	s1 =	sshra.s32 s6, $0x1;
	s6 =	simm.s32 $0x1  }
0x193: {  	s12 =	sshrl.u32 s10, $0x1F;
	s6 =	simm.s32 @!p2 $0x0  }
0x194: {  	p2 =	por !p3, !p4;
	s8 =	ssub.s32 s1, s6  }
0x195: {  	s1 =	sadd.s32 s12, s10;
	p2 =	por !p2, !p2;
	s6 =	simm.s32 $0x1  }
0x196: {  	s1 =	sshra.s32 s1, $0x1;
	s6 =	simm.s32 @!p2 $0x0;
	s12 =	sshll.u32 s8, $0x1  }
0x197: {  	p2 =	slt.s32 s8, $0x4E1E;
	s10 =	ssub.s32 s1, s6;
	s1 =	sand.u32 $0x1FFFFFFE, s12  }
0x198: {  	s1 =	sadd.s32 s3, s1;
	s6 =	sshll.u32 s10, $0x1;
	p3 =	slt.s32 s10, $0x4E1E  }
0x199: {  	[tilespmem:s14], [sflag:$0x3] =	stream.linear.gather [hbm4b:s1+s5], $0x10, $0x38;
	[tilespmem:$0x1B200] =	vst v63  }
0x19a: {  	s12 =	smov.u32 s8;
	s1 =	sand.u32 $0x1FFFFFFE, s6;
	s6 =	smov.u32 s10  }
0x19b: {  	s12 =	simm.s32 @!p2 $0x4E1E;
	s6 =	simm.s32 @!p3 $0x4E1E  }
0x19c: {  	p2 =	sne.s32 s11, $0x1;
	s12 =	sadd.s32 $0x1, s12;
	s1 =	sadd.s32 s3, s1  }
0x19d: {  	[tilespmem:s15], [sflag:$0x4] =	stream.linear.gather [hbm4b:s1+s5], $0x10, $0x38;
	[tilespmem:$0x1B200] =	vst v63  }
0x19e: {  	s11 =	sadd.s32 $0xFFFFFFFF, s11;
	_ =	swait.ge [sflag:s16], $0x10  }
0x19f: {  	[sflag:s16] =	ssyncset.done $0x0  }
0x1a0: {  	[sflag:s16] =	ssyncadd.s32 $0xFFFFFFF0  }
0x1a1: {  	_ =	swait.ge [sflag:s17], $0x10  }
0x1a2: {  	[sflag:s17] =	ssyncset.done $0x0  }
0x1a3: {  	[sflag:s17] =	ssyncadd.s32 $0xFFFFFFF0  }
0x1a4: {  	v7 =	vld [tilespmem:$0x1A200]  }
0x1a5: {  	v8 =	vld [tilespmem:$0x1AA00];
	_ =	sdelay $0x3  }
0x1a6: {  	vm0 =	vlt.s32 v7, v0  }
0x1a7: {  	v7 =	vsel vm0, $0x1, v4;
	vm0 =	vlt.s32 v8, v1  }
0x1a8: {  	v8 =	vsel vm0, $0x1, v4;
	(xrf0) =	vadd.scan.msk.s32 $0xffff, v7  }
0x1a9: {  	(xrf0) =	vadd.scan.msk.s32 $0xffff, v8;
	_ =	sdelay $0x4  }
0x1aa: {  	v7, _, _ =	vpop (xrf0)  }
0x1ab: {  	(v2sf) =	vpush v7, $0xF;
	v7, _, _ =	vpop (xrf0)  }
0x1ac: {  	(v2sf) =	vpush v7, $0xF;
	_ =	sdelay $0x9  }
.Ltmp6:
0x1ad: {  	(pc) =	sbr.rel @p2 .LBB2_5-.Ltmp6, $2  }
0x1ae: {  	_ =	sdelay $0x2  }
0x1af: {  	s1 =	spop (v2sf)  }
.LBB2_6:
0x1b0: {  	p2 =	slt.s32 s1, $0x10  }
0x1b1: {  	s12 =	smov.u32 @p2 s9  }
0x1b2: {  	s24 =	spop (v2sf);
	s2 =	sshll.u32 s12, $0x4  }
0x1b3: {  	s6 =	sadd.s32 $0x1, s6;
	p2 =	slt.s32 s24, $0x10;
	s25 =	sshrl.u32 s2, $0x3  }
0x1b4: {  	s6 =	smov.u32 @p2 s0;
	s26 =	sadd.s32 s3, s25  }
0x1b5: {  	[tilespmem:s14], [sflag:$0x3] =	stream.linear.gather [hbm4b:s26+s5], $0x10, $0x38;
	[tilespmem:$0x1B200] =	vst v63  }
0x1b6: {  	s28 =	sshll.u32 s6, $0x4  }
0x1b7: {  	s29 =	sshrl.u32 s28, $0x3  }
0x1b8: {  	s1 =	sadd.s32 s3, s29  }
0x1b9: {  	[tilespmem:s15], [sflag:$0x4] =	stream.linear.gather [hbm4b:s1+s5], $0x10, $0x38;
	[tilespmem:$0x1B200] =	vst v63  }
0x1ba: {  	_ =	swait.ge [sflag:s16], $0x10  }
0x1bb: {  	[sflag:s16] =	ssyncset.done $0x0  }
0x1bc: {  	[sflag:s16] =	ssyncadd.s32 $0xFFFFFFF0  }
0x1bd: {  	_ =	swait.ge [sflag:s17], $0x10  }
0x1be: {  	[sflag:s17] =	ssyncset.done $0x0  }
0x1bf: {  	[sflag:s17] =	ssyncadd.s32 $0xFFFFFFF0  }
0x1c0: {  	v7 =	vld [tilespmem:$0x1A200]  }
0x1c1: {  	v8 =	vld [tilespmem:$0x1AA00];
	_ =	sdelay $0x3  }
0x1c2: {  	vm0 =	vlt.s32 v7, v0  }
0x1c3: {  	vm15 =	vlt.s32 v8, v1;
	v7 =	vsel vm0, $0x1, v4  }
0x1c4: {  	(xrf0) =	vadd.scan.msk.s32 $0xffff, v7;
	v7 =	vsel vm15, $0x1, v4  }
0x1c5: {  	(xrf0) =	vadd.scan.msk.s32 $0xffff, v7;
	_ =	sdelay $0x4  }
0x1c6: {  	v7, _, _ =	vpop (xrf0)  }
0x1c7: {  	(v2sf) =	vpush v7, $0xF;
	v7, _, _ =	vpop (xrf0)  }
0x1c8: {  	(v2sf) =	vpush v7, $0xF;
	_ =	sdelay $0xd  }
0x1c9: {  	s30 =	spop (v2sf)  }
0x1ca: {  	s31 =	spop (v2sf)  }
0x1cb: {  	s18 =	rddreg [dreg:$0x0];
	s19 =	sadd.s32 s2, s30;
	s20 =	sadd.s32 s28, s31  }
.LBB2_7:
0x1cc: {  	s0 =	sshra.s32 s19, $0x1F;
	s1 =	sand.u32 $0xFF, s19  }
0x1cd: {  	s2 =	sadd.s32 $0xFF, s20;
	p2 =	slt.s32 s19, $0x1;
	s6 =	simm.s32 $0x1  }
0x1ce: {  	s0 =	sshrl.u32 s0, $0x18;
	p3 =	sne.s32 s1, $0x0;
	s25 =	sand.u32 $0xFF, s2  }
0x1cf: {  	p6 =	slt.s32 s2, $0x1;
	s26 =	sshra.s32 s2, $0x1F;
	s0 =	sadd.s32 s0, s19  }
0x1d0: {  	p2 =	por !p2, !p3;
	p4 =	sne.s32 s25, $0x0;
	s1 =	sshrl.u32 s26, $0x18  }
0x1d1: {  	p3 =	por !p6, !p4;
	s0 =	sshra.s32 s0, $0x8;
	p2 =	por !p2, !p2  }
0x1d2: {  	s1 =	sadd.s32 s1, s2;
	s2 =	simm.s32 $0x1;
	p3 =	por !p3, !p3  }
0x1d3: {  	s6 =	simm.s32 @!p2 $0x0;
	s1 =	sshra.s32 s1, $0x8;
	s2 =	simm.s32 @!p3 $0x0  }
0x1d4: {  	s21 =	ssub.s32 s0, s6;
	s22 =	ssub.s32 s1, s2  }
0x1d5: {  	p2 =	sle.s32 s22, s21  }
0x1d6: {  	s0 =	sshll.u32 @!p2 s21, $0xC  }
0x1d7: {  	s28 =	ssub.s32 s22, s21;
	s0 =	sand.u32 @!p2 $0x1FFFF000, s0  }
0x1d8: {  	s1 =	simm.s32 @!p2 $0x0;
	s2 =	simm.s32 @!p2 $0xA000;
	s0 =	sadd.s32 @!p2 s18, s0  }
0x1d9: {  	[tilespmem:s2], [sflag:$0x1] =	stream.linear.gather @!p2 [hbm4b:s0+s1], $0x8000, $0x38;
	[tilespmem:$0x1B200] =	vst v63  }
0x1da: {  	s29 =	sadd.s32 $0x1, s28;
	s0 =	sshll.u32 @!p2 s21, $0x5  }
0x1db: {  	p5 =	slt.s32 s28, $0x0;
	s30 =	sand.u32 $0x1, s29;
	s0 =	sand.u32 @!p2 $0x1FFFFFE0, s0  }
0x1dc: {  	p6 =	seq.s32 s30, $0x1;
	s2 =	simm.s32 @!p2 $0x1A000;
	s0 =	sadd.s32 @!p2 s3, s0  }
0x1dd: {  	[tilespmem:s2], [sflag:$0x1] =	stream.linear.gather @!p2 [hbm4b:s0+s1], $0x100, $0x38;
	[tilespmem:$0x1B200] =	vst v63  }
0x1de: {  	s31 =	sshrl.u32 s29, $0x1F;
	p2 =	por !p5, !p6  }
0x1df: {  	s0 =	sadd.s32 s31, s29;
	s1 =	simm.s32 $0x1;
	p2 =	por !p2, !p2  }
0x1e0: {  	s0 =	sshra.s32 s0, $0x1;
	s1 =	simm.s32 @!p2 $0x0  }
0x1e1: {  	s0 =	ssub.s32 s0, s1  }
0x1e2: {  	p2 =	slt.s32 s0, $0x1  }
.Ltmp7:
0x1e3: {  	_ = 	snop;
	(pc) =	sbr.rel @p2 .LBB2_8-.Ltmp7, $2  }
0x1e4: {  	_ =	sdelay $0x2  }
0x1e5: {  	[dreg:$0xd] =	wrdreg s0  }
.Ltmp8:
0x1e6: {  	(pc) =	sbr.rel .LBB2_10-.Ltmp8, $4  }
0x1e7: {  	_ = 	snop  }
0x1e8: {  	[dreg:$0xc] =	wrdreg s23;
	s0 =	sshll.u32 s21, $0x8;
	v7 =	vimm.f32 $+Inf;
	v10 =	vimm.f32 $+Inf  }
0x1e9: {  	v12 =	vimm.f32 $+Inf;
	v13 =	vimm.f32 $+Inf;
	v8 =	vimm.f32 $+Inf;
	s29 =	simm.s32 $0x0;
	s24 =	ssub.s32 s20, s0;
	s25 =	ssub.s32 s19, s0  }
0x1ea: {  	v9 =	vimm.f32 $+Inf;
	v11 =	vimm.f32 $+Inf;
	v14 =	vimm.f32 $+Inf;
	s30 =	simm.s32 $0x0;
	s26 =	sadd.s32 $0xFFFFFF00, s24;
	s28 =	sadd.s32 $0xFFFFFF00, s25  }
.LBB2_25:
0x1eb: {  	v14 =	vpsel p2, v14, v14;
	v11 =	vpsel p2, v11, v11  }
0x1ec: {  	v9 =	vpsel p2, v9, v9;
	v8 =	vpsel p2, v8, v8;
	v13 =	vpsel p2, v13, v13  }
0x1ed: {  	v12 =	vpsel p2, v12, v12;
	v10 =	vpsel p2, v10, v10;
	v7 =	vpsel p2, v7, v7;
	s29 =	smov.u32 @p2 s29  }
.LBB2_38:
0x1ee: {  	s30 =	sadd.s32 $0x1, s30;
	s0 =	rddreg [dreg:$0xd]  }
0x1ef: {  	p2 =	sne.s32 s30, s0  }
.Ltmp9:
0x1f0: {  	_ = 	snop;
	(pc) =	sbr.rel @!p2 .LBB2_39-.Ltmp9, $3  }
0x1f1: {  	_ =	sdelay $0x1  }
0x1f2: {  	s24 =	sadd.s32 $0xFFFFFE00, s24  }
0x1f3: {  	s25 =	sadd.s32 $0xFFFFFE00, s25;
	s26 =	sadd.s32 $0xFFFFFE00, s26;
	s28 =	sadd.s32 $0xFFFFFE00, s28  }
.LBB2_10:
0x1f4: {  	s0 =	sshll.u32 s30, $0x1  }
0x1f5: {  	s2 =	sadd.s32 s21, s0  }
0x1f6: {  	s31 =	sadd.s32 $0x1, s2  }
0x1f7: {  	p2 =	sge.s32 s31, s22  }
0x1f8: {  	s0 =	sshll.u32 @!p2 s31, $0xC  }
0x1f9: {  	s0 =	sand.u32 @!p2 $0x1FFFF000, s0  }
0x1fa: {  	s1 =	simm.s32 @!p2 $0x0;
	s6 =	simm.s32 @!p2 $0x12000;
	s0 =	sadd.s32 @!p2 s18, s0  }
0x1fb: {  	[tilespmem:s6], [sflag:$0x2] =	stream.linear.gather @!p2 [hbm4b:s0+s1], $0x8000, $0x38;
	[tilespmem:$0x1B200] =	vst v63  }
0x1fc: {  	s0 =	sshll.u32 @!p2 s31, $0x5  }
0x1fd: {  	s0 =	sand.u32 @!p2 $0x1FFFFFE0, s0  }
0x1fe: {  	p3 =	sge.s32 s2, s22;
	s6 =	simm.s32 @!p2 $0x1A100;
	s0 =	sadd.s32 @!p2 s3, s0  }
0x1ff: {  	[tilespmem:s6], [sflag:$0x2] =	stream.linear.gather @!p2 [hbm4b:s0+s1], $0x100, $0x38;
	[tilespmem:$0x1B200] =	vst v63  }
0x200: {  	s1 =	simm.s32 @!p3 $0x1;
	s6 =	sshll.u32 @!p3 s2, $0x8  }
0x201: {  	_ =	swait.ge @!p3 [sflag:s1], $0x8000;
	s0 =	ssub.s32 @!p3 s19, s6;
	s6 =	ssub.s32 @!p3 s20, s6  }
0x202: {  	[sflag:s1] =	ssyncset.done @!p3 $0x0;
	p4 =	sgt.s32 @!p3 s0, $0x0;
	p5 =	slt.s32 @!p3 s6, $0x100  }
0x203: {  	p6 =	slt.s32 @!p3 s0, $0x1;
	s9 =	smov.u32 s6;
	[sflag:s1] =	ssyncadd.s32 @!p3 $0xFFFF8000  }
0x204: {  	p4 =	por !p4, p3;
	p5 =	por !p5, p3;
	_ =	swait.ge @!p3 [sflag:s1], $0x100  }
0x205: {  	s0 =	simm.s32 @p4 $0x0;
	s9 =	simm.s32 @p5 $0x100;
	p5 =	slt.s32 @!p3 s6, $0xFFFFFFF2  }
0x206: {  	[sflag:s1] =	ssyncset.done @!p3 $0x0;
	s7 =	sand.u32 @!p3 $0xF, s0;
	s8 =	sadd.s32 @!p3 $0xF, s9  }
0x207: {  	s10 =	sshrl.u32 @!p3 s0, $0x4;
	p4 =	sne.s32 @!p3 s7, $0x0;
	s7 =	sand.u32 @!p3 $0xF, s8  }
0x208: {  	s6 =	sshra.s32 @!p3 s8, $0x1F;
	p4 =	por @!p3 !p6, !p4;
	p6 =	sne.s32 @!p3 s7, $0x0  }
0x209: {  	[sflag:s1] =	ssyncadd.s32 @!p3 $0xFFFFFF00;
	s6 =	sshrl.u32 @!p3 s6, $0x1C;
	p5 =	por @!p3 !p5, !p6  }
0x20a: {  	s7 =	simm.s32 @!p3 $0x1;
	p4 =	por @!p3 !p4, !p4;
	p5 =	por @!p3 !p5, !p5  }
0x20b: {  	s6 =	sadd.s32 @!p3 s6, s8;
	p4 =	por !p4, p3;
	p5 =	por !p5, p3  }
0x20c: {  	s6 =	sshra.s32 @!p3 s6, $0x4;
	s7 =	simm.s32 @p4 $0x0;
	s1 =	simm.s32 @p5 $0x0  }
0x20d: {  	s10 =	ssub.s32 @!p3 s10, s7;
	s7 =	ssub.s32 @!p3 s6, s1  }
0x20e: {  	p5 =	sge.s32 @!p3 s10, s7  }
0x20f: {  	p5 =	por p3, p5  }
.Ltmp10:
0x210: {  	_ = 	snop;
	(pc) =	sbr.rel @p5 .LBB2_11-.Ltmp10, $1  }
0x211: {  	_ =	sdelay $0x3  }
0x212: {  	s1 =	simm.s32 @!p3 $0xFFFFFFFF;
	p3 =	sgt.s32 s25, $0x0  }
.Ltmp11:
0x213: {  	s6 =	smov.u32 s25;
	s1 =	simm.s32 @p4 $0x0;
	(pc) =	sbr.rel .LBB2_13-.Ltmp11, $4  }
0x214: {  	s12 =	smov.u32 s24;
	s6 =	simm.s32 @!p3 $0x0;
	s8 =	sshll.u32 s1, $0x4  }
0x215: {  	p3 =	slt.s32 s24, $0x100;
	s11 =	sshrl.u32 s6, $0x4;
	s6 =	sadd.s32 s8, s6  }
0x216: {  	s12 =	simm.s32 @!p3 $0x100;
	s1 =	sadd.s32 s1, s11;
	s6 =	sand.u32 $0xFFFFFFF0, s6  }
0x217: {  	s11 =	sshll.u32 s1, $0x4;
	s8 =	ssub.s32 s12, s6  }
.LBB2_23:
0x218: {  	s10 =	sadd.s32 $0x1, s10  }
0x219: {  	p3 =	slt.s32 s10, s7  }
.Ltmp12:
0x21a: {  	_ = 	snop;
	(pc) =	sbr.rel @!p3 .LBB2_24-.Ltmp12, $2  }
0x21b: {  	_ =	sdelay $0x2  }
0x21c: {  	s8 =	sadd.s32 $0xFFFFFFF0, s8;
	s11 =	sadd.s32 $0x10, s11  }
.LBB2_13:
0x21d: {  	s1 =	sshll.u32 s10, $0x4  }
0x21e: {  	s12 =	ssub.s32 s0, s1;
	s13 =	ssub.s32 s9, s1  }
0x21f: {  	p3 =	sgt.s32 s12, $0x0;
	p4 =	slt.s32 s13, $0x10  }
0x220: {  	s12 =	simm.s32 @!p3 $0x0;
	s13 =	simm.s32 @!p4 $0x10  }
0x221: {  	p3 =	sge.s32 s12, s13  }
.Ltmp13:
0x222: {  	_ = 	snop;
	(pc) =	sbr.rel @p3 .LBB2_23-.Ltmp13, $1  }
0x223: {  	_ =	sdelay $0x3  }
0x224: {  	v15 =	vld [tilespmem:s1+$0x1A000]  }
.Ltmp14:
0x225: {  	_ = 	snop;
	(pc) =	sbr.rel .LBB2_16-.Ltmp14, $2  }
0x226: {  	_ =	sdelay $0x2  }
0x227: {  	v16 =	vxor.u32 $0x80000000, v15  }
.LBB2_18:
0x228: {  	v22 =	vmovc v13;
	v23 =	vmov v12;
	v24 =	vmov v10;
	v25 =	vmov v14  }
.LBB2_22:
0x229: {  	v26 =	vld [tilespmem:s18+$0xFFFFFFD0]  }
0x22a: {  	v27 =	vld [tilespmem:s18+$0xFFFFFFE0]  }
0x22b: {  	v28 =	vld [tilespmem:s18+$0xFFFFFFF0]  }
0x22c: {  	v29 =	vld [tilespmem:s18+$0x0]  }
0x22d: {  	v30 =	vld [tilespmem:s18+$0x10]  }
0x22e: {  	v31 =	vld [tilespmem:s18+$0x20]  }
0x22f: {  	v18 =	vmin.f32 @p3 v22, v18;
	v63 =	vld [tilespmem:s18+$0xFFFFFFC0]  }
0x230: {  	v19 =	vmin.f32 @p3 v23, v19;
	v20 =	vmin.f32 @p3 v24, v20;
	v21 =	vmin.f32 @p3 v25, v21  }
0x231: {  	v7 =	vmin.f32 v7, v17;
	v13 =	vpsel p3, v18, v13;
	v12 =	vpsel p3, v19, v12  }
0x232: {  	v10 =	vpsel p3, v20, v10;
	v14 =	vpsel p3, v21, v14;
	v11 =	vmin.f32 v11, v26  }
0x233: {  	v9 =	vmin.f32 v9, v27;
	v8 =	vmin.f32 v8, v28;
	v13 =	vmin.f32 v13, v29  }
0x234: {  	v12 =	vmin.f32 v12, v30;
	v10 =	vmin.f32 v10, v31;
	v14 =	vmin.f32 v14, v63  }
.LBB2_15:
0x235: {  	p3 =	sge.s32 s6, s13  }
.Ltmp15:
0x236: {  	_ = 	snop;
	(pc) =	sbr.rel @p3 .LBB2_23-.Ltmp15, $1  }
0x237: {  	_ =	sdelay $0x3  }
.LBB2_16:
0x238: {  	v17 =	vmov s12  }
0x239: {  	vm0 =	veq.s32 v17, v3  }
0x23a: {  	v18 =	vnsel vm0, $0x7FFFFFFF, v16  }
0x23b: {  	(xrf0) =	vmax.scan.msk.u32 $0xffff, v18;
	_ =	sdelay $0x5  }
0x23c: {  	v18, _, _ =	vpop (xrf0)  }
0x23d: {  	(v2sf) =	vpush v18, $0xF;
	_ =	sdelay $0xe  }
0x23e: {  	s1 =	spop (v2sf)  }
0x23f: {  	s1 =	sxor.u32 $0x80000000, s1  }
0x240: {  	vm1 =	vlt.s32 v17, v5;
	vm15 =	vne.s32 v15, s1  }
0x241: {  	vm0 =	vmand vm1, vm15  }
0x242: {  	v17 =	vnsel vm0, $0x80000010, v6  }
0x243: {  	(xrf0) =	vmin.scan.msk.u32 $0xffff, v17;
	_ =	sdelay $0x5  }
0x244: {  	v17, _, _ =	vpop (xrf0)  }
0x245: {  	(v2sf) =	vpush v17, $0xF;
	_ =	sdelay $0xc  }
0x246: {  	s6 =	smov.u32 s29;
	s29 =	ssub.s32 s1, s4  }
0x247: {  	p3 =	seq.s32 s29, s6  }
0x248: {  	s1 =	sshll.u32 @!p3 s6, $0x9;
	s23 =	spop (v2sf)  }
0x249: {  	s1 =	sshra.s32 @!p3 s1, $0x2;
	s6 =	sxor.u32 $0x80000000, s23  }
0x24a: {  	s18 =	smov.u32 s12;
	s12 =	smov.u32 s13;
	[tilespmem:s1+$0x0] =	vst @!p3 v14;
	p4 =	slt.s32 s6, s13  }
0x24b: {  	[tilespmem:s1+$0x10] =	vst @!p3 v11;
	s12 =	smov.u32 @p4 s6  }
0x24c: {  	[tilespmem:s1+$0x30] =	vst @!p3 v8;
	p4 =	sge.s32 s18, s12  }
.Ltmp16:
0x24d: {  	[tilespmem:s1+$0x40] =	vst @!p3 v13;
	(pc) =	sbr.rel @p4 .LBB2_15-.Ltmp16, $4  }
0x24e: {  	[tilespmem:s1+$0x60] =	vst @!p3 v10  }
0x24f: {  	[tilespmem:s1+$0x70] =	vst @!p3 v7;
	v7 =	vpsel !p3, $0x7F800000, v7;
	v10 =	vpsel !p3, $0x7F800000, v10  }
0x250: {  	[tilespmem:s1+$0x50] =	vst @!p3 v12;
	v12 =	vpsel !p3, $0x7F800000, v12;
	v13 =	vpsel !p3, $0x7F800000, v13;
	v8 =	vpsel !p3, $0x7F800000, v8  }
0x251: {  	[tilespmem:s1+$0x20] =	vst @!p3 v9;
	v9 =	vpsel !p3, $0x7F800000, v9;
	v11 =	vpsel !p3, $0x7F800000, v11;
	v14 =	vpsel !p3, $0x7F800000, v14  }
0x252: {  	p3 =	slt.s32 s8, s6;
	s1 =	smov.u32 s6  }
0x253: {  	s1 =	smov.u32 @p3 s8  }
0x254: {  	p3 =	slt.s32 s1, $0x10  }
0x255: {  	s1 =	simm.s32 @!p3 $0x10  }
0x256: {  	s1 =	ssub.s32 s1, s18  }
0x257: {  	p4 =	seq.s32 s1, $0x1  }
.Ltmp17:
0x258: {  	s23 =	sadd.s32 s18, s11;
	(pc) =	sbr.rel @p4 .LBB2_18-.Ltmp17, $4  }
0x259: {  	s23 =	sshll.u32 s23, $0x9  }
0x25a: {  	s23 =	sshra.s32 s23, $0x2  }
0x25b: {  	s18 =	sadd.s32 $0xA040, s23  }
0x25c: {  	p3 =	por $0x0, $0x0;
	v17 =	vld [tilespmem:s18+$0x30];
	s1 =	sadd.s32 $0xFFFFFFFF, s1  }
0x25d: {  	v22 =	vld [tilespmem:s18+$0xFFFFFFD0]  }
0x25e: {  	v23 =	vld [tilespmem:s18+$0xFFFFFFE0]  }
0x25f: {  	v24 =	vld [tilespmem:s18+$0xFFFFFFF0];
	p4 =	seq.s32 s1, $0x1  }
.Ltmp18:
0x260: {  	v18 =	vld [tilespmem:s18+$0x0];
	(pc) =	sbr.rel @p4 .LBB2_20-.Ltmp18, $4  }
0x261: {  	v19 =	vld [tilespmem:s18+$0x10]  }
0x262: {  	v20 =	vld [tilespmem:s18+$0x20]  }
0x263: {  	v21 =	vld [tilespmem:s18+$0xFFFFFFC0];
	s18 =	sadd.s32 $0x80, s18;
	v25 =	vmov v14;
	v7 =	vmin.f32 v7, v17;
	v11 =	vmin.f32 v11, v22  }
0x264: {  	s1 =	sadd.s32 $0xFFFFFFFF, s1;
	p3 =	por $0x1, $0x1;
	v17 =	vld [tilespmem:s18+$0x30];
	v9 =	vmin.f32 v9, v23;
	v8 =	vmin.f32 v8, v24;
	v22 =	vmovc v13;
	v23 =	vmovc v12;
	v24 =	vmov v10  }
.LBB2_21:
0x265: {  	p4 =	seq.s32 s1, $0x1;
	v26 =	vld [tilespmem:s18+$0xFFFFFFD0];
	v22 =	vmin.f32 v22, v18  }
0x266: {  	v23 =	vmin.f32 v23, v19;
	v27 =	vld [tilespmem:s18+$0xFFFFFFE0]  }
0x267: {  	v24 =	vmin.f32 v24, v20;
	v28 =	vld [tilespmem:s18+$0xFFFFFFF0]  }
.Ltmp19:
0x268: {  	v25 =	vmin.f32 v25, v21;
	v18 =	vld [tilespmem:s18+$0x0];
	(pc) =	sbr.rel @!p4 .LBB2_21-.Ltmp19, $4  }
0x269: {  	v7 =	vmin.f32 v7, v17;
	v19 =	vld [tilespmem:s18+$0x10]  }
0x26a: {  	v11 =	vmin.f32 v11, v26;
	v20 =	vld [tilespmem:s18+$0x20]  }
0x26b: {  	v21 =	vld [tilespmem:s18+$0xFFFFFFC0];
	v9 =	vmin.f32 v9, v27;
	s18 =	sadd.s32 $0x80, s18  }
0x26c: {  	s1 =	sadd.s32 $0xFFFFFFFF, s1;
	v17 =	vld [tilespmem:s18+$0x30];
	v8 =	vmin.f32 v8, v28  }
.Ltmp20:
0x26d: {  	_ = 	snop;
	(pc) =	sbr.rel .LBB2_22-.Ltmp20, $1  }
0x26e: {  	_ =	sdelay $0x3  }
.LBB2_20:
.Ltmp21:
0x26f: {  	(pc) =	sbr.rel .LBB2_22-.Ltmp21, $2  }
0x270: {  	_ =	sdelay $0x2  }
0x271: {  	v22 =	vmovc v13;
	v23 =	vmov v12;
	v24 =	vmov v10;
	v25 =	vmov v14  }
.LBB2_11:
0x272: {  	v14 =	vpsel p3, v14, v14;
	v11 =	vpsel p3, v11, v11  }
0x273: {  	v9 =	vpsel p3, v9, v9;
	v8 =	vpsel p3, v8, v8;
	v13 =	vpsel p3, v13, v13  }
0x274: {  	v12 =	vpsel p3, v12, v12;
	v10 =	vpsel p3, v10, v10;
	v7 =	vpsel p3, v7, v7;
	s29 =	smov.u32 @p3 s29  }
.LBB2_24:
0x275: {  	s0 =	sadd.s32 $0x2, s2  }
0x276: {  	p3 =	sge.s32 s0, s22  }
0x277: {  	s18 =	rddreg [dreg:$0x0];
	s1 =	sshll.u32 @!p3 s0, $0xC  }
0x278: {  	s2 =	simm.s32 @!p3 $0x0;
	s0 =	sshll.u32 @!p3 s0, $0x5;
	s1 =	sand.u32 @!p3 $0x1FFFF000, s1  }
0x279: {  	s6 =	simm.s32 @!p3 $0xA000;
	s0 =	sand.u32 @!p3 $0x1FFFFFE0, s0;
	s1 =	sadd.s32 @!p3 s18, s1  }
0x27a: {  	[tilespmem:s6], [sflag:$0x1] =	stream.linear.gather @!p3 [hbm4b:s1+s2], $0x8000, $0x38;
	[tilespmem:$0x1B200] =	vst v63  }
0x27b: {  	s0 =	sadd.s32 @!p3 s3, s0;
	s1 =	simm.s32 @!p3 $0x1A000  }
0x27c: {  	[tilespmem:s1], [sflag:$0x1] =	stream.linear.gather @!p3 [hbm4b:s0+s2], $0x100, $0x38;
	[tilespmem:$0x1B200] =	vst v63  }
0x27d: {  	s0 =	sshll.u32 @!p2 s31, $0x8  }
0x27e: {  	s2 =	ssub.s32 @!p2 s19, s0  }
0x27f: {  	s1 =	ssub.s32 @!p2 s20, s0;
	p3 =	sgt.s32 @!p2 s2, $0x0  }
0x280: {  	p4 =	slt.s32 @!p2 s2, $0x1;
	p5 =	slt.s32 @!p2 s1, $0x100;
	p3 =	por !p3, p2  }
0x281: {  	s0 =	smov.u32 s1;
	s2 =	simm.s32 @p3 $0x0;
	p3 =	por !p5, p2  }
0x282: {  	s0 =	simm.s32 @p3 $0x100;
	s7 =	sand.u32 @!p2 $0xF, s2  }
0x283: {  	p3 =	sne.s32 @!p2 s7, $0x0;
	s7 =	sadd.s32 @!p2 $0xF, s0  }
0x284: {  	s10 =	simm.s32 @!p2 $0x1;
	s8 =	sshrl.u32 @!p2 s2, $0x4;
	s9 =	sand.u32 @!p2 $0xF, s7  }
0x285: {  	p3 =	por @!p2 !p4, !p3;
	p4 =	slt.s32 @!p2 s1, $0xFFFFFFF2;
	p5 =	sne.s32 @!p2 s9, $0x0  }
0x286: {  	s1 =	sshra.s32 @!p2 s7, $0x1F;
	p3 =	por @!p2 !p3, !p3;
	p4 =	por @!p2 !p4, !p5  }
0x287: {  	s1 =	sshrl.u32 @!p2 s1, $0x1C;
	p3 =	por !p3, p2;
	p4 =	por @!p2 !p4, !p4  }
0x288: {  	s1 =	sadd.s32 @!p2 s1, s7;
	s7 =	simm.s32 @!p2 $0x1;
	p4 =	por !p4, p2  }
0x289: {  	s7 =	simm.s32 @p3 $0x0;
	s1 =	sshra.s32 @!p2 s1, $0x4;
	s10 =	simm.s32 @p4 $0x0  }
0x28a: {  	s9 =	ssub.s32 @!p2 s8, s7;
	s31 =	ssub.s32 @!p2 s1, s10  }
0x28b: {  	s6 =	simm.s32 @!p2 $0x2;
	p4 =	sge.s32 @!p2 s9, s31  }
0x28c: {  	_ =	swait.ge @!p2 [sflag:s6], $0x8000;
	p4 =	por p2, p4  }
.Ltmp22:
0x28d: {  	[sflag:s6] =	ssyncset.done @!p2 $0x0;
	(pc) =	sbr.rel @p4 .LBB2_25-.Ltmp22, $4  }
0x28e: {  	[sflag:s6] =	ssyncadd.s32 @!p2 $0xFFFF8000  }
0x28f: {  	_ =	swait.ge @!p2 [sflag:s6], $0x100  }
0x290: {  	[sflag:s6] =	ssyncset.done @!p2 $0x0  }
0x291: {  	[sflag:s6] =	ssyncadd.s32 @!p2 $0xFFFFFF00  }
0x292: {  	s1 =	simm.s32 @!p2 $0xFFFFFFFF;
	p2 =	sgt.s32 s28, $0x0  }
.Ltmp23:
0x293: {  	s6 =	smov.u32 s28;
	s1 =	simm.s32 @p3 $0x0;
	(pc) =	sbr.rel .LBB2_27-.Ltmp23, $4  }
0x294: {  	s10 =	smov.u32 s26;
	s6 =	simm.s32 @!p2 $0x0;
	s7 =	sshll.u32 s1, $0x4  }
0x295: {  	p2 =	slt.s32 s26, $0x100;
	s8 =	sshrl.u32 s6, $0x4;
	s6 =	sadd.s32 s7, s6  }
0x296: {  	s10 =	simm.s32 @!p2 $0x100;
	s1 =	sadd.s32 s1, s8;
	s6 =	sand.u32 $0xFFFFFFF0, s6  }
0x297: {  	s8 =	sshll.u32 s1, $0x4;
	s7 =	ssub.s32 s10, s6  }
.LBB2_37:
0x298: {  	s9 =	sadd.s32 $0x1, s9  }
0x299: {  	p2 =	slt.s32 s9, s31  }
.Ltmp24:
0x29a: {  	_ = 	snop;
	(pc) =	sbr.rel @!p2 .LBB2_38-.Ltmp24, $2  }
0x29b: {  	_ =	sdelay $0x2  }
0x29c: {  	s7 =	sadd.s32 $0xFFFFFFF0, s7;
	s8 =	sadd.s32 $0x10, s8  }
.LBB2_27:
0x29d: {  	s1 =	sshll.u32 s9, $0x4  }
0x29e: {  	s11 =	ssub.s32 s2, s1;
	s10 =	ssub.s32 s0, s1  }
0x29f: {  	p2 =	sgt.s32 s11, $0x0;
	p3 =	slt.s32 s10, $0x10  }
0x2a0: {  	s11 =	simm.s32 @!p2 $0x0;
	s10 =	simm.s32 @!p3 $0x10  }
0x2a1: {  	p2 =	sge.s32 s11, s10  }
.Ltmp25:
0x2a2: {  	_ = 	snop;
	(pc) =	sbr.rel @p2 .LBB2_37-.Ltmp25, $1  }
0x2a3: {  	_ =	sdelay $0x3  }
0x2a4: {  	v15 =	vld [tilespmem:s1+$0x1A100]  }
.Ltmp26:
0x2a5: {  	_ = 	snop;
	(pc) =	sbr.rel .LBB2_30-.Ltmp26, $2  }
0x2a6: {  	_ =	sdelay $0x2  }
0x2a7: {  	v16 =	vxor.u32 $0x80000000, v15  }
.LBB2_32:
0x2a8: {  	v22 =	vmovc v13;
	v23 =	vmov v12;
	v24 =	vmov v10;
	v25 =	vmov v14  }
.LBB2_36:
0x2a9: {  	v26 =	vld [tilespmem:s12+$0xFFFFFFD0]  }
0x2aa: {  	v27 =	vld [tilespmem:s12+$0xFFFFFFE0]  }
0x2ab: {  	v28 =	vld [tilespmem:s12+$0xFFFFFFF0]  }
0x2ac: {  	v29 =	vld [tilespmem:s12+$0x0]  }
0x2ad: {  	v30 =	vld [tilespmem:s12+$0x10]  }
0x2ae: {  	v31 =	vld [tilespmem:s12+$0x20]  }
0x2af: {  	v18 =	vmin.f32 @p2 v22, v18;
	v63 =	vld [tilespmem:s12+$0xFFFFFFC0]  }
0x2b0: {  	v19 =	vmin.f32 @p2 v23, v19;
	v20 =	vmin.f32 @p2 v24, v20;
	v21 =	vmin.f32 @p2 v25, v21  }
0x2b1: {  	v7 =	vmin.f32 v7, v17;
	v13 =	vpsel p2, v18, v13;
	v12 =	vpsel p2, v19, v12  }
0x2b2: {  	v10 =	vpsel p2, v20, v10;
	v14 =	vpsel p2, v21, v14;
	v11 =	vmin.f32 v11, v26  }
0x2b3: {  	v9 =	vmin.f32 v9, v27;
	v8 =	vmin.f32 v8, v28;
	v13 =	vmin.f32 v13, v29  }
0x2b4: {  	v12 =	vmin.f32 v12, v30;
	v10 =	vmin.f32 v10, v31;
	v14 =	vmin.f32 v14, v63  }
.LBB2_29:
0x2b5: {  	p2 =	sge.s32 s6, s10  }
.Ltmp27:
0x2b6: {  	_ = 	snop;
	(pc) =	sbr.rel @p2 .LBB2_37-.Ltmp27, $1  }
0x2b7: {  	_ =	sdelay $0x3  }
.LBB2_30:
0x2b8: {  	v17 =	vmov s11  }
0x2b9: {  	vm0 =	veq.s32 v17, v3  }
0x2ba: {  	v18 =	vnsel vm0, $0x7FFFFFFF, v16  }
0x2bb: {  	(xrf0) =	vmax.scan.msk.u32 $0xffff, v18;
	_ =	sdelay $0x5  }
0x2bc: {  	v18, _, _ =	vpop (xrf0)  }
0x2bd: {  	(v2sf) =	vpush v18, $0xF;
	_ =	sdelay $0xe  }
0x2be: {  	s1 =	spop (v2sf)  }
0x2bf: {  	s1 =	sxor.u32 $0x80000000, s1  }
0x2c0: {  	vm1 =	vlt.s32 v17, v5;
	vm15 =	vne.s32 v15, s1  }
0x2c1: {  	vm0 =	vmand vm1, vm15  }
0x2c2: {  	v17 =	vnsel vm0, $0x80000010, v6  }
0x2c3: {  	(xrf0) =	vmin.scan.msk.u32 $0xffff, v17;
	_ =	sdelay $0x5  }
0x2c4: {  	v17, _, _ =	vpop (xrf0)  }
0x2c5: {  	(v2sf) =	vpush v17, $0xF;
	_ =	sdelay $0xc  }
0x2c6: {  	s6 =	smov.u32 s29;
	s29 =	ssub.s32 s1, s4  }
0x2c7: {  	p2 =	seq.s32 s29, s6  }
0x2c8: {  	s1 =	sshll.u32 @!p2 s6, $0x9;
	s23 =	spop (v2sf)  }
0x2c9: {  	s1 =	sshra.s32 @!p2 s1, $0x2;
	s6 =	sxor.u32 $0x80000000, s23  }
0x2ca: {  	s12 =	smov.u32 s11;
	s11 =	smov.u32 s10;
	[tilespmem:s1+$0x0] =	vst @!p2 v14;
	p3 =	slt.s32 s6, s10  }
0x2cb: {  	[tilespmem:s1+$0x10] =	vst @!p2 v11;
	s11 =	smov.u32 @p3 s6  }
0x2cc: {  	[tilespmem:s1+$0x30] =	vst @!p2 v8;
	p3 =	sge.s32 s12, s11  }
.Ltmp28:
0x2cd: {  	[tilespmem:s1+$0x40] =	vst @!p2 v13;
	(pc) =	sbr.rel @p3 .LBB2_29-.Ltmp28, $4  }
0x2ce: {  	[tilespmem:s1+$0x60] =	vst @!p2 v10  }
0x2cf: {  	[tilespmem:s1+$0x70] =	vst @!p2 v7;
	v7 =	vpsel !p2, $0x7F800000, v7;
	v10 =	vpsel !p2, $0x7F800000, v10  }
0x2d0: {  	[tilespmem:s1+$0x50] =	vst @!p2 v12;
	v12 =	vpsel !p2, $0x7F800000, v12;
	v13 =	vpsel !p2, $0x7F800000, v13;
	v8 =	vpsel !p2, $0x7F800000, v8  }
0x2d1: {  	[tilespmem:s1+$0x20] =	vst @!p2 v9;
	v9 =	vpsel !p2, $0x7F800000, v9;
	v11 =	vpsel !p2, $0x7F800000, v11;
	v14 =	vpsel !p2, $0x7F800000, v14  }
0x2d2: {  	p2 =	slt.s32 s7, s6;
	s1 =	smov.u32 s6  }
0x2d3: {  	s1 =	smov.u32 @p2 s7  }
0x2d4: {  	p2 =	slt.s32 s1, $0x10  }
0x2d5: {  	s1 =	simm.s32 @!p2 $0x10  }
0x2d6: {  	s1 =	ssub.s32 s1, s12  }
0x2d7: {  	p3 =	seq.s32 s1, $0x1  }
.Ltmp29:
0x2d8: {  	s13 =	sadd.s32 s12, s8;
	(pc) =	sbr.rel @p3 .LBB2_32-.Ltmp29, $4  }
0x2d9: {  	s13 =	sshll.u32 s13, $0x9  }
0x2da: {  	s23 =	sshra.s32 s13, $0x2  }
0x2db: {  	s12 =	sadd.s32 $0x12040, s23  }
0x2dc: {  	p2 =	por $0x0, $0x0;
	v17 =	vld [tilespmem:s12+$0x30];
	s1 =	sadd.s32 $0xFFFFFFFF, s1  }
0x2dd: {  	v22 =	vld [tilespmem:s12+$0xFFFFFFD0]  }
0x2de: {  	v23 =	vld [tilespmem:s12+$0xFFFFFFE0]  }
0x2df: {  	v24 =	vld [tilespmem:s12+$0xFFFFFFF0];
	p3 =	seq.s32 s1, $0x1  }
.Ltmp30:
0x2e0: {  	v18 =	vld [tilespmem:s12+$0x0];
	(pc) =	sbr.rel @p3 .LBB2_34-.Ltmp30, $4  }
0x2e1: {  	v19 =	vld [tilespmem:s12+$0x10]  }
0x2e2: {  	v20 =	vld [tilespmem:s12+$0x20]  }
0x2e3: {  	v21 =	vld [tilespmem:s12+$0xFFFFFFC0];
	s12 =	sadd.s32 $0x80, s12;
	v25 =	vmov v14;
	v7 =	vmin.f32 v7, v17;
	v11 =	vmin.f32 v11, v22  }
0x2e4: {  	s1 =	sadd.s32 $0xFFFFFFFF, s1;
	p2 =	por $0x1, $0x1;
	v17 =	vld [tilespmem:s12+$0x30];
	v9 =	vmin.f32 v9, v23;
	v8 =	vmin.f32 v8, v24;
	v22 =	vmovc v13;
	v23 =	vmovc v12;
	v24 =	vmov v10  }
.LBB2_35:
0x2e5: {  	p3 =	seq.s32 s1, $0x1;
	v26 =	vld [tilespmem:s12+$0xFFFFFFD0];
	v22 =	vmin.f32 v22, v18  }
0x2e6: {  	v23 =	vmin.f32 v23, v19;
	v27 =	vld [tilespmem:s12+$0xFFFFFFE0]  }
0x2e7: {  	v24 =	vmin.f32 v24, v20;
	v28 =	vld [tilespmem:s12+$0xFFFFFFF0]  }
.Ltmp31:
0x2e8: {  	v25 =	vmin.f32 v25, v21;
	v18 =	vld [tilespmem:s12+$0x0];
	(pc) =	sbr.rel @!p3 .LBB2_35-.Ltmp31, $4  }
0x2e9: {  	v7 =	vmin.f32 v7, v17;
	v19 =	vld [tilespmem:s12+$0x10]  }
0x2ea: {  	v11 =	vmin.f32 v11, v26;
	v20 =	vld [tilespmem:s12+$0x20]  }
0x2eb: {  	v21 =	vld [tilespmem:s12+$0xFFFFFFC0];
	v9 =	vmin.f32 v9, v27;
	s12 =	sadd.s32 $0x80, s12  }
0x2ec: {  	s1 =	sadd.s32 $0xFFFFFFFF, s1;
	v17 =	vld [tilespmem:s12+$0x30];
	v8 =	vmin.f32 v8, v28  }
.Ltmp32:
0x2ed: {  	_ = 	snop;
	(pc) =	sbr.rel .LBB2_36-.Ltmp32, $1  }
0x2ee: {  	_ =	sdelay $0x3  }
.LBB2_34:
.Ltmp33:
0x2ef: {  	(pc) =	sbr.rel .LBB2_36-.Ltmp33, $2  }
0x2f0: {  	_ =	sdelay $0x2  }
0x2f1: {  	v22 =	vmovc v13;
	v23 =	vmov v12;
	v24 =	vmov v10;
	v25 =	vmov v14  }
.LBB2_8:
.Ltmp34:
0x2f2: {  	(pc) =	sbr.rel .LBB2_40-.Ltmp34, $4  }
0x2f3: {  	_ = 	snop  }
0x2f4: {  	v14 =	vimm.f32 $+Inf;
	v11 =	vimm.f32 $+Inf  }
0x2f5: {  	v9 =	vimm.f32 $+Inf;
	v8 =	vimm.f32 $+Inf;
	v13 =	vimm.f32 $+Inf  }
0x2f6: {  	s0 =	simm.s32 $0x0;
	v12 =	vimm.f32 $+Inf;
	v10 =	vimm.f32 $+Inf;
	v7 =	vimm.f32 $+Inf  }
.LBB2_41:
0x2f7: {  	_ =	sfence.sel $0x180000  }
0x2f8: {  	[bflag:$0x0] =	sbarrier.arrive $0xFFFF  }
0x2f9: {  	_ =	strace $0x90000047  }
0x2fa: {  	s0 =	stileid.u32;
	[bflag:$0x2] =	sbarrier.arrive $0xFFFF  }
0x2fb: {  	p0 =	sne.s32 s0, $0x0;
	s0 =	rddreg [dreg:$0x3]  }
0x2fc: {  	s0 =	sadd.s32 @!p0 $0x100000, s0  }
0x2fd: {  	[sflag:s0] =	ssyncadd.tile.s32 @!p0 $0x1;
	_ =	shalt  }
.Lfunc_end2:
_tile_overlayer_lowered:
.L_overlay_start_2:
0x2fe: {  	(tag) =	ssettag $0x2  }
0x2ff: {  	s0 =	rddreg [dreg:$0x0];
	s2 =	stileid.u32  }
0x300: {  	s1 =	rddreg [dreg:$0x1];
	p0 =	sne.s32 s2, $0x0  }
0x301: {  	s3 =	rddreg [dreg:$0x2];
	[bflag:$0x3] =	sbarrier.arrive $0xFFFF;
	s2 =	simm.s32 @!p0 $0x1C05  }
0x302: {  	[timem:s3], [sflag:s2] =	dma.local @!p0 [hbm:s0], s1  }
0x303: {  	s0 =	simm.s32 @!p0 $0x5  }
0x304: {  	_ =	swait.ge @!p0 [sflag:s0], s1  }
0x305: {  	s1 =	ssub.s32 @!p0 $0x0, s1;
	[sflag:s0] =	ssyncset.done @!p0 $0x0  }
0x306: {  	[sflag:s0] =	ssyncadd.s32 @!p0 s1  }
0x307: {  	[bflag:$0x3] =	sbarrier.arrive $0xFFFF  }
0x308: {  	_ =	shalt  }

</sc_bundles>
